<compile_context>
chip_gen: v7x
topology: tpu7x:2x2x1
jax: 0.10.2.dev20260603
libtpu: 0.0.44.dev20260713+nightly
codegen_flags: <defaults>
</compile_context>

<pallas_src>
import functools

import jax
import jax.numpy as jnp
from jax import lax
from jax.experimental import pallas as pl
from jax.experimental.pallas import tpu as pltpu
from jax.experimental.pallas import tpu_sc as plsc

N = 10000
E = 320000
D = 128
H = 128
C = 10
G = 64

NP = 10240
K = 80
NTILES = 32
EPT = E // NTILES
RPT = NP // 16

_MESH = plsc.VectorSubcoreMesh(core_axis_name="c", subcore_axis_name="s")



@functools.partial(
    pl.kernel,
    out_type=jax.ShapeDtypeStruct((NP, D), jnp.float32),
    mesh=_MESH,
    scratch_types=[
        pltpu.VMEM((K,), jnp.int32),
        pltpu.VMEM((K, D), jnp.float32),
        pltpu.SemaphoreType.DMA,
    ],
)
def _emb_gather(idx_hbm, emb_hbm, out_hbm, idx_v, rows_v, sem):
    cid = lax.axis_index("c")
    sid = lax.axis_index("s")
    wid = sid * 2 + cid
    base0 = wid * (NP // NTILES)

    def body(j, carry):
        base = base0 + j * K
        pltpu.sync_copy(idx_hbm.at[pl.ds(base, K)], idx_v)
        pltpu.async_copy(emb_hbm.at[idx_v], rows_v, sem).wait()
        pltpu.sync_copy(rows_v, out_hbm.at[pl.ds(base, K)])
        return carry

    lax.fori_loop(0, NP // NTILES // K, body, 0)



KC = 72
NMAIN = 138
KT = 64


@functools.partial(
    pl.kernel,
    out_type=jax.ShapeDtypeStruct((2 * NP, D), jnp.float32),
    mesh=_MESH,
    scratch_types=[
        pltpu.VMEM((EPT,), jnp.int32),
        pltpu.VMEM((EPT,), jnp.int32),
        pltpu.VMEM((KC,), jnp.int32),
        pltpu.VMEM((KC,), jnp.int32),
        pltpu.VMEM((KC,), jnp.int32),
        pltpu.VMEM((KT,), jnp.int32),
        pltpu.VMEM((KC, D), jnp.float32),
        pltpu.VMEM((KC, D), jnp.float32),
        pltpu.VMEM((KC, D), jnp.float32),
        pltpu.VMEM_SHARED((NP, D), jnp.float32),
        pltpu.SemaphoreType.DMA,
        pltpu.SemaphoreType.DMA,
        pltpu.SemaphoreType.DMA,
        pltpu.SemaphoreType.DMA,
        pltpu.SemaphoreType.DMA,
        pltpu.SemaphoreType.DMA,
    ],
)
def _agg_plain(x_hbm, src_hbm, dst_hbm, z_hbm, aggp_hbm,
               src_all, dst_all, dst_v0, dst_v1, dst_v2, dst_t,
               rows_v0, rows_v1, rows_v2, agg_sh,
               gsem0, gsem1, gsem2, ssem0, ssem1, ssem2):
    cid = lax.axis_index("c")
    sid = lax.axis_index("s")

    rbase = sid * RPT
    pltpu.sync_copy(z_hbm.at[pl.ds(rbase, RPT)],
                    agg_sh.at[pl.ds(rbase, RPT)])
    ebase = cid * (E // 2) + sid * EPT
    pltpu.sync_copy(src_hbm.at[pl.ds(ebase, EPT)], src_all)
    pltpu.sync_copy(dst_hbm.at[pl.ds(ebase, EPT)], dst_all)
    plsc.subcore_barrier()

    dsts = (dst_v0, dst_v1, dst_v2)
    rows = (rows_v0, rows_v1, rows_v2)
    gsems = (gsem0, gsem1, gsem2)
    ssems = (ssem0, ssem1, ssem2)

    def copy_dst(j, b):
        for o in (0, 16, 32, 48, 56):
            dsts[b][pl.ds(o, 16)] = dst_all[pl.ds(j * KC + o, 16)]

    def issue_gather(j, b):
        pltpu.async_copy(x_hbm.at[src_all.at[pl.ds(j * KC, KC)]], rows[b],
                         gsems[b])

    def wait_gather(b):
        pltpu.make_async_copy(x_hbm.at[src_all.at[pl.ds(0, KC)]], rows[b],
                              gsems[b]).wait()

    def issue_scatter(b):
        pltpu.async_copy(rows[b], agg_sh.at[dsts[b]], ssems[b], add=True)

    def wait_scatter(b):
        pltpu.make_async_copy(rows[b], agg_sh.at[dsts[b]], ssems[b]).wait()

    copy_dst(0, 0)
    copy_dst(1, 1)
    issue_gather(0, 0)
    issue_gather(1, 1)
    wait_gather(0)
    issue_scatter(0)
    copy_dst(2, 2)
    issue_gather(2, 2)
    wait_gather(1)
    issue_scatter(1)
    wait_scatter(0)
    copy_dst(3, 0)
    issue_gather(3, 0)

    def triple(m, carry):
        j0 = 3 * m + 2
        for p in range(3):
            j = j0 + p
            b = (2 + p) % 3
            bm1 = (1 + p) % 3
            wait_gather(b)
            issue_scatter(b)
            wait_scatter(bm1)
            copy_dst(j + 2, bm1)
            issue_gather(j + 2, bm1)
        return carry

    lax.fori_loop(0, 44, triple, 0)
    wait_gather(2)
    issue_scatter(2)
    wait_scatter(1)
    copy_dst(136, 1)
    issue_gather(136, 1)
    wait_gather(0)
    issue_scatter(0)
    wait_scatter(2)
    copy_dst(137, 2)
    issue_gather(137, 2)
    wait_gather(1)
    issue_scatter(1)
    wait_scatter(0)
    wait_gather(2)
    issue_scatter(2)
    wait_scatter(1)
    wait_scatter(2)
    for i in range(KT // 16):
        dst_t[pl.ds(i * 16, 16)] = dst_all[pl.ds(NMAIN * KC + i * 16, 16)]
    rows_tail = rows_v0.at[pl.ds(0, KT)]
    pltpu.async_copy(x_hbm.at[src_all.at[pl.ds(NMAIN * KC, KT)]],
                     rows_tail, gsem0)
    pltpu.make_async_copy(x_hbm.at[src_all.at[pl.ds(0, KT)]],
                          rows_tail, gsem0).wait()
    pltpu.async_copy(rows_tail, agg_sh.at[dst_t], ssem0, add=True)
    pltpu.make_async_copy(rows_tail, agg_sh.at[dst_t], ssem0).wait()
    plsc.subcore_barrier()

    obase = cid * NP + rbase
    pltpu.sync_copy(agg_sh.at[pl.ds(rbase, RPT)],
                    aggp_hbm.at[pl.ds(obase, RPT)])


@functools.partial(
    pl.kernel,
    out_type=jax.ShapeDtypeStruct((2 * NP, D), jnp.float32),
    mesh=_MESH,
    scratch_types=[
        pltpu.VMEM((K,), jnp.int32),
        pltpu.VMEM((K,), jnp.int32),
        pltpu.VMEM((K, D), jnp.float32),
        pltpu.VMEM_SHARED((NP, D), jnp.float32),
        pltpu.SemaphoreType.DMA,
        pltpu.SemaphoreType.DMA,
    ],
)
def _deg_scatter(dst_hbm, z_hbm, ones_hbm, degp_hbm, dst_v0, dst_v1,
                 ones_v, deg_sh, ssem0, ssem1):
    cid = lax.axis_index("c")
    sid = lax.axis_index("s")

    rbase = sid * RPT
    pltpu.sync_copy(z_hbm.at[pl.ds(rbase, RPT)],
                    deg_sh.at[pl.ds(rbase, RPT)])
    pltpu.sync_copy(ones_hbm, ones_v)
    plsc.subcore_barrier()

    ebase = cid * (E // 2) + sid * EPT
    dsts = (dst_v0, dst_v1)
    ssems = (ssem0, ssem1)

    def issue(b):
        pltpu.async_copy(ones_v, deg_sh.at[dsts[b]], ssems[b], add=True)

    def wait(b):
        pltpu.make_async_copy(ones_v, deg_sh.at[dsts[b]], ssems[b]).wait()

    pltpu.sync_copy(dst_hbm.at[pl.ds(ebase, K)], dst_v0)

    def pair(m, carry):
        j = 2 * m
        issue(0)
        pltpu.sync_copy(dst_hbm.at[pl.ds(ebase + (j + 1) * K, K)], dst_v1)
        wait(0)
        issue(1)
        pltpu.sync_copy(dst_hbm.at[pl.ds(ebase + (j + 2) * K, K)], dst_v0)
        wait(1)
        return carry

    lax.fori_loop(0, (EPT // K - 1) // 2, pair, 0)
    issue(0)
    wait(0)
    plsc.subcore_barrier()

    obase = cid * NP + rbase
    pltpu.sync_copy(deg_sh.at[pl.ds(rbase, RPT)],
                    degp_hbm.at[pl.ds(obase, RPT)])



def _dense_layer_body(x_ref, aggp_ref, degp_ref, ws_ref, wn_ref, b_ref,
                      gamma_ref, beta_ref, alpha_ref, out_ref):
    x = x_ref[...][:N]
    aggp = aggp_ref[...]
    agg = aggp[:N] + aggp[NP:NP + N]
    deg = degp_ref[...]
    mean = agg * (1.0 / jnp.maximum(deg, 1.0))
    y = (jnp.dot(x, ws_ref[...], preferred_element_type=jnp.float32)
         + jnp.dot(mean, wn_ref[...], preferred_element_type=jnp.float32)
         + b_ref[...])
    col_mean = jnp.mean(y, axis=0, keepdims=True)
    sub = y - alpha_ref[...] * col_mean
    var = jnp.mean(sub * sub, axis=0, keepdims=True)
    yn = gamma_ref[...] * sub * jax.lax.rsqrt(var + 1e-5) + beta_ref[...]
    out_ref[...] = jnp.maximum(yn, 0.0)


def _dense_layer(x, aggp, degp, ws, wn, b, gamma, beta, alpha):
    return pl.pallas_call(
        _dense_layer_body,
        out_shape=jax.ShapeDtypeStruct((N, H), jnp.float32),
    )(x, aggp, degp, ws, wn, b.reshape(1, H),
      gamma.reshape(1, H), beta.reshape(1, H), alpha.reshape(1, H))


def _final_body(x_ref, aggp_ref, degp_ref, ws_ref, wn_ref, b_ref,
                batch_ref, w1_ref, b1_ref, w2_ref, b2_ref, out_ref):
    x = x_ref[...][:N]
    aggp = aggp_ref[...]
    agg = aggp[:N] + aggp[NP:NP + N]
    deg = degp_ref[...]
    mean = agg * (1.0 / jnp.maximum(deg, 1.0))
    x3 = (jnp.dot(x, ws_ref[...], preferred_element_type=jnp.float32)
          + jnp.dot(mean, wn_ref[...], preferred_element_type=jnp.float32)
          + b_ref[...])
    batch = batch_ref[...]
    gid = jax.lax.broadcasted_iota(jnp.int32, (G, N), 0)
    onehot = (batch == gid).astype(jnp.float32)
    sums = jnp.dot(onehot, x3, preferred_element_type=jnp.float32)
    cnts = jnp.sum(onehot, axis=1, keepdims=True)
    h = sums * (1.0 / jnp.maximum(cnts, 1.0))
    h = jnp.maximum(
        jnp.dot(h, w1_ref[...], preferred_element_type=jnp.float32)
        + b1_ref[...], 0.0)
    out_ref[...] = (jnp.dot(h, w2_ref[...], preferred_element_type=jnp.float32)
                    + b2_ref[...])


def _final_layer(x, aggp, degp, ws, wn, b, batch, w1, b1, w2, b2):
    return pl.pallas_call(
        _final_body,
        out_shape=jax.ShapeDtypeStruct((G, C), jnp.float32),
    )(x, aggp, degp, ws, wn, b.reshape(1, H), batch.reshape(1, N),
      w1, b1.reshape(1, H), w2, b2.reshape(1, C))



def kernel(node_idx, edge_index, batch, emb, Wself0, Wneigh0, b0, Wself1,
           Wneigh1, b1, Wself2, Wneigh2, b2, gn_gamma0, gn_beta0, gn_alpha0,
           gn_gamma1, gn_beta1, gn_alpha1, mlp_W1, mlp_b1, mlp_W2, mlp_b2):
    node_idx = node_idx.astype(jnp.int32)
    src = edge_index[0].astype(jnp.int32)
    dst = edge_index[1].astype(jnp.int32)
    batch = batch.astype(jnp.int32)

    idx_pad = jnp.concatenate(
        [node_idx, jnp.zeros((NP - N,), jnp.int32)])

    x0p = _emb_gather(idx_pad, emb)

    zeros_nd = jnp.zeros((NP, D), jnp.float32)
    ones_kd = jnp.ones((K, D), jnp.float32)
    degp2 = _deg_scatter(dst, zeros_nd, ones_kd)
    degp = degp2[:N, :1] + degp2[NP:NP + N, :1]
    aggp0 = _agg_plain(x0p, src, dst, zeros_nd)
    aggp1_fn = lambda x: _agg_plain(x, src, dst, zeros_nd)

    x1 = _dense_layer(x0p, aggp0, degp, Wself0, Wneigh0, b0,
                      gn_gamma0, gn_beta0, gn_alpha0)
    aggp1 = aggp1_fn(x1)
    x2 = _dense_layer(x1, aggp1, degp, Wself1, Wneigh1, b1,
                      gn_gamma1, gn_beta1, gn_alpha1)
    aggp2 = aggp1_fn(x2)
    return _final_layer(x2, aggp2, degp, Wself2, Wneigh2, b2,
                        batch, mlp_W1, mlp_b1, mlp_W2, mlp_b2)

# --- scband reference (transcript-rebuilt; emitter-appended) ---
"""Pipeline reference for scband-gnn-9938554323126 (READ-ONLY COPY).

The authoritative reference and input builder live on the scoring server;
editing this copy changes nothing except your own understanding.
"""

import jax, jax.numpy as jnp
import numpy as np

N = 10000
E = 320000
D = 128
H = 128
C = 10
G = 64
V = 100000


def setup_inputs(seed: int = 0):
    key = jax.random.key(seed)
    ks = jax.random.split(key, 30)
    inp = {}
    inp["node_idx"] = jax.random.randint(ks[0], (N,), 0, V)
    inp["edge_index"] = jax.random.randint(ks[1], (2, E), 0, N)
    inp["batch"] = jnp.sort(jax.random.randint(ks[2], (N,), 0, G))
    inp["emb"] = jax.random.normal(ks[3], (V, D), dtype=jnp.float32) * 0.02
    dims = [(D, H), (H, H), (H, H)]
    for i, (di, do) in enumerate(dims):
        inp[f"Wself{i}"] = jax.random.normal(ks[4 + 3 * i], (di, do), dtype=jnp.float32) * (1.0 / np.sqrt(di))
        inp[f"Wneigh{i}"] = jax.random.normal(ks[5 + 3 * i], (di, do), dtype=jnp.float32) * (1.0 / np.sqrt(di))
        inp[f"b{i}"] = jnp.zeros((do,), dtype=jnp.float32)
    for i in range(2):
        inp[f"gn_gamma{i}"] = jnp.ones((H,), dtype=jnp.float32)
        inp[f"gn_beta{i}"] = jnp.zeros((H,), dtype=jnp.float32)
        inp[f"gn_alpha{i}"] = jnp.ones((H,), dtype=jnp.float32)
    inp["mlp_W1"] = jax.random.normal(ks[20], (H, H), dtype=jnp.float32) * (1.0 / np.sqrt(H))
    inp["mlp_b1"] = jnp.zeros((H,), dtype=jnp.float32)
    inp["mlp_W2"] = jax.random.normal(ks[21], (H, C), dtype=jnp.float32) * (1.0 / np.sqrt(H))
    inp["mlp_b2"] = jnp.zeros((C,), dtype=jnp.float32)
    return inp


def _sage_conv(x, src, dst, Wself, Wneigh, b):
    msg = x[src]
    agg = jax.ops.segment_sum(msg, dst, num_segments=N)
    cnt = jax.ops.segment_sum(jnp.ones((src.shape[0], 1), x.dtype), dst, num_segments=N)
    mean = agg / jnp.maximum(cnt, 1.0)
    return x @ Wself + mean @ Wneigh + b


def _graph_norm(x, gamma, beta, alpha, eps=1e-5):
    mean = jnp.mean(x, axis=0, keepdims=True)
    sub = x - alpha * mean
    var = jnp.mean(sub * sub, axis=0, keepdims=True)
    return gamma * sub / jnp.sqrt(var + eps) + beta


def reference(node_idx, edge_index, batch, emb, Wself0, Wneigh0, b0, Wself1, Wneigh1, b1, Wself2, Wneigh2, b2, gn_gamma0, gn_beta0, gn_alpha0, gn_gamma1, gn_beta1, gn_alpha1, mlp_W1, mlp_b1, mlp_W2, mlp_b2):
    src, dst = edge_index[0], edge_index[1]
    x = jnp.take(emb, node_idx, axis=0)
    x = _sage_conv(x, src, dst, Wself0, Wneigh0, b0)
    x = _graph_norm(x, gn_gamma0, gn_beta0, gn_alpha0)
    x = jax.nn.relu(x)
    x = _sage_conv(x, src, dst, Wself1, Wneigh1, b1)
    x = _graph_norm(x, gn_gamma1, gn_beta1, gn_alpha1)
    x = jax.nn.relu(x)
    x = _sage_conv(x, src, dst, Wself2, Wneigh2, b2)
    sums = jax.ops.segment_sum(x, batch, num_segments=G)
    cnts = jax.ops.segment_sum(jnp.ones((N, 1), x.dtype), batch, num_segments=G)
    h = sums / jnp.maximum(cnts, 1.0)
    h = jax.nn.relu(h @ mlp_W1 + mlp_b1)
    return h @ mlp_W2 + mlp_b2

if __name__ == "__main__":
    import jax
    _d = setup_inputs()
    print(jax.jit(kernel)(*tuple(_d.values())))

</pallas_src>

<mosaic_0001>
#map = affine_map<(d0, d1) -> (0)>
#map1 = affine_map<(d0, d1) -> (0, 0)>
module attributes {stable_mosaic.version = 14 : i64} {
  func.func @_deg_scatter(%arg0: i32, %arg1: i32, %arg2: memref<320000xi32, #tpu.memory_space<hbm>>, %arg3: memref<10240x128xf32, #tpu.memory_space<hbm>>, %arg4: memref<80x128xf32, #tpu.memory_space<hbm>>, %arg5: memref<20480x128xf32, #tpu.memory_space<hbm>>, %arg6: memref<80xi32, #tpu.memory_space<vmem>>, %arg7: memref<80xi32, #tpu.memory_space<vmem>>, %arg8: memref<80x128xf32, #tpu.memory_space<vmem>>, %arg9: memref<10240x128xf32, #tpu.memory_space<vmem_shared>>, %arg10: memref<!tpu.dma_semaphore, #tpu.memory_space<semaphore_mem>>, %arg11: memref<!tpu.dma_semaphore, #tpu.memory_space<semaphore_mem>>) attributes {dimension_semantics = [#tpu.dimension_semantics<core_parallel>, #tpu.dimension_semantics<subcore_parallel>], iteration_bounds = array<i64: 2, 16>, scalar_prefetch = 0 : i64, scratch_operands = 6 : i64, tpu.core_type = #tpu.core_type<sc_vector_subcore>, window_params = [{transform_indices = #map}, {transform_indices = #map1}, {transform_indices = #map1}, {transform_indices = #map1}]} {
    %mul3A = arith.constant 640 : i32
    %mul3A_0 = arith.muli %arg1, %mul3A : i32
    "tpu.region"() ({
      %run_scoped3A = tpu.sem_alloc : memref<!tpu.dma_semaphore, #tpu.memory_space<semaphore_mem>>
      %dma_start3A_18 = arith.constant 0 : i32
      %dma_start3A_19 = tpu.memref_slice %arg9[%mul3A_0, %dma_start3A_18] : memref<10240x128xf32, #tpu.memory_space<vmem_shared>> -> memref<640x128xf32, #tpu.memory_space<vmem_shared>>
      %dma_start3A_20 = arith.constant 0 : i32
      %dma_start3A_21 = tpu.memref_slice %arg3[%mul3A_0, %dma_start3A_20] : memref<10240x128xf32, #tpu.memory_space<hbm>> -> memref<640x128xf32, #tpu.memory_space<hbm>>
      tpu.enqueue_dma source(%dma_start3A_21 : memref<640x128xf32, #tpu.memory_space<hbm>>) target(%dma_start3A_19 : memref<640x128xf32, #tpu.memory_space<vmem_shared>>) target_semaphore(%run_scoped3A : memref<!tpu.dma_semaphore, #tpu.memory_space<semaphore_mem>>)
      %dma_wait3A_22 = arith.constant 0 : i32
      %dma_wait3A_23 = tpu.memref_slice %arg9[%mul3A_0, %dma_wait3A_22] : memref<10240x128xf32, #tpu.memory_space<vmem_shared>> -> memref<640x128xf32, #tpu.memory_space<vmem_shared>>
      %dma_wait3A_24 = arith.constant 0 : i32
      %dma_wait3A_25 = tpu.memref_slice %arg3[%mul3A_0, %dma_wait3A_24] : memref<10240x128xf32, #tpu.memory_space<hbm>> -> memref<640x128xf32, #tpu.memory_space<hbm>>
      tpu.wait_dma2 semaphore(%run_scoped3A : memref<!tpu.dma_semaphore, #tpu.memory_space<semaphore_mem>>) src(%dma_wait3A_25 : memref<640x128xf32, #tpu.memory_space<hbm>>) dst(%dma_wait3A_23 : memref<640x128xf32, #tpu.memory_space<vmem_shared>>)
      tpu.yield
    }) : () -> ()
    "tpu.region"() ({
      %run_scoped3A = tpu.sem_alloc : memref<!tpu.dma_semaphore, #tpu.memory_space<semaphore_mem>>
      tpu.enqueue_dma source(%arg4 : memref<80x128xf32, #tpu.memory_space<hbm>>) target(%arg8 : memref<80x128xf32, #tpu.memory_space<vmem>>) target_semaphore(%run_scoped3A : memref<!tpu.dma_semaphore, #tpu.memory_space<semaphore_mem>>)
      tpu.wait_dma2 semaphore(%run_scoped3A : memref<!tpu.dma_semaphore, #tpu.memory_space<semaphore_mem>>) src(%arg4 : memref<80x128xf32, #tpu.memory_space<hbm>>) dst(%arg8 : memref<80x128xf32, #tpu.memory_space<vmem>>)
      tpu.yield
    }) : () -> ()
    %barrier3A = arith.constant 0 : index
    tpu.barrier barrier_id(%barrier3A)
    %mul3A_1 = arith.constant 160000 : i32
    %mul3A_2 = arith.muli %arg0, %mul3A_1 : i32
    %mul3A_3 = arith.constant 10000 : i32
    %mul3A_4 = arith.muli %arg1, %mul3A_3 : i32
    %add3A = arith.addi %mul3A_2, %mul3A_4 : i32
    "tpu.region"() ({
      %run_scoped3A = tpu.sem_alloc : memref<!tpu.dma_semaphore, #tpu.memory_space<semaphore_mem>>
      %dma_start3A_18 = tpu.memref_slice %arg2[%add3A] : memref<320000xi32, #tpu.memory_space<hbm>> -> memref<80xi32, #tpu.memory_space<hbm>>
      %dma_start3A_19 = tpu.memref_slice %arg2[%add3A] : memref<320000xi32, #tpu.memory_space<hbm>> -> memref<80xi32, #tpu.memory_space<hbm>>
      tpu.enqueue_dma source(%dma_start3A_19 : memref<80xi32, #tpu.memory_space<hbm>>) target(%arg6 : memref<80xi32, #tpu.memory_space<vmem>>) target_semaphore(%run_scoped3A : memref<!tpu.dma_semaphore, #tpu.memory_space<semaphore_mem>>)
      %dma_wait3A_20 = tpu.memref_slice %arg2[%add3A] : memref<320000xi32, #tpu.memory_space<hbm>> -> memref<80xi32, #tpu.memory_space<hbm>>
      %dma_wait3A_21 = tpu.memref_slice %arg2[%add3A] : memref<320000xi32, #tpu.memory_space<hbm>> -> memref<80xi32, #tpu.memory_space<hbm>>
      tpu.wait_dma2 semaphore(%run_scoped3A : memref<!tpu.dma_semaphore, #tpu.memory_space<semaphore_mem>>) src(%dma_wait3A_21 : memref<80xi32, #tpu.memory_space<hbm>>) dst(%arg6 : memref<80xi32, #tpu.memory_space<vmem>>)
      tpu.yield
    }) : () -> ()
    %scan3A = arith.constant 0 : i32
    %scan3A_5 = arith.constant 0 : i32
    %scan3A_6 = arith.constant 62 : i32
    %scan3A_7 = arith.addi %scan3A_5, %scan3A_6 : i32
    %scan3A_8 = arith.constant 1 : i32
    scf.for %scan3A_18 = %scan3A_5 to %scan3A_7 step %scan3A_8  : i32 {
      %mul3A_19 = arith.constant 2 : i32
      %mul3A_20 = arith.muli %mul3A_19, %scan3A_18 : i32
      %dma_start3A_21 = arith.constant 0 : i32
      %dma_start3A_22 = arith.constant 0 : i32
      %dma_start3A_23 = tpu.memref_slice %arg9[%dma_start3A_21, %dma_start3A_22] : memref<10240x128xf32, #tpu.memory_space<vmem_shared>> -> memref<10240x128xf32, #tpu.memory_space<vmem_shared>>
      tpu.enqueue_indirect_dma source(%arg8 : memref<80x128xf32, #tpu.memory_space<vmem>>) target(%dma_start3A_23 : memref<10240x128xf32, #tpu.memory_space<vmem_shared>>) offsets(%arg6 : memref<80xi32, #tpu.memory_space<vmem>>) semaphore(%arg10 : memref<!tpu.dma_semaphore, #tpu.memory_space<semaphore_mem>>) {add = true}
      %add3A_24 = arith.constant 1 : i32
      %add3A_25 = arith.addi %mul3A_20, %add3A_24 : i32
      %mul3A_26 = arith.constant 80 : i32
      %mul3A_27 = arith.muli %add3A_25, %mul3A_26 : i32
      %add3A_28 = arith.addi %add3A, %mul3A_27 : i32
      "tpu.region"() ({
        %run_scoped3A = tpu.sem_alloc : memref<!tpu.dma_semaphore, #tpu.memory_space<semaphore_mem>>
        %dma_start3A_43 = tpu.memref_slice %arg2[%add3A_28] : memref<320000xi32, #tpu.memory_space<hbm>> -> memref<80xi32, #tpu.memory_space<hbm>>
        %dma_start3A_44 = tpu.memref_slice %arg2[%add3A_28] : memref<320000xi32, #tpu.memory_space<hbm>> -> memref<80xi32, #tpu.memory_space<hbm>>
        tpu.enqueue_dma source(%dma_start3A_44 : memref<80xi32, #tpu.memory_space<hbm>>) target(%arg7 : memref<80xi32, #tpu.memory_space<vmem>>) target_semaphore(%run_scoped3A : memref<!tpu.dma_semaphore, #tpu.memory_space<semaphore_mem>>)
        %dma_wait3A_45 = tpu.memref_slice %arg2[%add3A_28] : memref<320000xi32, #tpu.memory_space<hbm>> -> memref<80xi32, #tpu.memory_space<hbm>>
        %dma_wait3A_46 = tpu.memref_slice %arg2[%add3A_28] : memref<320000xi32, #tpu.memory_space<hbm>> -> memref<80xi32, #tpu.memory_space<hbm>>
        tpu.wait_dma2 semaphore(%run_scoped3A : memref<!tpu.dma_semaphore, #tpu.memory_space<semaphore_mem>>) src(%dma_wait3A_46 : memref<80xi32, #tpu.memory_space<hbm>>) dst(%arg7 : memref<80xi32, #tpu.memory_space<vmem>>)
        tpu.yield
      }) : () -> ()
      %dma_wait3A_29 = arith.constant 0 : i32
      %dma_wait3A_30 = arith.constant 0 : i32
      %dma_wait3A_31 = tpu.memref_slice %arg9[%dma_wait3A_29, %dma_wait3A_30] : memref<10240x128xf32, #tpu.memory_space<vmem_shared>> -> memref<10240x128xf32, #tpu.memory_space<vmem_shared>>
      tpu.wait_indirect_dma semaphore(%arg10 : memref<!tpu.dma_semaphore, #tpu.memory_space<semaphore_mem>>) src(%arg8 : memref<80x128xf32, #tpu.memory_space<vmem>>) dst(%dma_wait3A_31 : memref<10240x128xf32, #tpu.memory_space<vmem_shared>>)
      %dma_start3A_32 = arith.constant 0 : i32
      %dma_start3A_33 = arith.constant 0 : i32
      %dma_start3A_34 = tpu.memref_slice %arg9[%dma_start3A_32, %dma_start3A_33] : memref<10240x128xf32, #tpu.memory_space<vmem_shared>> -> memref<10240x128xf32, #tpu.memory_space<vmem_shared>>
      tpu.enqueue_indirect_dma source(%arg8 : memref<80x128xf32, #tpu.memory_space<vmem>>) target(%dma_start3A_34 : memref<10240x128xf32, #tpu.memory_space<vmem_shared>>) offsets(%arg7 : memref<80xi32, #tpu.memory_space<vmem>>) semaphore(%arg11 : memref<!tpu.dma_semaphore, #tpu.memory_space<semaphore_mem>>) {add = true}
      %add3A_35 = arith.constant 2 : i32
      %add3A_36 = arith.addi %mul3A_20, %add3A_35 : i32
      %mul3A_37 = arith.constant 80 : i32
      %mul3A_38 = arith.muli %add3A_36, %mul3A_37 : i32
      %add3A_39 = arith.addi %add3A, %mul3A_38 : i32
      "tpu.region"() ({
        %run_scoped3A = tpu.sem_alloc : memref<!tpu.dma_semaphore, #tpu.memory_space<semaphore_mem>>
        %dma_start3A_43 = tpu.memref_slice %arg2[%add3A_39] : memref<320000xi32, #tpu.memory_space<hbm>> -> memref<80xi32, #tpu.memory_space<hbm>>
        %dma_start3A_44 = tpu.memref_slice %arg2[%add3A_39] : memref<320000xi32, #tpu.memory_space<hbm>> -> memref<80xi32, #tpu.memory_space<hbm>>
        tpu.enqueue_dma source(%dma_start3A_44 : memref<80xi32, #tpu.memory_space<hbm>>) target(%arg6 : memref<80xi32, #tpu.memory_space<vmem>>) target_semaphore(%run_scoped3A : memref<!tpu.dma_semaphore, #tpu.memory_space<semaphore_mem>>)
        %dma_wait3A_45 = tpu.memref_slice %arg2[%add3A_39] : memref<320000xi32, #tpu.memory_space<hbm>> -> memref<80xi32, #tpu.memory_space<hbm>>
        %dma_wait3A_46 = tpu.memref_slice %arg2[%add3A_39] : memref<320000xi32, #tpu.memory_space<hbm>> -> memref<80xi32, #tpu.memory_space<hbm>>
        tpu.wait_dma2 semaphore(%run_scoped3A : memref<!tpu.dma_semaphore, #tpu.memory_space<semaphore_mem>>) src(%dma_wait3A_46 : memref<80xi32, #tpu.memory_space<hbm>>) dst(%arg6 : memref<80xi32, #tpu.memory_space<vmem>>)
        tpu.yield
      }) : () -> ()
      %dma_wait3A_40 = arith.constant 0 : i32
      %dma_wait3A_41 = arith.constant 0 : i32
      %dma_wait3A_42 = tpu.memref_slice %arg9[%dma_wait3A_40, %dma_wait3A_41] : memref<10240x128xf32, #tpu.memory_space<vmem_shared>> -> memref<10240x128xf32, #tpu.memory_space<vmem_shared>>
      tpu.wait_indirect_dma semaphore(%arg11 : memref<!tpu.dma_semaphore, #tpu.memory_space<semaphore_mem>>) src(%arg8 : memref<80x128xf32, #tpu.memory_space<vmem>>) dst(%dma_wait3A_42 : memref<10240x128xf32, #tpu.memory_space<vmem_shared>>)
    }
    %scan3A_9 = arith.constant 62 : i32
    %dma_start3A = arith.constant 0 : i32
    %dma_start3A_10 = arith.constant 0 : i32
    %dma_start3A_11 = tpu.memref_slice %arg9[%dma_start3A, %dma_start3A_10] : memref<10240x128xf32, #tpu.memory_space<vmem_shared>> -> memref<10240x128xf32, #tpu.memory_space<vmem_shared>>
    tpu.enqueue_indirect_dma source(%arg8 : memref<80x128xf32, #tpu.memory_space<vmem>>) target(%dma_start3A_11 : memref<10240x128xf32, #tpu.memory_space<vmem_shared>>) offsets(%arg6 : memref<80xi32, #tpu.memory_space<vmem>>) semaphore(%arg10 : memref<!tpu.dma_semaphore, #tpu.memory_space<semaphore_mem>>) {add = true}
    %dma_wait3A = arith.constant 0 : i32
    %dma_wait3A_12 = arith.constant 0 : i32
    %dma_wait3A_13 = tpu.memref_slice %arg9[%dma_wait3A, %dma_wait3A_12] : memref<10240x128xf32, #tpu.memory_space<vmem_shared>> -> memref<10240x128xf32, #tpu.memory_space<vmem_shared>>
    tpu.wait_indirect_dma semaphore(%arg10 : memref<!tpu.dma_semaphore, #tpu.memory_space<semaphore_mem>>) src(%arg8 : memref<80x128xf32, #tpu.memory_space<vmem>>) dst(%dma_wait3A_13 : memref<10240x128xf32, #tpu.memory_space<vmem_shared>>)
    %barrier3A_14 = arith.constant 0 : index
    tpu.barrier barrier_id(%barrier3A_14)
    %mul3A_15 = arith.constant 10240 : i32
    %mul3A_16 = arith.muli %arg0, %mul3A_15 : i32
    %add3A_17 = arith.addi %mul3A_16, %mul3A_0 : i32
    "tpu.region"() ({
      %run_scoped3A = tpu.sem_alloc : memref<!tpu.dma_semaphore, #tpu.memory_space<semaphore_mem>>
      %dma_start3A_18 = arith.constant 0 : i32
      %dma_start3A_19 = tpu.memref_slice %arg5[%add3A_17, %dma_start3A_18] : memref<20480x128xf32, #tpu.memory_space<hbm>> -> memref<640x128xf32, #tpu.memory_space<hbm>>
      %dma_start3A_20 = arith.constant 0 : i32
      %dma_start3A_21 = tpu.memref_slice %arg9[%mul3A_0, %dma_start3A_20] : memref<10240x128xf32, #tpu.memory_space<vmem_shared>> -> memref<640x128xf32, #tpu.memory_space<vmem_shared>>
      tpu.enqueue_dma source(%dma_start3A_21 : memref<640x128xf32, #tpu.memory_space<vmem_shared>>) target(%dma_start3A_19 : memref<640x128xf32, #tpu.memory_space<hbm>>) target_semaphore(%run_scoped3A : memref<!tpu.dma_semaphore, #tpu.memory_space<semaphore_mem>>)
      %dma_wait3A_22 = arith.constant 0 : i32
      %dma_wait3A_23 = tpu.memref_slice %arg5[%add3A_17, %dma_wait3A_22] : memref<20480x128xf32, #tpu.memory_space<hbm>> -> memref<640x128xf32, #tpu.memory_space<hbm>>
      %dma_wait3A_24 = arith.constant 0 : i32
      %dma_wait3A_25 = tpu.memref_slice %arg9[%mul3A_0, %dma_wait3A_24] : memref<10240x128xf32, #tpu.memory_space<vmem_shared>> -> memref<640x128xf32, #tpu.memory_space<vmem_shared>>
      tpu.wait_dma2 semaphore(%run_scoped3A : memref<!tpu.dma_semaphore, #tpu.memory_space<semaphore_mem>>) src(%dma_wait3A_25 : memref<640x128xf32, #tpu.memory_space<vmem_shared>>) dst(%dma_wait3A_23 : memref<640x128xf32, #tpu.memory_space<hbm>>)
      tpu.yield
    }) : () -> ()
    return
  }
}

#map = affine_map<(d0, d1) -> (0, 0)>
#map1 = affine_map<(d0, d1) -> (0)>
module attributes {stable_mosaic.version = 14 : i64} {
  func.func @_agg_plain(%arg0: i32, %arg1: i32, %arg2: memref<10240x128xf32, #tpu.memory_space<hbm>>, %arg3: memref<320000xi32, #tpu.memory_space<hbm>>, %arg4: memref<320000xi32, #tpu.memory_space<hbm>>, %arg5: memref<10240x128xf32, #tpu.memory_space<hbm>>, %arg6: memref<20480x128xf32, #tpu.memory_space<hbm>>, %arg7: memref<10000xi32, #tpu.memory_space<vmem>>, %arg8: memref<10000xi32, #tpu.memory_space<vmem>>, %arg9: memref<72xi32, #tpu.memory_space<vmem>>, %arg10: memref<72xi32, #tpu.memory_space<vmem>>, %arg11: memref<72xi32, #tpu.memory_space<vmem>>, %arg12: memref<64xi32, #tpu.memory_space<vmem>>, %arg13: memref<72x128xf32, #tpu.memory_space<vmem>>, %arg14: memref<72x128xf32, #tpu.memory_space<vmem>>, %arg15: memref<72x128xf32, #tpu.memory_space<vmem>>, %arg16: memref<10240x128xf32, #tpu.memory_space<vmem_shared>>, %arg17: memref<!tpu.dma_semaphore, #tpu.memory_space<semaphore_mem>>, %arg18: memref<!tpu.dma_semaphore, #tpu.memory_space<semaphore_mem>>, %arg19: memref<!tpu.dma_semaphore, #tpu.memory_space<semaphore_mem>>, %arg20: memref<!tpu.dma_semaphore, #tpu.memory_space<semaphore_mem>>, %arg21: memref<!tpu.dma_semaphore, #tpu.memory_space<semaphore_mem>>, %arg22: memref<!tpu.dma_semaphore, #tpu.memory_space<semaphore_mem>>) attributes {dimension_semantics = [#tpu.dimension_semantics<core_parallel>, #tpu.dimension_semantics<subcore_parallel>], iteration_bounds = array<i64: 2, 16>, scalar_prefetch = 0 : i64, scratch_operands = 16 : i64, tpu.core_type = #tpu.core_type<sc_vector_subcore>, window_params = [{transform_indices = #map}, {transform_indices = #map1}, {transform_indices = #map1}, {transform_indices = #map}, {transform_indices = #map}]} {
    %mul3A = arith.constant 640 : i32
    %mul3A_0 = arith.muli %arg1, %mul3A : i32
    "tpu.region"() ({
      %run_scoped3A = tpu.sem_alloc : memref<!tpu.dma_semaphore, #tpu.memory_space<semaphore_mem>>
      %dma_start3A_372 = arith.constant 0 : i32
      %dma_start3A_373 = tpu.memref_slice %arg16[%mul3A_0, %dma_start3A_372] : memref<10240x128xf32, #tpu.memory_space<vmem_shared>> -> memref<640x128xf32, #tpu.memory_space<vmem_shared>>
      %dma_start3A_374 = arith.constant 0 : i32
      %dma_start3A_375 = tpu.memref_slice %arg5[%mul3A_0, %dma_start3A_374] : memref<10240x128xf32, #tpu.memory_space<hbm>> -> memref<640x128xf32, #tpu.memory_space<hbm>>
      tpu.enqueue_dma source(%dma_start3A_375 : memref<640x128xf32, #tpu.memory_space<hbm>>) target(%dma_start3A_373 : memref<640x128xf32, #tpu.memory_space<vmem_shared>>) target_semaphore(%run_scoped3A : memref<!tpu.dma_semaphore, #tpu.memory_space<semaphore_mem>>)
      %dma_wait3A_376 = arith.constant 0 : i32
      %dma_wait3A_377 = tpu.memref_slice %arg16[%mul3A_0, %dma_wait3A_376] : memref<10240x128xf32, #tpu.memory_space<vmem_shared>> -> memref<640x128xf32, #tpu.memory_space<vmem_shared>>
      %dma_wait3A_378 = arith.constant 0 : i32
      %dma_wait3A_379 = tpu.memref_slice %arg5[%mul3A_0, %dma_wait3A_378] : memref<10240x128xf32, #tpu.memory_space<hbm>> -> memref<640x128xf32, #tpu.memory_space<hbm>>
      tpu.wait_dma2 semaphore(%run_scoped3A : memref<!tpu.dma_semaphore, #tpu.memory_space<semaphore_mem>>) src(%dma_wait3A_379 : memref<640x128xf32, #tpu.memory_space<hbm>>) dst(%dma_wait3A_377 : memref<640x128xf32, #tpu.memory_space<vmem_shared>>)
      tpu.yield
    }) : () -> ()
    %mul3A_1 = arith.constant 160000 : i32
    %mul3A_2 = arith.muli %arg0, %mul3A_1 : i32
    %mul3A_3 = arith.constant 10000 : i32
    %mul3A_4 = arith.muli %arg1, %mul3A_3 : i32
    %add3A = arith.addi %mul3A_2, %mul3A_4 : i32
    "tpu.region"() ({
      %run_scoped3A = tpu.sem_alloc : memref<!tpu.dma_semaphore, #tpu.memory_space<semaphore_mem>>
      %dma_start3A_372 = tpu.memref_slice %arg3[%add3A] : memref<320000xi32, #tpu.memory_space<hbm>> -> memref<10000xi32, #tpu.memory_space<hbm>>
      %dma_start3A_373 = tpu.memref_slice %arg3[%add3A] : memref<320000xi32, #tpu.memory_space<hbm>> -> memref<10000xi32, #tpu.memory_space<hbm>>
      tpu.enqueue_dma source(%dma_start3A_373 : memref<10000xi32, #tpu.memory_space<hbm>>) target(%arg7 : memref<10000xi32, #tpu.memory_space<vmem>>) target_semaphore(%run_scoped3A : memref<!tpu.dma_semaphore, #tpu.memory_space<semaphore_mem>>)
      %dma_wait3A_374 = tpu.memref_slice %arg3[%add3A] : memref<320000xi32, #tpu.memory_space<hbm>> -> memref<10000xi32, #tpu.memory_space<hbm>>
      %dma_wait3A_375 = tpu.memref_slice %arg3[%add3A] : memref<320000xi32, #tpu.memory_space<hbm>> -> memref<10000xi32, #tpu.memory_space<hbm>>
      tpu.wait_dma2 semaphore(%run_scoped3A : memref<!tpu.dma_semaphore, #tpu.memory_space<semaphore_mem>>) src(%dma_wait3A_375 : memref<10000xi32, #tpu.memory_space<hbm>>) dst(%arg7 : memref<10000xi32, #tpu.memory_space<vmem>>)
      tpu.yield
    }) : () -> ()
    "tpu.region"() ({
      %run_scoped3A = tpu.sem_alloc : memref<!tpu.dma_semaphore, #tpu.memory_space<semaphore_mem>>
      %dma_start3A_372 = tpu.memref_slice %arg4[%add3A] : memref<320000xi32, #tpu.memory_space<hbm>> -> memref<10000xi32, #tpu.memory_space<hbm>>
      %dma_start3A_373 = tpu.memref_slice %arg4[%add3A] : memref<320000xi32, #tpu.memory_space<hbm>> -> memref<10000xi32, #tpu.memory_space<hbm>>
      tpu.enqueue_dma source(%dma_start3A_373 : memref<10000xi32, #tpu.memory_space<hbm>>) target(%arg8 : memref<10000xi32, #tpu.memory_space<vmem>>) target_semaphore(%run_scoped3A : memref<!tpu.dma_semaphore, #tpu.memory_space<semaphore_mem>>)
      %dma_wait3A_374 = tpu.memref_slice %arg4[%add3A] : memref<320000xi32, #tpu.memory_space<hbm>> -> memref<10000xi32, #tpu.memory_space<hbm>>
      %dma_wait3A_375 = tpu.memref_slice %arg4[%add3A] : memref<320000xi32, #tpu.memory_space<hbm>> -> memref<10000xi32, #tpu.memory_space<hbm>>
      tpu.wait_dma2 semaphore(%run_scoped3A : memref<!tpu.dma_semaphore, #tpu.memory_space<semaphore_mem>>) src(%dma_wait3A_375 : memref<10000xi32, #tpu.memory_space<hbm>>) dst(%arg8 : memref<10000xi32, #tpu.memory_space<vmem>>)
      tpu.yield
    }) : () -> ()
    %barrier3A = arith.constant 0 : index
    tpu.barrier barrier_id(%barrier3A)
    %get3A = arith.constant 0 : index
    %get3A_5 = tpu.vector_load %arg8[%get3A] {strides = array<i32>} : memref<10000xi32, #tpu.memory_space<vmem>>, vector<16xi32>,
    %get3A_6 = vector.shape_cast %get3A_5 : vector<16xi32> to vector<16xi32>
    %swap3A = arith.constant 0 : index
    %swap3A_7 = tpu.vector_load %arg9[%swap3A] {strides = array<i32>} : memref<72xi32, #tpu.memory_space<vmem>>, vector<16xi32>,
    %swap3A_8 = vector.shape_cast %swap3A_7 : vector<16xi32> to vector<16xi32>
    %swap3A_9 = vector.shape_cast %get3A_6 : vector<16xi32> to vector<16xi32>
    tpu.vector_store %arg9[%swap3A], %swap3A_9 {strides = array<i32>} : memref<72xi32, #tpu.memory_space<vmem>>, vector<16xi32>,
    %get3A_10 = arith.constant 16 : index
    %get3A_11 = tpu.vector_load %arg8[%get3A_10] {strides = array<i32>} : memref<10000xi32, #tpu.memory_space<vmem>>, vector<16xi32>,
    %get3A_12 = vector.shape_cast %get3A_11 : vector<16xi32> to vector<16xi32>
    %swap3A_13 = arith.constant 16 : index
    %swap3A_14 = tpu.vector_load %arg9[%swap3A_13] {strides = array<i32>} : memref<72xi32, #tpu.memory_space<vmem>>, vector<16xi32>,
    %swap3A_15 = vector.shape_cast %swap3A_14 : vector<16xi32> to vector<16xi32>
    %swap3A_16 = vector.shape_cast %get3A_12 : vector<16xi32> to vector<16xi32>
    tpu.vector_store %arg9[%swap3A_13], %swap3A_16 {strides = array<i32>} : memref<72xi32, #tpu.memory_space<vmem>>, vector<16xi32>,
    %get3A_17 = arith.constant 32 : index
    %get3A_18 = tpu.vector_load %arg8[%get3A_17] {strides = array<i32>} : memref<10000xi32, #tpu.memory_space<vmem>>, vector<16xi32>,
    %get3A_19 = vector.shape_cast %get3A_18 : vector<16xi32> to vector<16xi32>
    %swap3A_20 = arith.constant 32 : index
    %swap3A_21 = tpu.vector_load %arg9[%swap3A_20] {strides = array<i32>} : memref<72xi32, #tpu.memory_space<vmem>>, vector<16xi32>,
    %swap3A_22 = vector.shape_cast %swap3A_21 : vector<16xi32> to vector<16xi32>
    %swap3A_23 = vector.shape_cast %get3A_19 : vector<16xi32> to vector<16xi32>
    tpu.vector_store %arg9[%swap3A_20], %swap3A_23 {strides = array<i32>} : memref<72xi32, #tpu.memory_space<vmem>>, vector<16xi32>,
    %get3A_24 = arith.constant 48 : index
    %get3A_25 = tpu.vector_load %arg8[%get3A_24] {strides = array<i32>} : memref<10000xi32, #tpu.memory_space<vmem>>, vector<16xi32>,
    %get3A_26 = vector.shape_cast %get3A_25 : vector<16xi32> to vector<16xi32>
    %swap3A_27 = arith.constant 48 : index
    %swap3A_28 = tpu.vector_load %arg9[%swap3A_27] {strides = array<i32>} : memref<72xi32, #tpu.memory_space<vmem>>, vector<16xi32>,
    %swap3A_29 = vector.shape_cast %swap3A_28 : vector<16xi32> to vector<16xi32>
    %swap3A_30 = vector.shape_cast %get3A_26 : vector<16xi32> to vector<16xi32>
    tpu.vector_store %arg9[%swap3A_27], %swap3A_30 {strides = array<i32>} : memref<72xi32, #tpu.memory_space<vmem>>, vector<16xi32>,
    %get3A_31 = arith.constant 56 : index
    %get3A_32 = tpu.vector_load %arg8[%get3A_31] {strides = array<i32>} : memref<10000xi32, #tpu.memory_space<vmem>>, vector<16xi32>,
    %get3A_33 = vector.shape_cast %get3A_32 : vector<16xi32> to vector<16xi32>
    %swap3A_34 = arith.constant 56 : index
    %swap3A_35 = tpu.vector_load %arg9[%swap3A_34] {strides = array<i32>} : memref<72xi32, #tpu.memory_space<vmem>>, vector<16xi32>,
    %swap3A_36 = vector.shape_cast %swap3A_35 : vector<16xi32> to vector<16xi32>
    %swap3A_37 = vector.shape_cast %get3A_33 : vector<16xi32> to vector<16xi32>
    tpu.vector_store %arg9[%swap3A_34], %swap3A_37 {strides = array<i32>} : memref<72xi32, #tpu.memory_space<vmem>>, vector<16xi32>,
    %get3A_38 = arith.constant 72 : index
    %get3A_39 = tpu.vector_load %arg8[%get3A_38] {strides = array<i32>} : memref<10000xi32, #tpu.memory_space<vmem>>, vector<16xi32>,
    %get3A_40 = vector.shape_cast %get3A_39 : vector<16xi32> to vector<16xi32>
    %swap3A_41 = arith.constant 0 : index
    %swap3A_42 = tpu.vector_load %arg10[%swap3A_41] {strides = array<i32>} : memref<72xi32, #tpu.memory_space<vmem>>, vector<16xi32>,
    %swap3A_43 = vector.shape_cast %swap3A_42 : vector<16xi32> to vector<16xi32>
    %swap3A_44 = vector.shape_cast %get3A_40 : vector<16xi32> to vector<16xi32>
    tpu.vector_store %arg10[%swap3A_41], %swap3A_44 {strides = array<i32>} : memref<72xi32, #tpu.memory_space<vmem>>, vector<16xi32>,
    %get3A_45 = arith.constant 88 : index
    %get3A_46 = tpu.vector_load %arg8[%get3A_45] {strides = array<i32>} : memref<10000xi32, #tpu.memory_space<vmem>>, vector<16xi32>,
    %get3A_47 = vector.shape_cast %get3A_46 : vector<16xi32> to vector<16xi32>
    %swap3A_48 = arith.constant 16 : index
    %swap3A_49 = tpu.vector_load %arg10[%swap3A_48] {strides = array<i32>} : memref<72xi32, #tpu.memory_space<vmem>>, vector<16xi32>,
    %swap3A_50 = vector.shape_cast %swap3A_49 : vector<16xi32> to vector<16xi32>
    %swap3A_51 = vector.shape_cast %get3A_47 : vector<16xi32> to vector<16xi32>
    tpu.vector_store %arg10[%swap3A_48], %swap3A_51 {strides = array<i32>} : memref<72xi32, #tpu.memory_space<vmem>>, vector<16xi32>,
    %get3A_52 = arith.constant 104 : index
    %get3A_53 = tpu.vector_load %arg8[%get3A_52] {strides = array<i32>} : memref<10000xi32, #tpu.memory_space<vmem>>, vector<16xi32>,
    %get3A_54 = vector.shape_cast %get3A_53 : vector<16xi32> to vector<16xi32>
    %swap3A_55 = arith.constant 32 : index
    %swap3A_56 = tpu.vector_load %arg10[%swap3A_55] {strides = array<i32>} : memref<72xi32, #tpu.memory_space<vmem>>, vector<16xi32>,
    %swap3A_57 = vector.shape_cast %swap3A_56 : vector<16xi32> to vector<16xi32>
    %swap3A_58 = vector.shape_cast %get3A_54 : vector<16xi32> to vector<16xi32>
    tpu.vector_store %arg10[%swap3A_55], %swap3A_58 {strides = array<i32>} : memref<72xi32, #tpu.memory_space<vmem>>, vector<16xi32>,
    %get3A_59 = arith.constant 120 : index
    %get3A_60 = tpu.vector_load %arg8[%get3A_59] {strides = array<i32>} : memref<10000xi32, #tpu.memory_space<vmem>>, vector<16xi32>,
    %get3A_61 = vector.shape_cast %get3A_60 : vector<16xi32> to vector<16xi32>
    %swap3A_62 = arith.constant 48 : index
    %swap3A_63 = tpu.vector_load %arg10[%swap3A_62] {strides = array<i32>} : memref<72xi32, #tpu.memory_space<vmem>>, vector<16xi32>,
    %swap3A_64 = vector.shape_cast %swap3A_63 : vector<16xi32> to vector<16xi32>
    %swap3A_65 = vector.shape_cast %get3A_61 : vector<16xi32> to vector<16xi32>
    tpu.vector_store %arg10[%swap3A_62], %swap3A_65 {strides = array<i32>} : memref<72xi32, #tpu.memory_space<vmem>>, vector<16xi32>,
    %get3A_66 = arith.constant 128 : index
    %get3A_67 = tpu.vector_load %arg8[%get3A_66] {strides = array<i32>} : memref<10000xi32, #tpu.memory_space<vmem>>, vector<16xi32>,
    %get3A_68 = vector.shape_cast %get3A_67 : vector<16xi32> to vector<16xi32>
    %swap3A_69 = arith.constant 56 : index
    %swap3A_70 = tpu.vector_load %arg10[%swap3A_69] {strides = array<i32>} : memref<72xi32, #tpu.memory_space<vmem>>, vector<16xi32>,
    %swap3A_71 = vector.shape_cast %swap3A_70 : vector<16xi32> to vector<16xi32>
    %swap3A_72 = vector.shape_cast %get3A_68 : vector<16xi32> to vector<16xi32>
    tpu.vector_store %arg10[%swap3A_69], %swap3A_72 {strides = array<i32>} : memref<72xi32, #tpu.memory_space<vmem>>, vector<16xi32>,
    %dma_start3A = arith.constant 0 : i32
    %dma_start3A_73 = tpu.memref_slice %arg7[%dma_start3A] : memref<10000xi32, #tpu.memory_space<vmem>> -> memref<72xi32, #tpu.memory_space<vmem>>
    %dma_start3A_74 = arith.constant 0 : i32
    %dma_start3A_75 = arith.constant 0 : i32
    %dma_start3A_76 = tpu.memref_slice %arg2[%dma_start3A_74, %dma_start3A_75] : memref<10240x128xf32, #tpu.memory_space<hbm>> -> memref<10240x128xf32, #tpu.memory_space<hbm>>
    tpu.enqueue_indirect_dma source(%dma_start3A_76 : memref<10240x128xf32, #tpu.memory_space<hbm>>) target(%arg13 : memref<72x128xf32, #tpu.memory_space<vmem>>) offsets(%dma_start3A_73 : memref<72xi32, #tpu.memory_space<vmem>>) semaphore(%arg17 : memref<!tpu.dma_semaphore, #tpu.memory_space<semaphore_mem>>)
    %dma_start3A_77 = arith.constant 72 : i32
    %dma_start3A_78 = tpu.memref_slice %arg7[%dma_start3A_77] : memref<10000xi32, #tpu.memory_space<vmem>> -> memref<72xi32, #tpu.memory_space<vmem>>
    %dma_start3A_79 = arith.constant 0 : i32
    %dma_start3A_80 = arith.constant 0 : i32
    %dma_start3A_81 = tpu.memref_slice %arg2[%dma_start3A_79, %dma_start3A_80] : memref<10240x128xf32, #tpu.memory_space<hbm>> -> memref<10240x128xf32, #tpu.memory_space<hbm>>
    tpu.enqueue_indirect_dma source(%dma_start3A_81 : memref<10240x128xf32, #tpu.memory_space<hbm>>) target(%arg14 : memref<72x128xf32, #tpu.memory_space<vmem>>) offsets(%dma_start3A_78 : memref<72xi32, #tpu.memory_space<vmem>>) semaphore(%arg18 : memref<!tpu.dma_semaphore, #tpu.memory_space<semaphore_mem>>)
    %dma_wait3A = arith.constant 0 : i32
    %dma_wait3A_82 = tpu.memref_slice %arg7[%dma_wait3A] : memref<10000xi32, #tpu.memory_space<vmem>> -> memref<72xi32, #tpu.memory_space<vmem>>
    %dma_wait3A_83 = arith.constant 0 : i32
    %dma_wait3A_84 = arith.constant 0 : i32
    %dma_wait3A_85 = tpu.memref_slice %arg2[%dma_wait3A_83, %dma_wait3A_84] : memref<10240x128xf32, #tpu.memory_space<hbm>> -> memref<10240x128xf32, #tpu.memory_space<hbm>>
    tpu.wait_indirect_dma semaphore(%arg17 : memref<!tpu.dma_semaphore, #tpu.memory_space<semaphore_mem>>) src(%dma_wait3A_85 : memref<10240x128xf32, #tpu.memory_space<hbm>>) dst(%arg13 : memref<72x128xf32, #tpu.memory_space<vmem>>)
    %dma_start3A_86 = arith.constant 0 : i32
    %dma_start3A_87 = arith.constant 0 : i32
    %dma_start3A_88 = tpu.memref_slice %arg16[%dma_start3A_86, %dma_start3A_87] : memref<10240x128xf32, #tpu.memory_space<vmem_shared>> -> memref<10240x128xf32, #tpu.memory_space<vmem_shared>>
    tpu.enqueue_indirect_dma source(%arg13 : memref<72x128xf32, #tpu.memory_space<vmem>>) target(%dma_start3A_88 : memref<10240x128xf32, #tpu.memory_space<vmem_shared>>) offsets(%arg9 : memref<72xi32, #tpu.memory_space<vmem>>) semaphore(%arg20 : memref<!tpu.dma_semaphore, #tpu.memory_space<semaphore_mem>>) {add = true}
    %get3A_89 = arith.constant 144 : index
    %get3A_90 = tpu.vector_load %arg8[%get3A_89] {strides = array<i32>} : memref<10000xi32, #tpu.memory_space<vmem>>, vector<16xi32>,
    %get3A_91 = vector.shape_cast %get3A_90 : vector<16xi32> to vector<16xi32>
    %swap3A_92 = arith.constant 0 : index
    %swap3A_93 = tpu.vector_load %arg11[%swap3A_92] {strides = array<i32>} : memref<72xi32, #tpu.memory_space<vmem>>, vector<16xi32>,
    %swap3A_94 = vector.shape_cast %swap3A_93 : vector<16xi32> to vector<16xi32>
    %swap3A_95 = vector.shape_cast %get3A_91 : vector<16xi32> to vector<16xi32>
    tpu.vector_store %arg11[%swap3A_92], %swap3A_95 {strides = array<i32>} : memref<72xi32, #tpu.memory_space<vmem>>, vector<16xi32>,
    %get3A_96 = arith.constant 160 : index
    %get3A_97 = tpu.vector_load %arg8[%get3A_96] {strides = array<i32>} : memref<10000xi32, #tpu.memory_space<vmem>>, vector<16xi32>,
    %get3A_98 = vector.shape_cast %get3A_97 : vector<16xi32> to vector<16xi32>
    %swap3A_99 = arith.constant 16 : index
    %swap3A_100 = tpu.vector_load %arg11[%swap3A_99] {strides = array<i32>} : memref<72xi32, #tpu.memory_space<vmem>>, vector<16xi32>,
    %swap3A_101 = vector.shape_cast %swap3A_100 : vector<16xi32> to vector<16xi32>
    %swap3A_102 = vector.shape_cast %get3A_98 : vector<16xi32> to vector<16xi32>
    tpu.vector_store %arg11[%swap3A_99], %swap3A_102 {strides = array<i32>} : memref<72xi32, #tpu.memory_space<vmem>>, vector<16xi32>,
    %get3A_103 = arith.constant 176 : index
    %get3A_104 = tpu.vector_load %arg8[%get3A_103] {strides = array<i32>} : memref<10000xi32, #tpu.memory_space<vmem>>, vector<16xi32>,
    %get3A_105 = vector.shape_cast %get3A_104 : vector<16xi32> to vector<16xi32>
    %swap3A_106 = arith.constant 32 : index
    %swap3A_107 = tpu.vector_load %arg11[%swap3A_106] {strides = array<i32>} : memref<72xi32, #tpu.memory_space<vmem>>, vector<16xi32>,
    %swap3A_108 = vector.shape_cast %swap3A_107 : vector<16xi32> to vector<16xi32>
    %swap3A_109 = vector.shape_cast %get3A_105 : vector<16xi32> to vector<16xi32>
    tpu.vector_store %arg11[%swap3A_106], %swap3A_109 {strides = array<i32>} : memref<72xi32, #tpu.memory_space<vmem>>, vector<16xi32>,
    %get3A_110 = arith.constant 192 : index
    %get3A_111 = tpu.vector_load %arg8[%get3A_110] {strides = array<i32>} : memref<10000xi32, #tpu.memory_space<vmem>>, vector<16xi32>,
    %get3A_112 = vector.shape_cast %get3A_111 : vector<16xi32> to vector<16xi32>
    %swap3A_113 = arith.constant 48 : index
    %swap3A_114 = tpu.vector_load %arg11[%swap3A_113] {strides = array<i32>} : memref<72xi32, #tpu.memory_space<vmem>>, vector<16xi32>,
    %swap3A_115 = vector.shape_cast %swap3A_114 : vector<16xi32> to vector<16xi32>
    %swap3A_116 = vector.shape_cast %get3A_112 : vector<16xi32> to vector<16xi32>
    tpu.vector_store %arg11[%swap3A_113], %swap3A_116 {strides = array<i32>} : memref<72xi32, #tpu.memory_space<vmem>>, vector<16xi32>,
    %get3A_117 = arith.constant 200 : index
    %get3A_118 = tpu.vector_load %arg8[%get3A_117] {strides = array<i32>} : memref<10000xi32, #tpu.memory_space<vmem>>, vector<16xi32>,
    %get3A_119 = vector.shape_cast %get3A_118 : vector<16xi32> to vector<16xi32>
    %swap3A_120 = arith.constant 56 : index
    %swap3A_121 = tpu.vector_load %arg11[%swap3A_120] {strides = array<i32>} : memref<72xi32, #tpu.memory_space<vmem>>, vector<16xi32>,
    %swap3A_122 = vector.shape_cast %swap3A_121 : vector<16xi32> to vector<16xi32>
    %swap3A_123 = vector.shape_cast %get3A_119 : vector<16xi32> to vector<16xi32>
    tpu.vector_store %arg11[%swap3A_120], %swap3A_123 {strides = array<i32>} : memref<72xi32, #tpu.memory_space<vmem>>, vector<16xi32>,
    %dma_start3A_124 = arith.constant 144 : i32
    %dma_start3A_125 = tpu.memref_slice %arg7[%dma_start3A_124] : memref<10000xi32, #tpu.memory_space<vmem>> -> memref<72xi32, #tpu.memory_space<vmem>>
    %dma_start3A_126 = arith.constant 0 : i32
    %dma_start3A_127 = arith.constant 0 : i32
    %dma_start3A_128 = tpu.memref_slice %arg2[%dma_start3A_126, %dma_start3A_127] : memref<10240x128xf32, #tpu.memory_space<hbm>> -> memref<10240x128xf32, #tpu.memory_space<hbm>>
    tpu.enqueue_indirect_dma source(%dma_start3A_128 : memref<10240x128xf32, #tpu.memory_space<hbm>>) target(%arg15 : memref<72x128xf32, #tpu.memory_space<vmem>>) offsets(%dma_start3A_125 : memref<72xi32, #tpu.memory_space<vmem>>) semaphore(%arg19 : memref<!tpu.dma_semaphore, #tpu.memory_space<semaphore_mem>>)
    %dma_wait3A_129 = arith.constant 0 : i32
    %dma_wait3A_130 = tpu.memref_slice %arg7[%dma_wait3A_129] : memref<10000xi32, #tpu.memory_space<vmem>> -> memref<72xi32, #tpu.memory_space<vmem>>
    %dma_wait3A_131 = arith.constant 0 : i32
    %dma_wait3A_132 = arith.constant 0 : i32
    %dma_wait3A_133 = tpu.memref_slice %arg2[%dma_wait3A_131, %dma_wait3A_132] : memref<10240x128xf32, #tpu.memory_space<hbm>> -> memref<10240x128xf32, #tpu.memory_space<hbm>>
    tpu.wait_indirect_dma semaphore(%arg18 : memref<!tpu.dma_semaphore, #tpu.memory_space<semaphore_mem>>) src(%dma_wait3A_133 : memref<10240x128xf32, #tpu.memory_space<hbm>>) dst(%arg14 : memref<72x128xf32, #tpu.memory_space<vmem>>)
    %dma_start3A_134 = arith.constant 0 : i32
    %dma_start3A_135 = arith.constant 0 : i32
    %dma_start3A_136 = tpu.memref_slice %arg16[%dma_start3A_134, %dma_start3A_135] : memref<10240x128xf32, #tpu.memory_space<vmem_shared>> -> memref<10240x128xf32, #tpu.memory_space<vmem_shared>>
    tpu.enqueue_indirect_dma source(%arg14 : memref<72x128xf32, #tpu.memory_space<vmem>>) target(%dma_start3A_136 : memref<10240x128xf32, #tpu.memory_space<vmem_shared>>) offsets(%arg10 : memref<72xi32, #tpu.memory_space<vmem>>) semaphore(%arg21 : memref<!tpu.dma_semaphore, #tpu.memory_space<semaphore_mem>>) {add = true}
    %dma_wait3A_137 = arith.constant 0 : i32
    %dma_wait3A_138 = arith.constant 0 : i32
    %dma_wait3A_139 = tpu.memref_slice %arg16[%dma_wait3A_137, %dma_wait3A_138] : memref<10240x128xf32, #tpu.memory_space<vmem_shared>> -> memref<10240x128xf32, #tpu.memory_space<vmem_shared>>
    tpu.wait_indirect_dma semaphore(%arg20 : memref<!tpu.dma_semaphore, #tpu.memory_space<semaphore_mem>>) src(%arg13 : memref<72x128xf32, #tpu.memory_space<vmem>>) dst(%dma_wait3A_139 : memref<10240x128xf32, #tpu.memory_space<vmem_shared>>)
    %get3A_140 = arith.constant 216 : index
    %get3A_141 = tpu.vector_load %arg8[%get3A_140] {strides = array<i32>} : memref<10000xi32, #tpu.memory_space<vmem>>, vector<16xi32>,
    %get3A_142 = vector.shape_cast %get3A_141 : vector<16xi32> to vector<16xi32>
    %swap3A_143 = arith.constant 0 : index
    %swap3A_144 = tpu.vector_load %arg9[%swap3A_143] {strides = array<i32>} : memref<72xi32, #tpu.memory_space<vmem>>, vector<16xi32>,
    %swap3A_145 = vector.shape_cast %swap3A_144 : vector<16xi32> to vector<16xi32>
    %swap3A_146 = vector.shape_cast %get3A_142 : vector<16xi32> to vector<16xi32>
    tpu.vector_store %arg9[%swap3A_143], %swap3A_146 {strides = array<i32>} : memref<72xi32, #tpu.memory_space<vmem>>, vector<16xi32>,
    %get3A_147 = arith.constant 232 : index
    %get3A_148 = tpu.vector_load %arg8[%get3A_147] {strides = array<i32>} : memref<10000xi32, #tpu.memory_space<vmem>>, vector<16xi32>,
    %get3A_149 = vector.shape_cast %get3A_148 : vector<16xi32> to vector<16xi32>
    %swap3A_150 = arith.constant 16 : index
    %swap3A_151 = tpu.vector_load %arg9[%swap3A_150] {strides = array<i32>} : memref<72xi32, #tpu.memory_space<vmem>>, vector<16xi32>,
    %swap3A_152 = vector.shape_cast %swap3A_151 : vector<16xi32> to vector<16xi32>
    %swap3A_153 = vector.shape_cast %get3A_149 : vector<16xi32> to vector<16xi32>
    tpu.vector_store %arg9[%swap3A_150], %swap3A_153 {strides = array<i32>} : memref<72xi32, #tpu.memory_space<vmem>>, vector<16xi32>,
    %get3A_154 = arith.constant 248 : index
    %get3A_155 = tpu.vector_load %arg8[%get3A_154] {strides = array<i32>} : memref<10000xi32, #tpu.memory_space<vmem>>, vector<16xi32>,
    %get3A_156 = vector.shape_cast %get3A_155 : vector<16xi32> to vector<16xi32>
    %swap3A_157 = arith.constant 32 : index
    %swap3A_158 = tpu.vector_load %arg9[%swap3A_157] {strides = array<i32>} : memref<72xi32, #tpu.memory_space<vmem>>, vector<16xi32>,
    %swap3A_159 = vector.shape_cast %swap3A_158 : vector<16xi32> to vector<16xi32>
    %swap3A_160 = vector.shape_cast %get3A_156 : vector<16xi32> to vector<16xi32>
    tpu.vector_store %arg9[%swap3A_157], %swap3A_160 {strides = array<i32>} : memref<72xi32, #tpu.memory_space<vmem>>, vector<16xi32>,
    %get3A_161 = arith.constant 264 : index
    %get3A_162 = tpu.vector_load %arg8[%get3A_161] {strides = array<i32>} : memref<10000xi32, #tpu.memory_space<vmem>>, vector<16xi32>,
    %get3A_163 = vector.shape_cast %get3A_162 : vector<16xi32> to vector<16xi32>
    %swap3A_164 = arith.constant 48 : index
    %swap3A_165 = tpu.vector_load %arg9[%swap3A_164] {strides = array<i32>} : memref<72xi32, #tpu.memory_space<vmem>>, vector<16xi32>,
    %swap3A_166 = vector.shape_cast %swap3A_165 : vector<16xi32> to vector<16xi32>
    %swap3A_167 = vector.shape_cast %get3A_163 : vector<16xi32> to vector<16xi32>
    tpu.vector_store %arg9[%swap3A_164], %swap3A_167 {strides = array<i32>} : memref<72xi32, #tpu.memory_space<vmem>>, vector<16xi32>,
    %get3A_168 = arith.constant 272 : index
    %get3A_169 = tpu.vector_load %arg8[%get3A_168] {strides = array<i32>} : memref<10000xi32, #tpu.memory_space<vmem>>, vector<16xi32>,
    %get3A_170 = vector.shape_cast %get3A_169 : vector<16xi32> to vector<16xi32>
    %swap3A_171 = arith.constant 56 : index
    %swap3A_172 = tpu.vector_load %arg9[%swap3A_171] {strides = array<i32>} : memref<72xi32, #tpu.memory_space<vmem>>, vector<16xi32>,
    %swap3A_173 = vector.shape_cast %swap3A_172 : vector<16xi32> to vector<16xi32>
    %swap3A_174 = vector.shape_cast %get3A_170 : vector<16xi32> to vector<16xi32>
    tpu.vector_store %arg9[%swap3A_171], %swap3A_174 {strides = array<i32>} : memref<72xi32, #tpu.memory_space<vmem>>, vector<16xi32>,
    %dma_start3A_175 = arith.constant 216 : i32
    %dma_start3A_176 = tpu.memref_slice %arg7[%dma_start3A_175] : memref<10000xi32, #tpu.memory_space<vmem>> -> memref<72xi32, #tpu.memory_space<vmem>>
    %dma_start3A_177 = arith.constant 0 : i32
    %dma_start3A_178 = arith.constant 0 : i32
    %dma_start3A_179 = tpu.memref_slice %arg2[%dma_start3A_177, %dma_start3A_178] : memref<10240x128xf32, #tpu.memory_space<hbm>> -> memref<10240x128xf32, #tpu.memory_space<hbm>>
    tpu.enqueue_indirect_dma source(%dma_start3A_179 : memref<10240x128xf32, #tpu.memory_space<hbm>>) target(%arg13 : memref<72x128xf32, #tpu.memory_space<vmem>>) offsets(%dma_start3A_176 : memref<72xi32, #tpu.memory_space<vmem>>) semaphore(%arg17 : memref<!tpu.dma_semaphore, #tpu.memory_space<semaphore_mem>>)
    %scan3A = arith.constant 0 : i32
    %scan3A_180 = arith.constant 0 : i32
    %scan3A_181 = arith.constant 44 : i32
    %scan3A_182 = arith.addi %scan3A_180, %scan3A_181 : i32
    %scan3A_183 = arith.constant 1 : i32
    scf.for %scan3A_372 = %scan3A_180 to %scan3A_182 step %scan3A_183  : i32 {
      %mul3A_373 = arith.constant 3 : i32
      %mul3A_374 = arith.muli %mul3A_373, %scan3A_372 : i32
      %add3A_375 = arith.constant 2 : i32
      %add3A_376 = arith.addi %mul3A_374, %add3A_375 : i32
      %add3A_377 = arith.constant 0 : i32
      %add3A_378 = arith.addi %add3A_376, %add3A_377 : i32
      %dma_wait3A_379 = arith.constant 0 : i32
      %dma_wait3A_380 = tpu.memref_slice %arg7[%dma_wait3A_379] : memref<10000xi32, #tpu.memory_space<vmem>> -> memref<72xi32, #tpu.memory_space<vmem>>
      %dma_wait3A_381 = arith.constant 0 : i32
      %dma_wait3A_382 = arith.constant 0 : i32
      %dma_wait3A_383 = tpu.memref_slice %arg2[%dma_wait3A_381, %dma_wait3A_382] : memref<10240x128xf32, #tpu.memory_space<hbm>> -> memref<10240x128xf32, #tpu.memory_space<hbm>>
      tpu.wait_indirect_dma semaphore(%arg19 : memref<!tpu.dma_semaphore, #tpu.memory_space<semaphore_mem>>) src(%dma_wait3A_383 : memref<10240x128xf32, #tpu.memory_space<hbm>>) dst(%arg15 : memref<72x128xf32, #tpu.memory_space<vmem>>)
      %dma_start3A_384 = arith.constant 0 : i32
      %dma_start3A_385 = arith.constant 0 : i32
      %dma_start3A_386 = tpu.memref_slice %arg16[%dma_start3A_384, %dma_start3A_385] : memref<10240x128xf32, #tpu.memory_space<vmem_shared>> -> memref<10240x128xf32, #tpu.memory_space<vmem_shared>>
      tpu.enqueue_indirect_dma source(%arg15 : memref<72x128xf32, #tpu.memory_space<vmem>>) target(%dma_start3A_386 : memref<10240x128xf32, #tpu.memory_space<vmem_shared>>) offsets(%arg11 : memref<72xi32, #tpu.memory_space<vmem>>) semaphore(%arg22 : memref<!tpu.dma_semaphore, #tpu.memory_space<semaphore_mem>>) {add = true}
      %dma_wait3A_387 = arith.constant 0 : i32
      %dma_wait3A_388 = arith.constant 0 : i32
      %dma_wait3A_389 = tpu.memref_slice %arg16[%dma_wait3A_387, %dma_wait3A_388] : memref<10240x128xf32, #tpu.memory_space<vmem_shared>> -> memref<10240x128xf32, #tpu.memory_space<vmem_shared>>
      tpu.wait_indirect_dma semaphore(%arg21 : memref<!tpu.dma_semaphore, #tpu.memory_space<semaphore_mem>>) src(%arg14 : memref<72x128xf32, #tpu.memory_space<vmem>>) dst(%dma_wait3A_389 : memref<10240x128xf32, #tpu.memory_space<vmem_shared>>)
      %add3A_390 = arith.constant 2 : i32
      %add3A_391 = arith.addi %add3A_378, %add3A_390 : i32
      %mul3A_392 = arith.constant 72 : i32
      %mul3A_393 = arith.muli %add3A_391, %mul3A_392 : i32
      %add3A_394 = arith.constant 0 : i32
      %add3A_395 = arith.addi %mul3A_393, %add3A_394 : i32
      %get3A_396 = arith.index_cast %add3A_395 : i32 to index
      %get3A_397 = tpu.vector_load %arg8[%get3A_396] {strides = array<i32>} : memref<10000xi32, #tpu.memory_space<vmem>>, vector<16xi32>,
      %get3A_398 = vector.shape_cast %get3A_397 : vector<16xi32> to vector<16xi32>
      %swap3A_399 = arith.constant 0 : index
      %swap3A_400 = tpu.vector_load %arg10[%swap3A_399] {strides = array<i32>} : memref<72xi32, #tpu.memory_space<vmem>>, vector<16xi32>,
      %swap3A_401 = vector.shape_cast %swap3A_400 : vector<16xi32> to vector<16xi32>
      %swap3A_402 = vector.shape_cast %get3A_398 : vector<16xi32> to vector<16xi32>
      tpu.vector_store %arg10[%swap3A_399], %swap3A_402 {strides = array<i32>} : memref<72xi32, #tpu.memory_space<vmem>>, vector<16xi32>,
      %mul3A_403 = arith.constant 72 : i32
      %mul3A_404 = arith.muli %add3A_391, %mul3A_403 : i32
      %add3A_405 = arith.constant 16 : i32
      %add3A_406 = arith.addi %mul3A_404, %add3A_405 : i32
      %get3A_407 = arith.index_cast %add3A_406 : i32 to index
      %get3A_408 = tpu.vector_load %arg8[%get3A_407] {strides = array<i32>} : memref<10000xi32, #tpu.memory_space<vmem>>, vector<16xi32>,
      %get3A_409 = vector.shape_cast %get3A_408 : vector<16xi32> to vector<16xi32>
      %swap3A_410 = arith.constant 16 : index
      %swap3A_411 = tpu.vector_load %arg10[%swap3A_410] {strides = array<i32>} : memref<72xi32, #tpu.memory_space<vmem>>, vector<16xi32>,
      %swap3A_412 = vector.shape_cast %swap3A_411 : vector<16xi32> to vector<16xi32>
      %swap3A_413 = vector.shape_cast %get3A_409 : vector<16xi32> to vector<16xi32>
      tpu.vector_store %arg10[%swap3A_410], %swap3A_413 {strides = array<i32>} : memref<72xi32, #tpu.memory_space<vmem>>, vector<16xi32>,
      %mul3A_414 = arith.constant 72 : i32
      %mul3A_415 = arith.muli %add3A_391, %mul3A_414 : i32
      %add3A_416 = arith.constant 32 : i32
      %add3A_417 = arith.addi %mul3A_415, %add3A_416 : i32
      %get3A_418 = arith.index_cast %add3A_417 : i32 to index
      %get3A_419 = tpu.vector_load %arg8[%get3A_418] {strides = array<i32>} : memref<10000xi32, #tpu.memory_space<vmem>>, vector<16xi32>,
      %get3A_420 = vector.shape_cast %get3A_419 : vector<16xi32> to vector<16xi32>
      %swap3A_421 = arith.constant 32 : index
      %swap3A_422 = tpu.vector_load %arg10[%swap3A_421] {strides = array<i32>} : memref<72xi32, #tpu.memory_space<vmem>>, vector<16xi32>,
      %swap3A_423 = vector.shape_cast %swap3A_422 : vector<16xi32> to vector<16xi32>
      %swap3A_424 = vector.shape_cast %get3A_420 : vector<16xi32> to vector<16xi32>
      tpu.vector_store %arg10[%swap3A_421], %swap3A_424 {strides = array<i32>} : memref<72xi32, #tpu.memory_space<vmem>>, vector<16xi32>,
      %mul3A_425 = arith.constant 72 : i32
      %mul3A_426 = arith.muli %add3A_391, %mul3A_425 : i32
      %add3A_427 = arith.constant 48 : i32
      %add3A_428 = arith.addi %mul3A_426, %add3A_427 : i32
      %get3A_429 = arith.index_cast %add3A_428 : i32 to index
      %get3A_430 = tpu.vector_load %arg8[%get3A_429] {strides = array<i32>} : memref<10000xi32, #tpu.memory_space<vmem>>, vector<16xi32>,
      %get3A_431 = vector.shape_cast %get3A_430 : vector<16xi32> to vector<16xi32>
      %swap3A_432 = arith.constant 48 : index
      %swap3A_433 = tpu.vector_load %arg10[%swap3A_432] {strides = array<i32>} : memref<72xi32, #tpu.memory_space<vmem>>, vector<16xi32>,
      %swap3A_434 = vector.shape_cast %swap3A_433 : vector<16xi32> to vector<16xi32>
      %swap3A_435 = vector.shape_cast %get3A_431 : vector<16xi32> to vector<16xi32>
      tpu.vector_store %arg10[%swap3A_432], %swap3A_435 {strides = array<i32>} : memref<72xi32, #tpu.memory_space<vmem>>, vector<16xi32>,
      %mul3A_436 = arith.constant 72 : i32
      %mul3A_437 = arith.muli %add3A_391, %mul3A_436 : i32
      %add3A_438 = arith.constant 56 : i32
      %add3A_439 = arith.addi %mul3A_437, %add3A_438 : i32
      %get3A_440 = arith.index_cast %add3A_439 : i32 to index
      %get3A_441 = tpu.vector_load %arg8[%get3A_440] {strides = array<i32>} : memref<10000xi32, #tpu.memory_space<vmem>>, vector<16xi32>,
      %get3A_442 = vector.shape_cast %get3A_441 : vector<16xi32> to vector<16xi32>
      %swap3A_443 = arith.constant 56 : index
      %swap3A_444 = tpu.vector_load %arg10[%swap3A_443] {strides = array<i32>} : memref<72xi32, #tpu.memory_space<vmem>>, vector<16xi32>,
      %swap3A_445 = vector.shape_cast %swap3A_444 : vector<16xi32> to vector<16xi32>
      %swap3A_446 = vector.shape_cast %get3A_442 : vector<16xi32> to vector<16xi32>
      tpu.vector_store %arg10[%swap3A_443], %swap3A_446 {strides = array<i32>} : memref<72xi32, #tpu.memory_space<vmem>>, vector<16xi32>,
      %add3A_447 = arith.constant 2 : i32
      %add3A_448 = arith.addi %add3A_378, %add3A_447 : i32
      %mul3A_449 = arith.constant 72 : i32
      %mul3A_450 = arith.muli %add3A_448, %mul3A_449 : i32
      %dma_start3A_451 = tpu.memref_slice %arg7[%mul3A_450] : memref<10000xi32, #tpu.memory_space<vmem>> -> memref<72xi32, #tpu.memory_space<vmem>>
      %dma_start3A_452 = arith.constant 0 : i32
      %dma_start3A_453 = arith.constant 0 : i32
      %dma_start3A_454 = tpu.memref_slice %arg2[%dma_start3A_452, %dma_start3A_453] : memref<10240x128xf32, #tpu.memory_space<hbm>> -> memref<10240x128xf32, #tpu.memory_space<hbm>>
      tpu.enqueue_indirect_dma source(%dma_start3A_454 : memref<10240x128xf32, #tpu.memory_space<hbm>>) target(%arg14 : memref<72x128xf32, #tpu.memory_space<vmem>>) offsets(%dma_start3A_451 : memref<72xi32, #tpu.memory_space<vmem>>) semaphore(%arg18 : memref<!tpu.dma_semaphore, #tpu.memory_space<semaphore_mem>>)
      %add3A_455 = arith.constant 1 : i32
      %add3A_456 = arith.addi %add3A_376, %add3A_455 : i32
      %dma_wait3A_457 = arith.constant 0 : i32
      %dma_wait3A_458 = tpu.memref_slice %arg7[%dma_wait3A_457] : memref<10000xi32, #tpu.memory_space<vmem>> -> memref<72xi32, #tpu.memory_space<vmem>>
      %dma_wait3A_459 = arith.constant 0 : i32
      %dma_wait3A_460 = arith.constant 0 : i32
      %dma_wait3A_461 = tpu.memref_slice %arg2[%dma_wait3A_459, %dma_wait3A_460] : memref<10240x128xf32, #tpu.memory_space<hbm>> -> memref<10240x128xf32, #tpu.memory_space<hbm>>
      tpu.wait_indirect_dma semaphore(%arg17 : memref<!tpu.dma_semaphore, #tpu.memory_space<semaphore_mem>>) src(%dma_wait3A_461 : memref<10240x128xf32, #tpu.memory_space<hbm>>) dst(%arg13 : memref<72x128xf32, #tpu.memory_space<vmem>>)
      %dma_start3A_462 = arith.constant 0 : i32
      %dma_start3A_463 = arith.constant 0 : i32
      %dma_start3A_464 = tpu.memref_slice %arg16[%dma_start3A_462, %dma_start3A_463] : memref<10240x128xf32, #tpu.memory_space<vmem_shared>> -> memref<10240x128xf32, #tpu.memory_space<vmem_shared>>
      tpu.enqueue_indirect_dma source(%arg13 : memref<72x128xf32, #tpu.memory_space<vmem>>) target(%dma_start3A_464 : memref<10240x128xf32, #tpu.memory_space<vmem_shared>>) offsets(%arg9 : memref<72xi32, #tpu.memory_space<vmem>>) semaphore(%arg20 : memref<!tpu.dma_semaphore, #tpu.memory_space<semaphore_mem>>) {add = true}
      %dma_wait3A_465 = arith.constant 0 : i32
      %dma_wait3A_466 = arith.constant 0 : i32
      %dma_wait3A_467 = tpu.memref_slice %arg16[%dma_wait3A_465, %dma_wait3A_466] : memref<10240x128xf32, #tpu.memory_space<vmem_shared>> -> memref<10240x128xf32, #tpu.memory_space<vmem_shared>>
      tpu.wait_indirect_dma semaphore(%arg22 : memref<!tpu.dma_semaphore, #tpu.memory_space<semaphore_mem>>) src(%arg15 : memref<72x128xf32, #tpu.memory_space<vmem>>) dst(%dma_wait3A_467 : memref<10240x128xf32, #tpu.memory_space<vmem_shared>>)
      %add3A_468 = arith.constant 2 : i32
      %add3A_469 = arith.addi %add3A_456, %add3A_468 : i32
      %mul3A_470 = arith.constant 72 : i32
      %mul3A_471 = arith.muli %add3A_469, %mul3A_470 : i32
      %add3A_472 = arith.constant 0 : i32
      %add3A_473 = arith.addi %mul3A_471, %add3A_472 : i32
      %get3A_474 = arith.index_cast %add3A_473 : i32 to index
      %get3A_475 = tpu.vector_load %arg8[%get3A_474] {strides = array<i32>} : memref<10000xi32, #tpu.memory_space<vmem>>, vector<16xi32>,
      %get3A_476 = vector.shape_cast %get3A_475 : vector<16xi32> to vector<16xi32>
      %swap3A_477 = arith.constant 0 : index
      %swap3A_478 = tpu.vector_load %arg11[%swap3A_477] {strides = array<i32>} : memref<72xi32, #tpu.memory_space<vmem>>, vector<16xi32>,
      %swap3A_479 = vector.shape_cast %swap3A_478 : vector<16xi32> to vector<16xi32>
      %swap3A_480 = vector.shape_cast %get3A_476 : vector<16xi32> to vector<16xi32>
      tpu.vector_store %arg11[%swap3A_477], %swap3A_480 {strides = array<i32>} : memref<72xi32, #tpu.memory_space<vmem>>, vector<16xi32>,
      %mul3A_481 = arith.constant 72 : i32
      %mul3A_482 = arith.muli %add3A_469, %mul3A_481 : i32
      %add3A_483 = arith.constant 16 : i32
      %add3A_484 = arith.addi %mul3A_482, %add3A_483 : i32
      %get3A_485 = arith.index_cast %add3A_484 : i32 to index
      %get3A_486 = tpu.vector_load %arg8[%get3A_485] {strides = array<i32>} : memref<10000xi32, #tpu.memory_space<vmem>>, vector<16xi32>,
      %get3A_487 = vector.shape_cast %get3A_486 : vector<16xi32> to vector<16xi32>
      %swap3A_488 = arith.constant 16 : index
      %swap3A_489 = tpu.vector_load %arg11[%swap3A_488] {strides = array<i32>} : memref<72xi32, #tpu.memory_space<vmem>>, vector<16xi32>,
      %swap3A_490 = vector.shape_cast %swap3A_489 : vector<16xi32> to vector<16xi32>
      %swap3A_491 = vector.shape_cast %get3A_487 : vector<16xi32> to vector<16xi32>
      tpu.vector_store %arg11[%swap3A_488], %swap3A_491 {strides = array<i32>} : memref<72xi32, #tpu.memory_space<vmem>>, vector<16xi32>,
      %mul3A_492 = arith.constant 72 : i32
      %mul3A_493 = arith.muli %add3A_469, %mul3A_492 : i32
      %add3A_494 = arith.constant 32 : i32
      %add3A_495 = arith.addi %mul3A_493, %add3A_494 : i32
      %get3A_496 = arith.index_cast %add3A_495 : i32 to index
      %get3A_497 = tpu.vector_load %arg8[%get3A_496] {strides = array<i32>} : memref<10000xi32, #tpu.memory_space<vmem>>, vector<16xi32>,
      %get3A_498 = vector.shape_cast %get3A_497 : vector<16xi32> to vector<16xi32>
      %swap3A_499 = arith.constant 32 : index
      %swap3A_500 = tpu.vector_load %arg11[%swap3A_499] {strides = array<i32>} : memref<72xi32, #tpu.memory_space<vmem>>, vector<16xi32>,
      %swap3A_501 = vector.shape_cast %swap3A_500 : vector<16xi32> to vector<16xi32>
      %swap3A_502 = vector.shape_cast %get3A_498 : vector<16xi32> to vector<16xi32>
      tpu.vector_store %arg11[%swap3A_499], %swap3A_502 {strides = array<i32>} : memref<72xi32, #tpu.memory_space<vmem>>, vector<16xi32>,
      %mul3A_503 = arith.constant 72 : i32
      %mul3A_504 = arith.muli %add3A_469, %mul3A_503 : i32
      %add3A_505 = arith.constant 48 : i32
      %add3A_506 = arith.addi %mul3A_504, %add3A_505 : i32
      %get3A_507 = arith.index_cast %add3A_506 : i32 to index
      %get3A_508 = tpu.vector_load %arg8[%get3A_507] {strides = array<i32>} : memref<10000xi32, #tpu.memory_space<vmem>>, vector<16xi32>,
      %get3A_509 = vector.shape_cast %get3A_508 : vector<16xi32> to vector<16xi32>
      %swap3A_510 = arith.constant 48 : index
      %swap3A_511 = tpu.vector_load %arg11[%swap3A_510] {strides = array<i32>} : memref<72xi32, #tpu.memory_space<vmem>>, vector<16xi32>,
      %swap3A_512 = vector.shape_cast %swap3A_511 : vector<16xi32> to vector<16xi32>
      %swap3A_513 = vector.shape_cast %get3A_509 : vector<16xi32> to vector<16xi32>
      tpu.vector_store %arg11[%swap3A_510], %swap3A_513 {strides = array<i32>} : memref<72xi32, #tpu.memory_space<vmem>>, vector<16xi32>,
      %mul3A_514 = arith.constant 72 : i32
      %mul3A_515 = arith.muli %add3A_469, %mul3A_514 : i32
      %add3A_516 = arith.constant 56 : i32
      %add3A_517 = arith.addi %mul3A_515, %add3A_516 : i32
      %get3A_518 = arith.index_cast %add3A_517 : i32 to index
      %get3A_519 = tpu.vector_load %arg8[%get3A_518] {strides = array<i32>} : memref<10000xi32, #tpu.memory_space<vmem>>, vector<16xi32>,
      %get3A_520 = vector.shape_cast %get3A_519 : vector<16xi32> to vector<16xi32>
      %swap3A_521 = arith.constant 56 : index
      %swap3A_522 = tpu.vector_load %arg11[%swap3A_521] {strides = array<i32>} : memref<72xi32, #tpu.memory_space<vmem>>, vector<16xi32>,
      %swap3A_523 = vector.shape_cast %swap3A_522 : vector<16xi32> to vector<16xi32>
      %swap3A_524 = vector.shape_cast %get3A_520 : vector<16xi32> to vector<16xi32>
      tpu.vector_store %arg11[%swap3A_521], %swap3A_524 {strides = array<i32>} : memref<72xi32, #tpu.memory_space<vmem>>, vector<16xi32>,
      %add3A_525 = arith.constant 2 : i32
      %add3A_526 = arith.addi %add3A_456, %add3A_525 : i32
      %mul3A_527 = arith.constant 72 : i32
      %mul3A_528 = arith.muli %add3A_526, %mul3A_527 : i32
      %dma_start3A_529 = tpu.memref_slice %arg7[%mul3A_528] : memref<10000xi32, #tpu.memory_space<vmem>> -> memref<72xi32, #tpu.memory_space<vmem>>
      %dma_start3A_530 = arith.constant 0 : i32
      %dma_start3A_531 = arith.constant 0 : i32
      %dma_start3A_532 = tpu.memref_slice %arg2[%dma_start3A_530, %dma_start3A_531] : memref<10240x128xf32, #tpu.memory_space<hbm>> -> memref<10240x128xf32, #tpu.memory_space<hbm>>
      tpu.enqueue_indirect_dma source(%dma_start3A_532 : memref<10240x128xf32, #tpu.memory_space<hbm>>) target(%arg15 : memref<72x128xf32, #tpu.memory_space<vmem>>) offsets(%dma_start3A_529 : memref<72xi32, #tpu.memory_space<vmem>>) semaphore(%arg19 : memref<!tpu.dma_semaphore, #tpu.memory_space<semaphore_mem>>)
      %add3A_533 = arith.constant 2 : i32
      %add3A_534 = arith.addi %add3A_376, %add3A_533 : i32
      %dma_wait3A_535 = arith.constant 0 : i32
      %dma_wait3A_536 = tpu.memref_slice %arg7[%dma_wait3A_535] : memref<10000xi32, #tpu.memory_space<vmem>> -> memref<72xi32, #tpu.memory_space<vmem>>
      %dma_wait3A_537 = arith.constant 0 : i32
      %dma_wait3A_538 = arith.constant 0 : i32
      %dma_wait3A_539 = tpu.memref_slice %arg2[%dma_wait3A_537, %dma_wait3A_538] : memref<10240x128xf32, #tpu.memory_space<hbm>> -> memref<10240x128xf32, #tpu.memory_space<hbm>>
      tpu.wait_indirect_dma semaphore(%arg18 : memref<!tpu.dma_semaphore, #tpu.memory_space<semaphore_mem>>) src(%dma_wait3A_539 : memref<10240x128xf32, #tpu.memory_space<hbm>>) dst(%arg14 : memref<72x128xf32, #tpu.memory_space<vmem>>)
      %dma_start3A_540 = arith.constant 0 : i32
      %dma_start3A_541 = arith.constant 0 : i32
      %dma_start3A_542 = tpu.memref_slice %arg16[%dma_start3A_540, %dma_start3A_541] : memref<10240x128xf32, #tpu.memory_space<vmem_shared>> -> memref<10240x128xf32, #tpu.memory_space<vmem_shared>>
      tpu.enqueue_indirect_dma source(%arg14 : memref<72x128xf32, #tpu.memory_space<vmem>>) target(%dma_start3A_542 : memref<10240x128xf32, #tpu.memory_space<vmem_shared>>) offsets(%arg10 : memref<72xi32, #tpu.memory_space<vmem>>) semaphore(%arg21 : memref<!tpu.dma_semaphore, #tpu.memory_space<semaphore_mem>>) {add = true}
      %dma_wait3A_543 = arith.constant 0 : i32
      %dma_wait3A_544 = arith.constant 0 : i32
      %dma_wait3A_545 = tpu.memref_slice %arg16[%dma_wait3A_543, %dma_wait3A_544] : memref<10240x128xf32, #tpu.memory_space<vmem_shared>> -> memref<10240x128xf32, #tpu.memory_space<vmem_shared>>
      tpu.wait_indirect_dma semaphore(%arg20 : memref<!tpu.dma_semaphore, #tpu.memory_space<semaphore_mem>>) src(%arg13 : memref<72x128xf32, #tpu.memory_space<vmem>>) dst(%dma_wait3A_545 : memref<10240x128xf32, #tpu.memory_space<vmem_shared>>)
      %add3A_546 = arith.constant 2 : i32
      %add3A_547 = arith.addi %add3A_534, %add3A_546 : i32
      %mul3A_548 = arith.constant 72 : i32
      %mul3A_549 = arith.muli %add3A_547, %mul3A_548 : i32
      %add3A_550 = arith.constant 0 : i32
      %add3A_551 = arith.addi %mul3A_549, %add3A_550 : i32
      %get3A_552 = arith.index_cast %add3A_551 : i32 to index
      %get3A_553 = tpu.vector_load %arg8[%get3A_552] {strides = array<i32>} : memref<10000xi32, #tpu.memory_space<vmem>>, vector<16xi32>,
      %get3A_554 = vector.shape_cast %get3A_553 : vector<16xi32> to vector<16xi32>
      %swap3A_555 = arith.constant 0 : index
      %swap3A_556 = tpu.vector_load %arg9[%swap3A_555] {strides = array<i32>} : memref<72xi32, #tpu.memory_space<vmem>>, vector<16xi32>,
      %swap3A_557 = vector.shape_cast %swap3A_556 : vector<16xi32> to vector<16xi32>
      %swap3A_558 = vector.shape_cast %get3A_554 : vector<16xi32> to vector<16xi32>
      tpu.vector_store %arg9[%swap3A_555], %swap3A_558 {strides = array<i32>} : memref<72xi32, #tpu.memory_space<vmem>>, vector<16xi32>,
      %mul3A_559 = arith.constant 72 : i32
      %mul3A_560 = arith.muli %add3A_547, %mul3A_559 : i32
      %add3A_561 = arith.constant 16 : i32
      %add3A_562 = arith.addi %mul3A_560, %add3A_561 : i32
      %get3A_563 = arith.index_cast %add3A_562 : i32 to index
      %get3A_564 = tpu.vector_load %arg8[%get3A_563] {strides = array<i32>} : memref<10000xi32, #tpu.memory_space<vmem>>, vector<16xi32>,
      %get3A_565 = vector.shape_cast %get3A_564 : vector<16xi32> to vector<16xi32>
      %swap3A_566 = arith.constant 16 : index
      %swap3A_567 = tpu.vector_load %arg9[%swap3A_566] {strides = array<i32>} : memref<72xi32, #tpu.memory_space<vmem>>, vector<16xi32>,
      %swap3A_568 = vector.shape_cast %swap3A_567 : vector<16xi32> to vector<16xi32>
      %swap3A_569 = vector.shape_cast %get3A_565 : vector<16xi32> to vector<16xi32>
      tpu.vector_store %arg9[%swap3A_566], %swap3A_569 {strides = array<i32>} : memref<72xi32, #tpu.memory_space<vmem>>, vector<16xi32>,
      %mul3A_570 = arith.constant 72 : i32
      %mul3A_571 = arith.muli %add3A_547, %mul3A_570 : i32
      %add3A_572 = arith.constant 32 : i32
      %add3A_573 = arith.addi %mul3A_571, %add3A_572 : i32
      %get3A_574 = arith.index_cast %add3A_573 : i32 to index
      %get3A_575 = tpu.vector_load %arg8[%get3A_574] {strides = array<i32>} : memref<10000xi32, #tpu.memory_space<vmem>>, vector<16xi32>,
      %get3A_576 = vector.shape_cast %get3A_575 : vector<16xi32> to vector<16xi32>
      %swap3A_577 = arith.constant 32 : index
      %swap3A_578 = tpu.vector_load %arg9[%swap3A_577] {strides = array<i32>} : memref<72xi32, #tpu.memory_space<vmem>>, vector<16xi32>,
      %swap3A_579 = vector.shape_cast %swap3A_578 : vector<16xi32> to vector<16xi32>
      %swap3A_580 = vector.shape_cast %get3A_576 : vector<16xi32> to vector<16xi32>
      tpu.vector_store %arg9[%swap3A_577], %swap3A_580 {strides = array<i32>} : memref<72xi32, #tpu.memory_space<vmem>>, vector<16xi32>,
      %mul3A_581 = arith.constant 72 : i32
      %mul3A_582 = arith.muli %add3A_547, %mul3A_581 : i32
      %add3A_583 = arith.constant 48 : i32
      %add3A_584 = arith.addi %mul3A_582, %add3A_583 : i32
      %get3A_585 = arith.index_cast %add3A_584 : i32 to index
      %get3A_586 = tpu.vector_load %arg8[%get3A_585] {strides = array<i32>} : memref<10000xi32, #tpu.memory_space<vmem>>, vector<16xi32>,
      %get3A_587 = vector.shape_cast %get3A_586 : vector<16xi32> to vector<16xi32>
      %swap3A_588 = arith.constant 48 : index
      %swap3A_589 = tpu.vector_load %arg9[%swap3A_588] {strides = array<i32>} : memref<72xi32, #tpu.memory_space<vmem>>, vector<16xi32>,
      %swap3A_590 = vector.shape_cast %swap3A_589 : vector<16xi32> to vector<16xi32>
      %swap3A_591 = vector.shape_cast %get3A_587 : vector<16xi32> to vector<16xi32>
      tpu.vector_store %arg9[%swap3A_588], %swap3A_591 {strides = array<i32>} : memref<72xi32, #tpu.memory_space<vmem>>, vector<16xi32>,
      %mul3A_592 = arith.constant 72 : i32
      %mul3A_593 = arith.muli %add3A_547, %mul3A_592 : i32
      %add3A_594 = arith.constant 56 : i32
      %add3A_595 = arith.addi %mul3A_593, %add3A_594 : i32
      %get3A_596 = arith.index_cast %add3A_595 : i32 to index
      %get3A_597 = tpu.vector_load %arg8[%get3A_596] {strides = array<i32>} : memref<10000xi32, #tpu.memory_space<vmem>>, vector<16xi32>,
      %get3A_598 = vector.shape_cast %get3A_597 : vector<16xi32> to vector<16xi32>
      %swap3A_599 = arith.constant 56 : index
      %swap3A_600 = tpu.vector_load %arg9[%swap3A_599] {strides = array<i32>} : memref<72xi32, #tpu.memory_space<vmem>>, vector<16xi32>,
      %swap3A_601 = vector.shape_cast %swap3A_600 : vector<16xi32> to vector<16xi32>
      %swap3A_602 = vector.shape_cast %get3A_598 : vector<16xi32> to vector<16xi32>
      tpu.vector_store %arg9[%swap3A_599], %swap3A_602 {strides = array<i32>} : memref<72xi32, #tpu.memory_space<vmem>>, vector<16xi32>,
      %add3A_603 = arith.constant 2 : i32
      %add3A_604 = arith.addi %add3A_534, %add3A_603 : i32
      %mul3A_605 = arith.constant 72 : i32
      %mul3A_606 = arith.muli %add3A_604, %mul3A_605 : i32
      %dma_start3A_607 = tpu.memref_slice %arg7[%mul3A_606] : memref<10000xi32, #tpu.memory_space<vmem>> -> memref<72xi32, #tpu.memory_space<vmem>>
      %dma_start3A_608 = arith.constant 0 : i32
      %dma_start3A_609 = arith.constant 0 : i32
      %dma_start3A_610 = tpu.memref_slice %arg2[%dma_start3A_608, %dma_start3A_609] : memref<10240x128xf32, #tpu.memory_space<hbm>> -> memref<10240x128xf32, #tpu.memory_space<hbm>>
      tpu.enqueue_indirect_dma source(%dma_start3A_610 : memref<10240x128xf32, #tpu.memory_space<hbm>>) target(%arg13 : memref<72x128xf32, #tpu.memory_space<vmem>>) offsets(%dma_start3A_607 : memref<72xi32, #tpu.memory_space<vmem>>) semaphore(%arg17 : memref<!tpu.dma_semaphore, #tpu.memory_space<semaphore_mem>>)
    }
    %scan3A_184 = arith.constant 44 : i32
    %dma_wait3A_185 = arith.constant 0 : i32
    %dma_wait3A_186 = tpu.memref_slice %arg7[%dma_wait3A_185] : memref<10000xi32, #tpu.memory_space<vmem>> -> memref<72xi32, #tpu.memory_space<vmem>>
    %dma_wait3A_187 = arith.constant 0 : i32
    %dma_wait3A_188 = arith.constant 0 : i32
    %dma_wait3A_189 = tpu.memref_slice %arg2[%dma_wait3A_187, %dma_wait3A_188] : memref<10240x128xf32, #tpu.memory_space<hbm>> -> memref<10240x128xf32, #tpu.memory_space<hbm>>
    tpu.wait_indirect_dma semaphore(%arg19 : memref<!tpu.dma_semaphore, #tpu.memory_space<semaphore_mem>>) src(%dma_wait3A_189 : memref<10240x128xf32, #tpu.memory_space<hbm>>) dst(%arg15 : memref<72x128xf32, #tpu.memory_space<vmem>>)
    %dma_start3A_190 = arith.constant 0 : i32
    %dma_start3A_191 = arith.constant 0 : i32
    %dma_start3A_192 = tpu.memref_slice %arg16[%dma_start3A_190, %dma_start3A_191] : memref<10240x128xf32, #tpu.memory_space<vmem_shared>> -> memref<10240x128xf32, #tpu.memory_space<vmem_shared>>
    tpu.enqueue_indirect_dma source(%arg15 : memref<72x128xf32, #tpu.memory_space<vmem>>) target(%dma_start3A_192 : memref<10240x128xf32, #tpu.memory_space<vmem_shared>>) offsets(%arg11 : memref<72xi32, #tpu.memory_space<vmem>>) semaphore(%arg22 : memref<!tpu.dma_semaphore, #tpu.memory_space<semaphore_mem>>) {add = true}
    %dma_wait3A_193 = arith.constant 0 : i32
    %dma_wait3A_194 = arith.constant 0 : i32
    %dma_wait3A_195 = tpu.memref_slice %arg16[%dma_wait3A_193, %dma_wait3A_194] : memref<10240x128xf32, #tpu.memory_space<vmem_shared>> -> memref<10240x128xf32, #tpu.memory_space<vmem_shared>>
    tpu.wait_indirect_dma semaphore(%arg21 : memref<!tpu.dma_semaphore, #tpu.memory_space<semaphore_mem>>) src(%arg14 : memref<72x128xf32, #tpu.memory_space<vmem>>) dst(%dma_wait3A_195 : memref<10240x128xf32, #tpu.memory_space<vmem_shared>>)
    %get3A_196 = arith.constant 9792 : index
    %get3A_197 = tpu.vector_load %arg8[%get3A_196] {strides = array<i32>} : memref<10000xi32, #tpu.memory_space<vmem>>, vector<16xi32>,
    %get3A_198 = vector.shape_cast %get3A_197 : vector<16xi32> to vector<16xi32>
    %swap3A_199 = arith.constant 0 : index
    %swap3A_200 = tpu.vector_load %arg10[%swap3A_199] {strides = array<i32>} : memref<72xi32, #tpu.memory_space<vmem>>, vector<16xi32>,
    %swap3A_201 = vector.shape_cast %swap3A_200 : vector<16xi32> to vector<16xi32>
    %swap3A_202 = vector.shape_cast %get3A_198 : vector<16xi32> to vector<16xi32>
    tpu.vector_store %arg10[%swap3A_199], %swap3A_202 {strides = array<i32>} : memref<72xi32, #tpu.memory_space<vmem>>, vector<16xi32>,
    %get3A_203 = arith.constant 9808 : index
    %get3A_204 = tpu.vector_load %arg8[%get3A_203] {strides = array<i32>} : memref<10000xi32, #tpu.memory_space<vmem>>, vector<16xi32>,
    %get3A_205 = vector.shape_cast %get3A_204 : vector<16xi32> to vector<16xi32>
    %swap3A_206 = arith.constant 16 : index
    %swap3A_207 = tpu.vector_load %arg10[%swap3A_206] {strides = array<i32>} : memref<72xi32, #tpu.memory_space<vmem>>, vector<16xi32>,
    %swap3A_208 = vector.shape_cast %swap3A_207 : vector<16xi32> to vector<16xi32>
    %swap3A_209 = vector.shape_cast %get3A_205 : vector<16xi32> to vector<16xi32>
    tpu.vector_store %arg10[%swap3A_206], %swap3A_209 {strides = array<i32>} : memref<72xi32, #tpu.memory_space<vmem>>, vector<16xi32>,
    %get3A_210 = arith.constant 9824 : index
    %get3A_211 = tpu.vector_load %arg8[%get3A_210] {strides = array<i32>} : memref<10000xi32, #tpu.memory_space<vmem>>, vector<16xi32>,
    %get3A_212 = vector.shape_cast %get3A_211 : vector<16xi32> to vector<16xi32>
    %swap3A_213 = arith.constant 32 : index
    %swap3A_214 = tpu.vector_load %arg10[%swap3A_213] {strides = array<i32>} : memref<72xi32, #tpu.memory_space<vmem>>, vector<16xi32>,
    %swap3A_215 = vector.shape_cast %swap3A_214 : vector<16xi32> to vector<16xi32>
    %swap3A_216 = vector.shape_cast %get3A_212 : vector<16xi32> to vector<16xi32>
    tpu.vector_store %arg10[%swap3A_213], %swap3A_216 {strides = array<i32>} : memref<72xi32, #tpu.memory_space<vmem>>, vector<16xi32>,
    %get3A_217 = arith.constant 9840 : index
    %get3A_218 = tpu.vector_load %arg8[%get3A_217] {strides = array<i32>} : memref<10000xi32, #tpu.memory_space<vmem>>, vector<16xi32>,
    %get3A_219 = vector.shape_cast %get3A_218 : vector<16xi32> to vector<16xi32>
    %swap3A_220 = arith.constant 48 : index
    %swap3A_221 = tpu.vector_load %arg10[%swap3A_220] {strides = array<i32>} : memref<72xi32, #tpu.memory_space<vmem>>, vector<16xi32>,
    %swap3A_222 = vector.shape_cast %swap3A_221 : vector<16xi32> to vector<16xi32>
    %swap3A_223 = vector.shape_cast %get3A_219 : vector<16xi32> to vector<16xi32>
    tpu.vector_store %arg10[%swap3A_220], %swap3A_223 {strides = array<i32>} : memref<72xi32, #tpu.memory_space<vmem>>, vector<16xi32>,
    %get3A_224 = arith.constant 9848 : index
    %get3A_225 = tpu.vector_load %arg8[%get3A_224] {strides = array<i32>} : memref<10000xi32, #tpu.memory_space<vmem>>, vector<16xi32>,
    %get3A_226 = vector.shape_cast %get3A_225 : vector<16xi32> to vector<16xi32>
    %swap3A_227 = arith.constant 56 : index
    %swap3A_228 = tpu.vector_load %arg10[%swap3A_227] {strides = array<i32>} : memref<72xi32, #tpu.memory_space<vmem>>, vector<16xi32>,
    %swap3A_229 = vector.shape_cast %swap3A_228 : vector<16xi32> to vector<16xi32>
    %swap3A_230 = vector.shape_cast %get3A_226 : vector<16xi32> to vector<16xi32>
    tpu.vector_store %arg10[%swap3A_227], %swap3A_230 {strides = array<i32>} : memref<72xi32, #tpu.memory_space<vmem>>, vector<16xi32>,
    %dma_start3A_231 = arith.constant 9792 : i32
    %dma_start3A_232 = tpu.memref_slice %arg7[%dma_start3A_231] : memref<10000xi32, #tpu.memory_space<vmem>> -> memref<72xi32, #tpu.memory_space<vmem>>
    %dma_start3A_233 = arith.constant 0 : i32
    %dma_start3A_234 = arith.constant 0 : i32
    %dma_start3A_235 = tpu.memref_slice %arg2[%dma_start3A_233, %dma_start3A_234] : memref<10240x128xf32, #tpu.memory_space<hbm>> -> memref<10240x128xf32, #tpu.memory_space<hbm>>
    tpu.enqueue_indirect_dma source(%dma_start3A_235 : memref<10240x128xf32, #tpu.memory_space<hbm>>) target(%arg14 : memref<72x128xf32, #tpu.memory_space<vmem>>) offsets(%dma_start3A_232 : memref<72xi32, #tpu.memory_space<vmem>>) semaphore(%arg18 : memref<!tpu.dma_semaphore, #tpu.memory_space<semaphore_mem>>)
    %dma_wait3A_236 = arith.constant 0 : i32
    %dma_wait3A_237 = tpu.memref_slice %arg7[%dma_wait3A_236] : memref<10000xi32, #tpu.memory_space<vmem>> -> memref<72xi32, #tpu.memory_space<vmem>>
    %dma_wait3A_238 = arith.constant 0 : i32
    %dma_wait3A_239 = arith.constant 0 : i32
    %dma_wait3A_240 = tpu.memref_slice %arg2[%dma_wait3A_238, %dma_wait3A_239] : memref<10240x128xf32, #tpu.memory_space<hbm>> -> memref<10240x128xf32, #tpu.memory_space<hbm>>
    tpu.wait_indirect_dma semaphore(%arg17 : memref<!tpu.dma_semaphore, #tpu.memory_space<semaphore_mem>>) src(%dma_wait3A_240 : memref<10240x128xf32, #tpu.memory_space<hbm>>) dst(%arg13 : memref<72x128xf32, #tpu.memory_space<vmem>>)
    %dma_start3A_241 = arith.constant 0 : i32
    %dma_start3A_242 = arith.constant 0 : i32
    %dma_start3A_243 = tpu.memref_slice %arg16[%dma_start3A_241, %dma_start3A_242] : memref<10240x128xf32, #tpu.memory_space<vmem_shared>> -> memref<10240x128xf32, #tpu.memory_space<vmem_shared>>
    tpu.enqueue_indirect_dma source(%arg13 : memref<72x128xf32, #tpu.memory_space<vmem>>) target(%dma_start3A_243 : memref<10240x128xf32, #tpu.memory_space<vmem_shared>>) offsets(%arg9 : memref<72xi32, #tpu.memory_space<vmem>>) semaphore(%arg20 : memref<!tpu.dma_semaphore, #tpu.memory_space<semaphore_mem>>) {add = true}
    %dma_wait3A_244 = arith.constant 0 : i32
    %dma_wait3A_245 = arith.constant 0 : i32
    %dma_wait3A_246 = tpu.memref_slice %arg16[%dma_wait3A_244, %dma_wait3A_245] : memref<10240x128xf32, #tpu.memory_space<vmem_shared>> -> memref<10240x128xf32, #tpu.memory_space<vmem_shared>>
    tpu.wait_indirect_dma semaphore(%arg22 : memref<!tpu.dma_semaphore, #tpu.memory_space<semaphore_mem>>) src(%arg15 : memref<72x128xf32, #tpu.memory_space<vmem>>) dst(%dma_wait3A_246 : memref<10240x128xf32, #tpu.memory_space<vmem_shared>>)
    %get3A_247 = arith.constant 9864 : index
    %get3A_248 = tpu.vector_load %arg8[%get3A_247] {strides = array<i32>} : memref<10000xi32, #tpu.memory_space<vmem>>, vector<16xi32>,
    %get3A_249 = vector.shape_cast %get3A_248 : vector<16xi32> to vector<16xi32>
    %swap3A_250 = arith.constant 0 : index
    %swap3A_251 = tpu.vector_load %arg11[%swap3A_250] {strides = array<i32>} : memref<72xi32, #tpu.memory_space<vmem>>, vector<16xi32>,
    %swap3A_252 = vector.shape_cast %swap3A_251 : vector<16xi32> to vector<16xi32>
    %swap3A_253 = vector.shape_cast %get3A_249 : vector<16xi32> to vector<16xi32>
    tpu.vector_store %arg11[%swap3A_250], %swap3A_253 {strides = array<i32>} : memref<72xi32, #tpu.memory_space<vmem>>, vector<16xi32>,
    %get3A_254 = arith.constant 9880 : index
    %get3A_255 = tpu.vector_load %arg8[%get3A_254] {strides = array<i32>} : memref<10000xi32, #tpu.memory_space<vmem>>, vector<16xi32>,
    %get3A_256 = vector.shape_cast %get3A_255 : vector<16xi32> to vector<16xi32>
    %swap3A_257 = arith.constant 16 : index
    %swap3A_258 = tpu.vector_load %arg11[%swap3A_257] {strides = array<i32>} : memref<72xi32, #tpu.memory_space<vmem>>, vector<16xi32>,
    %swap3A_259 = vector.shape_cast %swap3A_258 : vector<16xi32> to vector<16xi32>
    %swap3A_260 = vector.shape_cast %get3A_256 : vector<16xi32> to vector<16xi32>
    tpu.vector_store %arg11[%swap3A_257], %swap3A_260 {strides = array<i32>} : memref<72xi32, #tpu.memory_space<vmem>>, vector<16xi32>,
    %get3A_261 = arith.constant 9896 : index
    %get3A_262 = tpu.vector_load %arg8[%get3A_261] {strides = array<i32>} : memref<10000xi32, #tpu.memory_space<vmem>>, vector<16xi32>,
    %get3A_263 = vector.shape_cast %get3A_262 : vector<16xi32> to vector<16xi32>
    %swap3A_264 = arith.constant 32 : index
    %swap3A_265 = tpu.vector_load %arg11[%swap3A_264] {strides = array<i32>} : memref<72xi32, #tpu.memory_space<vmem>>, vector<16xi32>,
    %swap3A_266 = vector.shape_cast %swap3A_265 : vector<16xi32> to vector<16xi32>
    %swap3A_267 = vector.shape_cast %get3A_263 : vector<16xi32> to vector<16xi32>
    tpu.vector_store %arg11[%swap3A_264], %swap3A_267 {strides = array<i32>} : memref<72xi32, #tpu.memory_space<vmem>>, vector<16xi32>,
    %get3A_268 = arith.constant 9912 : index
    %get3A_269 = tpu.vector_load %arg8[%get3A_268] {strides = array<i32>} : memref<10000xi32, #tpu.memory_space<vmem>>, vector<16xi32>,
    %get3A_270 = vector.shape_cast %get3A_269 : vector<16xi32> to vector<16xi32>
    %swap3A_271 = arith.constant 48 : index
    %swap3A_272 = tpu.vector_load %arg11[%swap3A_271] {strides = array<i32>} : memref<72xi32, #tpu.memory_space<vmem>>, vector<16xi32>,
    %swap3A_273 = vector.shape_cast %swap3A_272 : vector<16xi32> to vector<16xi32>
    %swap3A_274 = vector.shape_cast %get3A_270 : vector<16xi32> to vector<16xi32>
    tpu.vector_store %arg11[%swap3A_271], %swap3A_274 {strides = array<i32>} : memref<72xi32, #tpu.memory_space<vmem>>, vector<16xi32>,
    %get3A_275 = arith.constant 9920 : index
    %get3A_276 = tpu.vector_load %arg8[%get3A_275] {strides = array<i32>} : memref<10000xi32, #tpu.memory_space<vmem>>, vector<16xi32>,
    %get3A_277 = vector.shape_cast %get3A_276 : vector<16xi32> to vector<16xi32>
    %swap3A_278 = arith.constant 56 : index
    %swap3A_279 = tpu.vector_load %arg11[%swap3A_278] {strides = array<i32>} : memref<72xi32, #tpu.memory_space<vmem>>, vector<16xi32>,
    %swap3A_280 = vector.shape_cast %swap3A_279 : vector<16xi32> to vector<16xi32>
    %swap3A_281 = vector.shape_cast %get3A_277 : vector<16xi32> to vector<16xi32>
    tpu.vector_store %arg11[%swap3A_278], %swap3A_281 {strides = array<i32>} : memref<72xi32, #tpu.memory_space<vmem>>, vector<16xi32>,
    %dma_start3A_282 = arith.constant 9864 : i32
    %dma_start3A_283 = tpu.memref_slice %arg7[%dma_start3A_282] : memref<10000xi32, #tpu.memory_space<vmem>> -> memref<72xi32, #tpu.memory_space<vmem>>
    %dma_start3A_284 = arith.constant 0 : i32
    %dma_start3A_285 = arith.constant 0 : i32
    %dma_start3A_286 = tpu.memref_slice %arg2[%dma_start3A_284, %dma_start3A_285] : memref<10240x128xf32, #tpu.memory_space<hbm>> -> memref<10240x128xf32, #tpu.memory_space<hbm>>
    tpu.enqueue_indirect_dma source(%dma_start3A_286 : memref<10240x128xf32, #tpu.memory_space<hbm>>) target(%arg15 : memref<72x128xf32, #tpu.memory_space<vmem>>) offsets(%dma_start3A_283 : memref<72xi32, #tpu.memory_space<vmem>>) semaphore(%arg19 : memref<!tpu.dma_semaphore, #tpu.memory_space<semaphore_mem>>)
    %dma_wait3A_287 = arith.constant 0 : i32
    %dma_wait3A_288 = tpu.memref_slice %arg7[%dma_wait3A_287] : memref<10000xi32, #tpu.memory_space<vmem>> -> memref<72xi32, #tpu.memory_space<vmem>>
    %dma_wait3A_289 = arith.constant 0 : i32
    %dma_wait3A_290 = arith.constant 0 : i32
    %dma_wait3A_291 = tpu.memref_slice %arg2[%dma_wait3A_289, %dma_wait3A_290] : memref<10240x128xf32, #tpu.memory_space<hbm>> -> memref<10240x128xf32, #tpu.memory_space<hbm>>
    tpu.wait_indirect_dma semaphore(%arg18 : memref<!tpu.dma_semaphore, #tpu.memory_space<semaphore_mem>>) src(%dma_wait3A_291 : memref<10240x128xf32, #tpu.memory_space<hbm>>) dst(%arg14 : memref<72x128xf32, #tpu.memory_space<vmem>>)
    %dma_start3A_292 = arith.constant 0 : i32
    %dma_start3A_293 = arith.constant 0 : i32
    %dma_start3A_294 = tpu.memref_slice %arg16[%dma_start3A_292, %dma_start3A_293] : memref<10240x128xf32, #tpu.memory_space<vmem_shared>> -> memref<10240x128xf32, #tpu.memory_space<vmem_shared>>
    tpu.enqueue_indirect_dma source(%arg14 : memref<72x128xf32, #tpu.memory_space<vmem>>) target(%dma_start3A_294 : memref<10240x128xf32, #tpu.memory_space<vmem_shared>>) offsets(%arg10 : memref<72xi32, #tpu.memory_space<vmem>>) semaphore(%arg21 : memref<!tpu.dma_semaphore, #tpu.memory_space<semaphore_mem>>) {add = true}
    %dma_wait3A_295 = arith.constant 0 : i32
    %dma_wait3A_296 = arith.constant 0 : i32
    %dma_wait3A_297 = tpu.memref_slice %arg16[%dma_wait3A_295, %dma_wait3A_296] : memref<10240x128xf32, #tpu.memory_space<vmem_shared>> -> memref<10240x128xf32, #tpu.memory_space<vmem_shared>>
    tpu.wait_indirect_dma semaphore(%arg20 : memref<!tpu.dma_semaphore, #tpu.memory_space<semaphore_mem>>) src(%arg13 : memref<72x128xf32, #tpu.memory_space<vmem>>) dst(%dma_wait3A_297 : memref<10240x128xf32, #tpu.memory_space<vmem_shared>>)
    %dma_wait3A_298 = arith.constant 0 : i32
    %dma_wait3A_299 = tpu.memref_slice %arg7[%dma_wait3A_298] : memref<10000xi32, #tpu.memory_space<vmem>> -> memref<72xi32, #tpu.memory_space<vmem>>
    %dma_wait3A_300 = arith.constant 0 : i32
    %dma_wait3A_301 = arith.constant 0 : i32
    %dma_wait3A_302 = tpu.memref_slice %arg2[%dma_wait3A_300, %dma_wait3A_301] : memref<10240x128xf32, #tpu.memory_space<hbm>> -> memref<10240x128xf32, #tpu.memory_space<hbm>>
    tpu.wait_indirect_dma semaphore(%arg19 : memref<!tpu.dma_semaphore, #tpu.memory_space<semaphore_mem>>) src(%dma_wait3A_302 : memref<10240x128xf32, #tpu.memory_space<hbm>>) dst(%arg15 : memref<72x128xf32, #tpu.memory_space<vmem>>)
    %dma_start3A_303 = arith.constant 0 : i32
    %dma_start3A_304 = arith.constant 0 : i32
    %dma_start3A_305 = tpu.memref_slice %arg16[%dma_start3A_303, %dma_start3A_304] : memref<10240x128xf32, #tpu.memory_space<vmem_shared>> -> memref<10240x128xf32, #tpu.memory_space<vmem_shared>>
    tpu.enqueue_indirect_dma source(%arg15 : memref<72x128xf32, #tpu.memory_space<vmem>>) target(%dma_start3A_305 : memref<10240x128xf32, #tpu.memory_space<vmem_shared>>) offsets(%arg11 : memref<72xi32, #tpu.memory_space<vmem>>) semaphore(%arg22 : memref<!tpu.dma_semaphore, #tpu.memory_space<semaphore_mem>>) {add = true}
    %dma_wait3A_306 = arith.constant 0 : i32
    %dma_wait3A_307 = arith.constant 0 : i32
    %dma_wait3A_308 = tpu.memref_slice %arg16[%dma_wait3A_306, %dma_wait3A_307] : memref<10240x128xf32, #tpu.memory_space<vmem_shared>> -> memref<10240x128xf32, #tpu.memory_space<vmem_shared>>
    tpu.wait_indirect_dma semaphore(%arg21 : memref<!tpu.dma_semaphore, #tpu.memory_space<semaphore_mem>>) src(%arg14 : memref<72x128xf32, #tpu.memory_space<vmem>>) dst(%dma_wait3A_308 : memref<10240x128xf32, #tpu.memory_space<vmem_shared>>)
    %dma_wait3A_309 = arith.constant 0 : i32
    %dma_wait3A_310 = arith.constant 0 : i32
    %dma_wait3A_311 = tpu.memref_slice %arg16[%dma_wait3A_309, %dma_wait3A_310] : memref<10240x128xf32, #tpu.memory_space<vmem_shared>> -> memref<10240x128xf32, #tpu.memory_space<vmem_shared>>
    tpu.wait_indirect_dma semaphore(%arg22 : memref<!tpu.dma_semaphore, #tpu.memory_space<semaphore_mem>>) src(%arg15 : memref<72x128xf32, #tpu.memory_space<vmem>>) dst(%dma_wait3A_311 : memref<10240x128xf32, #tpu.memory_space<vmem_shared>>)
    %get3A_312 = arith.constant 9936 : index
    %get3A_313 = tpu.vector_load %arg8[%get3A_312] {strides = array<i32>} : memref<10000xi32, #tpu.memory_space<vmem>>, vector<16xi32>,
    %get3A_314 = vector.shape_cast %get3A_313 : vector<16xi32> to vector<16xi32>
    %swap3A_315 = arith.constant 0 : index
    %swap3A_316 = tpu.vector_load %arg12[%swap3A_315] {strides = array<i32>} : memref<64xi32, #tpu.memory_space<vmem>>, vector<16xi32>,
    %swap3A_317 = vector.shape_cast %swap3A_316 : vector<16xi32> to vector<16xi32>
    %swap3A_318 = vector.shape_cast %get3A_314 : vector<16xi32> to vector<16xi32>
    tpu.vector_store %arg12[%swap3A_315], %swap3A_318 {strides = array<i32>} : memref<64xi32, #tpu.memory_space<vmem>>, vector<16xi32>,
    %get3A_319 = arith.constant 9952 : index
    %get3A_320 = tpu.vector_load %arg8[%get3A_319] {strides = array<i32>} : memref<10000xi32, #tpu.memory_space<vmem>>, vector<16xi32>,
    %get3A_321 = vector.shape_cast %get3A_320 : vector<16xi32> to vector<16xi32>
    %swap3A_322 = arith.constant 16 : index
    %swap3A_323 = tpu.vector_load %arg12[%swap3A_322] {strides = array<i32>} : memref<64xi32, #tpu.memory_space<vmem>>, vector<16xi32>,
    %swap3A_324 = vector.shape_cast %swap3A_323 : vector<16xi32> to vector<16xi32>
    %swap3A_325 = vector.shape_cast %get3A_321 : vector<16xi32> to vector<16xi32>
    tpu.vector_store %arg12[%swap3A_322], %swap3A_325 {strides = array<i32>} : memref<64xi32, #tpu.memory_space<vmem>>, vector<16xi32>,
    %get3A_326 = arith.constant 9968 : index
    %get3A_327 = tpu.vector_load %arg8[%get3A_326] {strides = array<i32>} : memref<10000xi32, #tpu.memory_space<vmem>>, vector<16xi32>,
    %get3A_328 = vector.shape_cast %get3A_327 : vector<16xi32> to vector<16xi32>
    %swap3A_329 = arith.constant 32 : index
    %swap3A_330 = tpu.vector_load %arg12[%swap3A_329] {strides = array<i32>} : memref<64xi32, #tpu.memory_space<vmem>>, vector<16xi32>,
    %swap3A_331 = vector.shape_cast %swap3A_330 : vector<16xi32> to vector<16xi32>
    %swap3A_332 = vector.shape_cast %get3A_328 : vector<16xi32> to vector<16xi32>
    tpu.vector_store %arg12[%swap3A_329], %swap3A_332 {strides = array<i32>} : memref<64xi32, #tpu.memory_space<vmem>>, vector<16xi32>,
    %get3A_333 = arith.constant 9984 : index
    %get3A_334 = tpu.vector_load %arg8[%get3A_333] {strides = array<i32>} : memref<10000xi32, #tpu.memory_space<vmem>>, vector<16xi32>,
    %get3A_335 = vector.shape_cast %get3A_334 : vector<16xi32> to vector<16xi32>
    %swap3A_336 = arith.constant 48 : index
    %swap3A_337 = tpu.vector_load %arg12[%swap3A_336] {strides = array<i32>} : memref<64xi32, #tpu.memory_space<vmem>>, vector<16xi32>,
    %swap3A_338 = vector.shape_cast %swap3A_337 : vector<16xi32> to vector<16xi32>
    %swap3A_339 = vector.shape_cast %get3A_335 : vector<16xi32> to vector<16xi32>
    tpu.vector_store %arg12[%swap3A_336], %swap3A_339 {strides = array<i32>} : memref<64xi32, #tpu.memory_space<vmem>>, vector<16xi32>,
    %dma_start3A_340 = arith.constant 0 : i32
    %dma_start3A_341 = arith.constant 0 : i32
    %dma_start3A_342 = tpu.memref_slice %arg13[%dma_start3A_340, %dma_start3A_341] : memref<72x128xf32, #tpu.memory_space<vmem>> -> memref<64x128xf32, #tpu.memory_space<vmem>>
    %dma_start3A_343 = arith.constant 9936 : i32
    %dma_start3A_344 = tpu.memref_slice %arg7[%dma_start3A_343] : memref<10000xi32, #tpu.memory_space<vmem>> -> memref<64xi32, #tpu.memory_space<vmem>>
    %dma_start3A_345 = arith.constant 0 : i32
    %dma_start3A_346 = arith.constant 0 : i32
    %dma_start3A_347 = tpu.memref_slice %arg2[%dma_start3A_345, %dma_start3A_346] : memref<10240x128xf32, #tpu.memory_space<hbm>> -> memref<10240x128xf32, #tpu.memory_space<hbm>>
    tpu.enqueue_indirect_dma source(%dma_start3A_347 : memref<10240x128xf32, #tpu.memory_space<hbm>>) target(%dma_start3A_342 : memref<64x128xf32, #tpu.memory_space<vmem>>) offsets(%dma_start3A_344 : memref<64xi32, #tpu.memory_space<vmem>>) semaphore(%arg17 : memref<!tpu.dma_semaphore, #tpu.memory_space<semaphore_mem>>)
    %dma_wait3A_348 = arith.constant 0 : i32
    %dma_wait3A_349 = arith.constant 0 : i32
    %dma_wait3A_350 = tpu.memref_slice %arg13[%dma_wait3A_348, %dma_wait3A_349] : memref<72x128xf32, #tpu.memory_space<vmem>> -> memref<64x128xf32, #tpu.memory_space<vmem>>
    %dma_wait3A_351 = arith.constant 0 : i32
    %dma_wait3A_352 = tpu.memref_slice %arg7[%dma_wait3A_351] : memref<10000xi32, #tpu.memory_space<vmem>> -> memref<64xi32, #tpu.memory_space<vmem>>
    %dma_wait3A_353 = arith.constant 0 : i32
    %dma_wait3A_354 = arith.constant 0 : i32
    %dma_wait3A_355 = tpu.memref_slice %arg2[%dma_wait3A_353, %dma_wait3A_354] : memref<10240x128xf32, #tpu.memory_space<hbm>> -> memref<10240x128xf32, #tpu.memory_space<hbm>>
    tpu.wait_indirect_dma semaphore(%arg17 : memref<!tpu.dma_semaphore, #tpu.memory_space<semaphore_mem>>) src(%dma_wait3A_355 : memref<10240x128xf32, #tpu.memory_space<hbm>>) dst(%dma_wait3A_350 : memref<64x128xf32, #tpu.memory_space<vmem>>)
    %dma_start3A_356 = arith.constant 0 : i32
    %dma_start3A_357 = arith.constant 0 : i32
    %dma_start3A_358 = tpu.memref_slice %arg13[%dma_start3A_356, %dma_start3A_357] : memref<72x128xf32, #tpu.memory_space<vmem>> -> memref<64x128xf32, #tpu.memory_space<vmem>>
    %dma_start3A_359 = arith.constant 0 : i32
    %dma_start3A_360 = arith.constant 0 : i32
    %dma_start3A_361 = tpu.memref_slice %arg16[%dma_start3A_359, %dma_start3A_360] : memref<10240x128xf32, #tpu.memory_space<vmem_shared>> -> memref<10240x128xf32, #tpu.memory_space<vmem_shared>>
    tpu.enqueue_indirect_dma source(%dma_start3A_358 : memref<64x128xf32, #tpu.memory_space<vmem>>) target(%dma_start3A_361 : memref<10240x128xf32, #tpu.memory_space<vmem_shared>>) offsets(%arg12 : memref<64xi32, #tpu.memory_space<vmem>>) semaphore(%arg20 : memref<!tpu.dma_semaphore, #tpu.memory_space<semaphore_mem>>) {add = true}
    %dma_wait3A_362 = arith.constant 0 : i32
    %dma_wait3A_363 = arith.constant 0 : i32
    %dma_wait3A_364 = tpu.memref_slice %arg13[%dma_wait3A_362, %dma_wait3A_363] : memref<72x128xf32, #tpu.memory_space<vmem>> -> memref<64x128xf32, #tpu.memory_space<vmem>>
    %dma_wait3A_365 = arith.constant 0 : i32
    %dma_wait3A_366 = arith.constant 0 : i32
    %dma_wait3A_367 = tpu.memref_slice %arg16[%dma_wait3A_365, %dma_wait3A_366] : memref<10240x128xf32, #tpu.memory_space<vmem_shared>> -> memref<10240x128xf32, #tpu.memory_space<vmem_shared>>
    tpu.wait_indirect_dma semaphore(%arg20 : memref<!tpu.dma_semaphore, #tpu.memory_space<semaphore_mem>>) src(%dma_wait3A_364 : memref<64x128xf32, #tpu.memory_space<vmem>>) dst(%dma_wait3A_367 : memref<10240x128xf32, #tpu.memory_space<vmem_shared>>)
    %barrier3A_368 = arith.constant 0 : index
    tpu.barrier barrier_id(%barrier3A_368)
    %mul3A_369 = arith.constant 10240 : i32
    %mul3A_370 = arith.muli %arg0, %mul3A_369 : i32
    %add3A_371 = arith.addi %mul3A_370, %mul3A_0 : i32
    "tpu.region"() ({
      %run_scoped3A = tpu.sem_alloc : memref<!tpu.dma_semaphore, #tpu.memory_space<semaphore_mem>>
      %dma_start3A_372 = arith.constant 0 : i32
      %dma_start3A_373 = tpu.memref_slice %arg6[%add3A_371, %dma_start3A_372] : memref<20480x128xf32, #tpu.memory_space<hbm>> -> memref<640x128xf32, #tpu.memory_space<hbm>>
      %dma_start3A_374 = arith.constant 0 : i32
      %dma_start3A_375 = tpu.memref_slice %arg16[%mul3A_0, %dma_start3A_374] : memref<10240x128xf32, #tpu.memory_space<vmem_shared>> -> memref<640x128xf32, #tpu.memory_space<vmem_shared>>
      tpu.enqueue_dma source(%dma_start3A_375 : memref<640x128xf32, #tpu.memory_space<vmem_shared>>) target(%dma_start3A_373 : memref<640x128xf32, #tpu.memory_space<hbm>>) target_semaphore(%run_scoped3A : memref<!tpu.dma_semaphore, #tpu.memory_space<semaphore_mem>>)
      %dma_wait3A_376 = arith.constant 0 : i32
      %dma_wait3A_377 = tpu.memref_slice %arg6[%add3A_371, %dma_wait3A_376] : memref<20480x128xf32, #tpu.memory_space<hbm>> -> memref<640x128xf32, #tpu.memory_space<hbm>>
      %dma_wait3A_378 = arith.constant 0 : i32
      %dma_wait3A_379 = tpu.memref_slice %arg16[%mul3A_0, %dma_wait3A_378] : memref<10240x128xf32, #tpu.memory_space<vmem_shared>> -> memref<640x128xf32, #tpu.memory_space<vmem_shared>>
      tpu.wait_dma2 semaphore(%run_scoped3A : memref<!tpu.dma_semaphore, #tpu.memory_space<semaphore_mem>>) src(%dma_wait3A_379 : memref<640x128xf32, #tpu.memory_space<vmem_shared>>) dst(%dma_wait3A_377 : memref<640x128xf32, #tpu.memory_space<hbm>>)
      tpu.yield
    }) : () -> ()
    return
  }
}

#map = affine_map<(d0, d1) -> (0, 0)>
#map1 = affine_map<(d0, d1) -> (0)>
module attributes {stable_mosaic.version = 14 : i64} {
  func.func @_agg_plain(%arg0: i32, %arg1: i32, %arg2: memref<10000x128xf32, #tpu.memory_space<hbm>>, %arg3: memref<320000xi32, #tpu.memory_space<hbm>>, %arg4: memref<320000xi32, #tpu.memory_space<hbm>>, %arg5: memref<10240x128xf32, #tpu.memory_space<hbm>>, %arg6: memref<20480x128xf32, #tpu.memory_space<hbm>>, %arg7: memref<10000xi32, #tpu.memory_space<vmem>>, %arg8: memref<10000xi32, #tpu.memory_space<vmem>>, %arg9: memref<72xi32, #tpu.memory_space<vmem>>, %arg10: memref<72xi32, #tpu.memory_space<vmem>>, %arg11: memref<72xi32, #tpu.memory_space<vmem>>, %arg12: memref<64xi32, #tpu.memory_space<vmem>>, %arg13: memref<72x128xf32, #tpu.memory_space<vmem>>, %arg14: memref<72x128xf32, #tpu.memory_space<vmem>>, %arg15: memref<72x128xf32, #tpu.memory_space<vmem>>, %arg16: memref<10240x128xf32, #tpu.memory_space<vmem_shared>>, %arg17: memref<!tpu.dma_semaphore, #tpu.memory_space<semaphore_mem>>, %arg18: memref<!tpu.dma_semaphore, #tpu.memory_space<semaphore_mem>>, %arg19: memref<!tpu.dma_semaphore, #tpu.memory_space<semaphore_mem>>, %arg20: memref<!tpu.dma_semaphore, #tpu.memory_space<semaphore_mem>>, %arg21: memref<!tpu.dma_semaphore, #tpu.memory_space<semaphore_mem>>, %arg22: memref<!tpu.dma_semaphore, #tpu.memory_space<semaphore_mem>>) attributes {dimension_semantics = [#tpu.dimension_semantics<core_parallel>, #tpu.dimension_semantics<subcore_parallel>], iteration_bounds = array<i64: 2, 16>, scalar_prefetch = 0 : i64, scratch_operands = 16 : i64, tpu.core_type = #tpu.core_type<sc_vector_subcore>, window_params = [{transform_indices = #map}, {transform_indices = #map1}, {transform_indices = #map1}, {transform_indices = #map}, {transform_indices = #map}]} {
    %mul3A = arith.constant 640 : i32
    %mul3A_0 = arith.muli %arg1, %mul3A : i32
    "tpu.region"() ({
      %run_scoped3A = tpu.sem_alloc : memref<!tpu.dma_semaphore, #tpu.memory_space<semaphore_mem>>
      %dma_start3A_372 = arith.constant 0 : i32
      %dma_start3A_373 = tpu.memref_slice %arg16[%mul3A_0, %dma_start3A_372] : memref<10240x128xf32, #tpu.memory_space<vmem_shared>> -> memref<640x128xf32, #tpu.memory_space<vmem_shared>>
      %dma_start3A_374 = arith.constant 0 : i32
      %dma_start3A_375 = tpu.memref_slice %arg5[%mul3A_0, %dma_start3A_374] : memref<10240x128xf32, #tpu.memory_space<hbm>> -> memref<640x128xf32, #tpu.memory_space<hbm>>
      tpu.enqueue_dma source(%dma_start3A_375 : memref<640x128xf32, #tpu.memory_space<hbm>>) target(%dma_start3A_373 : memref<640x128xf32, #tpu.memory_space<vmem_shared>>) target_semaphore(%run_scoped3A : memref<!tpu.dma_semaphore, #tpu.memory_space<semaphore_mem>>)
      %dma_wait3A_376 = arith.constant 0 : i32
      %dma_wait3A_377 = tpu.memref_slice %arg16[%mul3A_0, %dma_wait3A_376] : memref<10240x128xf32, #tpu.memory_space<vmem_shared>> -> memref<640x128xf32, #tpu.memory_space<vmem_shared>>
      %dma_wait3A_378 = arith.constant 0 : i32
      %dma_wait3A_379 = tpu.memref_slice %arg5[%mul3A_0, %dma_wait3A_378] : memref<10240x128xf32, #tpu.memory_space<hbm>> -> memref<640x128xf32, #tpu.memory_space<hbm>>
      tpu.wait_dma2 semaphore(%run_scoped3A : memref<!tpu.dma_semaphore, #tpu.memory_space<semaphore_mem>>) src(%dma_wait3A_379 : memref<640x128xf32, #tpu.memory_space<hbm>>) dst(%dma_wait3A_377 : memref<640x128xf32, #tpu.memory_space<vmem_shared>>)
      tpu.yield
    }) : () -> ()
    %mul3A_1 = arith.constant 160000 : i32
    %mul3A_2 = arith.muli %arg0, %mul3A_1 : i32
    %mul3A_3 = arith.constant 10000 : i32
    %mul3A_4 = arith.muli %arg1, %mul3A_3 : i32
    %add3A = arith.addi %mul3A_2, %mul3A_4 : i32
    "tpu.region"() ({
      %run_scoped3A = tpu.sem_alloc : memref<!tpu.dma_semaphore, #tpu.memory_space<semaphore_mem>>
      %dma_start3A_372 = tpu.memref_slice %arg3[%add3A] : memref<320000xi32, #tpu.memory_space<hbm>> -> memref<10000xi32, #tpu.memory_space<hbm>>
      %dma_start3A_373 = tpu.memref_slice %arg3[%add3A] : memref<320000xi32, #tpu.memory_space<hbm>> -> memref<10000xi32, #tpu.memory_space<hbm>>
      tpu.enqueue_dma source(%dma_start3A_373 : memref<10000xi32, #tpu.memory_space<hbm>>) target(%arg7 : memref<10000xi32, #tpu.memory_space<vmem>>) target_semaphore(%run_scoped3A : memref<!tpu.dma_semaphore, #tpu.memory_space<semaphore_mem>>)
      %dma_wait3A_374 = tpu.memref_slice %arg3[%add3A] : memref<320000xi32, #tpu.memory_space<hbm>> -> memref<10000xi32, #tpu.memory_space<hbm>>
      %dma_wait3A_375 = tpu.memref_slice %arg3[%add3A] : memref<320000xi32, #tpu.memory_space<hbm>> -> memref<10000xi32, #tpu.memory_space<hbm>>
      tpu.wait_dma2 semaphore(%run_scoped3A : memref<!tpu.dma_semaphore, #tpu.memory_space<semaphore_mem>>) src(%dma_wait3A_375 : memref<10000xi32, #tpu.memory_space<hbm>>) dst(%arg7 : memref<10000xi32, #tpu.memory_space<vmem>>)
      tpu.yield
    }) : () -> ()
    "tpu.region"() ({
      %run_scoped3A = tpu.sem_alloc : memref<!tpu.dma_semaphore, #tpu.memory_space<semaphore_mem>>
      %dma_start3A_372 = tpu.memref_slice %arg4[%add3A] : memref<320000xi32, #tpu.memory_space<hbm>> -> memref<10000xi32, #tpu.memory_space<hbm>>
      %dma_start3A_373 = tpu.memref_slice %arg4[%add3A] : memref<320000xi32, #tpu.memory_space<hbm>> -> memref<10000xi32, #tpu.memory_space<hbm>>
      tpu.enqueue_dma source(%dma_start3A_373 : memref<10000xi32, #tpu.memory_space<hbm>>) target(%arg8 : memref<10000xi32, #tpu.memory_space<vmem>>) target_semaphore(%run_scoped3A : memref<!tpu.dma_semaphore, #tpu.memory_space<semaphore_mem>>)
      %dma_wait3A_374 = tpu.memref_slice %arg4[%add3A] : memref<320000xi32, #tpu.memory_space<hbm>> -> memref<10000xi32, #tpu.memory_space<hbm>>
      %dma_wait3A_375 = tpu.memref_slice %arg4[%add3A] : memref<320000xi32, #tpu.memory_space<hbm>> -> memref<10000xi32, #tpu.memory_space<hbm>>
      tpu.wait_dma2 semaphore(%run_scoped3A : memref<!tpu.dma_semaphore, #tpu.memory_space<semaphore_mem>>) src(%dma_wait3A_375 : memref<10000xi32, #tpu.memory_space<hbm>>) dst(%arg8 : memref<10000xi32, #tpu.memory_space<vmem>>)
      tpu.yield
    }) : () -> ()
    %barrier3A = arith.constant 0 : index
    tpu.barrier barrier_id(%barrier3A)
    %get3A = arith.constant 0 : index
    %get3A_5 = tpu.vector_load %arg8[%get3A] {strides = array<i32>} : memref<10000xi32, #tpu.memory_space<vmem>>, vector<16xi32>,
    %get3A_6 = vector.shape_cast %get3A_5 : vector<16xi32> to vector<16xi32>
    %swap3A = arith.constant 0 : index
    %swap3A_7 = tpu.vector_load %arg9[%swap3A] {strides = array<i32>} : memref<72xi32, #tpu.memory_space<vmem>>, vector<16xi32>,
    %swap3A_8 = vector.shape_cast %swap3A_7 : vector<16xi32> to vector<16xi32>
    %swap3A_9 = vector.shape_cast %get3A_6 : vector<16xi32> to vector<16xi32>
    tpu.vector_store %arg9[%swap3A], %swap3A_9 {strides = array<i32>} : memref<72xi32, #tpu.memory_space<vmem>>, vector<16xi32>,
    %get3A_10 = arith.constant 16 : index
    %get3A_11 = tpu.vector_load %arg8[%get3A_10] {strides = array<i32>} : memref<10000xi32, #tpu.memory_space<vmem>>, vector<16xi32>,
    %get3A_12 = vector.shape_cast %get3A_11 : vector<16xi32> to vector<16xi32>
    %swap3A_13 = arith.constant 16 : index
    %swap3A_14 = tpu.vector_load %arg9[%swap3A_13] {strides = array<i32>} : memref<72xi32, #tpu.memory_space<vmem>>, vector<16xi32>,
    %swap3A_15 = vector.shape_cast %swap3A_14 : vector<16xi32> to vector<16xi32>
    %swap3A_16 = vector.shape_cast %get3A_12 : vector<16xi32> to vector<16xi32>
    tpu.vector_store %arg9[%swap3A_13], %swap3A_16 {strides = array<i32>} : memref<72xi32, #tpu.memory_space<vmem>>, vector<16xi32>,
    %get3A_17 = arith.constant 32 : index
    %get3A_18 = tpu.vector_load %arg8[%get3A_17] {strides = array<i32>} : memref<10000xi32, #tpu.memory_space<vmem>>, vector<16xi32>,
    %get3A_19 = vector.shape_cast %get3A_18 : vector<16xi32> to vector<16xi32>
    %swap3A_20 = arith.constant 32 : index
    %swap3A_21 = tpu.vector_load %arg9[%swap3A_20] {strides = array<i32>} : memref<72xi32, #tpu.memory_space<vmem>>, vector<16xi32>,
    %swap3A_22 = vector.shape_cast %swap3A_21 : vector<16xi32> to vector<16xi32>
    %swap3A_23 = vector.shape_cast %get3A_19 : vector<16xi32> to vector<16xi32>
    tpu.vector_store %arg9[%swap3A_20], %swap3A_23 {strides = array<i32>} : memref<72xi32, #tpu.memory_space<vmem>>, vector<16xi32>,
    %get3A_24 = arith.constant 48 : index
    %get3A_25 = tpu.vector_load %arg8[%get3A_24] {strides = array<i32>} : memref<10000xi32, #tpu.memory_space<vmem>>, vector<16xi32>,
    %get3A_26 = vector.shape_cast %get3A_25 : vector<16xi32> to vector<16xi32>
    %swap3A_27 = arith.constant 48 : index
    %swap3A_28 = tpu.vector_load %arg9[%swap3A_27] {strides = array<i32>} : memref<72xi32, #tpu.memory_space<vmem>>, vector<16xi32>,
    %swap3A_29 = vector.shape_cast %swap3A_28 : vector<16xi32> to vector<16xi32>
    %swap3A_30 = vector.shape_cast %get3A_26 : vector<16xi32> to vector<16xi32>
    tpu.vector_store %arg9[%swap3A_27], %swap3A_30 {strides = array<i32>} : memref<72xi32, #tpu.memory_space<vmem>>, vector<16xi32>,
    %get3A_31 = arith.constant 56 : index
    %get3A_32 = tpu.vector_load %arg8[%get3A_31] {strides = array<i32>} : memref<10000xi32, #tpu.memory_space<vmem>>, vector<16xi32>,
    %get3A_33 = vector.shape_cast %get3A_32 : vector<16xi32> to vector<16xi32>
    %swap3A_34 = arith.constant 56 : index
    %swap3A_35 = tpu.vector_load %arg9[%swap3A_34] {strides = array<i32>} : memref<72xi32, #tpu.memory_space<vmem>>, vector<16xi32>,
    %swap3A_36 = vector.shape_cast %swap3A_35 : vector<16xi32> to vector<16xi32>
    %swap3A_37 = vector.shape_cast %get3A_33 : vector<16xi32> to vector<16xi32>
    tpu.vector_store %arg9[%swap3A_34], %swap3A_37 {strides = array<i32>} : memref<72xi32, #tpu.memory_space<vmem>>, vector<16xi32>,
    %get3A_38 = arith.constant 72 : index
    %get3A_39 = tpu.vector_load %arg8[%get3A_38] {strides = array<i32>} : memref<10000xi32, #tpu.memory_space<vmem>>, vector<16xi32>,
    %get3A_40 = vector.shape_cast %get3A_39 : vector<16xi32> to vector<16xi32>
    %swap3A_41 = arith.constant 0 : index
    %swap3A_42 = tpu.vector_load %arg10[%swap3A_41] {strides = array<i32>} : memref<72xi32, #tpu.memory_space<vmem>>, vector<16xi32>,
    %swap3A_43 = vector.shape_cast %swap3A_42 : vector<16xi32> to vector<16xi32>
    %swap3A_44 = vector.shape_cast %get3A_40 : vector<16xi32> to vector<16xi32>
    tpu.vector_store %arg10[%swap3A_41], %swap3A_44 {strides = array<i32>} : memref<72xi32, #tpu.memory_space<vmem>>, vector<16xi32>,
    %get3A_45 = arith.constant 88 : index
    %get3A_46 = tpu.vector_load %arg8[%get3A_45] {strides = array<i32>} : memref<10000xi32, #tpu.memory_space<vmem>>, vector<16xi32>,
    %get3A_47 = vector.shape_cast %get3A_46 : vector<16xi32> to vector<16xi32>
    %swap3A_48 = arith.constant 16 : index
    %swap3A_49 = tpu.vector_load %arg10[%swap3A_48] {strides = array<i32>} : memref<72xi32, #tpu.memory_space<vmem>>, vector<16xi32>,
    %swap3A_50 = vector.shape_cast %swap3A_49 : vector<16xi32> to vector<16xi32>
    %swap3A_51 = vector.shape_cast %get3A_47 : vector<16xi32> to vector<16xi32>
    tpu.vector_store %arg10[%swap3A_48], %swap3A_51 {strides = array<i32>} : memref<72xi32, #tpu.memory_space<vmem>>, vector<16xi32>,
    %get3A_52 = arith.constant 104 : index
    %get3A_53 = tpu.vector_load %arg8[%get3A_52] {strides = array<i32>} : memref<10000xi32, #tpu.memory_space<vmem>>, vector<16xi32>,
    %get3A_54 = vector.shape_cast %get3A_53 : vector<16xi32> to vector<16xi32>
    %swap3A_55 = arith.constant 32 : index
    %swap3A_56 = tpu.vector_load %arg10[%swap3A_55] {strides = array<i32>} : memref<72xi32, #tpu.memory_space<vmem>>, vector<16xi32>,
    %swap3A_57 = vector.shape_cast %swap3A_56 : vector<16xi32> to vector<16xi32>
    %swap3A_58 = vector.shape_cast %get3A_54 : vector<16xi32> to vector<16xi32>
    tpu.vector_store %arg10[%swap3A_55], %swap3A_58 {strides = array<i32>} : memref<72xi32, #tpu.memory_space<vmem>>, vector<16xi32>,
    %get3A_59 = arith.constant 120 : index
    %get3A_60 = tpu.vector_load %arg8[%get3A_59] {strides = array<i32>} : memref<10000xi32, #tpu.memory_space<vmem>>, vector<16xi32>,
    %get3A_61 = vector.shape_cast %get3A_60 : vector<16xi32> to vector<16xi32>
    %swap3A_62 = arith.constant 48 : index
    %swap3A_63 = tpu.vector_load %arg10[%swap3A_62] {strides = array<i32>} : memref<72xi32, #tpu.memory_space<vmem>>, vector<16xi32>,
    %swap3A_64 = vector.shape_cast %swap3A_63 : vector<16xi32> to vector<16xi32>
    %swap3A_65 = vector.shape_cast %get3A_61 : vector<16xi32> to vector<16xi32>
    tpu.vector_store %arg10[%swap3A_62], %swap3A_65 {strides = array<i32>} : memref<72xi32, #tpu.memory_space<vmem>>, vector<16xi32>,
    %get3A_66 = arith.constant 128 : index
    %get3A_67 = tpu.vector_load %arg8[%get3A_66] {strides = array<i32>} : memref<10000xi32, #tpu.memory_space<vmem>>, vector<16xi32>,
    %get3A_68 = vector.shape_cast %get3A_67 : vector<16xi32> to vector<16xi32>
    %swap3A_69 = arith.constant 56 : index
    %swap3A_70 = tpu.vector_load %arg10[%swap3A_69] {strides = array<i32>} : memref<72xi32, #tpu.memory_space<vmem>>, vector<16xi32>,
    %swap3A_71 = vector.shape_cast %swap3A_70 : vector<16xi32> to vector<16xi32>
    %swap3A_72 = vector.shape_cast %get3A_68 : vector<16xi32> to vector<16xi32>
    tpu.vector_store %arg10[%swap3A_69], %swap3A_72 {strides = array<i32>} : memref<72xi32, #tpu.memory_space<vmem>>, vector<16xi32>,
    %dma_start3A = arith.constant 0 : i32
    %dma_start3A_73 = tpu.memref_slice %arg7[%dma_start3A] : memref<10000xi32, #tpu.memory_space<vmem>> -> memref<72xi32, #tpu.memory_space<vmem>>
    %dma_start3A_74 = arith.constant 0 : i32
    %dma_start3A_75 = arith.constant 0 : i32
    %dma_start3A_76 = tpu.memref_slice %arg2[%dma_start3A_74, %dma_start3A_75] : memref<10000x128xf32, #tpu.memory_space<hbm>> -> memref<10000x128xf32, #tpu.memory_space<hbm>>
    tpu.enqueue_indirect_dma source(%dma_start3A_76 : memref<10000x128xf32, #tpu.memory_space<hbm>>) target(%arg13 : memref<72x128xf32, #tpu.memory_space<vmem>>) offsets(%dma_start3A_73 : memref<72xi32, #tpu.memory_space<vmem>>) semaphore(%arg17 : memref<!tpu.dma_semaphore, #tpu.memory_space<semaphore_mem>>)
    %dma_start3A_77 = arith.constant 72 : i32
    %dma_start3A_78 = tpu.memref_slice %arg7[%dma_start3A_77] : memref<10000xi32, #tpu.memory_space<vmem>> -> memref<72xi32, #tpu.memory_space<vmem>>
    %dma_start3A_79 = arith.constant 0 : i32
    %dma_start3A_80 = arith.constant 0 : i32
    %dma_start3A_81 = tpu.memref_slice %arg2[%dma_start3A_79, %dma_start3A_80] : memref<10000x128xf32, #tpu.memory_space<hbm>> -> memref<10000x128xf32, #tpu.memory_space<hbm>>
    tpu.enqueue_indirect_dma source(%dma_start3A_81 : memref<10000x128xf32, #tpu.memory_space<hbm>>) target(%arg14 : memref<72x128xf32, #tpu.memory_space<vmem>>) offsets(%dma_start3A_78 : memref<72xi32, #tpu.memory_space<vmem>>) semaphore(%arg18 : memref<!tpu.dma_semaphore, #tpu.memory_space<semaphore_mem>>)
    %dma_wait3A = arith.constant 0 : i32
    %dma_wait3A_82 = tpu.memref_slice %arg7[%dma_wait3A] : memref<10000xi32, #tpu.memory_space<vmem>> -> memref<72xi32, #tpu.memory_space<vmem>>
    %dma_wait3A_83 = arith.constant 0 : i32
    %dma_wait3A_84 = arith.constant 0 : i32
    %dma_wait3A_85 = tpu.memref_slice %arg2[%dma_wait3A_83, %dma_wait3A_84] : memref<10000x128xf32, #tpu.memory_space<hbm>> -> memref<10000x128xf32, #tpu.memory_space<hbm>>
    tpu.wait_indirect_dma semaphore(%arg17 : memref<!tpu.dma_semaphore, #tpu.memory_space<semaphore_mem>>) src(%dma_wait3A_85 : memref<10000x128xf32, #tpu.memory_space<hbm>>) dst(%arg13 : memref<72x128xf32, #tpu.memory_space<vmem>>)
    %dma_start3A_86 = arith.constant 0 : i32
    %dma_start3A_87 = arith.constant 0 : i32
    %dma_start3A_88 = tpu.memref_slice %arg16[%dma_start3A_86, %dma_start3A_87] : memref<10240x128xf32, #tpu.memory_space<vmem_shared>> -> memref<10240x128xf32, #tpu.memory_space<vmem_shared>>
    tpu.enqueue_indirect_dma source(%arg13 : memref<72x128xf32, #tpu.memory_space<vmem>>) target(%dma_start3A_88 : memref<10240x128xf32, #tpu.memory_space<vmem_shared>>) offsets(%arg9 : memref<72xi32, #tpu.memory_space<vmem>>) semaphore(%arg20 : memref<!tpu.dma_semaphore, #tpu.memory_space<semaphore_mem>>) {add = true}
    %get3A_89 = arith.constant 144 : index
    %get3A_90 = tpu.vector_load %arg8[%get3A_89] {strides = array<i32>} : memref<10000xi32, #tpu.memory_space<vmem>>, vector<16xi32>,
    %get3A_91 = vector.shape_cast %get3A_90 : vector<16xi32> to vector<16xi32>
    %swap3A_92 = arith.constant 0 : index
    %swap3A_93 = tpu.vector_load %arg11[%swap3A_92] {strides = array<i32>} : memref<72xi32, #tpu.memory_space<vmem>>, vector<16xi32>,
    %swap3A_94 = vector.shape_cast %swap3A_93 : vector<16xi32> to vector<16xi32>
    %swap3A_95 = vector.shape_cast %get3A_91 : vector<16xi32> to vector<16xi32>
    tpu.vector_store %arg11[%swap3A_92], %swap3A_95 {strides = array<i32>} : memref<72xi32, #tpu.memory_space<vmem>>, vector<16xi32>,
    %get3A_96 = arith.constant 160 : index
    %get3A_97 = tpu.vector_load %arg8[%get3A_96] {strides = array<i32>} : memref<10000xi32, #tpu.memory_space<vmem>>, vector<16xi32>,
    %get3A_98 = vector.shape_cast %get3A_97 : vector<16xi32> to vector<16xi32>
    %swap3A_99 = arith.constant 16 : index
    %swap3A_100 = tpu.vector_load %arg11[%swap3A_99] {strides = array<i32>} : memref<72xi32, #tpu.memory_space<vmem>>, vector<16xi32>,
    %swap3A_101 = vector.shape_cast %swap3A_100 : vector<16xi32> to vector<16xi32>
    %swap3A_102 = vector.shape_cast %get3A_98 : vector<16xi32> to vector<16xi32>
    tpu.vector_store %arg11[%swap3A_99], %swap3A_102 {strides = array<i32>} : memref<72xi32, #tpu.memory_space<vmem>>, vector<16xi32>,
    %get3A_103 = arith.constant 176 : index
    %get3A_104 = tpu.vector_load %arg8[%get3A_103] {strides = array<i32>} : memref<10000xi32, #tpu.memory_space<vmem>>, vector<16xi32>,
    %get3A_105 = vector.shape_cast %get3A_104 : vector<16xi32> to vector<16xi32>
    %swap3A_106 = arith.constant 32 : index
    %swap3A_107 = tpu.vector_load %arg11[%swap3A_106] {strides = array<i32>} : memref<72xi32, #tpu.memory_space<vmem>>, vector<16xi32>,
    %swap3A_108 = vector.shape_cast %swap3A_107 : vector<16xi32> to vector<16xi32>
    %swap3A_109 = vector.shape_cast %get3A_105 : vector<16xi32> to vector<16xi32>
    tpu.vector_store %arg11[%swap3A_106], %swap3A_109 {strides = array<i32>} : memref<72xi32, #tpu.memory_space<vmem>>, vector<16xi32>,
    %get3A_110 = arith.constant 192 : index
    %get3A_111 = tpu.vector_load %arg8[%get3A_110] {strides = array<i32>} : memref<10000xi32, #tpu.memory_space<vmem>>, vector<16xi32>,
    %get3A_112 = vector.shape_cast %get3A_111 : vector<16xi32> to vector<16xi32>
    %swap3A_113 = arith.constant 48 : index
    %swap3A_114 = tpu.vector_load %arg11[%swap3A_113] {strides = array<i32>} : memref<72xi32, #tpu.memory_space<vmem>>, vector<16xi32>,
    %swap3A_115 = vector.shape_cast %swap3A_114 : vector<16xi32> to vector<16xi32>
    %swap3A_116 = vector.shape_cast %get3A_112 : vector<16xi32> to vector<16xi32>
    tpu.vector_store %arg11[%swap3A_113], %swap3A_116 {strides = array<i32>} : memref<72xi32, #tpu.memory_space<vmem>>, vector<16xi32>,
    %get3A_117 = arith.constant 200 : index
    %get3A_118 = tpu.vector_load %arg8[%get3A_117] {strides = array<i32>} : memref<10000xi32, #tpu.memory_space<vmem>>, vector<16xi32>,
    %get3A_119 = vector.shape_cast %get3A_118 : vector<16xi32> to vector<16xi32>
    %swap3A_120 = arith.constant 56 : index
    %swap3A_121 = tpu.vector_load %arg11[%swap3A_120] {strides = array<i32>} : memref<72xi32, #tpu.memory_space<vmem>>, vector<16xi32>,
    %swap3A_122 = vector.shape_cast %swap3A_121 : vector<16xi32> to vector<16xi32>
    %swap3A_123 = vector.shape_cast %get3A_119 : vector<16xi32> to vector<16xi32>
    tpu.vector_store %arg11[%swap3A_120], %swap3A_123 {strides = array<i32>} : memref<72xi32, #tpu.memory_space<vmem>>, vector<16xi32>,
    %dma_start3A_124 = arith.constant 144 : i32
    %dma_start3A_125 = tpu.memref_slice %arg7[%dma_start3A_124] : memref<10000xi32, #tpu.memory_space<vmem>> -> memref<72xi32, #tpu.memory_space<vmem>>
    %dma_start3A_126 = arith.constant 0 : i32
    %dma_start3A_127 = arith.constant 0 : i32
    %dma_start3A_128 = tpu.memref_slice %arg2[%dma_start3A_126, %dma_start3A_127] : memref<10000x128xf32, #tpu.memory_space<hbm>> -> memref<10000x128xf32, #tpu.memory_space<hbm>>
    tpu.enqueue_indirect_dma source(%dma_start3A_128 : memref<10000x128xf32, #tpu.memory_space<hbm>>) target(%arg15 : memref<72x128xf32, #tpu.memory_space<vmem>>) offsets(%dma_start3A_125 : memref<72xi32, #tpu.memory_space<vmem>>) semaphore(%arg19 : memref<!tpu.dma_semaphore, #tpu.memory_space<semaphore_mem>>)
    %dma_wait3A_129 = arith.constant 0 : i32
    %dma_wait3A_130 = tpu.memref_slice %arg7[%dma_wait3A_129] : memref<10000xi32, #tpu.memory_space<vmem>> -> memref<72xi32, #tpu.memory_space<vmem>>
    %dma_wait3A_131 = arith.constant 0 : i32
    %dma_wait3A_132 = arith.constant 0 : i32
    %dma_wait3A_133 = tpu.memref_slice %arg2[%dma_wait3A_131, %dma_wait3A_132] : memref<10000x128xf32, #tpu.memory_space<hbm>> -> memref<10000x128xf32, #tpu.memory_space<hbm>>
    tpu.wait_indirect_dma semaphore(%arg18 : memref<!tpu.dma_semaphore, #tpu.memory_space<semaphore_mem>>) src(%dma_wait3A_133 : memref<10000x128xf32, #tpu.memory_space<hbm>>) dst(%arg14 : memref<72x128xf32, #tpu.memory_space<vmem>>)
    %dma_start3A_134 = arith.constant 0 : i32
    %dma_start3A_135 = arith.constant 0 : i32
    %dma_start3A_136 = tpu.memref_slice %arg16[%dma_start3A_134, %dma_start3A_135] : memref<10240x128xf32, #tpu.memory_space<vmem_shared>> -> memref<10240x128xf32, #tpu.memory_space<vmem_shared>>
    tpu.enqueue_indirect_dma source(%arg14 : memref<72x128xf32, #tpu.memory_space<vmem>>) target(%dma_start3A_136 : memref<10240x128xf32, #tpu.memory_space<vmem_shared>>) offsets(%arg10 : memref<72xi32, #tpu.memory_space<vmem>>) semaphore(%arg21 : memref<!tpu.dma_semaphore, #tpu.memory_space<semaphore_mem>>) {add = true}
    %dma_wait3A_137 = arith.constant 0 : i32
    %dma_wait3A_138 = arith.constant 0 : i32
    %dma_wait3A_139 = tpu.memref_slice %arg16[%dma_wait3A_137, %dma_wait3A_138] : memref<10240x128xf32, #tpu.memory_space<vmem_shared>> -> memref<10240x128xf32, #tpu.memory_space<vmem_shared>>
    tpu.wait_indirect_dma semaphore(%arg20 : memref<!tpu.dma_semaphore, #tpu.memory_space<semaphore_mem>>) src(%arg13 : memref<72x128xf32, #tpu.memory_space<vmem>>) dst(%dma_wait3A_139 : memref<10240x128xf32, #tpu.memory_space<vmem_shared>>)
    %get3A_140 = arith.constant 216 : index
    %get3A_141 = tpu.vector_load %arg8[%get3A_140] {strides = array<i32>} : memref<10000xi32, #tpu.memory_space<vmem>>, vector<16xi32>,
    %get3A_142 = vector.shape_cast %get3A_141 : vector<16xi32> to vector<16xi32>
    %swap3A_143 = arith.constant 0 : index
    %swap3A_144 = tpu.vector_load %arg9[%swap3A_143] {strides = array<i32>} : memref<72xi32, #tpu.memory_space<vmem>>, vector<16xi32>,
    %swap3A_145 = vector.shape_cast %swap3A_144 : vector<16xi32> to vector<16xi32>
    %swap3A_146 = vector.shape_cast %get3A_142 : vector<16xi32> to vector<16xi32>
    tpu.vector_store %arg9[%swap3A_143], %swap3A_146 {strides = array<i32>} : memref<72xi32, #tpu.memory_space<vmem>>, vector<16xi32>,
    %get3A_147 = arith.constant 232 : index
    %get3A_148 = tpu.vector_load %arg8[%get3A_147] {strides = array<i32>} : memref<10000xi32, #tpu.memory_space<vmem>>, vector<16xi32>,
    %get3A_149 = vector.shape_cast %get3A_148 : vector<16xi32> to vector<16xi32>
    %swap3A_150 = arith.constant 16 : index
    %swap3A_151 = tpu.vector_load %arg9[%swap3A_150] {strides = array<i32>} : memref<72xi32, #tpu.memory_space<vmem>>, vector<16xi32>,
    %swap3A_152 = vector.shape_cast %swap3A_151 : vector<16xi32> to vector<16xi32>
    %swap3A_153 = vector.shape_cast %get3A_149 : vector<16xi32> to vector<16xi32>
    tpu.vector_store %arg9[%swap3A_150], %swap3A_153 {strides = array<i32>} : memref<72xi32, #tpu.memory_space<vmem>>, vector<16xi32>,
    %get3A_154 = arith.constant 248 : index
    %get3A_155 = tpu.vector_load %arg8[%get3A_154] {strides = array<i32>} : memref<10000xi32, #tpu.memory_space<vmem>>, vector<16xi32>,
    %get3A_156 = vector.shape_cast %get3A_155 : vector<16xi32> to vector<16xi32>
    %swap3A_157 = arith.constant 32 : index
    %swap3A_158 = tpu.vector_load %arg9[%swap3A_157] {strides = array<i32>} : memref<72xi32, #tpu.memory_space<vmem>>, vector<16xi32>,
    %swap3A_159 = vector.shape_cast %swap3A_158 : vector<16xi32> to vector<16xi32>
    %swap3A_160 = vector.shape_cast %get3A_156 : vector<16xi32> to vector<16xi32>
    tpu.vector_store %arg9[%swap3A_157], %swap3A_160 {strides = array<i32>} : memref<72xi32, #tpu.memory_space<vmem>>, vector<16xi32>,
    %get3A_161 = arith.constant 264 : index
    %get3A_162 = tpu.vector_load %arg8[%get3A_161] {strides = array<i32>} : memref<10000xi32, #tpu.memory_space<vmem>>, vector<16xi32>,
    %get3A_163 = vector.shape_cast %get3A_162 : vector<16xi32> to vector<16xi32>
    %swap3A_164 = arith.constant 48 : index
    %swap3A_165 = tpu.vector_load %arg9[%swap3A_164] {strides = array<i32>} : memref<72xi32, #tpu.memory_space<vmem>>, vector<16xi32>,
    %swap3A_166 = vector.shape_cast %swap3A_165 : vector<16xi32> to vector<16xi32>
    %swap3A_167 = vector.shape_cast %get3A_163 : vector<16xi32> to vector<16xi32>
    tpu.vector_store %arg9[%swap3A_164], %swap3A_167 {strides = array<i32>} : memref<72xi32, #tpu.memory_space<vmem>>, vector<16xi32>,
    %get3A_168 = arith.constant 272 : index
    %get3A_169 = tpu.vector_load %arg8[%get3A_168] {strides = array<i32>} : memref<10000xi32, #tpu.memory_space<vmem>>, vector<16xi32>,
    %get3A_170 = vector.shape_cast %get3A_169 : vector<16xi32> to vector<16xi32>
    %swap3A_171 = arith.constant 56 : index
    %swap3A_172 = tpu.vector_load %arg9[%swap3A_171] {strides = array<i32>} : memref<72xi32, #tpu.memory_space<vmem>>, vector<16xi32>,
    %swap3A_173 = vector.shape_cast %swap3A_172 : vector<16xi32> to vector<16xi32>
    %swap3A_174 = vector.shape_cast %get3A_170 : vector<16xi32> to vector<16xi32>
    tpu.vector_store %arg9[%swap3A_171], %swap3A_174 {strides = array<i32>} : memref<72xi32, #tpu.memory_space<vmem>>, vector<16xi32>,
    %dma_start3A_175 = arith.constant 216 : i32
    %dma_start3A_176 = tpu.memref_slice %arg7[%dma_start3A_175] : memref<10000xi32, #tpu.memory_space<vmem>> -> memref<72xi32, #tpu.memory_space<vmem>>
    %dma_start3A_177 = arith.constant 0 : i32
    %dma_start3A_178 = arith.constant 0 : i32
    %dma_start3A_179 = tpu.memref_slice %arg2[%dma_start3A_177, %dma_start3A_178] : memref<10000x128xf32, #tpu.memory_space<hbm>> -> memref<10000x128xf32, #tpu.memory_space<hbm>>
    tpu.enqueue_indirect_dma source(%dma_start3A_179 : memref<10000x128xf32, #tpu.memory_space<hbm>>) target(%arg13 : memref<72x128xf32, #tpu.memory_space<vmem>>) offsets(%dma_start3A_176 : memref<72xi32, #tpu.memory_space<vmem>>) semaphore(%arg17 : memref<!tpu.dma_semaphore, #tpu.memory_space<semaphore_mem>>)
    %scan3A = arith.constant 0 : i32
    %scan3A_180 = arith.constant 0 : i32
    %scan3A_181 = arith.constant 44 : i32
    %scan3A_182 = arith.addi %scan3A_180, %scan3A_181 : i32
    %scan3A_183 = arith.constant 1 : i32
    scf.for %scan3A_372 = %scan3A_180 to %scan3A_182 step %scan3A_183  : i32 {
      %mul3A_373 = arith.constant 3 : i32
      %mul3A_374 = arith.muli %mul3A_373, %scan3A_372 : i32
      %add3A_375 = arith.constant 2 : i32
      %add3A_376 = arith.addi %mul3A_374, %add3A_375 : i32
      %add3A_377 = arith.constant 0 : i32
      %add3A_378 = arith.addi %add3A_376, %add3A_377 : i32
      %dma_wait3A_379 = arith.constant 0 : i32
      %dma_wait3A_380 = tpu.memref_slice %arg7[%dma_wait3A_379] : memref<10000xi32, #tpu.memory_space<vmem>> -> memref<72xi32, #tpu.memory_space<vmem>>
      %dma_wait3A_381 = arith.constant 0 : i32
      %dma_wait3A_382 = arith.constant 0 : i32
      %dma_wait3A_383 = tpu.memref_slice %arg2[%dma_wait3A_381, %dma_wait3A_382] : memref<10000x128xf32, #tpu.memory_space<hbm>> -> memref<10000x128xf32, #tpu.memory_space<hbm>>
      tpu.wait_indirect_dma semaphore(%arg19 : memref<!tpu.dma_semaphore, #tpu.memory_space<semaphore_mem>>) src(%dma_wait3A_383 : memref<10000x128xf32, #tpu.memory_space<hbm>>) dst(%arg15 : memref<72x128xf32, #tpu.memory_space<vmem>>)
      %dma_start3A_384 = arith.constant 0 : i32
      %dma_start3A_385 = arith.constant 0 : i32
      %dma_start3A_386 = tpu.memref_slice %arg16[%dma_start3A_384, %dma_start3A_385] : memref<10240x128xf32, #tpu.memory_space<vmem_shared>> -> memref<10240x128xf32, #tpu.memory_space<vmem_shared>>
      tpu.enqueue_indirect_dma source(%arg15 : memref<72x128xf32, #tpu.memory_space<vmem>>) target(%dma_start3A_386 : memref<10240x128xf32, #tpu.memory_space<vmem_shared>>) offsets(%arg11 : memref<72xi32, #tpu.memory_space<vmem>>) semaphore(%arg22 : memref<!tpu.dma_semaphore, #tpu.memory_space<semaphore_mem>>) {add = true}
      %dma_wait3A_387 = arith.constant 0 : i32
      %dma_wait3A_388 = arith.constant 0 : i32
      %dma_wait3A_389 = tpu.memref_slice %arg16[%dma_wait3A_387, %dma_wait3A_388] : memref<10240x128xf32, #tpu.memory_space<vmem_shared>> -> memref<10240x128xf32, #tpu.memory_space<vmem_shared>>
      tpu.wait_indirect_dma semaphore(%arg21 : memref<!tpu.dma_semaphore, #tpu.memory_space<semaphore_mem>>) src(%arg14 : memref<72x128xf32, #tpu.memory_space<vmem>>) dst(%dma_wait3A_389 : memref<10240x128xf32, #tpu.memory_space<vmem_shared>>)
      %add3A_390 = arith.constant 2 : i32
      %add3A_391 = arith.addi %add3A_378, %add3A_390 : i32
      %mul3A_392 = arith.constant 72 : i32
      %mul3A_393 = arith.muli %add3A_391, %mul3A_392 : i32
      %add3A_394 = arith.constant 0 : i32
      %add3A_395 = arith.addi %mul3A_393, %add3A_394 : i32
      %get3A_396 = arith.index_cast %add3A_395 : i32 to index
      %get3A_397 = tpu.vector_load %arg8[%get3A_396] {strides = array<i32>} : memref<10000xi32, #tpu.memory_space<vmem>>, vector<16xi32>,
      %get3A_398 = vector.shape_cast %get3A_397 : vector<16xi32> to vector<16xi32>
      %swap3A_399 = arith.constant 0 : index
      %swap3A_400 = tpu.vector_load %arg10[%swap3A_399] {strides = array<i32>} : memref<72xi32, #tpu.memory_space<vmem>>, vector<16xi32>,
      %swap3A_401 = vector.shape_cast %swap3A_400 : vector<16xi32> to vector<16xi32>
      %swap3A_402 = vector.shape_cast %get3A_398 : vector<16xi32> to vector<16xi32>
      tpu.vector_store %arg10[%swap3A_399], %swap3A_402 {strides = array<i32>} : memref<72xi32, #tpu.memory_space<vmem>>, vector<16xi32>,
      %mul3A_403 = arith.constant 72 : i32
      %mul3A_404 = arith.muli %add3A_391, %mul3A_403 : i32
      %add3A_405 = arith.constant 16 : i32
      %add3A_406 = arith.addi %mul3A_404, %add3A_405 : i32
      %get3A_407 = arith.index_cast %add3A_406 : i32 to index
      %get3A_408 = tpu.vector_load %arg8[%get3A_407] {strides = array<i32>} : memref<10000xi32, #tpu.memory_space<vmem>>, vector<16xi32>,
      %get3A_409 = vector.shape_cast %get3A_408 : vector<16xi32> to vector<16xi32>
      %swap3A_410 = arith.constant 16 : index
      %swap3A_411 = tpu.vector_load %arg10[%swap3A_410] {strides = array<i32>} : memref<72xi32, #tpu.memory_space<vmem>>, vector<16xi32>,
      %swap3A_412 = vector.shape_cast %swap3A_411 : vector<16xi32> to vector<16xi32>
      %swap3A_413 = vector.shape_cast %get3A_409 : vector<16xi32> to vector<16xi32>
      tpu.vector_store %arg10[%swap3A_410], %swap3A_413 {strides = array<i32>} : memref<72xi32, #tpu.memory_space<vmem>>, vector<16xi32>,
      %mul3A_414 = arith.constant 72 : i32
      %mul3A_415 = arith.muli %add3A_391, %mul3A_414 : i32
      %add3A_416 = arith.constant 32 : i32
      %add3A_417 = arith.addi %mul3A_415, %add3A_416 : i32
      %get3A_418 = arith.index_cast %add3A_417 : i32 to index
      %get3A_419 = tpu.vector_load %arg8[%get3A_418] {strides = array<i32>} : memref<10000xi32, #tpu.memory_space<vmem>>, vector<16xi32>,
      %get3A_420 = vector.shape_cast %get3A_419 : vector<16xi32> to vector<16xi32>
      %swap3A_421 = arith.constant 32 : index
      %swap3A_422 = tpu.vector_load %arg10[%swap3A_421] {strides = array<i32>} : memref<72xi32, #tpu.memory_space<vmem>>, vector<16xi32>,
      %swap3A_423 = vector.shape_cast %swap3A_422 : vector<16xi32> to vector<16xi32>
      %swap3A_424 = vector.shape_cast %get3A_420 : vector<16xi32> to vector<16xi32>
      tpu.vector_store %arg10[%swap3A_421], %swap3A_424 {strides = array<i32>} : memref<72xi32, #tpu.memory_space<vmem>>, vector<16xi32>,
      %mul3A_425 = arith.constant 72 : i32
      %mul3A_426 = arith.muli %add3A_391, %mul3A_425 : i32
      %add3A_427 = arith.constant 48 : i32
      %add3A_428 = arith.addi %mul3A_426, %add3A_427 : i32
      %get3A_429 = arith.index_cast %add3A_428 : i32 to index
      %get3A_430 = tpu.vector_load %arg8[%get3A_429] {strides = array<i32>} : memref<10000xi32, #tpu.memory_space<vmem>>, vector<16xi32>,
      %get3A_431 = vector.shape_cast %get3A_430 : vector<16xi32> to vector<16xi32>
      %swap3A_432 = arith.constant 48 : index
      %swap3A_433 = tpu.vector_load %arg10[%swap3A_432] {strides = array<i32>} : memref<72xi32, #tpu.memory_space<vmem>>, vector<16xi32>,
      %swap3A_434 = vector.shape_cast %swap3A_433 : vector<16xi32> to vector<16xi32>
      %swap3A_435 = vector.shape_cast %get3A_431 : vector<16xi32> to vector<16xi32>
      tpu.vector_store %arg10[%swap3A_432], %swap3A_435 {strides = array<i32>} : memref<72xi32, #tpu.memory_space<vmem>>, vector<16xi32>,
      %mul3A_436 = arith.constant 72 : i32
      %mul3A_437 = arith.muli %add3A_391, %mul3A_436 : i32
      %add3A_438 = arith.constant 56 : i32
      %add3A_439 = arith.addi %mul3A_437, %add3A_438 : i32
      %get3A_440 = arith.index_cast %add3A_439 : i32 to index
      %get3A_441 = tpu.vector_load %arg8[%get3A_440] {strides = array<i32>} : memref<10000xi32, #tpu.memory_space<vmem>>, vector<16xi32>,
      %get3A_442 = vector.shape_cast %get3A_441 : vector<16xi32> to vector<16xi32>
      %swap3A_443 = arith.constant 56 : index
      %swap3A_444 = tpu.vector_load %arg10[%swap3A_443] {strides = array<i32>} : memref<72xi32, #tpu.memory_space<vmem>>, vector<16xi32>,
      %swap3A_445 = vector.shape_cast %swap3A_444 : vector<16xi32> to vector<16xi32>
      %swap3A_446 = vector.shape_cast %get3A_442 : vector<16xi32> to vector<16xi32>
      tpu.vector_store %arg10[%swap3A_443], %swap3A_446 {strides = array<i32>} : memref<72xi32, #tpu.memory_space<vmem>>, vector<16xi32>,
      %add3A_447 = arith.constant 2 : i32
      %add3A_448 = arith.addi %add3A_378, %add3A_447 : i32
      %mul3A_449 = arith.constant 72 : i32
      %mul3A_450 = arith.muli %add3A_448, %mul3A_449 : i32
      %dma_start3A_451 = tpu.memref_slice %arg7[%mul3A_450] : memref<10000xi32, #tpu.memory_space<vmem>> -> memref<72xi32, #tpu.memory_space<vmem>>
      %dma_start3A_452 = arith.constant 0 : i32
      %dma_start3A_453 = arith.constant 0 : i32
      %dma_start3A_454 = tpu.memref_slice %arg2[%dma_start3A_452, %dma_start3A_453] : memref<10000x128xf32, #tpu.memory_space<hbm>> -> memref<10000x128xf32, #tpu.memory_space<hbm>>
      tpu.enqueue_indirect_dma source(%dma_start3A_454 : memref<10000x128xf32, #tpu.memory_space<hbm>>) target(%arg14 : memref<72x128xf32, #tpu.memory_space<vmem>>) offsets(%dma_start3A_451 : memref<72xi32, #tpu.memory_space<vmem>>) semaphore(%arg18 : memref<!tpu.dma_semaphore, #tpu.memory_space<semaphore_mem>>)
      %add3A_455 = arith.constant 1 : i32
      %add3A_456 = arith.addi %add3A_376, %add3A_455 : i32
      %dma_wait3A_457 = arith.constant 0 : i32
      %dma_wait3A_458 = tpu.memref_slice %arg7[%dma_wait3A_457] : memref<10000xi32, #tpu.memory_space<vmem>> -> memref<72xi32, #tpu.memory_space<vmem>>
      %dma_wait3A_459 = arith.constant 0 : i32
      %dma_wait3A_460 = arith.constant 0 : i32
      %dma_wait3A_461 = tpu.memref_slice %arg2[%dma_wait3A_459, %dma_wait3A_460] : memref<10000x128xf32, #tpu.memory_space<hbm>> -> memref<10000x128xf32, #tpu.memory_space<hbm>>
      tpu.wait_indirect_dma semaphore(%arg17 : memref<!tpu.dma_semaphore, #tpu.memory_space<semaphore_mem>>) src(%dma_wait3A_461 : memref<10000x128xf32, #tpu.memory_space<hbm>>) dst(%arg13 : memref<72x128xf32, #tpu.memory_space<vmem>>)
      %dma_start3A_462 = arith.constant 0 : i32
      %dma_start3A_463 = arith.constant 0 : i32
      %dma_start3A_464 = tpu.memref_slice %arg16[%dma_start3A_462, %dma_start3A_463] : memref<10240x128xf32, #tpu.memory_space<vmem_shared>> -> memref<10240x128xf32, #tpu.memory_space<vmem_shared>>
      tpu.enqueue_indirect_dma source(%arg13 : memref<72x128xf32, #tpu.memory_space<vmem>>) target(%dma_start3A_464 : memref<10240x128xf32, #tpu.memory_space<vmem_shared>>) offsets(%arg9 : memref<72xi32, #tpu.memory_space<vmem>>) semaphore(%arg20 : memref<!tpu.dma_semaphore, #tpu.memory_space<semaphore_mem>>) {add = true}
      %dma_wait3A_465 = arith.constant 0 : i32
      %dma_wait3A_466 = arith.constant 0 : i32
      %dma_wait3A_467 = tpu.memref_slice %arg16[%dma_wait3A_465, %dma_wait3A_466] : memref<10240x128xf32, #tpu.memory_space<vmem_shared>> -> memref<10240x128xf32, #tpu.memory_space<vmem_shared>>
      tpu.wait_indirect_dma semaphore(%arg22 : memref<!tpu.dma_semaphore, #tpu.memory_space<semaphore_mem>>) src(%arg15 : memref<72x128xf32, #tpu.memory_space<vmem>>) dst(%dma_wait3A_467 : memref<10240x128xf32, #tpu.memory_space<vmem_shared>>)
      %add3A_468 = arith.constant 2 : i32
      %add3A_469 = arith.addi %add3A_456, %add3A_468 : i32
      %mul3A_470 = arith.constant 72 : i32
      %mul3A_471 = arith.muli %add3A_469, %mul3A_470 : i32
      %add3A_472 = arith.constant 0 : i32
      %add3A_473 = arith.addi %mul3A_471, %add3A_472 : i32
      %get3A_474 = arith.index_cast %add3A_473 : i32 to index
      %get3A_475 = tpu.vector_load %arg8[%get3A_474] {strides = array<i32>} : memref<10000xi32, #tpu.memory_space<vmem>>, vector<16xi32>,
      %get3A_476 = vector.shape_cast %get3A_475 : vector<16xi32> to vector<16xi32>
      %swap3A_477 = arith.constant 0 : index
      %swap3A_478 = tpu.vector_load %arg11[%swap3A_477] {strides = array<i32>} : memref<72xi32, #tpu.memory_space<vmem>>, vector<16xi32>,
      %swap3A_479 = vector.shape_cast %swap3A_478 : vector<16xi32> to vector<16xi32>
      %swap3A_480 = vector.shape_cast %get3A_476 : vector<16xi32> to vector<16xi32>
      tpu.vector_store %arg11[%swap3A_477], %swap3A_480 {strides = array<i32>} : memref<72xi32, #tpu.memory_space<vmem>>, vector<16xi32>,
      %mul3A_481 = arith.constant 72 : i32
      %mul3A_482 = arith.muli %add3A_469, %mul3A_481 : i32
      %add3A_483 = arith.constant 16 : i32
      %add3A_484 = arith.addi %mul3A_482, %add3A_483 : i32
      %get3A_485 = arith.index_cast %add3A_484 : i32 to index
      %get3A_486 = tpu.vector_load %arg8[%get3A_485] {strides = array<i32>} : memref<10000xi32, #tpu.memory_space<vmem>>, vector<16xi32>,
      %get3A_487 = vector.shape_cast %get3A_486 : vector<16xi32> to vector<16xi32>
      %swap3A_488 = arith.constant 16 : index
      %swap3A_489 = tpu.vector_load %arg11[%swap3A_488] {strides = array<i32>} : memref<72xi32, #tpu.memory_space<vmem>>, vector<16xi32>,
      %swap3A_490 = vector.shape_cast %swap3A_489 : vector<16xi32> to vector<16xi32>
      %swap3A_491 = vector.shape_cast %get3A_487 : vector<16xi32> to vector<16xi32>
      tpu.vector_store %arg11[%swap3A_488], %swap3A_491 {strides = array<i32>} : memref<72xi32, #tpu.memory_space<vmem>>, vector<16xi32>,
      %mul3A_492 = arith.constant 72 : i32
      %mul3A_493 = arith.muli %add3A_469, %mul3A_492 : i32
      %add3A_494 = arith.constant 32 : i32
      %add3A_495 = arith.addi %mul3A_493, %add3A_494 : i32
      %get3A_496 = arith.index_cast %add3A_495 : i32 to index
      %get3A_497 = tpu.vector_load %arg8[%get3A_496] {strides = array<i32>} : memref<10000xi32, #tpu.memory_space<vmem>>, vector<16xi32>,
      %get3A_498 = vector.shape_cast %get3A_497 : vector<16xi32> to vector<16xi32>
      %swap3A_499 = arith.constant 32 : index
      %swap3A_500 = tpu.vector_load %arg11[%swap3A_499] {strides = array<i32>} : memref<72xi32, #tpu.memory_space<vmem>>, vector<16xi32>,
      %swap3A_501 = vector.shape_cast %swap3A_500 : vector<16xi32> to vector<16xi32>
      %swap3A_502 = vector.shape_cast %get3A_498 : vector<16xi32> to vector<16xi32>
      tpu.vector_store %arg11[%swap3A_499], %swap3A_502 {strides = array<i32>} : memref<72xi32, #tpu.memory_space<vmem>>, vector<16xi32>,
      %mul3A_503 = arith.constant 72 : i32
      %mul3A_504 = arith.muli %add3A_469, %mul3A_503 : i32
      %add3A_505 = arith.constant 48 : i32
      %add3A_506 = arith.addi %mul3A_504, %add3A_505 : i32
      %get3A_507 = arith.index_cast %add3A_506 : i32 to index
      %get3A_508 = tpu.vector_load %arg8[%get3A_507] {strides = array<i32>} : memref<10000xi32, #tpu.memory_space<vmem>>, vector<16xi32>,
      %get3A_509 = vector.shape_cast %get3A_508 : vector<16xi32> to vector<16xi32>
      %swap3A_510 = arith.constant 48 : index
      %swap3A_511 = tpu.vector_load %arg11[%swap3A_510] {strides = array<i32>} : memref<72xi32, #tpu.memory_space<vmem>>, vector<16xi32>,
      %swap3A_512 = vector.shape_cast %swap3A_511 : vector<16xi32> to vector<16xi32>
      %swap3A_513 = vector.shape_cast %get3A_509 : vector<16xi32> to vector<16xi32>
      tpu.vector_store %arg11[%swap3A_510], %swap3A_513 {strides = array<i32>} : memref<72xi32, #tpu.memory_space<vmem>>, vector<16xi32>,
      %mul3A_514 = arith.constant 72 : i32
      %mul3A_515 = arith.muli %add3A_469, %mul3A_514 : i32
      %add3A_516 = arith.constant 56 : i32
      %add3A_517 = arith.addi %mul3A_515, %add3A_516 : i32
      %get3A_518 = arith.index_cast %add3A_517 : i32 to index
      %get3A_519 = tpu.vector_load %arg8[%get3A_518] {strides = array<i32>} : memref<10000xi32, #tpu.memory_space<vmem>>, vector<16xi32>,
      %get3A_520 = vector.shape_cast %get3A_519 : vector<16xi32> to vector<16xi32>
      %swap3A_521 = arith.constant 56 : index
      %swap3A_522 = tpu.vector_load %arg11[%swap3A_521] {strides = array<i32>} : memref<72xi32, #tpu.memory_space<vmem>>, vector<16xi32>,
      %swap3A_523 = vector.shape_cast %swap3A_522 : vector<16xi32> to vector<16xi32>
      %swap3A_524 = vector.shape_cast %get3A_520 : vector<16xi32> to vector<16xi32>
      tpu.vector_store %arg11[%swap3A_521], %swap3A_524 {strides = array<i32>} : memref<72xi32, #tpu.memory_space<vmem>>, vector<16xi32>,
      %add3A_525 = arith.constant 2 : i32
      %add3A_526 = arith.addi %add3A_456, %add3A_525 : i32
      %mul3A_527 = arith.constant 72 : i32
      %mul3A_528 = arith.muli %add3A_526, %mul3A_527 : i32
      %dma_start3A_529 = tpu.memref_slice %arg7[%mul3A_528] : memref<10000xi32, #tpu.memory_space<vmem>> -> memref<72xi32, #tpu.memory_space<vmem>>
      %dma_start3A_530 = arith.constant 0 : i32
      %dma_start3A_531 = arith.constant 0 : i32
      %dma_start3A_532 = tpu.memref_slice %arg2[%dma_start3A_530, %dma_start3A_531] : memref<10000x128xf32, #tpu.memory_space<hbm>> -> memref<10000x128xf32, #tpu.memory_space<hbm>>
      tpu.enqueue_indirect_dma source(%dma_start3A_532 : memref<10000x128xf32, #tpu.memory_space<hbm>>) target(%arg15 : memref<72x128xf32, #tpu.memory_space<vmem>>) offsets(%dma_start3A_529 : memref<72xi32, #tpu.memory_space<vmem>>) semaphore(%arg19 : memref<!tpu.dma_semaphore, #tpu.memory_space<semaphore_mem>>)
      %add3A_533 = arith.constant 2 : i32
      %add3A_534 = arith.addi %add3A_376, %add3A_533 : i32
      %dma_wait3A_535 = arith.constant 0 : i32
      %dma_wait3A_536 = tpu.memref_slice %arg7[%dma_wait3A_535] : memref<10000xi32, #tpu.memory_space<vmem>> -> memref<72xi32, #tpu.memory_space<vmem>>
      %dma_wait3A_537 = arith.constant 0 : i32
      %dma_wait3A_538 = arith.constant 0 : i32
      %dma_wait3A_539 = tpu.memref_slice %arg2[%dma_wait3A_537, %dma_wait3A_538] : memref<10000x128xf32, #tpu.memory_space<hbm>> -> memref<10000x128xf32, #tpu.memory_space<hbm>>
      tpu.wait_indirect_dma semaphore(%arg18 : memref<!tpu.dma_semaphore, #tpu.memory_space<semaphore_mem>>) src(%dma_wait3A_539 : memref<10000x128xf32, #tpu.memory_space<hbm>>) dst(%arg14 : memref<72x128xf32, #tpu.memory_space<vmem>>)
      %dma_start3A_540 = arith.constant 0 : i32
      %dma_start3A_541 = arith.constant 0 : i32
      %dma_start3A_542 = tpu.memref_slice %arg16[%dma_start3A_540, %dma_start3A_541] : memref<10240x128xf32, #tpu.memory_space<vmem_shared>> -> memref<10240x128xf32, #tpu.memory_space<vmem_shared>>
      tpu.enqueue_indirect_dma source(%arg14 : memref<72x128xf32, #tpu.memory_space<vmem>>) target(%dma_start3A_542 : memref<10240x128xf32, #tpu.memory_space<vmem_shared>>) offsets(%arg10 : memref<72xi32, #tpu.memory_space<vmem>>) semaphore(%arg21 : memref<!tpu.dma_semaphore, #tpu.memory_space<semaphore_mem>>) {add = true}
      %dma_wait3A_543 = arith.constant 0 : i32
      %dma_wait3A_544 = arith.constant 0 : i32
      %dma_wait3A_545 = tpu.memref_slice %arg16[%dma_wait3A_543, %dma_wait3A_544] : memref<10240x128xf32, #tpu.memory_space<vmem_shared>> -> memref<10240x128xf32, #tpu.memory_space<vmem_shared>>
      tpu.wait_indirect_dma semaphore(%arg20 : memref<!tpu.dma_semaphore, #tpu.memory_space<semaphore_mem>>) src(%arg13 : memref<72x128xf32, #tpu.memory_space<vmem>>) dst(%dma_wait3A_545 : memref<10240x128xf32, #tpu.memory_space<vmem_shared>>)
      %add3A_546 = arith.constant 2 : i32
      %add3A_547 = arith.addi %add3A_534, %add3A_546 : i32
      %mul3A_548 = arith.constant 72 : i32
      %mul3A_549 = arith.muli %add3A_547, %mul3A_548 : i32
      %add3A_550 = arith.constant 0 : i32
      %add3A_551 = arith.addi %mul3A_549, %add3A_550 : i32
      %get3A_552 = arith.index_cast %add3A_551 : i32 to index
      %get3A_553 = tpu.vector_load %arg8[%get3A_552] {strides = array<i32>} : memref<10000xi32, #tpu.memory_space<vmem>>, vector<16xi32>,
      %get3A_554 = vector.shape_cast %get3A_553 : vector<16xi32> to vector<16xi32>
      %swap3A_555 = arith.constant 0 : index
      %swap3A_556 = tpu.vector_load %arg9[%swap3A_555] {strides = array<i32>} : memref<72xi32, #tpu.memory_space<vmem>>, vector<16xi32>,
      %swap3A_557 = vector.shape_cast %swap3A_556 : vector<16xi32> to vector<16xi32>
      %swap3A_558 = vector.shape_cast %get3A_554 : vector<16xi32> to vector<16xi32>
      tpu.vector_store %arg9[%swap3A_555], %swap3A_558 {strides = array<i32>} : memref<72xi32, #tpu.memory_space<vmem>>, vector<16xi32>,
      %mul3A_559 = arith.constant 72 : i32
      %mul3A_560 = arith.muli %add3A_547, %mul3A_559 : i32
      %add3A_561 = arith.constant 16 : i32
      %add3A_562 = arith.addi %mul3A_560, %add3A_561 : i32
      %get3A_563 = arith.index_cast %add3A_562 : i32 to index
      %get3A_564 = tpu.vector_load %arg8[%get3A_563] {strides = array<i32>} : memref<10000xi32, #tpu.memory_space<vmem>>, vector<16xi32>,
      %get3A_565 = vector.shape_cast %get3A_564 : vector<16xi32> to vector<16xi32>
      %swap3A_566 = arith.constant 16 : index
      %swap3A_567 = tpu.vector_load %arg9[%swap3A_566] {strides = array<i32>} : memref<72xi32, #tpu.memory_space<vmem>>, vector<16xi32>,
      %swap3A_568 = vector.shape_cast %swap3A_567 : vector<16xi32> to vector<16xi32>
      %swap3A_569 = vector.shape_cast %get3A_565 : vector<16xi32> to vector<16xi32>
      tpu.vector_store %arg9[%swap3A_566], %swap3A_569 {strides = array<i32>} : memref<72xi32, #tpu.memory_space<vmem>>, vector<16xi32>,
      %mul3A_570 = arith.constant 72 : i32
      %mul3A_571 = arith.muli %add3A_547, %mul3A_570 : i32
      %add3A_572 = arith.constant 32 : i32
      %add3A_573 = arith.addi %mul3A_571, %add3A_572 : i32
      %get3A_574 = arith.index_cast %add3A_573 : i32 to index
      %get3A_575 = tpu.vector_load %arg8[%get3A_574] {strides = array<i32>} : memref<10000xi32, #tpu.memory_space<vmem>>, vector<16xi32>,
      %get3A_576 = vector.shape_cast %get3A_575 : vector<16xi32> to vector<16xi32>
      %swap3A_577 = arith.constant 32 : index
      %swap3A_578 = tpu.vector_load %arg9[%swap3A_577] {strides = array<i32>} : memref<72xi32, #tpu.memory_space<vmem>>, vector<16xi32>,
      %swap3A_579 = vector.shape_cast %swap3A_578 : vector<16xi32> to vector<16xi32>
      %swap3A_580 = vector.shape_cast %get3A_576 : vector<16xi32> to vector<16xi32>
      tpu.vector_store %arg9[%swap3A_577], %swap3A_580 {strides = array<i32>} : memref<72xi32, #tpu.memory_space<vmem>>, vector<16xi32>,
      %mul3A_581 = arith.constant 72 : i32
      %mul3A_582 = arith.muli %add3A_547, %mul3A_581 : i32
      %add3A_583 = arith.constant 48 : i32
      %add3A_584 = arith.addi %mul3A_582, %add3A_583 : i32
      %get3A_585 = arith.index_cast %add3A_584 : i32 to index
      %get3A_586 = tpu.vector_load %arg8[%get3A_585] {strides = array<i32>} : memref<10000xi32, #tpu.memory_space<vmem>>, vector<16xi32>,
      %get3A_587 = vector.shape_cast %get3A_586 : vector<16xi32> to vector<16xi32>
      %swap3A_588 = arith.constant 48 : index
      %swap3A_589 = tpu.vector_load %arg9[%swap3A_588] {strides = array<i32>} : memref<72xi32, #tpu.memory_space<vmem>>, vector<16xi32>,
      %swap3A_590 = vector.shape_cast %swap3A_589 : vector<16xi32> to vector<16xi32>
      %swap3A_591 = vector.shape_cast %get3A_587 : vector<16xi32> to vector<16xi32>
      tpu.vector_store %arg9[%swap3A_588], %swap3A_591 {strides = array<i32>} : memref<72xi32, #tpu.memory_space<vmem>>, vector<16xi32>,
      %mul3A_592 = arith.constant 72 : i32
      %mul3A_593 = arith.muli %add3A_547, %mul3A_592 : i32
      %add3A_594 = arith.constant 56 : i32
      %add3A_595 = arith.addi %mul3A_593, %add3A_594 : i32
      %get3A_596 = arith.index_cast %add3A_595 : i32 to index
      %get3A_597 = tpu.vector_load %arg8[%get3A_596] {strides = array<i32>} : memref<10000xi32, #tpu.memory_space<vmem>>, vector<16xi32>,
      %get3A_598 = vector.shape_cast %get3A_597 : vector<16xi32> to vector<16xi32>
      %swap3A_599 = arith.constant 56 : index
      %swap3A_600 = tpu.vector_load %arg9[%swap3A_599] {strides = array<i32>} : memref<72xi32, #tpu.memory_space<vmem>>, vector<16xi32>,
      %swap3A_601 = vector.shape_cast %swap3A_600 : vector<16xi32> to vector<16xi32>
      %swap3A_602 = vector.shape_cast %get3A_598 : vector<16xi32> to vector<16xi32>
      tpu.vector_store %arg9[%swap3A_599], %swap3A_602 {strides = array<i32>} : memref<72xi32, #tpu.memory_space<vmem>>, vector<16xi32>,
      %add3A_603 = arith.constant 2 : i32
      %add3A_604 = arith.addi %add3A_534, %add3A_603 : i32
      %mul3A_605 = arith.constant 72 : i32
      %mul3A_606 = arith.muli %add3A_604, %mul3A_605 : i32
      %dma_start3A_607 = tpu.memref_slice %arg7[%mul3A_606] : memref<10000xi32, #tpu.memory_space<vmem>> -> memref<72xi32, #tpu.memory_space<vmem>>
      %dma_start3A_608 = arith.constant 0 : i32
      %dma_start3A_609 = arith.constant 0 : i32
      %dma_start3A_610 = tpu.memref_slice %arg2[%dma_start3A_608, %dma_start3A_609] : memref<10000x128xf32, #tpu.memory_space<hbm>> -> memref<10000x128xf32, #tpu.memory_space<hbm>>
      tpu.enqueue_indirect_dma source(%dma_start3A_610 : memref<10000x128xf32, #tpu.memory_space<hbm>>) target(%arg13 : memref<72x128xf32, #tpu.memory_space<vmem>>) offsets(%dma_start3A_607 : memref<72xi32, #tpu.memory_space<vmem>>) semaphore(%arg17 : memref<!tpu.dma_semaphore, #tpu.memory_space<semaphore_mem>>)
    }
    %scan3A_184 = arith.constant 44 : i32
    %dma_wait3A_185 = arith.constant 0 : i32
    %dma_wait3A_186 = tpu.memref_slice %arg7[%dma_wait3A_185] : memref<10000xi32, #tpu.memory_space<vmem>> -> memref<72xi32, #tpu.memory_space<vmem>>
    %dma_wait3A_187 = arith.constant 0 : i32
    %dma_wait3A_188 = arith.constant 0 : i32
    %dma_wait3A_189 = tpu.memref_slice %arg2[%dma_wait3A_187, %dma_wait3A_188] : memref<10000x128xf32, #tpu.memory_space<hbm>> -> memref<10000x128xf32, #tpu.memory_space<hbm>>
    tpu.wait_indirect_dma semaphore(%arg19 : memref<!tpu.dma_semaphore, #tpu.memory_space<semaphore_mem>>) src(%dma_wait3A_189 : memref<10000x128xf32, #tpu.memory_space<hbm>>) dst(%arg15 : memref<72x128xf32, #tpu.memory_space<vmem>>)
    %dma_start3A_190 = arith.constant 0 : i32
    %dma_start3A_191 = arith.constant 0 : i32
    %dma_start3A_192 = tpu.memref_slice %arg16[%dma_start3A_190, %dma_start3A_191] : memref<10240x128xf32, #tpu.memory_space<vmem_shared>> -> memref<10240x128xf32, #tpu.memory_space<vmem_shared>>
    tpu.enqueue_indirect_dma source(%arg15 : memref<72x128xf32, #tpu.memory_space<vmem>>) target(%dma_start3A_192 : memref<10240x128xf32, #tpu.memory_space<vmem_shared>>) offsets(%arg11 : memref<72xi32, #tpu.memory_space<vmem>>) semaphore(%arg22 : memref<!tpu.dma_semaphore, #tpu.memory_space<semaphore_mem>>) {add = true}
    %dma_wait3A_193 = arith.constant 0 : i32
    %dma_wait3A_194 = arith.constant 0 : i32
    %dma_wait3A_195 = tpu.memref_slice %arg16[%dma_wait3A_193, %dma_wait3A_194] : memref<10240x128xf32, #tpu.memory_space<vmem_shared>> -> memref<10240x128xf32, #tpu.memory_space<vmem_shared>>
    tpu.wait_indirect_dma semaphore(%arg21 : memref<!tpu.dma_semaphore, #tpu.memory_space<semaphore_mem>>) src(%arg14 : memref<72x128xf32, #tpu.memory_space<vmem>>) dst(%dma_wait3A_195 : memref<10240x128xf32, #tpu.memory_space<vmem_shared>>)
    %get3A_196 = arith.constant 9792 : index
    %get3A_197 = tpu.vector_load %arg8[%get3A_196] {strides = array<i32>} : memref<10000xi32, #tpu.memory_space<vmem>>, vector<16xi32>,
    %get3A_198 = vector.shape_cast %get3A_197 : vector<16xi32> to vector<16xi32>
    %swap3A_199 = arith.constant 0 : index
    %swap3A_200 = tpu.vector_load %arg10[%swap3A_199] {strides = array<i32>} : memref<72xi32, #tpu.memory_space<vmem>>, vector<16xi32>,
    %swap3A_201 = vector.shape_cast %swap3A_200 : vector<16xi32> to vector<16xi32>
    %swap3A_202 = vector.shape_cast %get3A_198 : vector<16xi32> to vector<16xi32>
    tpu.vector_store %arg10[%swap3A_199], %swap3A_202 {strides = array<i32>} : memref<72xi32, #tpu.memory_space<vmem>>, vector<16xi32>,
    %get3A_203 = arith.constant 9808 : index
    %get3A_204 = tpu.vector_load %arg8[%get3A_203] {strides = array<i32>} : memref<10000xi32, #tpu.memory_space<vmem>>, vector<16xi32>,
    %get3A_205 = vector.shape_cast %get3A_204 : vector<16xi32> to vector<16xi32>
    %swap3A_206 = arith.constant 16 : index
    %swap3A_207 = tpu.vector_load %arg10[%swap3A_206] {strides = array<i32>} : memref<72xi32, #tpu.memory_space<vmem>>, vector<16xi32>,
    %swap3A_208 = vector.shape_cast %swap3A_207 : vector<16xi32> to vector<16xi32>
    %swap3A_209 = vector.shape_cast %get3A_205 : vector<16xi32> to vector<16xi32>
    tpu.vector_store %arg10[%swap3A_206], %swap3A_209 {strides = array<i32>} : memref<72xi32, #tpu.memory_space<vmem>>, vector<16xi32>,
    %get3A_210 = arith.constant 9824 : index
    %get3A_211 = tpu.vector_load %arg8[%get3A_210] {strides = array<i32>} : memref<10000xi32, #tpu.memory_space<vmem>>, vector<16xi32>,
    %get3A_212 = vector.shape_cast %get3A_211 : vector<16xi32> to vector<16xi32>
    %swap3A_213 = arith.constant 32 : index
    %swap3A_214 = tpu.vector_load %arg10[%swap3A_213] {strides = array<i32>} : memref<72xi32, #tpu.memory_space<vmem>>, vector<16xi32>,
    %swap3A_215 = vector.shape_cast %swap3A_214 : vector<16xi32> to vector<16xi32>
    %swap3A_216 = vector.shape_cast %get3A_212 : vector<16xi32> to vector<16xi32>
    tpu.vector_store %arg10[%swap3A_213], %swap3A_216 {strides = array<i32>} : memref<72xi32, #tpu.memory_space<vmem>>, vector<16xi32>,
    %get3A_217 = arith.constant 9840 : index
    %get3A_218 = tpu.vector_load %arg8[%get3A_217] {strides = array<i32>} : memref<10000xi32, #tpu.memory_space<vmem>>, vector<16xi32>,
    %get3A_219 = vector.shape_cast %get3A_218 : vector<16xi32> to vector<16xi32>
    %swap3A_220 = arith.constant 48 : index
    %swap3A_221 = tpu.vector_load %arg10[%swap3A_220] {strides = array<i32>} : memref<72xi32, #tpu.memory_space<vmem>>, vector<16xi32>,
    %swap3A_222 = vector.shape_cast %swap3A_221 : vector<16xi32> to vector<16xi32>
    %swap3A_223 = vector.shape_cast %get3A_219 : vector<16xi32> to vector<16xi32>
    tpu.vector_store %arg10[%swap3A_220], %swap3A_223 {strides = array<i32>} : memref<72xi32, #tpu.memory_space<vmem>>, vector<16xi32>,
    %get3A_224 = arith.constant 9848 : index
    %get3A_225 = tpu.vector_load %arg8[%get3A_224] {strides = array<i32>} : memref<10000xi32, #tpu.memory_space<vmem>>, vector<16xi32>,
    %get3A_226 = vector.shape_cast %get3A_225 : vector<16xi32> to vector<16xi32>
    %swap3A_227 = arith.constant 56 : index
    %swap3A_228 = tpu.vector_load %arg10[%swap3A_227] {strides = array<i32>} : memref<72xi32, #tpu.memory_space<vmem>>, vector<16xi32>,
    %swap3A_229 = vector.shape_cast %swap3A_228 : vector<16xi32> to vector<16xi32>
    %swap3A_230 = vector.shape_cast %get3A_226 : vector<16xi32> to vector<16xi32>
    tpu.vector_store %arg10[%swap3A_227], %swap3A_230 {strides = array<i32>} : memref<72xi32, #tpu.memory_space<vmem>>, vector<16xi32>,
    %dma_start3A_231 = arith.constant 9792 : i32
    %dma_start3A_232 = tpu.memref_slice %arg7[%dma_start3A_231] : memref<10000xi32, #tpu.memory_space<vmem>> -> memref<72xi32, #tpu.memory_space<vmem>>
    %dma_start3A_233 = arith.constant 0 : i32
    %dma_start3A_234 = arith.constant 0 : i32
    %dma_start3A_235 = tpu.memref_slice %arg2[%dma_start3A_233, %dma_start3A_234] : memref<10000x128xf32, #tpu.memory_space<hbm>> -> memref<10000x128xf32, #tpu.memory_space<hbm>>
    tpu.enqueue_indirect_dma source(%dma_start3A_235 : memref<10000x128xf32, #tpu.memory_space<hbm>>) target(%arg14 : memref<72x128xf32, #tpu.memory_space<vmem>>) offsets(%dma_start3A_232 : memref<72xi32, #tpu.memory_space<vmem>>) semaphore(%arg18 : memref<!tpu.dma_semaphore, #tpu.memory_space<semaphore_mem>>)
    %dma_wait3A_236 = arith.constant 0 : i32
    %dma_wait3A_237 = tpu.memref_slice %arg7[%dma_wait3A_236] : memref<10000xi32, #tpu.memory_space<vmem>> -> memref<72xi32, #tpu.memory_space<vmem>>
    %dma_wait3A_238 = arith.constant 0 : i32
    %dma_wait3A_239 = arith.constant 0 : i32
    %dma_wait3A_240 = tpu.memref_slice %arg2[%dma_wait3A_238, %dma_wait3A_239] : memref<10000x128xf32, #tpu.memory_space<hbm>> -> memref<10000x128xf32, #tpu.memory_space<hbm>>
    tpu.wait_indirect_dma semaphore(%arg17 : memref<!tpu.dma_semaphore, #tpu.memory_space<semaphore_mem>>) src(%dma_wait3A_240 : memref<10000x128xf32, #tpu.memory_space<hbm>>) dst(%arg13 : memref<72x128xf32, #tpu.memory_space<vmem>>)
    %dma_start3A_241 = arith.constant 0 : i32
    %dma_start3A_242 = arith.constant 0 : i32
    %dma_start3A_243 = tpu.memref_slice %arg16[%dma_start3A_241, %dma_start3A_242] : memref<10240x128xf32, #tpu.memory_space<vmem_shared>> -> memref<10240x128xf32, #tpu.memory_space<vmem_shared>>
    tpu.enqueue_indirect_dma source(%arg13 : memref<72x128xf32, #tpu.memory_space<vmem>>) target(%dma_start3A_243 : memref<10240x128xf32, #tpu.memory_space<vmem_shared>>) offsets(%arg9 : memref<72xi32, #tpu.memory_space<vmem>>) semaphore(%arg20 : memref<!tpu.dma_semaphore, #tpu.memory_space<semaphore_mem>>) {add = true}
    %dma_wait3A_244 = arith.constant 0 : i32
    %dma_wait3A_245 = arith.constant 0 : i32
    %dma_wait3A_246 = tpu.memref_slice %arg16[%dma_wait3A_244, %dma_wait3A_245] : memref<10240x128xf32, #tpu.memory_space<vmem_shared>> -> memref<10240x128xf32, #tpu.memory_space<vmem_shared>>
    tpu.wait_indirect_dma semaphore(%arg22 : memref<!tpu.dma_semaphore, #tpu.memory_space<semaphore_mem>>) src(%arg15 : memref<72x128xf32, #tpu.memory_space<vmem>>) dst(%dma_wait3A_246 : memref<10240x128xf32, #tpu.memory_space<vmem_shared>>)
    %get3A_247 = arith.constant 9864 : index
    %get3A_248 = tpu.vector_load %arg8[%get3A_247] {strides = array<i32>} : memref<10000xi32, #tpu.memory_space<vmem>>, vector<16xi32>,
    %get3A_249 = vector.shape_cast %get3A_248 : vector<16xi32> to vector<16xi32>
    %swap3A_250 = arith.constant 0 : index
    %swap3A_251 = tpu.vector_load %arg11[%swap3A_250] {strides = array<i32>} : memref<72xi32, #tpu.memory_space<vmem>>, vector<16xi32>,
    %swap3A_252 = vector.shape_cast %swap3A_251 : vector<16xi32> to vector<16xi32>
    %swap3A_253 = vector.shape_cast %get3A_249 : vector<16xi32> to vector<16xi32>
    tpu.vector_store %arg11[%swap3A_250], %swap3A_253 {strides = array<i32>} : memref<72xi32, #tpu.memory_space<vmem>>, vector<16xi32>,
    %get3A_254 = arith.constant 9880 : index
    %get3A_255 = tpu.vector_load %arg8[%get3A_254] {strides = array<i32>} : memref<10000xi32, #tpu.memory_space<vmem>>, vector<16xi32>,
    %get3A_256 = vector.shape_cast %get3A_255 : vector<16xi32> to vector<16xi32>
    %swap3A_257 = arith.constant 16 : index
    %swap3A_258 = tpu.vector_load %arg11[%swap3A_257] {strides = array<i32>} : memref<72xi32, #tpu.memory_space<vmem>>, vector<16xi32>,
    %swap3A_259 = vector.shape_cast %swap3A_258 : vector<16xi32> to vector<16xi32>
    %swap3A_260 = vector.shape_cast %get3A_256 : vector<16xi32> to vector<16xi32>
    tpu.vector_store %arg11[%swap3A_257], %swap3A_260 {strides = array<i32>} : memref<72xi32, #tpu.memory_space<vmem>>, vector<16xi32>,
    %get3A_261 = arith.constant 9896 : index
    %get3A_262 = tpu.vector_load %arg8[%get3A_261] {strides = array<i32>} : memref<10000xi32, #tpu.memory_space<vmem>>, vector<16xi32>,
    %get3A_263 = vector.shape_cast %get3A_262 : vector<16xi32> to vector<16xi32>
    %swap3A_264 = arith.constant 32 : index
    %swap3A_265 = tpu.vector_load %arg11[%swap3A_264] {strides = array<i32>} : memref<72xi32, #tpu.memory_space<vmem>>, vector<16xi32>,
    %swap3A_266 = vector.shape_cast %swap3A_265 : vector<16xi32> to vector<16xi32>
    %swap3A_267 = vector.shape_cast %get3A_263 : vector<16xi32> to vector<16xi32>
    tpu.vector_store %arg11[%swap3A_264], %swap3A_267 {strides = array<i32>} : memref<72xi32, #tpu.memory_space<vmem>>, vector<16xi32>,
    %get3A_268 = arith.constant 9912 : index
    %get3A_269 = tpu.vector_load %arg8[%get3A_268] {strides = array<i32>} : memref<10000xi32, #tpu.memory_space<vmem>>, vector<16xi32>,
    %get3A_270 = vector.shape_cast %get3A_269 : vector<16xi32> to vector<16xi32>
    %swap3A_271 = arith.constant 48 : index
    %swap3A_272 = tpu.vector_load %arg11[%swap3A_271] {strides = array<i32>} : memref<72xi32, #tpu.memory_space<vmem>>, vector<16xi32>,
    %swap3A_273 = vector.shape_cast %swap3A_272 : vector<16xi32> to vector<16xi32>
    %swap3A_274 = vector.shape_cast %get3A_270 : vector<16xi32> to vector<16xi32>
    tpu.vector_store %arg11[%swap3A_271], %swap3A_274 {strides = array<i32>} : memref<72xi32, #tpu.memory_space<vmem>>, vector<16xi32>,
    %get3A_275 = arith.constant 9920 : index
    %get3A_276 = tpu.vector_load %arg8[%get3A_275] {strides = array<i32>} : memref<10000xi32, #tpu.memory_space<vmem>>, vector<16xi32>,
    %get3A_277 = vector.shape_cast %get3A_276 : vector<16xi32> to vector<16xi32>
    %swap3A_278 = arith.constant 56 : index
    %swap3A_279 = tpu.vector_load %arg11[%swap3A_278] {strides = array<i32>} : memref<72xi32, #tpu.memory_space<vmem>>, vector<16xi32>,
    %swap3A_280 = vector.shape_cast %swap3A_279 : vector<16xi32> to vector<16xi32>
    %swap3A_281 = vector.shape_cast %get3A_277 : vector<16xi32> to vector<16xi32>
    tpu.vector_store %arg11[%swap3A_278], %swap3A_281 {strides = array<i32>} : memref<72xi32, #tpu.memory_space<vmem>>, vector<16xi32>,
    %dma_start3A_282 = arith.constant 9864 : i32
    %dma_start3A_283 = tpu.memref_slice %arg7[%dma_start3A_282] : memref<10000xi32, #tpu.memory_space<vmem>> -> memref<72xi32, #tpu.memory_space<vmem>>
    %dma_start3A_284 = arith.constant 0 : i32
    %dma_start3A_285 = arith.constant 0 : i32
    %dma_start3A_286 = tpu.memref_slice %arg2[%dma_start3A_284, %dma_start3A_285] : memref<10000x128xf32, #tpu.memory_space<hbm>> -> memref<10000x128xf32, #tpu.memory_space<hbm>>
    tpu.enqueue_indirect_dma source(%dma_start3A_286 : memref<10000x128xf32, #tpu.memory_space<hbm>>) target(%arg15 : memref<72x128xf32, #tpu.memory_space<vmem>>) offsets(%dma_start3A_283 : memref<72xi32, #tpu.memory_space<vmem>>) semaphore(%arg19 : memref<!tpu.dma_semaphore, #tpu.memory_space<semaphore_mem>>)
    %dma_wait3A_287 = arith.constant 0 : i32
    %dma_wait3A_288 = tpu.memref_slice %arg7[%dma_wait3A_287] : memref<10000xi32, #tpu.memory_space<vmem>> -> memref<72xi32, #tpu.memory_space<vmem>>
    %dma_wait3A_289 = arith.constant 0 : i32
    %dma_wait3A_290 = arith.constant 0 : i32
    %dma_wait3A_291 = tpu.memref_slice %arg2[%dma_wait3A_289, %dma_wait3A_290] : memref<10000x128xf32, #tpu.memory_space<hbm>> -> memref<10000x128xf32, #tpu.memory_space<hbm>>
    tpu.wait_indirect_dma semaphore(%arg18 : memref<!tpu.dma_semaphore, #tpu.memory_space<semaphore_mem>>) src(%dma_wait3A_291 : memref<10000x128xf32, #tpu.memory_space<hbm>>) dst(%arg14 : memref<72x128xf32, #tpu.memory_space<vmem>>)
    %dma_start3A_292 = arith.constant 0 : i32
    %dma_start3A_293 = arith.constant 0 : i32
    %dma_start3A_294 = tpu.memref_slice %arg16[%dma_start3A_292, %dma_start3A_293] : memref<10240x128xf32, #tpu.memory_space<vmem_shared>> -> memref<10240x128xf32, #tpu.memory_space<vmem_shared>>
    tpu.enqueue_indirect_dma source(%arg14 : memref<72x128xf32, #tpu.memory_space<vmem>>) target(%dma_start3A_294 : memref<10240x128xf32, #tpu.memory_space<vmem_shared>>) offsets(%arg10 : memref<72xi32, #tpu.memory_space<vmem>>) semaphore(%arg21 : memref<!tpu.dma_semaphore, #tpu.memory_space<semaphore_mem>>) {add = true}
    %dma_wait3A_295 = arith.constant 0 : i32
    %dma_wait3A_296 = arith.constant 0 : i32
    %dma_wait3A_297 = tpu.memref_slice %arg16[%dma_wait3A_295, %dma_wait3A_296] : memref<10240x128xf32, #tpu.memory_space<vmem_shared>> -> memref<10240x128xf32, #tpu.memory_space<vmem_shared>>
    tpu.wait_indirect_dma semaphore(%arg20 : memref<!tpu.dma_semaphore, #tpu.memory_space<semaphore_mem>>) src(%arg13 : memref<72x128xf32, #tpu.memory_space<vmem>>) dst(%dma_wait3A_297 : memref<10240x128xf32, #tpu.memory_space<vmem_shared>>)
    %dma_wait3A_298 = arith.constant 0 : i32
    %dma_wait3A_299 = tpu.memref_slice %arg7[%dma_wait3A_298] : memref<10000xi32, #tpu.memory_space<vmem>> -> memref<72xi32, #tpu.memory_space<vmem>>
    %dma_wait3A_300 = arith.constant 0 : i32
    %dma_wait3A_301 = arith.constant 0 : i32
    %dma_wait3A_302 = tpu.memref_slice %arg2[%dma_wait3A_300, %dma_wait3A_301] : memref<10000x128xf32, #tpu.memory_space<hbm>> -> memref<10000x128xf32, #tpu.memory_space<hbm>>
    tpu.wait_indirect_dma semaphore(%arg19 : memref<!tpu.dma_semaphore, #tpu.memory_space<semaphore_mem>>) src(%dma_wait3A_302 : memref<10000x128xf32, #tpu.memory_space<hbm>>) dst(%arg15 : memref<72x128xf32, #tpu.memory_space<vmem>>)
    %dma_start3A_303 = arith.constant 0 : i32
    %dma_start3A_304 = arith.constant 0 : i32
    %dma_start3A_305 = tpu.memref_slice %arg16[%dma_start3A_303, %dma_start3A_304] : memref<10240x128xf32, #tpu.memory_space<vmem_shared>> -> memref<10240x128xf32, #tpu.memory_space<vmem_shared>>
    tpu.enqueue_indirect_dma source(%arg15 : memref<72x128xf32, #tpu.memory_space<vmem>>) target(%dma_start3A_305 : memref<10240x128xf32, #tpu.memory_space<vmem_shared>>) offsets(%arg11 : memref<72xi32, #tpu.memory_space<vmem>>) semaphore(%arg22 : memref<!tpu.dma_semaphore, #tpu.memory_space<semaphore_mem>>) {add = true}
    %dma_wait3A_306 = arith.constant 0 : i32
    %dma_wait3A_307 = arith.constant 0 : i32
    %dma_wait3A_308 = tpu.memref_slice %arg16[%dma_wait3A_306, %dma_wait3A_307] : memref<10240x128xf32, #tpu.memory_space<vmem_shared>> -> memref<10240x128xf32, #tpu.memory_space<vmem_shared>>
    tpu.wait_indirect_dma semaphore(%arg21 : memref<!tpu.dma_semaphore, #tpu.memory_space<semaphore_mem>>) src(%arg14 : memref<72x128xf32, #tpu.memory_space<vmem>>) dst(%dma_wait3A_308 : memref<10240x128xf32, #tpu.memory_space<vmem_shared>>)
    %dma_wait3A_309 = arith.constant 0 : i32
    %dma_wait3A_310 = arith.constant 0 : i32
    %dma_wait3A_311 = tpu.memref_slice %arg16[%dma_wait3A_309, %dma_wait3A_310] : memref<10240x128xf32, #tpu.memory_space<vmem_shared>> -> memref<10240x128xf32, #tpu.memory_space<vmem_shared>>
    tpu.wait_indirect_dma semaphore(%arg22 : memref<!tpu.dma_semaphore, #tpu.memory_space<semaphore_mem>>) src(%arg15 : memref<72x128xf32, #tpu.memory_space<vmem>>) dst(%dma_wait3A_311 : memref<10240x128xf32, #tpu.memory_space<vmem_shared>>)
    %get3A_312 = arith.constant 9936 : index
    %get3A_313 = tpu.vector_load %arg8[%get3A_312] {strides = array<i32>} : memref<10000xi32, #tpu.memory_space<vmem>>, vector<16xi32>,
    %get3A_314 = vector.shape_cast %get3A_313 : vector<16xi32> to vector<16xi32>
    %swap3A_315 = arith.constant 0 : index
    %swap3A_316 = tpu.vector_load %arg12[%swap3A_315] {strides = array<i32>} : memref<64xi32, #tpu.memory_space<vmem>>, vector<16xi32>,
    %swap3A_317 = vector.shape_cast %swap3A_316 : vector<16xi32> to vector<16xi32>
    %swap3A_318 = vector.shape_cast %get3A_314 : vector<16xi32> to vector<16xi32>
    tpu.vector_store %arg12[%swap3A_315], %swap3A_318 {strides = array<i32>} : memref<64xi32, #tpu.memory_space<vmem>>, vector<16xi32>,
    %get3A_319 = arith.constant 9952 : index
    %get3A_320 = tpu.vector_load %arg8[%get3A_319] {strides = array<i32>} : memref<10000xi32, #tpu.memory_space<vmem>>, vector<16xi32>,
    %get3A_321 = vector.shape_cast %get3A_320 : vector<16xi32> to vector<16xi32>
    %swap3A_322 = arith.constant 16 : index
    %swap3A_323 = tpu.vector_load %arg12[%swap3A_322] {strides = array<i32>} : memref<64xi32, #tpu.memory_space<vmem>>, vector<16xi32>,
    %swap3A_324 = vector.shape_cast %swap3A_323 : vector<16xi32> to vector<16xi32>
    %swap3A_325 = vector.shape_cast %get3A_321 : vector<16xi32> to vector<16xi32>
    tpu.vector_store %arg12[%swap3A_322], %swap3A_325 {strides = array<i32>} : memref<64xi32, #tpu.memory_space<vmem>>, vector<16xi32>,
    %get3A_326 = arith.constant 9968 : index
    %get3A_327 = tpu.vector_load %arg8[%get3A_326] {strides = array<i32>} : memref<10000xi32, #tpu.memory_space<vmem>>, vector<16xi32>,
    %get3A_328 = vector.shape_cast %get3A_327 : vector<16xi32> to vector<16xi32>
    %swap3A_329 = arith.constant 32 : index
    %swap3A_330 = tpu.vector_load %arg12[%swap3A_329] {strides = array<i32>} : memref<64xi32, #tpu.memory_space<vmem>>, vector<16xi32>,
    %swap3A_331 = vector.shape_cast %swap3A_330 : vector<16xi32> to vector<16xi32>
    %swap3A_332 = vector.shape_cast %get3A_328 : vector<16xi32> to vector<16xi32>
    tpu.vector_store %arg12[%swap3A_329], %swap3A_332 {strides = array<i32>} : memref<64xi32, #tpu.memory_space<vmem>>, vector<16xi32>,
    %get3A_333 = arith.constant 9984 : index
    %get3A_334 = tpu.vector_load %arg8[%get3A_333] {strides = array<i32>} : memref<10000xi32, #tpu.memory_space<vmem>>, vector<16xi32>,
    %get3A_335 = vector.shape_cast %get3A_334 : vector<16xi32> to vector<16xi32>
    %swap3A_336 = arith.constant 48 : index
    %swap3A_337 = tpu.vector_load %arg12[%swap3A_336] {strides = array<i32>} : memref<64xi32, #tpu.memory_space<vmem>>, vector<16xi32>,
    %swap3A_338 = vector.shape_cast %swap3A_337 : vector<16xi32> to vector<16xi32>
    %swap3A_339 = vector.shape_cast %get3A_335 : vector<16xi32> to vector<16xi32>
    tpu.vector_store %arg12[%swap3A_336], %swap3A_339 {strides = array<i32>} : memref<64xi32, #tpu.memory_space<vmem>>, vector<16xi32>,
    %dma_start3A_340 = arith.constant 0 : i32
    %dma_start3A_341 = arith.constant 0 : i32
    %dma_start3A_342 = tpu.memref_slice %arg13[%dma_start3A_340, %dma_start3A_341] : memref<72x128xf32, #tpu.memory_space<vmem>> -> memref<64x128xf32, #tpu.memory_space<vmem>>
    %dma_start3A_343 = arith.constant 9936 : i32
    %dma_start3A_344 = tpu.memref_slice %arg7[%dma_start3A_343] : memref<10000xi32, #tpu.memory_space<vmem>> -> memref<64xi32, #tpu.memory_space<vmem>>
    %dma_start3A_345 = arith.constant 0 : i32
    %dma_start3A_346 = arith.constant 0 : i32
    %dma_start3A_347 = tpu.memref_slice %arg2[%dma_start3A_345, %dma_start3A_346] : memref<10000x128xf32, #tpu.memory_space<hbm>> -> memref<10000x128xf32, #tpu.memory_space<hbm>>
    tpu.enqueue_indirect_dma source(%dma_start3A_347 : memref<10000x128xf32, #tpu.memory_space<hbm>>) target(%dma_start3A_342 : memref<64x128xf32, #tpu.memory_space<vmem>>) offsets(%dma_start3A_344 : memref<64xi32, #tpu.memory_space<vmem>>) semaphore(%arg17 : memref<!tpu.dma_semaphore, #tpu.memory_space<semaphore_mem>>)
    %dma_wait3A_348 = arith.constant 0 : i32
    %dma_wait3A_349 = arith.constant 0 : i32
    %dma_wait3A_350 = tpu.memref_slice %arg13[%dma_wait3A_348, %dma_wait3A_349] : memref<72x128xf32, #tpu.memory_space<vmem>> -> memref<64x128xf32, #tpu.memory_space<vmem>>
    %dma_wait3A_351 = arith.constant 0 : i32
    %dma_wait3A_352 = tpu.memref_slice %arg7[%dma_wait3A_351] : memref<10000xi32, #tpu.memory_space<vmem>> -> memref<64xi32, #tpu.memory_space<vmem>>
    %dma_wait3A_353 = arith.constant 0 : i32
    %dma_wait3A_354 = arith.constant 0 : i32
    %dma_wait3A_355 = tpu.memref_slice %arg2[%dma_wait3A_353, %dma_wait3A_354] : memref<10000x128xf32, #tpu.memory_space<hbm>> -> memref<10000x128xf32, #tpu.memory_space<hbm>>
    tpu.wait_indirect_dma semaphore(%arg17 : memref<!tpu.dma_semaphore, #tpu.memory_space<semaphore_mem>>) src(%dma_wait3A_355 : memref<10000x128xf32, #tpu.memory_space<hbm>>) dst(%dma_wait3A_350 : memref<64x128xf32, #tpu.memory_space<vmem>>)
    %dma_start3A_356 = arith.constant 0 : i32
    %dma_start3A_357 = arith.constant 0 : i32
    %dma_start3A_358 = tpu.memref_slice %arg13[%dma_start3A_356, %dma_start3A_357] : memref<72x128xf32, #tpu.memory_space<vmem>> -> memref<64x128xf32, #tpu.memory_space<vmem>>
    %dma_start3A_359 = arith.constant 0 : i32
    %dma_start3A_360 = arith.constant 0 : i32
    %dma_start3A_361 = tpu.memref_slice %arg16[%dma_start3A_359, %dma_start3A_360] : memref<10240x128xf32, #tpu.memory_space<vmem_shared>> -> memref<10240x128xf32, #tpu.memory_space<vmem_shared>>
    tpu.enqueue_indirect_dma source(%dma_start3A_358 : memref<64x128xf32, #tpu.memory_space<vmem>>) target(%dma_start3A_361 : memref<10240x128xf32, #tpu.memory_space<vmem_shared>>) offsets(%arg12 : memref<64xi32, #tpu.memory_space<vmem>>) semaphore(%arg20 : memref<!tpu.dma_semaphore, #tpu.memory_space<semaphore_mem>>) {add = true}
    %dma_wait3A_362 = arith.constant 0 : i32
    %dma_wait3A_363 = arith.constant 0 : i32
    %dma_wait3A_364 = tpu.memref_slice %arg13[%dma_wait3A_362, %dma_wait3A_363] : memref<72x128xf32, #tpu.memory_space<vmem>> -> memref<64x128xf32, #tpu.memory_space<vmem>>
    %dma_wait3A_365 = arith.constant 0 : i32
    %dma_wait3A_366 = arith.constant 0 : i32
    %dma_wait3A_367 = tpu.memref_slice %arg16[%dma_wait3A_365, %dma_wait3A_366] : memref<10240x128xf32, #tpu.memory_space<vmem_shared>> -> memref<10240x128xf32, #tpu.memory_space<vmem_shared>>
    tpu.wait_indirect_dma semaphore(%arg20 : memref<!tpu.dma_semaphore, #tpu.memory_space<semaphore_mem>>) src(%dma_wait3A_364 : memref<64x128xf32, #tpu.memory_space<vmem>>) dst(%dma_wait3A_367 : memref<10240x128xf32, #tpu.memory_space<vmem_shared>>)
    %barrier3A_368 = arith.constant 0 : index
    tpu.barrier barrier_id(%barrier3A_368)
    %mul3A_369 = arith.constant 10240 : i32
    %mul3A_370 = arith.muli %arg0, %mul3A_369 : i32
    %add3A_371 = arith.addi %mul3A_370, %mul3A_0 : i32
    "tpu.region"() ({
      %run_scoped3A = tpu.sem_alloc : memref<!tpu.dma_semaphore, #tpu.memory_space<semaphore_mem>>
      %dma_start3A_372 = arith.constant 0 : i32
      %dma_start3A_373 = tpu.memref_slice %arg6[%add3A_371, %dma_start3A_372] : memref<20480x128xf32, #tpu.memory_space<hbm>> -> memref<640x128xf32, #tpu.memory_space<hbm>>
      %dma_start3A_374 = arith.constant 0 : i32
      %dma_start3A_375 = tpu.memref_slice %arg16[%mul3A_0, %dma_start3A_374] : memref<10240x128xf32, #tpu.memory_space<vmem_shared>> -> memref<640x128xf32, #tpu.memory_space<vmem_shared>>
      tpu.enqueue_dma source(%dma_start3A_375 : memref<640x128xf32, #tpu.memory_space<vmem_shared>>) target(%dma_start3A_373 : memref<640x128xf32, #tpu.memory_space<hbm>>) target_semaphore(%run_scoped3A : memref<!tpu.dma_semaphore, #tpu.memory_space<semaphore_mem>>)
      %dma_wait3A_376 = arith.constant 0 : i32
      %dma_wait3A_377 = tpu.memref_slice %arg6[%add3A_371, %dma_wait3A_376] : memref<20480x128xf32, #tpu.memory_space<hbm>> -> memref<640x128xf32, #tpu.memory_space<hbm>>
      %dma_wait3A_378 = arith.constant 0 : i32
      %dma_wait3A_379 = tpu.memref_slice %arg16[%mul3A_0, %dma_wait3A_378] : memref<10240x128xf32, #tpu.memory_space<vmem_shared>> -> memref<640x128xf32, #tpu.memory_space<vmem_shared>>
      tpu.wait_dma2 semaphore(%run_scoped3A : memref<!tpu.dma_semaphore, #tpu.memory_space<semaphore_mem>>) src(%dma_wait3A_379 : memref<640x128xf32, #tpu.memory_space<vmem_shared>>) dst(%dma_wait3A_377 : memref<640x128xf32, #tpu.memory_space<hbm>>)
      tpu.yield
    }) : () -> ()
    return
  }
}

#map = affine_map<(d0, d1) -> (0)>
#map1 = affine_map<(d0, d1) -> (0, 0)>
module attributes {stable_mosaic.version = 14 : i64} {
  func.func @_emb_gather(%arg0: i32, %arg1: i32, %arg2: memref<10240xi32, #tpu.memory_space<hbm>>, %arg3: memref<100000x128xf32, #tpu.memory_space<hbm>>, %arg4: memref<10240x128xf32, #tpu.memory_space<hbm>>, %arg5: memref<80xi32, #tpu.memory_space<vmem>>, %arg6: memref<80x128xf32, #tpu.memory_space<vmem>>, %arg7: memref<!tpu.dma_semaphore, #tpu.memory_space<semaphore_mem>>) attributes {dimension_semantics = [#tpu.dimension_semantics<core_parallel>, #tpu.dimension_semantics<subcore_parallel>], iteration_bounds = array<i64: 2, 16>, scalar_prefetch = 0 : i64, scratch_operands = 3 : i64, tpu.core_type = #tpu.core_type<sc_vector_subcore>, window_params = [{transform_indices = #map}, {transform_indices = #map1}, {transform_indices = #map1}]} {
    %mul3A = arith.constant 2 : i32
    %mul3A_0 = arith.muli %arg1, %mul3A : i32
    %add3A = arith.addi %mul3A_0, %arg0 : i32
    %mul3A_1 = arith.constant 320 : i32
    %mul3A_2 = arith.muli %add3A, %mul3A_1 : i32
    %scan3A = arith.constant 0 : i32
    %scan3A_3 = arith.constant 0 : i32
    %scan3A_4 = arith.constant 4 : i32
    %scan3A_5 = arith.addi %scan3A_3, %scan3A_4 : i32
    %scan3A_6 = arith.constant 1 : i32
    scf.for %scan3A_8 = %scan3A_3 to %scan3A_5 step %scan3A_6  : i32 {
      %mul3A_9 = arith.constant 80 : i32
      %mul3A_10 = arith.muli %scan3A_8, %mul3A_9 : i32
      %add3A_11 = arith.addi %mul3A_2, %mul3A_10 : i32
      "tpu.region"() ({
        %run_scoped3A = tpu.sem_alloc : memref<!tpu.dma_semaphore, #tpu.memory_space<semaphore_mem>>
        %dma_start3A_16 = tpu.memref_slice %arg2[%add3A_11] : memref<10240xi32, #tpu.memory_space<hbm>> -> memref<80xi32, #tpu.memory_space<hbm>>
        %dma_start3A_17 = tpu.memref_slice %arg2[%add3A_11] : memref<10240xi32, #tpu.memory_space<hbm>> -> memref<80xi32, #tpu.memory_space<hbm>>
        tpu.enqueue_dma source(%dma_start3A_17 : memref<80xi32, #tpu.memory_space<hbm>>) target(%arg5 : memref<80xi32, #tpu.memory_space<vmem>>) target_semaphore(%run_scoped3A : memref<!tpu.dma_semaphore, #tpu.memory_space<semaphore_mem>>)
        %dma_wait3A_18 = tpu.memref_slice %arg2[%add3A_11] : memref<10240xi32, #tpu.memory_space<hbm>> -> memref<80xi32, #tpu.memory_space<hbm>>
        %dma_wait3A_19 = tpu.memref_slice %arg2[%add3A_11] : memref<10240xi32, #tpu.memory_space<hbm>> -> memref<80xi32, #tpu.memory_space<hbm>>
        tpu.wait_dma2 semaphore(%run_scoped3A : memref<!tpu.dma_semaphore, #tpu.memory_space<semaphore_mem>>) src(%dma_wait3A_19 : memref<80xi32, #tpu.memory_space<hbm>>) dst(%arg5 : memref<80xi32, #tpu.memory_space<vmem>>)
        tpu.yield
      }) : () -> ()
      %dma_start3A = arith.constant 0 : i32
      %dma_start3A_12 = arith.constant 0 : i32
      %dma_start3A_13 = tpu.memref_slice %arg3[%dma_start3A, %dma_start3A_12] : memref<100000x128xf32, #tpu.memory_space<hbm>> -> memref<100000x128xf32, #tpu.memory_space<hbm>>
      tpu.enqueue_indirect_dma source(%dma_start3A_13 : memref<100000x128xf32, #tpu.memory_space<hbm>>) target(%arg6 : memref<80x128xf32, #tpu.memory_space<vmem>>) offsets(%arg5 : memref<80xi32, #tpu.memory_space<vmem>>) semaphore(%arg7 : memref<!tpu.dma_semaphore, #tpu.memory_space<semaphore_mem>>)
      %dma_wait3A = arith.constant 0 : i32
      %dma_wait3A_14 = arith.constant 0 : i32
      %dma_wait3A_15 = tpu.memref_slice %arg3[%dma_wait3A, %dma_wait3A_14] : memref<100000x128xf32, #tpu.memory_space<hbm>> -> memref<100000x128xf32, #tpu.memory_space<hbm>>
      tpu.wait_indirect_dma semaphore(%arg7 : memref<!tpu.dma_semaphore, #tpu.memory_space<semaphore_mem>>) src(%dma_wait3A_15 : memref<100000x128xf32, #tpu.memory_space<hbm>>) dst(%arg6 : memref<80x128xf32, #tpu.memory_space<vmem>>)
      "tpu.region"() ({
        %run_scoped3A = tpu.sem_alloc : memref<!tpu.dma_semaphore, #tpu.memory_space<semaphore_mem>>
        %dma_start3A_16 = arith.constant 0 : i32
        %dma_start3A_17 = tpu.memref_slice %arg4[%add3A_11, %dma_start3A_16] : memref<10240x128xf32, #tpu.memory_space<hbm>> -> memref<80x128xf32, #tpu.memory_space<hbm>>
        %dma_start3A_18 = arith.constant 0 : i32
        %dma_start3A_19 = tpu.memref_slice %arg4[%add3A_11, %dma_start3A_18] : memref<10240x128xf32, #tpu.memory_space<hbm>> -> memref<80x128xf32, #tpu.memory_space<hbm>>
        tpu.enqueue_dma source(%arg6 : memref<80x128xf32, #tpu.memory_space<vmem>>) target(%dma_start3A_19 : memref<80x128xf32, #tpu.memory_space<hbm>>) target_semaphore(%run_scoped3A : memref<!tpu.dma_semaphore, #tpu.memory_space<semaphore_mem>>)
        %dma_wait3A_20 = arith.constant 0 : i32
        %dma_wait3A_21 = tpu.memref_slice %arg4[%add3A_11, %dma_wait3A_20] : memref<10240x128xf32, #tpu.memory_space<hbm>> -> memref<80x128xf32, #tpu.memory_space<hbm>>
        %dma_wait3A_22 = arith.constant 0 : i32
        %dma_wait3A_23 = tpu.memref_slice %arg4[%add3A_11, %dma_wait3A_22] : memref<10240x128xf32, #tpu.memory_space<hbm>> -> memref<80x128xf32, #tpu.memory_space<hbm>>
        tpu.wait_dma2 semaphore(%run_scoped3A : memref<!tpu.dma_semaphore, #tpu.memory_space<semaphore_mem>>) src(%arg6 : memref<80x128xf32, #tpu.memory_space<vmem>>) dst(%dma_wait3A_23 : memref<80x128xf32, #tpu.memory_space<hbm>>)
        tpu.yield
      }) : () -> ()
    }
    %scan3A_7 = arith.constant 4 : i32
    return
  }
}

#map = affine_map<(d0, d1) -> (0, 0)>
#map1 = affine_map<(d0, d1) -> (0)>
module attributes {stable_mosaic.version = 14 : i64} {
  func.func @_agg_plain(%arg0: i32, %arg1: i32, %arg2: memref<10000x128xf32, #tpu.memory_space<hbm>>, %arg3: memref<320000xi32, #tpu.memory_space<hbm>>, %arg4: memref<320000xi32, #tpu.memory_space<hbm>>, %arg5: memref<10240x128xf32, #tpu.memory_space<hbm>>, %arg6: memref<20480x128xf32, #tpu.memory_space<hbm>>, %arg7: memref<10000xi32, #tpu.memory_space<vmem>>, %arg8: memref<10000xi32, #tpu.memory_space<vmem>>, %arg9: memref<72xi32, #tpu.memory_space<vmem>>, %arg10: memref<72xi32, #tpu.memory_space<vmem>>, %arg11: memref<72xi32, #tpu.memory_space<vmem>>, %arg12: memref<64xi32, #tpu.memory_space<vmem>>, %arg13: memref<72x128xf32, #tpu.memory_space<vmem>>, %arg14: memref<72x128xf32, #tpu.memory_space<vmem>>, %arg15: memref<72x128xf32, #tpu.memory_space<vmem>>, %arg16: memref<10240x128xf32, #tpu.memory_space<vmem_shared>>, %arg17: memref<!tpu.dma_semaphore, #tpu.memory_space<semaphore_mem>>, %arg18: memref<!tpu.dma_semaphore, #tpu.memory_space<semaphore_mem>>, %arg19: memref<!tpu.dma_semaphore, #tpu.memory_space<semaphore_mem>>, %arg20: memref<!tpu.dma_semaphore, #tpu.memory_space<semaphore_mem>>, %arg21: memref<!tpu.dma_semaphore, #tpu.memory_space<semaphore_mem>>, %arg22: memref<!tpu.dma_semaphore, #tpu.memory_space<semaphore_mem>>) attributes {dimension_semantics = [#tpu.dimension_semantics<core_parallel>, #tpu.dimension_semantics<subcore_parallel>], iteration_bounds = array<i64: 2, 16>, scalar_prefetch = 0 : i64, scratch_operands = 16 : i64, tpu.core_type = #tpu.core_type<sc_vector_subcore>, window_params = [{transform_indices = #map}, {transform_indices = #map1}, {transform_indices = #map1}, {transform_indices = #map}, {transform_indices = #map}]} {
    %mul3A = arith.constant 640 : i32
    %mul3A_0 = arith.muli %arg1, %mul3A : i32
    "tpu.region"() ({
      %run_scoped3A = tpu.sem_alloc : memref<!tpu.dma_semaphore, #tpu.memory_space<semaphore_mem>>
      %dma_start3A_372 = arith.constant 0 : i32
      %dma_start3A_373 = tpu.memref_slice %arg16[%mul3A_0, %dma_start3A_372] : memref<10240x128xf32, #tpu.memory_space<vmem_shared>> -> memref<640x128xf32, #tpu.memory_space<vmem_shared>>
      %dma_start3A_374 = arith.constant 0 : i32
      %dma_start3A_375 = tpu.memref_slice %arg5[%mul3A_0, %dma_start3A_374] : memref<10240x128xf32, #tpu.memory_space<hbm>> -> memref<640x128xf32, #tpu.memory_space<hbm>>
      tpu.enqueue_dma source(%dma_start3A_375 : memref<640x128xf32, #tpu.memory_space<hbm>>) target(%dma_start3A_373 : memref<640x128xf32, #tpu.memory_space<vmem_shared>>) target_semaphore(%run_scoped3A : memref<!tpu.dma_semaphore, #tpu.memory_space<semaphore_mem>>)
      %dma_wait3A_376 = arith.constant 0 : i32
      %dma_wait3A_377 = tpu.memref_slice %arg16[%mul3A_0, %dma_wait3A_376] : memref<10240x128xf32, #tpu.memory_space<vmem_shared>> -> memref<640x128xf32, #tpu.memory_space<vmem_shared>>
      %dma_wait3A_378 = arith.constant 0 : i32
      %dma_wait3A_379 = tpu.memref_slice %arg5[%mul3A_0, %dma_wait3A_378] : memref<10240x128xf32, #tpu.memory_space<hbm>> -> memref<640x128xf32, #tpu.memory_space<hbm>>
      tpu.wait_dma2 semaphore(%run_scoped3A : memref<!tpu.dma_semaphore, #tpu.memory_space<semaphore_mem>>) src(%dma_wait3A_379 : memref<640x128xf32, #tpu.memory_space<hbm>>) dst(%dma_wait3A_377 : memref<640x128xf32, #tpu.memory_space<vmem_shared>>)
      tpu.yield
    }) : () -> ()
    %mul3A_1 = arith.constant 160000 : i32
    %mul3A_2 = arith.muli %arg0, %mul3A_1 : i32
    %mul3A_3 = arith.constant 10000 : i32
    %mul3A_4 = arith.muli %arg1, %mul3A_3 : i32
    %add3A = arith.addi %mul3A_2, %mul3A_4 : i32
    "tpu.region"() ({
      %run_scoped3A = tpu.sem_alloc : memref<!tpu.dma_semaphore, #tpu.memory_space<semaphore_mem>>
      %dma_start3A_372 = tpu.memref_slice %arg3[%add3A] : memref<320000xi32, #tpu.memory_space<hbm>> -> memref<10000xi32, #tpu.memory_space<hbm>>
      %dma_start3A_373 = tpu.memref_slice %arg3[%add3A] : memref<320000xi32, #tpu.memory_space<hbm>> -> memref<10000xi32, #tpu.memory_space<hbm>>
      tpu.enqueue_dma source(%dma_start3A_373 : memref<10000xi32, #tpu.memory_space<hbm>>) target(%arg7 : memref<10000xi32, #tpu.memory_space<vmem>>) target_semaphore(%run_scoped3A : memref<!tpu.dma_semaphore, #tpu.memory_space<semaphore_mem>>)
      %dma_wait3A_374 = tpu.memref_slice %arg3[%add3A] : memref<320000xi32, #tpu.memory_space<hbm>> -> memref<10000xi32, #tpu.memory_space<hbm>>
      %dma_wait3A_375 = tpu.memref_slice %arg3[%add3A] : memref<320000xi32, #tpu.memory_space<hbm>> -> memref<10000xi32, #tpu.memory_space<hbm>>
      tpu.wait_dma2 semaphore(%run_scoped3A : memref<!tpu.dma_semaphore, #tpu.memory_space<semaphore_mem>>) src(%dma_wait3A_375 : memref<10000xi32, #tpu.memory_space<hbm>>) dst(%arg7 : memref<10000xi32, #tpu.memory_space<vmem>>)
      tpu.yield
    }) : () -> ()
    "tpu.region"() ({
      %run_scoped3A = tpu.sem_alloc : memref<!tpu.dma_semaphore, #tpu.memory_space<semaphore_mem>>
      %dma_start3A_372 = tpu.memref_slice %arg4[%add3A] : memref<320000xi32, #tpu.memory_space<hbm>> -> memref<10000xi32, #tpu.memory_space<hbm>>
      %dma_start3A_373 = tpu.memref_slice %arg4[%add3A] : memref<320000xi32, #tpu.memory_space<hbm>> -> memref<10000xi32, #tpu.memory_space<hbm>>
      tpu.enqueue_dma source(%dma_start3A_373 : memref<10000xi32, #tpu.memory_space<hbm>>) target(%arg8 : memref<10000xi32, #tpu.memory_space<vmem>>) target_semaphore(%run_scoped3A : memref<!tpu.dma_semaphore, #tpu.memory_space<semaphore_mem>>)
      %dma_wait3A_374 = tpu.memref_slice %arg4[%add3A] : memref<320000xi32, #tpu.memory_space<hbm>> -> memref<10000xi32, #tpu.memory_space<hbm>>
      %dma_wait3A_375 = tpu.memref_slice %arg4[%add3A] : memref<320000xi32, #tpu.memory_space<hbm>> -> memref<10000xi32, #tpu.memory_space<hbm>>
      tpu.wait_dma2 semaphore(%run_scoped3A : memref<!tpu.dma_semaphore, #tpu.memory_space<semaphore_mem>>) src(%dma_wait3A_375 : memref<10000xi32, #tpu.memory_space<hbm>>) dst(%arg8 : memref<10000xi32, #tpu.memory_space<vmem>>)
      tpu.yield
    }) : () -> ()
    %barrier3A = arith.constant 0 : index
    tpu.barrier barrier_id(%barrier3A)
    %get3A = arith.constant 0 : index
    %get3A_5 = tpu.vector_load %arg8[%get3A] {strides = array<i32>} : memref<10000xi32, #tpu.memory_space<vmem>>, vector<16xi32>,
    %get3A_6 = vector.shape_cast %get3A_5 : vector<16xi32> to vector<16xi32>
    %swap3A = arith.constant 0 : index
    %swap3A_7 = tpu.vector_load %arg9[%swap3A] {strides = array<i32>} : memref<72xi32, #tpu.memory_space<vmem>>, vector<16xi32>,
    %swap3A_8 = vector.shape_cast %swap3A_7 : vector<16xi32> to vector<16xi32>
    %swap3A_9 = vector.shape_cast %get3A_6 : vector<16xi32> to vector<16xi32>
    tpu.vector_store %arg9[%swap3A], %swap3A_9 {strides = array<i32>} : memref<72xi32, #tpu.memory_space<vmem>>, vector<16xi32>,
    %get3A_10 = arith.constant 16 : index
    %get3A_11 = tpu.vector_load %arg8[%get3A_10] {strides = array<i32>} : memref<10000xi32, #tpu.memory_space<vmem>>, vector<16xi32>,
    %get3A_12 = vector.shape_cast %get3A_11 : vector<16xi32> to vector<16xi32>
    %swap3A_13 = arith.constant 16 : index
    %swap3A_14 = tpu.vector_load %arg9[%swap3A_13] {strides = array<i32>} : memref<72xi32, #tpu.memory_space<vmem>>, vector<16xi32>,
    %swap3A_15 = vector.shape_cast %swap3A_14 : vector<16xi32> to vector<16xi32>
    %swap3A_16 = vector.shape_cast %get3A_12 : vector<16xi32> to vector<16xi32>
    tpu.vector_store %arg9[%swap3A_13], %swap3A_16 {strides = array<i32>} : memref<72xi32, #tpu.memory_space<vmem>>, vector<16xi32>,
    %get3A_17 = arith.constant 32 : index
    %get3A_18 = tpu.vector_load %arg8[%get3A_17] {strides = array<i32>} : memref<10000xi32, #tpu.memory_space<vmem>>, vector<16xi32>,
    %get3A_19 = vector.shape_cast %get3A_18 : vector<16xi32> to vector<16xi32>
    %swap3A_20 = arith.constant 32 : index
    %swap3A_21 = tpu.vector_load %arg9[%swap3A_20] {strides = array<i32>} : memref<72xi32, #tpu.memory_space<vmem>>, vector<16xi32>,
    %swap3A_22 = vector.shape_cast %swap3A_21 : vector<16xi32> to vector<16xi32>
    %swap3A_23 = vector.shape_cast %get3A_19 : vector<16xi32> to vector<16xi32>
    tpu.vector_store %arg9[%swap3A_20], %swap3A_23 {strides = array<i32>} : memref<72xi32, #tpu.memory_space<vmem>>, vector<16xi32>,
    %get3A_24 = arith.constant 48 : index
    %get3A_25 = tpu.vector_load %arg8[%get3A_24] {strides = array<i32>} : memref<10000xi32, #tpu.memory_space<vmem>>, vector<16xi32>,
    %get3A_26 = vector.shape_cast %get3A_25 : vector<16xi32> to vector<16xi32>
    %swap3A_27 = arith.constant 48 : index
    %swap3A_28 = tpu.vector_load %arg9[%swap3A_27] {strides = array<i32>} : memref<72xi32, #tpu.memory_space<vmem>>, vector<16xi32>,
    %swap3A_29 = vector.shape_cast %swap3A_28 : vector<16xi32> to vector<16xi32>
    %swap3A_30 = vector.shape_cast %get3A_26 : vector<16xi32> to vector<16xi32>
    tpu.vector_store %arg9[%swap3A_27], %swap3A_30 {strides = array<i32>} : memref<72xi32, #tpu.memory_space<vmem>>, vector<16xi32>,
    %get3A_31 = arith.constant 56 : index
    %get3A_32 = tpu.vector_load %arg8[%get3A_31] {strides = array<i32>} : memref<10000xi32, #tpu.memory_space<vmem>>, vector<16xi32>,
    %get3A_33 = vector.shape_cast %get3A_32 : vector<16xi32> to vector<16xi32>
    %swap3A_34 = arith.constant 56 : index
    %swap3A_35 = tpu.vector_load %arg9[%swap3A_34] {strides = array<i32>} : memref<72xi32, #tpu.memory_space<vmem>>, vector<16xi32>,
    %swap3A_36 = vector.shape_cast %swap3A_35 : vector<16xi32> to vector<16xi32>
    %swap3A_37 = vector.shape_cast %get3A_33 : vector<16xi32> to vector<16xi32>
    tpu.vector_store %arg9[%swap3A_34], %swap3A_37 {strides = array<i32>} : memref<72xi32, #tpu.memory_space<vmem>>, vector<16xi32>,
    %get3A_38 = arith.constant 72 : index
    %get3A_39 = tpu.vector_load %arg8[%get3A_38] {strides = array<i32>} : memref<10000xi32, #tpu.memory_space<vmem>>, vector<16xi32>,
    %get3A_40 = vector.shape_cast %get3A_39 : vector<16xi32> to vector<16xi32>
    %swap3A_41 = arith.constant 0 : index
    %swap3A_42 = tpu.vector_load %arg10[%swap3A_41] {strides = array<i32>} : memref<72xi32, #tpu.memory_space<vmem>>, vector<16xi32>,
    %swap3A_43 = vector.shape_cast %swap3A_42 : vector<16xi32> to vector<16xi32>
    %swap3A_44 = vector.shape_cast %get3A_40 : vector<16xi32> to vector<16xi32>
    tpu.vector_store %arg10[%swap3A_41], %swap3A_44 {strides = array<i32>} : memref<72xi32, #tpu.memory_space<vmem>>, vector<16xi32>,
    %get3A_45 = arith.constant 88 : index
    %get3A_46 = tpu.vector_load %arg8[%get3A_45] {strides = array<i32>} : memref<10000xi32, #tpu.memory_space<vmem>>, vector<16xi32>,
    %get3A_47 = vector.shape_cast %get3A_46 : vector<16xi32> to vector<16xi32>
    %swap3A_48 = arith.constant 16 : index
    %swap3A_49 = tpu.vector_load %arg10[%swap3A_48] {strides = array<i32>} : memref<72xi32, #tpu.memory_space<vmem>>, vector<16xi32>,
    %swap3A_50 = vector.shape_cast %swap3A_49 : vector<16xi32> to vector<16xi32>
    %swap3A_51 = vector.shape_cast %get3A_47 : vector<16xi32> to vector<16xi32>
    tpu.vector_store %arg10[%swap3A_48], %swap3A_51 {strides = array<i32>} : memref<72xi32, #tpu.memory_space<vmem>>, vector<16xi32>,
    %get3A_52 = arith.constant 104 : index
    %get3A_53 = tpu.vector_load %arg8[%get3A_52] {strides = array<i32>} : memref<10000xi32, #tpu.memory_space<vmem>>, vector<16xi32>,
    %get3A_54 = vector.shape_cast %get3A_53 : vector<16xi32> to vector<16xi32>
    %swap3A_55 = arith.constant 32 : index
    %swap3A_56 = tpu.vector_load %arg10[%swap3A_55] {strides = array<i32>} : memref<72xi32, #tpu.memory_space<vmem>>, vector<16xi32>,
    %swap3A_57 = vector.shape_cast %swap3A_56 : vector<16xi32> to vector<16xi32>
    %swap3A_58 = vector.shape_cast %get3A_54 : vector<16xi32> to vector<16xi32>
    tpu.vector_store %arg10[%swap3A_55], %swap3A_58 {strides = array<i32>} : memref<72xi32, #tpu.memory_space<vmem>>, vector<16xi32>,
    %get3A_59 = arith.constant 120 : index
    %get3A_60 = tpu.vector_load %arg8[%get3A_59] {strides = array<i32>} : memref<10000xi32, #tpu.memory_space<vmem>>, vector<16xi32>,
    %get3A_61 = vector.shape_cast %get3A_60 : vector<16xi32> to vector<16xi32>
    %swap3A_62 = arith.constant 48 : index
    %swap3A_63 = tpu.vector_load %arg10[%swap3A_62] {strides = array<i32>} : memref<72xi32, #tpu.memory_space<vmem>>, vector<16xi32>,
    %swap3A_64 = vector.shape_cast %swap3A_63 : vector<16xi32> to vector<16xi32>
    %swap3A_65 = vector.shape_cast %get3A_61 : vector<16xi32> to vector<16xi32>
    tpu.vector_store %arg10[%swap3A_62], %swap3A_65 {strides = array<i32>} : memref<72xi32, #tpu.memory_space<vmem>>, vector<16xi32>,
    %get3A_66 = arith.constant 128 : index
    %get3A_67 = tpu.vector_load %arg8[%get3A_66] {strides = array<i32>} : memref<10000xi32, #tpu.memory_space<vmem>>, vector<16xi32>,
    %get3A_68 = vector.shape_cast %get3A_67 : vector<16xi32> to vector<16xi32>
    %swap3A_69 = arith.constant 56 : index
    %swap3A_70 = tpu.vector_load %arg10[%swap3A_69] {strides = array<i32>} : memref<72xi32, #tpu.memory_space<vmem>>, vector<16xi32>,
    %swap3A_71 = vector.shape_cast %swap3A_70 : vector<16xi32> to vector<16xi32>
    %swap3A_72 = vector.shape_cast %get3A_68 : vector<16xi32> to vector<16xi32>
    tpu.vector_store %arg10[%swap3A_69], %swap3A_72 {strides = array<i32>} : memref<72xi32, #tpu.memory_space<vmem>>, vector<16xi32>,
    %dma_start3A = arith.constant 0 : i32
    %dma_start3A_73 = tpu.memref_slice %arg7[%dma_start3A] : memref<10000xi32, #tpu.memory_space<vmem>> -> memref<72xi32, #tpu.memory_space<vmem>>
    %dma_start3A_74 = arith.constant 0 : i32
    %dma_start3A_75 = arith.constant 0 : i32
    %dma_start3A_76 = tpu.memref_slice %arg2[%dma_start3A_74, %dma_start3A_75] : memref<10000x128xf32, #tpu.memory_space<hbm>> -> memref<10000x128xf32, #tpu.memory_space<hbm>>
    tpu.enqueue_indirect_dma source(%dma_start3A_76 : memref<10000x128xf32, #tpu.memory_space<hbm>>) target(%arg13 : memref<72x128xf32, #tpu.memory_space<vmem>>) offsets(%dma_start3A_73 : memref<72xi32, #tpu.memory_space<vmem>>) semaphore(%arg17 : memref<!tpu.dma_semaphore, #tpu.memory_space<semaphore_mem>>)
    %dma_start3A_77 = arith.constant 72 : i32
    %dma_start3A_78 = tpu.memref_slice %arg7[%dma_start3A_77] : memref<10000xi32, #tpu.memory_space<vmem>> -> memref<72xi32, #tpu.memory_space<vmem>>
    %dma_start3A_79 = arith.constant 0 : i32
    %dma_start3A_80 = arith.constant 0 : i32
    %dma_start3A_81 = tpu.memref_slice %arg2[%dma_start3A_79, %dma_start3A_80] : memref<10000x128xf32, #tpu.memory_space<hbm>> -> memref<10000x128xf32, #tpu.memory_space<hbm>>
    tpu.enqueue_indirect_dma source(%dma_start3A_81 : memref<10000x128xf32, #tpu.memory_space<hbm>>) target(%arg14 : memref<72x128xf32, #tpu.memory_space<vmem>>) offsets(%dma_start3A_78 : memref<72xi32, #tpu.memory_space<vmem>>) semaphore(%arg18 : memref<!tpu.dma_semaphore, #tpu.memory_space<semaphore_mem>>)
    %dma_wait3A = arith.constant 0 : i32
    %dma_wait3A_82 = tpu.memref_slice %arg7[%dma_wait3A] : memref<10000xi32, #tpu.memory_space<vmem>> -> memref<72xi32, #tpu.memory_space<vmem>>
    %dma_wait3A_83 = arith.constant 0 : i32
    %dma_wait3A_84 = arith.constant 0 : i32
    %dma_wait3A_85 = tpu.memref_slice %arg2[%dma_wait3A_83, %dma_wait3A_84] : memref<10000x128xf32, #tpu.memory_space<hbm>> -> memref<10000x128xf32, #tpu.memory_space<hbm>>
    tpu.wait_indirect_dma semaphore(%arg17 : memref<!tpu.dma_semaphore, #tpu.memory_space<semaphore_mem>>) src(%dma_wait3A_85 : memref<10000x128xf32, #tpu.memory_space<hbm>>) dst(%arg13 : memref<72x128xf32, #tpu.memory_space<vmem>>)
    %dma_start3A_86 = arith.constant 0 : i32
    %dma_start3A_87 = arith.constant 0 : i32
    %dma_start3A_88 = tpu.memref_slice %arg16[%dma_start3A_86, %dma_start3A_87] : memref<10240x128xf32, #tpu.memory_space<vmem_shared>> -> memref<10240x128xf32, #tpu.memory_space<vmem_shared>>
    tpu.enqueue_indirect_dma source(%arg13 : memref<72x128xf32, #tpu.memory_space<vmem>>) target(%dma_start3A_88 : memref<10240x128xf32, #tpu.memory_space<vmem_shared>>) offsets(%arg9 : memref<72xi32, #tpu.memory_space<vmem>>) semaphore(%arg20 : memref<!tpu.dma_semaphore, #tpu.memory_space<semaphore_mem>>) {add = true}
    %get3A_89 = arith.constant 144 : index
    %get3A_90 = tpu.vector_load %arg8[%get3A_89] {strides = array<i32>} : memref<10000xi32, #tpu.memory_space<vmem>>, vector<16xi32>,
    %get3A_91 = vector.shape_cast %get3A_90 : vector<16xi32> to vector<16xi32>
    %swap3A_92 = arith.constant 0 : index
    %swap3A_93 = tpu.vector_load %arg11[%swap3A_92] {strides = array<i32>} : memref<72xi32, #tpu.memory_space<vmem>>, vector<16xi32>,
    %swap3A_94 = vector.shape_cast %swap3A_93 : vector<16xi32> to vector<16xi32>
    %swap3A_95 = vector.shape_cast %get3A_91 : vector<16xi32> to vector<16xi32>
    tpu.vector_store %arg11[%swap3A_92], %swap3A_95 {strides = array<i32>} : memref<72xi32, #tpu.memory_space<vmem>>, vector<16xi32>,
    %get3A_96 = arith.constant 160 : index
    %get3A_97 = tpu.vector_load %arg8[%get3A_96] {strides = array<i32>} : memref<10000xi32, #tpu.memory_space<vmem>>, vector<16xi32>,
    %get3A_98 = vector.shape_cast %get3A_97 : vector<16xi32> to vector<16xi32>
    %swap3A_99 = arith.constant 16 : index
    %swap3A_100 = tpu.vector_load %arg11[%swap3A_99] {strides = array<i32>} : memref<72xi32, #tpu.memory_space<vmem>>, vector<16xi32>,
    %swap3A_101 = vector.shape_cast %swap3A_100 : vector<16xi32> to vector<16xi32>
    %swap3A_102 = vector.shape_cast %get3A_98 : vector<16xi32> to vector<16xi32>
    tpu.vector_store %arg11[%swap3A_99], %swap3A_102 {strides = array<i32>} : memref<72xi32, #tpu.memory_space<vmem>>, vector<16xi32>,
    %get3A_103 = arith.constant 176 : index
    %get3A_104 = tpu.vector_load %arg8[%get3A_103] {strides = array<i32>} : memref<10000xi32, #tpu.memory_space<vmem>>, vector<16xi32>,
    %get3A_105 = vector.shape_cast %get3A_104 : vector<16xi32> to vector<16xi32>
    %swap3A_106 = arith.constant 32 : index
    %swap3A_107 = tpu.vector_load %arg11[%swap3A_106] {strides = array<i32>} : memref<72xi32, #tpu.memory_space<vmem>>, vector<16xi32>,
    %swap3A_108 = vector.shape_cast %swap3A_107 : vector<16xi32> to vector<16xi32>
    %swap3A_109 = vector.shape_cast %get3A_105 : vector<16xi32> to vector<16xi32>
    tpu.vector_store %arg11[%swap3A_106], %swap3A_109 {strides = array<i32>} : memref<72xi32, #tpu.memory_space<vmem>>, vector<16xi32>,
    %get3A_110 = arith.constant 192 : index
    %get3A_111 = tpu.vector_load %arg8[%get3A_110] {strides = array<i32>} : memref<10000xi32, #tpu.memory_space<vmem>>, vector<16xi32>,
    %get3A_112 = vector.shape_cast %get3A_111 : vector<16xi32> to vector<16xi32>
    %swap3A_113 = arith.constant 48 : index
    %swap3A_114 = tpu.vector_load %arg11[%swap3A_113] {strides = array<i32>} : memref<72xi32, #tpu.memory_space<vmem>>, vector<16xi32>,
    %swap3A_115 = vector.shape_cast %swap3A_114 : vector<16xi32> to vector<16xi32>
    %swap3A_116 = vector.shape_cast %get3A_112 : vector<16xi32> to vector<16xi32>
    tpu.vector_store %arg11[%swap3A_113], %swap3A_116 {strides = array<i32>} : memref<72xi32, #tpu.memory_space<vmem>>, vector<16xi32>,
    %get3A_117 = arith.constant 200 : index
    %get3A_118 = tpu.vector_load %arg8[%get3A_117] {strides = array<i32>} : memref<10000xi32, #tpu.memory_space<vmem>>, vector<16xi32>,
    %get3A_119 = vector.shape_cast %get3A_118 : vector<16xi32> to vector<16xi32>
    %swap3A_120 = arith.constant 56 : index
    %swap3A_121 = tpu.vector_load %arg11[%swap3A_120] {strides = array<i32>} : memref<72xi32, #tpu.memory_space<vmem>>, vector<16xi32>,
    %swap3A_122 = vector.shape_cast %swap3A_121 : vector<16xi32> to vector<16xi32>
    %swap3A_123 = vector.shape_cast %get3A_119 : vector<16xi32> to vector<16xi32>
    tpu.vector_store %arg11[%swap3A_120], %swap3A_123 {strides = array<i32>} : memref<72xi32, #tpu.memory_space<vmem>>, vector<16xi32>,
    %dma_start3A_124 = arith.constant 144 : i32
    %dma_start3A_125 = tpu.memref_slice %arg7[%dma_start3A_124] : memref<10000xi32, #tpu.memory_space<vmem>> -> memref<72xi32, #tpu.memory_space<vmem>>
    %dma_start3A_126 = arith.constant 0 : i32
    %dma_start3A_127 = arith.constant 0 : i32
    %dma_start3A_128 = tpu.memref_slice %arg2[%dma_start3A_126, %dma_start3A_127] : memref<10000x128xf32, #tpu.memory_space<hbm>> -> memref<10000x128xf32, #tpu.memory_space<hbm>>
    tpu.enqueue_indirect_dma source(%dma_start3A_128 : memref<10000x128xf32, #tpu.memory_space<hbm>>) target(%arg15 : memref<72x128xf32, #tpu.memory_space<vmem>>) offsets(%dma_start3A_125 : memref<72xi32, #tpu.memory_space<vmem>>) semaphore(%arg19 : memref<!tpu.dma_semaphore, #tpu.memory_space<semaphore_mem>>)
    %dma_wait3A_129 = arith.constant 0 : i32
    %dma_wait3A_130 = tpu.memref_slice %arg7[%dma_wait3A_129] : memref<10000xi32, #tpu.memory_space<vmem>> -> memref<72xi32, #tpu.memory_space<vmem>>
    %dma_wait3A_131 = arith.constant 0 : i32
    %dma_wait3A_132 = arith.constant 0 : i32
    %dma_wait3A_133 = tpu.memref_slice %arg2[%dma_wait3A_131, %dma_wait3A_132] : memref<10000x128xf32, #tpu.memory_space<hbm>> -> memref<10000x128xf32, #tpu.memory_space<hbm>>
    tpu.wait_indirect_dma semaphore(%arg18 : memref<!tpu.dma_semaphore, #tpu.memory_space<semaphore_mem>>) src(%dma_wait3A_133 : memref<10000x128xf32, #tpu.memory_space<hbm>>) dst(%arg14 : memref<72x128xf32, #tpu.memory_space<vmem>>)
    %dma_start3A_134 = arith.constant 0 : i32
    %dma_start3A_135 = arith.constant 0 : i32
    %dma_start3A_136 = tpu.memref_slice %arg16[%dma_start3A_134, %dma_start3A_135] : memref<10240x128xf32, #tpu.memory_space<vmem_shared>> -> memref<10240x128xf32, #tpu.memory_space<vmem_shared>>
    tpu.enqueue_indirect_dma source(%arg14 : memref<72x128xf32, #tpu.memory_space<vmem>>) target(%dma_start3A_136 : memref<10240x128xf32, #tpu.memory_space<vmem_shared>>) offsets(%arg10 : memref<72xi32, #tpu.memory_space<vmem>>) semaphore(%arg21 : memref<!tpu.dma_semaphore, #tpu.memory_space<semaphore_mem>>) {add = true}
    %dma_wait3A_137 = arith.constant 0 : i32
    %dma_wait3A_138 = arith.constant 0 : i32
    %dma_wait3A_139 = tpu.memref_slice %arg16[%dma_wait3A_137, %dma_wait3A_138] : memref<10240x128xf32, #tpu.memory_space<vmem_shared>> -> memref<10240x128xf32, #tpu.memory_space<vmem_shared>>
    tpu.wait_indirect_dma semaphore(%arg20 : memref<!tpu.dma_semaphore, #tpu.memory_space<semaphore_mem>>) src(%arg13 : memref<72x128xf32, #tpu.memory_space<vmem>>) dst(%dma_wait3A_139 : memref<10240x128xf32, #tpu.memory_space<vmem_shared>>)
    %get3A_140 = arith.constant 216 : index
    %get3A_141 = tpu.vector_load %arg8[%get3A_140] {strides = array<i32>} : memref<10000xi32, #tpu.memory_space<vmem>>, vector<16xi32>,
    %get3A_142 = vector.shape_cast %get3A_141 : vector<16xi32> to vector<16xi32>
    %swap3A_143 = arith.constant 0 : index
    %swap3A_144 = tpu.vector_load %arg9[%swap3A_143] {strides = array<i32>} : memref<72xi32, #tpu.memory_space<vmem>>, vector<16xi32>,
    %swap3A_145 = vector.shape_cast %swap3A_144 : vector<16xi32> to vector<16xi32>
    %swap3A_146 = vector.shape_cast %get3A_142 : vector<16xi32> to vector<16xi32>
    tpu.vector_store %arg9[%swap3A_143], %swap3A_146 {strides = array<i32>} : memref<72xi32, #tpu.memory_space<vmem>>, vector<16xi32>,
    %get3A_147 = arith.constant 232 : index
    %get3A_148 = tpu.vector_load %arg8[%get3A_147] {strides = array<i32>} : memref<10000xi32, #tpu.memory_space<vmem>>, vector<16xi32>,
    %get3A_149 = vector.shape_cast %get3A_148 : vector<16xi32> to vector<16xi32>
    %swap3A_150 = arith.constant 16 : index
    %swap3A_151 = tpu.vector_load %arg9[%swap3A_150] {strides = array<i32>} : memref<72xi32, #tpu.memory_space<vmem>>, vector<16xi32>,
    %swap3A_152 = vector.shape_cast %swap3A_151 : vector<16xi32> to vector<16xi32>
    %swap3A_153 = vector.shape_cast %get3A_149 : vector<16xi32> to vector<16xi32>
    tpu.vector_store %arg9[%swap3A_150], %swap3A_153 {strides = array<i32>} : memref<72xi32, #tpu.memory_space<vmem>>, vector<16xi32>,
    %get3A_154 = arith.constant 248 : index
    %get3A_155 = tpu.vector_load %arg8[%get3A_154] {strides = array<i32>} : memref<10000xi32, #tpu.memory_space<vmem>>, vector<16xi32>,
    %get3A_156 = vector.shape_cast %get3A_155 : vector<16xi32> to vector<16xi32>
    %swap3A_157 = arith.constant 32 : index
    %swap3A_158 = tpu.vector_load %arg9[%swap3A_157] {strides = array<i32>} : memref<72xi32, #tpu.memory_space<vmem>>, vector<16xi32>,
    %swap3A_159 = vector.shape_cast %swap3A_158 : vector<16xi32> to vector<16xi32>
    %swap3A_160 = vector.shape_cast %get3A_156 : vector<16xi32> to vector<16xi32>
    tpu.vector_store %arg9[%swap3A_157], %swap3A_160 {strides = array<i32>} : memref<72xi32, #tpu.memory_space<vmem>>, vector<16xi32>,
    %get3A_161 = arith.constant 264 : index
    %get3A_162 = tpu.vector_load %arg8[%get3A_161] {strides = array<i32>} : memref<10000xi32, #tpu.memory_space<vmem>>, vector<16xi32>,
    %get3A_163 = vector.shape_cast %get3A_162 : vector<16xi32> to vector<16xi32>
    %swap3A_164 = arith.constant 48 : index
    %swap3A_165 = tpu.vector_load %arg9[%swap3A_164] {strides = array<i32>} : memref<72xi32, #tpu.memory_space<vmem>>, vector<16xi32>,
    %swap3A_166 = vector.shape_cast %swap3A_165 : vector<16xi32> to vector<16xi32>
    %swap3A_167 = vector.shape_cast %get3A_163 : vector<16xi32> to vector<16xi32>
    tpu.vector_store %arg9[%swap3A_164], %swap3A_167 {strides = array<i32>} : memref<72xi32, #tpu.memory_space<vmem>>, vector<16xi32>,
    %get3A_168 = arith.constant 272 : index
    %get3A_169 = tpu.vector_load %arg8[%get3A_168] {strides = array<i32>} : memref<10000xi32, #tpu.memory_space<vmem>>, vector<16xi32>,
    %get3A_170 = vector.shape_cast %get3A_169 : vector<16xi32> to vector<16xi32>
    %swap3A_171 = arith.constant 56 : index
    %swap3A_172 = tpu.vector_load %arg9[%swap3A_171] {strides = array<i32>} : memref<72xi32, #tpu.memory_space<vmem>>, vector<16xi32>,
    %swap3A_173 = vector.shape_cast %swap3A_172 : vector<16xi32> to vector<16xi32>
    %swap3A_174 = vector.shape_cast %get3A_170 : vector<16xi32> to vector<16xi32>
    tpu.vector_store %arg9[%swap3A_171], %swap3A_174 {strides = array<i32>} : memref<72xi32, #tpu.memory_space<vmem>>, vector<16xi32>,
    %dma_start3A_175 = arith.constant 216 : i32
    %dma_start3A_176 = tpu.memref_slice %arg7[%dma_start3A_175] : memref<10000xi32, #tpu.memory_space<vmem>> -> memref<72xi32, #tpu.memory_space<vmem>>
    %dma_start3A_177 = arith.constant 0 : i32
    %dma_start3A_178 = arith.constant 0 : i32
    %dma_start3A_179 = tpu.memref_slice %arg2[%dma_start3A_177, %dma_start3A_178] : memref<10000x128xf32, #tpu.memory_space<hbm>> -> memref<10000x128xf32, #tpu.memory_space<hbm>>
    tpu.enqueue_indirect_dma source(%dma_start3A_179 : memref<10000x128xf32, #tpu.memory_space<hbm>>) target(%arg13 : memref<72x128xf32, #tpu.memory_space<vmem>>) offsets(%dma_start3A_176 : memref<72xi32, #tpu.memory_space<vmem>>) semaphore(%arg17 : memref<!tpu.dma_semaphore, #tpu.memory_space<semaphore_mem>>)
    %scan3A = arith.constant 0 : i32
    %scan3A_180 = arith.constant 0 : i32
    %scan3A_181 = arith.constant 44 : i32
    %scan3A_182 = arith.addi %scan3A_180, %scan3A_181 : i32
    %scan3A_183 = arith.constant 1 : i32
    scf.for %scan3A_372 = %scan3A_180 to %scan3A_182 step %scan3A_183  : i32 {
      %mul3A_373 = arith.constant 3 : i32
      %mul3A_374 = arith.muli %mul3A_373, %scan3A_372 : i32
      %add3A_375 = arith.constant 2 : i32
      %add3A_376 = arith.addi %mul3A_374, %add3A_375 : i32
      %add3A_377 = arith.constant 0 : i32
      %add3A_378 = arith.addi %add3A_376, %add3A_377 : i32
      %dma_wait3A_379 = arith.constant 0 : i32
      %dma_wait3A_380 = tpu.memref_slice %arg7[%dma_wait3A_379] : memref<10000xi32, #tpu.memory_space<vmem>> -> memref<72xi32, #tpu.memory_space<vmem>>
      %dma_wait3A_381 = arith.constant 0 : i32
      %dma_wait3A_382 = arith.constant 0 : i32
      %dma_wait3A_383 = tpu.memref_slice %arg2[%dma_wait3A_381, %dma_wait3A_382] : memref<10000x128xf32, #tpu.memory_space<hbm>> -> memref<10000x128xf32, #tpu.memory_space<hbm>>
      tpu.wait_indirect_dma semaphore(%arg19 : memref<!tpu.dma_semaphore, #tpu.memory_space<semaphore_mem>>) src(%dma_wait3A_383 : memref<10000x128xf32, #tpu.memory_space<hbm>>) dst(%arg15 : memref<72x128xf32, #tpu.memory_space<vmem>>)
      %dma_start3A_384 = arith.constant 0 : i32
      %dma_start3A_385 = arith.constant 0 : i32
      %dma_start3A_386 = tpu.memref_slice %arg16[%dma_start3A_384, %dma_start3A_385] : memref<10240x128xf32, #tpu.memory_space<vmem_shared>> -> memref<10240x128xf32, #tpu.memory_space<vmem_shared>>
      tpu.enqueue_indirect_dma source(%arg15 : memref<72x128xf32, #tpu.memory_space<vmem>>) target(%dma_start3A_386 : memref<10240x128xf32, #tpu.memory_space<vmem_shared>>) offsets(%arg11 : memref<72xi32, #tpu.memory_space<vmem>>) semaphore(%arg22 : memref<!tpu.dma_semaphore, #tpu.memory_space<semaphore_mem>>) {add = true}
      %dma_wait3A_387 = arith.constant 0 : i32
      %dma_wait3A_388 = arith.constant 0 : i32
      %dma_wait3A_389 = tpu.memref_slice %arg16[%dma_wait3A_387, %dma_wait3A_388] : memref<10240x128xf32, #tpu.memory_space<vmem_shared>> -> memref<10240x128xf32, #tpu.memory_space<vmem_shared>>
      tpu.wait_indirect_dma semaphore(%arg21 : memref<!tpu.dma_semaphore, #tpu.memory_space<semaphore_mem>>) src(%arg14 : memref<72x128xf32, #tpu.memory_space<vmem>>) dst(%dma_wait3A_389 : memref<10240x128xf32, #tpu.memory_space<vmem_shared>>)
      %add3A_390 = arith.constant 2 : i32
      %add3A_391 = arith.addi %add3A_378, %add3A_390 : i32
      %mul3A_392 = arith.constant 72 : i32
      %mul3A_393 = arith.muli %add3A_391, %mul3A_392 : i32
      %add3A_394 = arith.constant 0 : i32
      %add3A_395 = arith.addi %mul3A_393, %add3A_394 : i32
      %get3A_396 = arith.index_cast %add3A_395 : i32 to index
      %get3A_397 = tpu.vector_load %arg8[%get3A_396] {strides = array<i32>} : memref<10000xi32, #tpu.memory_space<vmem>>, vector<16xi32>,
      %get3A_398 = vector.shape_cast %get3A_397 : vector<16xi32> to vector<16xi32>
      %swap3A_399 = arith.constant 0 : index
      %swap3A_400 = tpu.vector_load %arg10[%swap3A_399] {strides = array<i32>} : memref<72xi32, #tpu.memory_space<vmem>>, vector<16xi32>,
      %swap3A_401 = vector.shape_cast %swap3A_400 : vector<16xi32> to vector<16xi32>
      %swap3A_402 = vector.shape_cast %get3A_398 : vector<16xi32> to vector<16xi32>
      tpu.vector_store %arg10[%swap3A_399], %swap3A_402 {strides = array<i32>} : memref<72xi32, #tpu.memory_space<vmem>>, vector<16xi32>,
      %mul3A_403 = arith.constant 72 : i32
      %mul3A_404 = arith.muli %add3A_391, %mul3A_403 : i32
      %add3A_405 = arith.constant 16 : i32
      %add3A_406 = arith.addi %mul3A_404, %add3A_405 : i32
      %get3A_407 = arith.index_cast %add3A_406 : i32 to index
      %get3A_408 = tpu.vector_load %arg8[%get3A_407] {strides = array<i32>} : memref<10000xi32, #tpu.memory_space<vmem>>, vector<16xi32>,
      %get3A_409 = vector.shape_cast %get3A_408 : vector<16xi32> to vector<16xi32>
      %swap3A_410 = arith.constant 16 : index
      %swap3A_411 = tpu.vector_load %arg10[%swap3A_410] {strides = array<i32>} : memref<72xi32, #tpu.memory_space<vmem>>, vector<16xi32>,
      %swap3A_412 = vector.shape_cast %swap3A_411 : vector<16xi32> to vector<16xi32>
      %swap3A_413 = vector.shape_cast %get3A_409 : vector<16xi32> to vector<16xi32>
      tpu.vector_store %arg10[%swap3A_410], %swap3A_413 {strides = array<i32>} : memref<72xi32, #tpu.memory_space<vmem>>, vector<16xi32>,
      %mul3A_414 = arith.constant 72 : i32
      %mul3A_415 = arith.muli %add3A_391, %mul3A_414 : i32
      %add3A_416 = arith.constant 32 : i32
      %add3A_417 = arith.addi %mul3A_415, %add3A_416 : i32
      %get3A_418 = arith.index_cast %add3A_417 : i32 to index
      %get3A_419 = tpu.vector_load %arg8[%get3A_418] {strides = array<i32>} : memref<10000xi32, #tpu.memory_space<vmem>>, vector<16xi32>,
      %get3A_420 = vector.shape_cast %get3A_419 : vector<16xi32> to vector<16xi32>
      %swap3A_421 = arith.constant 32 : index
      %swap3A_422 = tpu.vector_load %arg10[%swap3A_421] {strides = array<i32>} : memref<72xi32, #tpu.memory_space<vmem>>, vector<16xi32>,
      %swap3A_423 = vector.shape_cast %swap3A_422 : vector<16xi32> to vector<16xi32>
      %swap3A_424 = vector.shape_cast %get3A_420 : vector<16xi32> to vector<16xi32>
      tpu.vector_store %arg10[%swap3A_421], %swap3A_424 {strides = array<i32>} : memref<72xi32, #tpu.memory_space<vmem>>, vector<16xi32>,
      %mul3A_425 = arith.constant 72 : i32
      %mul3A_426 = arith.muli %add3A_391, %mul3A_425 : i32
      %add3A_427 = arith.constant 48 : i32
      %add3A_428 = arith.addi %mul3A_426, %add3A_427 : i32
      %get3A_429 = arith.index_cast %add3A_428 : i32 to index
      %get3A_430 = tpu.vector_load %arg8[%get3A_429] {strides = array<i32>} : memref<10000xi32, #tpu.memory_space<vmem>>, vector<16xi32>,
      %get3A_431 = vector.shape_cast %get3A_430 : vector<16xi32> to vector<16xi32>
      %swap3A_432 = arith.constant 48 : index
      %swap3A_433 = tpu.vector_load %arg10[%swap3A_432] {strides = array<i32>} : memref<72xi32, #tpu.memory_space<vmem>>, vector<16xi32>,
      %swap3A_434 = vector.shape_cast %swap3A_433 : vector<16xi32> to vector<16xi32>
      %swap3A_435 = vector.shape_cast %get3A_431 : vector<16xi32> to vector<16xi32>
      tpu.vector_store %arg10[%swap3A_432], %swap3A_435 {strides = array<i32>} : memref<72xi32, #tpu.memory_space<vmem>>, vector<16xi32>,
      %mul3A_436 = arith.constant 72 : i32
      %mul3A_437 = arith.muli %add3A_391, %mul3A_436 : i32
      %add3A_438 = arith.constant 56 : i32
      %add3A_439 = arith.addi %mul3A_437, %add3A_438 : i32
      %get3A_440 = arith.index_cast %add3A_439 : i32 to index
      %get3A_441 = tpu.vector_load %arg8[%get3A_440] {strides = array<i32>} : memref<10000xi32, #tpu.memory_space<vmem>>, vector<16xi32>,
      %get3A_442 = vector.shape_cast %get3A_441 : vector<16xi32> to vector<16xi32>
      %swap3A_443 = arith.constant 56 : index
      %swap3A_444 = tpu.vector_load %arg10[%swap3A_443] {strides = array<i32>} : memref<72xi32, #tpu.memory_space<vmem>>, vector<16xi32>,
      %swap3A_445 = vector.shape_cast %swap3A_444 : vector<16xi32> to vector<16xi32>
      %swap3A_446 = vector.shape_cast %get3A_442 : vector<16xi32> to vector<16xi32>
      tpu.vector_store %arg10[%swap3A_443], %swap3A_446 {strides = array<i32>} : memref<72xi32, #tpu.memory_space<vmem>>, vector<16xi32>,
      %add3A_447 = arith.constant 2 : i32
      %add3A_448 = arith.addi %add3A_378, %add3A_447 : i32
      %mul3A_449 = arith.constant 72 : i32
      %mul3A_450 = arith.muli %add3A_448, %mul3A_449 : i32
      %dma_start3A_451 = tpu.memref_slice %arg7[%mul3A_450] : memref<10000xi32, #tpu.memory_space<vmem>> -> memref<72xi32, #tpu.memory_space<vmem>>
      %dma_start3A_452 = arith.constant 0 : i32
      %dma_start3A_453 = arith.constant 0 : i32
      %dma_start3A_454 = tpu.memref_slice %arg2[%dma_start3A_452, %dma_start3A_453] : memref<10000x128xf32, #tpu.memory_space<hbm>> -> memref<10000x128xf32, #tpu.memory_space<hbm>>
      tpu.enqueue_indirect_dma source(%dma_start3A_454 : memref<10000x128xf32, #tpu.memory_space<hbm>>) target(%arg14 : memref<72x128xf32, #tpu.memory_space<vmem>>) offsets(%dma_start3A_451 : memref<72xi32, #tpu.memory_space<vmem>>) semaphore(%arg18 : memref<!tpu.dma_semaphore, #tpu.memory_space<semaphore_mem>>)
      %add3A_455 = arith.constant 1 : i32
      %add3A_456 = arith.addi %add3A_376, %add3A_455 : i32
      %dma_wait3A_457 = arith.constant 0 : i32
      %dma_wait3A_458 = tpu.memref_slice %arg7[%dma_wait3A_457] : memref<10000xi32, #tpu.memory_space<vmem>> -> memref<72xi32, #tpu.memory_space<vmem>>
      %dma_wait3A_459 = arith.constant 0 : i32
      %dma_wait3A_460 = arith.constant 0 : i32
      %dma_wait3A_461 = tpu.memref_slice %arg2[%dma_wait3A_459, %dma_wait3A_460] : memref<10000x128xf32, #tpu.memory_space<hbm>> -> memref<10000x128xf32, #tpu.memory_space<hbm>>
      tpu.wait_indirect_dma semaphore(%arg17 : memref<!tpu.dma_semaphore, #tpu.memory_space<semaphore_mem>>) src(%dma_wait3A_461 : memref<10000x128xf32, #tpu.memory_space<hbm>>) dst(%arg13 : memref<72x128xf32, #tpu.memory_space<vmem>>)
      %dma_start3A_462 = arith.constant 0 : i32
      %dma_start3A_463 = arith.constant 0 : i32
      %dma_start3A_464 = tpu.memref_slice %arg16[%dma_start3A_462, %dma_start3A_463] : memref<10240x128xf32, #tpu.memory_space<vmem_shared>> -> memref<10240x128xf32, #tpu.memory_space<vmem_shared>>
      tpu.enqueue_indirect_dma source(%arg13 : memref<72x128xf32, #tpu.memory_space<vmem>>) target(%dma_start3A_464 : memref<10240x128xf32, #tpu.memory_space<vmem_shared>>) offsets(%arg9 : memref<72xi32, #tpu.memory_space<vmem>>) semaphore(%arg20 : memref<!tpu.dma_semaphore, #tpu.memory_space<semaphore_mem>>) {add = true}
      %dma_wait3A_465 = arith.constant 0 : i32
      %dma_wait3A_466 = arith.constant 0 : i32
      %dma_wait3A_467 = tpu.memref_slice %arg16[%dma_wait3A_465, %dma_wait3A_466] : memref<10240x128xf32, #tpu.memory_space<vmem_shared>> -> memref<10240x128xf32, #tpu.memory_space<vmem_shared>>
      tpu.wait_indirect_dma semaphore(%arg22 : memref<!tpu.dma_semaphore, #tpu.memory_space<semaphore_mem>>) src(%arg15 : memref<72x128xf32, #tpu.memory_space<vmem>>) dst(%dma_wait3A_467 : memref<10240x128xf32, #tpu.memory_space<vmem_shared>>)
      %add3A_468 = arith.constant 2 : i32
      %add3A_469 = arith.addi %add3A_456, %add3A_468 : i32
      %mul3A_470 = arith.constant 72 : i32
      %mul3A_471 = arith.muli %add3A_469, %mul3A_470 : i32
      %add3A_472 = arith.constant 0 : i32
      %add3A_473 = arith.addi %mul3A_471, %add3A_472 : i32
      %get3A_474 = arith.index_cast %add3A_473 : i32 to index
      %get3A_475 = tpu.vector_load %arg8[%get3A_474] {strides = array<i32>} : memref<10000xi32, #tpu.memory_space<vmem>>, vector<16xi32>,
      %get3A_476 = vector.shape_cast %get3A_475 : vector<16xi32> to vector<16xi32>
      %swap3A_477 = arith.constant 0 : index
      %swap3A_478 = tpu.vector_load %arg11[%swap3A_477] {strides = array<i32>} : memref<72xi32, #tpu.memory_space<vmem>>, vector<16xi32>,
      %swap3A_479 = vector.shape_cast %swap3A_478 : vector<16xi32> to vector<16xi32>
      %swap3A_480 = vector.shape_cast %get3A_476 : vector<16xi32> to vector<16xi32>
      tpu.vector_store %arg11[%swap3A_477], %swap3A_480 {strides = array<i32>} : memref<72xi32, #tpu.memory_space<vmem>>, vector<16xi32>,
      %mul3A_481 = arith.constant 72 : i32
      %mul3A_482 = arith.muli %add3A_469, %mul3A_481 : i32
      %add3A_483 = arith.constant 16 : i32
      %add3A_484 = arith.addi %mul3A_482, %add3A_483 : i32
      %get3A_485 = arith.index_cast %add3A_484 : i32 to index
      %get3A_486 = tpu.vector_load %arg8[%get3A_485] {strides = array<i32>} : memref<10000xi32, #tpu.memory_space<vmem>>, vector<16xi32>,
      %get3A_487 = vector.shape_cast %get3A_486 : vector<16xi32> to vector<16xi32>
      %swap3A_488 = arith.constant 16 : index
      %swap3A_489 = tpu.vector_load %arg11[%swap3A_488] {strides = array<i32>} : memref<72xi32, #tpu.memory_space<vmem>>, vector<16xi32>,
      %swap3A_490 = vector.shape_cast %swap3A_489 : vector<16xi32> to vector<16xi32>
      %swap3A_491 = vector.shape_cast %get3A_487 : vector<16xi32> to vector<16xi32>
      tpu.vector_store %arg11[%swap3A_488], %swap3A_491 {strides = array<i32>} : memref<72xi32, #tpu.memory_space<vmem>>, vector<16xi32>,
      %mul3A_492 = arith.constant 72 : i32
      %mul3A_493 = arith.muli %add3A_469, %mul3A_492 : i32
      %add3A_494 = arith.constant 32 : i32
      %add3A_495 = arith.addi %mul3A_493, %add3A_494 : i32
      %get3A_496 = arith.index_cast %add3A_495 : i32 to index
      %get3A_497 = tpu.vector_load %arg8[%get3A_496] {strides = array<i32>} : memref<10000xi32, #tpu.memory_space<vmem>>, vector<16xi32>,
      %get3A_498 = vector.shape_cast %get3A_497 : vector<16xi32> to vector<16xi32>
      %swap3A_499 = arith.constant 32 : index
      %swap3A_500 = tpu.vector_load %arg11[%swap3A_499] {strides = array<i32>} : memref<72xi32, #tpu.memory_space<vmem>>, vector<16xi32>,
      %swap3A_501 = vector.shape_cast %swap3A_500 : vector<16xi32> to vector<16xi32>
      %swap3A_502 = vector.shape_cast %get3A_498 : vector<16xi32> to vector<16xi32>
      tpu.vector_store %arg11[%swap3A_499], %swap3A_502 {strides = array<i32>} : memref<72xi32, #tpu.memory_space<vmem>>, vector<16xi32>,
      %mul3A_503 = arith.constant 72 : i32
      %mul3A_504 = arith.muli %add3A_469, %mul3A_503 : i32
      %add3A_505 = arith.constant 48 : i32
      %add3A_506 = arith.addi %mul3A_504, %add3A_505 : i32
      %get3A_507 = arith.index_cast %add3A_506 : i32 to index
      %get3A_508 = tpu.vector_load %arg8[%get3A_507] {strides = array<i32>} : memref<10000xi32, #tpu.memory_space<vmem>>, vector<16xi32>,
      %get3A_509 = vector.shape_cast %get3A_508 : vector<16xi32> to vector<16xi32>
      %swap3A_510 = arith.constant 48 : index
      %swap3A_511 = tpu.vector_load %arg11[%swap3A_510] {strides = array<i32>} : memref<72xi32, #tpu.memory_space<vmem>>, vector<16xi32>,
      %swap3A_512 = vector.shape_cast %swap3A_511 : vector<16xi32> to vector<16xi32>
      %swap3A_513 = vector.shape_cast %get3A_509 : vector<16xi32> to vector<16xi32>
      tpu.vector_store %arg11[%swap3A_510], %swap3A_513 {strides = array<i32>} : memref<72xi32, #tpu.memory_space<vmem>>, vector<16xi32>,
      %mul3A_514 = arith.constant 72 : i32
      %mul3A_515 = arith.muli %add3A_469, %mul3A_514 : i32
      %add3A_516 = arith.constant 56 : i32
      %add3A_517 = arith.addi %mul3A_515, %add3A_516 : i32
      %get3A_518 = arith.index_cast %add3A_517 : i32 to index
      %get3A_519 = tpu.vector_load %arg8[%get3A_518] {strides = array<i32>} : memref<10000xi32, #tpu.memory_space<vmem>>, vector<16xi32>,
      %get3A_520 = vector.shape_cast %get3A_519 : vector<16xi32> to vector<16xi32>
      %swap3A_521 = arith.constant 56 : index
      %swap3A_522 = tpu.vector_load %arg11[%swap3A_521] {strides = array<i32>} : memref<72xi32, #tpu.memory_space<vmem>>, vector<16xi32>,
      %swap3A_523 = vector.shape_cast %swap3A_522 : vector<16xi32> to vector<16xi32>
      %swap3A_524 = vector.shape_cast %get3A_520 : vector<16xi32> to vector<16xi32>
      tpu.vector_store %arg11[%swap3A_521], %swap3A_524 {strides = array<i32>} : memref<72xi32, #tpu.memory_space<vmem>>, vector<16xi32>,
      %add3A_525 = arith.constant 2 : i32
      %add3A_526 = arith.addi %add3A_456, %add3A_525 : i32
      %mul3A_527 = arith.constant 72 : i32
      %mul3A_528 = arith.muli %add3A_526, %mul3A_527 : i32
      %dma_start3A_529 = tpu.memref_slice %arg7[%mul3A_528] : memref<10000xi32, #tpu.memory_space<vmem>> -> memref<72xi32, #tpu.memory_space<vmem>>
      %dma_start3A_530 = arith.constant 0 : i32
      %dma_start3A_531 = arith.constant 0 : i32
      %dma_start3A_532 = tpu.memref_slice %arg2[%dma_start3A_530, %dma_start3A_531] : memref<10000x128xf32, #tpu.memory_space<hbm>> -> memref<10000x128xf32, #tpu.memory_space<hbm>>
      tpu.enqueue_indirect_dma source(%dma_start3A_532 : memref<10000x128xf32, #tpu.memory_space<hbm>>) target(%arg15 : memref<72x128xf32, #tpu.memory_space<vmem>>) offsets(%dma_start3A_529 : memref<72xi32, #tpu.memory_space<vmem>>) semaphore(%arg19 : memref<!tpu.dma_semaphore, #tpu.memory_space<semaphore_mem>>)
      %add3A_533 = arith.constant 2 : i32
      %add3A_534 = arith.addi %add3A_376, %add3A_533 : i32
      %dma_wait3A_535 = arith.constant 0 : i32
      %dma_wait3A_536 = tpu.memref_slice %arg7[%dma_wait3A_535] : memref<10000xi32, #tpu.memory_space<vmem>> -> memref<72xi32, #tpu.memory_space<vmem>>
      %dma_wait3A_537 = arith.constant 0 : i32
      %dma_wait3A_538 = arith.constant 0 : i32
      %dma_wait3A_539 = tpu.memref_slice %arg2[%dma_wait3A_537, %dma_wait3A_538] : memref<10000x128xf32, #tpu.memory_space<hbm>> -> memref<10000x128xf32, #tpu.memory_space<hbm>>
      tpu.wait_indirect_dma semaphore(%arg18 : memref<!tpu.dma_semaphore, #tpu.memory_space<semaphore_mem>>) src(%dma_wait3A_539 : memref<10000x128xf32, #tpu.memory_space<hbm>>) dst(%arg14 : memref<72x128xf32, #tpu.memory_space<vmem>>)
      %dma_start3A_540 = arith.constant 0 : i32
      %dma_start3A_541 = arith.constant 0 : i32
      %dma_start3A_542 = tpu.memref_slice %arg16[%dma_start3A_540, %dma_start3A_541] : memref<10240x128xf32, #tpu.memory_space<vmem_shared>> -> memref<10240x128xf32, #tpu.memory_space<vmem_shared>>
      tpu.enqueue_indirect_dma source(%arg14 : memref<72x128xf32, #tpu.memory_space<vmem>>) target(%dma_start3A_542 : memref<10240x128xf32, #tpu.memory_space<vmem_shared>>) offsets(%arg10 : memref<72xi32, #tpu.memory_space<vmem>>) semaphore(%arg21 : memref<!tpu.dma_semaphore, #tpu.memory_space<semaphore_mem>>) {add = true}
      %dma_wait3A_543 = arith.constant 0 : i32
      %dma_wait3A_544 = arith.constant 0 : i32
      %dma_wait3A_545 = tpu.memref_slice %arg16[%dma_wait3A_543, %dma_wait3A_544] : memref<10240x128xf32, #tpu.memory_space<vmem_shared>> -> memref<10240x128xf32, #tpu.memory_space<vmem_shared>>
      tpu.wait_indirect_dma semaphore(%arg20 : memref<!tpu.dma_semaphore, #tpu.memory_space<semaphore_mem>>) src(%arg13 : memref<72x128xf32, #tpu.memory_space<vmem>>) dst(%dma_wait3A_545 : memref<10240x128xf32, #tpu.memory_space<vmem_shared>>)
      %add3A_546 = arith.constant 2 : i32
      %add3A_547 = arith.addi %add3A_534, %add3A_546 : i32
      %mul3A_548 = arith.constant 72 : i32
      %mul3A_549 = arith.muli %add3A_547, %mul3A_548 : i32
      %add3A_550 = arith.constant 0 : i32
      %add3A_551 = arith.addi %mul3A_549, %add3A_550 : i32
      %get3A_552 = arith.index_cast %add3A_551 : i32 to index
      %get3A_553 = tpu.vector_load %arg8[%get3A_552] {strides = array<i32>} : memref<10000xi32, #tpu.memory_space<vmem>>, vector<16xi32>,
      %get3A_554 = vector.shape_cast %get3A_553 : vector<16xi32> to vector<16xi32>
      %swap3A_555 = arith.constant 0 : index
      %swap3A_556 = tpu.vector_load %arg9[%swap3A_555] {strides = array<i32>} : memref<72xi32, #tpu.memory_space<vmem>>, vector<16xi32>,
      %swap3A_557 = vector.shape_cast %swap3A_556 : vector<16xi32> to vector<16xi32>
      %swap3A_558 = vector.shape_cast %get3A_554 : vector<16xi32> to vector<16xi32>
      tpu.vector_store %arg9[%swap3A_555], %swap3A_558 {strides = array<i32>} : memref<72xi32, #tpu.memory_space<vmem>>, vector<16xi32>,
      %mul3A_559 = arith.constant 72 : i32
      %mul3A_560 = arith.muli %add3A_547, %mul3A_559 : i32
      %add3A_561 = arith.constant 16 : i32
      %add3A_562 = arith.addi %mul3A_560, %add3A_561 : i32
      %get3A_563 = arith.index_cast %add3A_562 : i32 to index
      %get3A_564 = tpu.vector_load %arg8[%get3A_563] {strides = array<i32>} : memref<10000xi32, #tpu.memory_space<vmem>>, vector<16xi32>,
      %get3A_565 = vector.shape_cast %get3A_564 : vector<16xi32> to vector<16xi32>
      %swap3A_566 = arith.constant 16 : index
      %swap3A_567 = tpu.vector_load %arg9[%swap3A_566] {strides = array<i32>} : memref<72xi32, #tpu.memory_space<vmem>>, vector<16xi32>,
      %swap3A_568 = vector.shape_cast %swap3A_567 : vector<16xi32> to vector<16xi32>
      %swap3A_569 = vector.shape_cast %get3A_565 : vector<16xi32> to vector<16xi32>
      tpu.vector_store %arg9[%swap3A_566], %swap3A_569 {strides = array<i32>} : memref<72xi32, #tpu.memory_space<vmem>>, vector<16xi32>,
      %mul3A_570 = arith.constant 72 : i32
      %mul3A_571 = arith.muli %add3A_547, %mul3A_570 : i32
      %add3A_572 = arith.constant 32 : i32
      %add3A_573 = arith.addi %mul3A_571, %add3A_572 : i32
      %get3A_574 = arith.index_cast %add3A_573 : i32 to index
      %get3A_575 = tpu.vector_load %arg8[%get3A_574] {strides = array<i32>} : memref<10000xi32, #tpu.memory_space<vmem>>, vector<16xi32>,
      %get3A_576 = vector.shape_cast %get3A_575 : vector<16xi32> to vector<16xi32>
      %swap3A_577 = arith.constant 32 : index
      %swap3A_578 = tpu.vector_load %arg9[%swap3A_577] {strides = array<i32>} : memref<72xi32, #tpu.memory_space<vmem>>, vector<16xi32>,
      %swap3A_579 = vector.shape_cast %swap3A_578 : vector<16xi32> to vector<16xi32>
      %swap3A_580 = vector.shape_cast %get3A_576 : vector<16xi32> to vector<16xi32>
      tpu.vector_store %arg9[%swap3A_577], %swap3A_580 {strides = array<i32>} : memref<72xi32, #tpu.memory_space<vmem>>, vector<16xi32>,
      %mul3A_581 = arith.constant 72 : i32
      %mul3A_582 = arith.muli %add3A_547, %mul3A_581 : i32
      %add3A_583 = arith.constant 48 : i32
      %add3A_584 = arith.addi %mul3A_582, %add3A_583 : i32
      %get3A_585 = arith.index_cast %add3A_584 : i32 to index
      %get3A_586 = tpu.vector_load %arg8[%get3A_585] {strides = array<i32>} : memref<10000xi32, #tpu.memory_space<vmem>>, vector<16xi32>,
      %get3A_587 = vector.shape_cast %get3A_586 : vector<16xi32> to vector<16xi32>
      %swap3A_588 = arith.constant 48 : index
      %swap3A_589 = tpu.vector_load %arg9[%swap3A_588] {strides = array<i32>} : memref<72xi32, #tpu.memory_space<vmem>>, vector<16xi32>,
      %swap3A_590 = vector.shape_cast %swap3A_589 : vector<16xi32> to vector<16xi32>
      %swap3A_591 = vector.shape_cast %get3A_587 : vector<16xi32> to vector<16xi32>
      tpu.vector_store %arg9[%swap3A_588], %swap3A_591 {strides = array<i32>} : memref<72xi32, #tpu.memory_space<vmem>>, vector<16xi32>,
      %mul3A_592 = arith.constant 72 : i32
      %mul3A_593 = arith.muli %add3A_547, %mul3A_592 : i32
      %add3A_594 = arith.constant 56 : i32
      %add3A_595 = arith.addi %mul3A_593, %add3A_594 : i32
      %get3A_596 = arith.index_cast %add3A_595 : i32 to index
      %get3A_597 = tpu.vector_load %arg8[%get3A_596] {strides = array<i32>} : memref<10000xi32, #tpu.memory_space<vmem>>, vector<16xi32>,
      %get3A_598 = vector.shape_cast %get3A_597 : vector<16xi32> to vector<16xi32>
      %swap3A_599 = arith.constant 56 : index
      %swap3A_600 = tpu.vector_load %arg9[%swap3A_599] {strides = array<i32>} : memref<72xi32, #tpu.memory_space<vmem>>, vector<16xi32>,
      %swap3A_601 = vector.shape_cast %swap3A_600 : vector<16xi32> to vector<16xi32>
      %swap3A_602 = vector.shape_cast %get3A_598 : vector<16xi32> to vector<16xi32>
      tpu.vector_store %arg9[%swap3A_599], %swap3A_602 {strides = array<i32>} : memref<72xi32, #tpu.memory_space<vmem>>, vector<16xi32>,
      %add3A_603 = arith.constant 2 : i32
      %add3A_604 = arith.addi %add3A_534, %add3A_603 : i32
      %mul3A_605 = arith.constant 72 : i32
      %mul3A_606 = arith.muli %add3A_604, %mul3A_605 : i32
      %dma_start3A_607 = tpu.memref_slice %arg7[%mul3A_606] : memref<10000xi32, #tpu.memory_space<vmem>> -> memref<72xi32, #tpu.memory_space<vmem>>
      %dma_start3A_608 = arith.constant 0 : i32
      %dma_start3A_609 = arith.constant 0 : i32
      %dma_start3A_610 = tpu.memref_slice %arg2[%dma_start3A_608, %dma_start3A_609] : memref<10000x128xf32, #tpu.memory_space<hbm>> -> memref<10000x128xf32, #tpu.memory_space<hbm>>
      tpu.enqueue_indirect_dma source(%dma_start3A_610 : memref<10000x128xf32, #tpu.memory_space<hbm>>) target(%arg13 : memref<72x128xf32, #tpu.memory_space<vmem>>) offsets(%dma_start3A_607 : memref<72xi32, #tpu.memory_space<vmem>>) semaphore(%arg17 : memref<!tpu.dma_semaphore, #tpu.memory_space<semaphore_mem>>)
    }
    %scan3A_184 = arith.constant 44 : i32
    %dma_wait3A_185 = arith.constant 0 : i32
    %dma_wait3A_186 = tpu.memref_slice %arg7[%dma_wait3A_185] : memref<10000xi32, #tpu.memory_space<vmem>> -> memref<72xi32, #tpu.memory_space<vmem>>
    %dma_wait3A_187 = arith.constant 0 : i32
    %dma_wait3A_188 = arith.constant 0 : i32
    %dma_wait3A_189 = tpu.memref_slice %arg2[%dma_wait3A_187, %dma_wait3A_188] : memref<10000x128xf32, #tpu.memory_space<hbm>> -> memref<10000x128xf32, #tpu.memory_space<hbm>>
    tpu.wait_indirect_dma semaphore(%arg19 : memref<!tpu.dma_semaphore, #tpu.memory_space<semaphore_mem>>) src(%dma_wait3A_189 : memref<10000x128xf32, #tpu.memory_space<hbm>>) dst(%arg15 : memref<72x128xf32, #tpu.memory_space<vmem>>)
    %dma_start3A_190 = arith.constant 0 : i32
    %dma_start3A_191 = arith.constant 0 : i32
    %dma_start3A_192 = tpu.memref_slice %arg16[%dma_start3A_190, %dma_start3A_191] : memref<10240x128xf32, #tpu.memory_space<vmem_shared>> -> memref<10240x128xf32, #tpu.memory_space<vmem_shared>>
    tpu.enqueue_indirect_dma source(%arg15 : memref<72x128xf32, #tpu.memory_space<vmem>>) target(%dma_start3A_192 : memref<10240x128xf32, #tpu.memory_space<vmem_shared>>) offsets(%arg11 : memref<72xi32, #tpu.memory_space<vmem>>) semaphore(%arg22 : memref<!tpu.dma_semaphore, #tpu.memory_space<semaphore_mem>>) {add = true}
    %dma_wait3A_193 = arith.constant 0 : i32
    %dma_wait3A_194 = arith.constant 0 : i32
    %dma_wait3A_195 = tpu.memref_slice %arg16[%dma_wait3A_193, %dma_wait3A_194] : memref<10240x128xf32, #tpu.memory_space<vmem_shared>> -> memref<10240x128xf32, #tpu.memory_space<vmem_shared>>
    tpu.wait_indirect_dma semaphore(%arg21 : memref<!tpu.dma_semaphore, #tpu.memory_space<semaphore_mem>>) src(%arg14 : memref<72x128xf32, #tpu.memory_space<vmem>>) dst(%dma_wait3A_195 : memref<10240x128xf32, #tpu.memory_space<vmem_shared>>)
    %get3A_196 = arith.constant 9792 : index
    %get3A_197 = tpu.vector_load %arg8[%get3A_196] {strides = array<i32>} : memref<10000xi32, #tpu.memory_space<vmem>>, vector<16xi32>,
    %get3A_198 = vector.shape_cast %get3A_197 : vector<16xi32> to vector<16xi32>
    %swap3A_199 = arith.constant 0 : index
    %swap3A_200 = tpu.vector_load %arg10[%swap3A_199] {strides = array<i32>} : memref<72xi32, #tpu.memory_space<vmem>>, vector<16xi32>,
    %swap3A_201 = vector.shape_cast %swap3A_200 : vector<16xi32> to vector<16xi32>
    %swap3A_202 = vector.shape_cast %get3A_198 : vector<16xi32> to vector<16xi32>
    tpu.vector_store %arg10[%swap3A_199], %swap3A_202 {strides = array<i32>} : memref<72xi32, #tpu.memory_space<vmem>>, vector<16xi32>,
    %get3A_203 = arith.constant 9808 : index
    %get3A_204 = tpu.vector_load %arg8[%get3A_203] {strides = array<i32>} : memref<10000xi32, #tpu.memory_space<vmem>>, vector<16xi32>,
    %get3A_205 = vector.shape_cast %get3A_204 : vector<16xi32> to vector<16xi32>
    %swap3A_206 = arith.constant 16 : index
    %swap3A_207 = tpu.vector_load %arg10[%swap3A_206] {strides = array<i32>} : memref<72xi32, #tpu.memory_space<vmem>>, vector<16xi32>,
    %swap3A_208 = vector.shape_cast %swap3A_207 : vector<16xi32> to vector<16xi32>
    %swap3A_209 = vector.shape_cast %get3A_205 : vector<16xi32> to vector<16xi32>
    tpu.vector_store %arg10[%swap3A_206], %swap3A_209 {strides = array<i32>} : memref<72xi32, #tpu.memory_space<vmem>>, vector<16xi32>,
    %get3A_210 = arith.constant 9824 : index
    %get3A_211 = tpu.vector_load %arg8[%get3A_210] {strides = array<i32>} : memref<10000xi32, #tpu.memory_space<vmem>>, vector<16xi32>,
    %get3A_212 = vector.shape_cast %get3A_211 : vector<16xi32> to vector<16xi32>
    %swap3A_213 = arith.constant 32 : index
    %swap3A_214 = tpu.vector_load %arg10[%swap3A_213] {strides = array<i32>} : memref<72xi32, #tpu.memory_space<vmem>>, vector<16xi32>,
    %swap3A_215 = vector.shape_cast %swap3A_214 : vector<16xi32> to vector<16xi32>
    %swap3A_216 = vector.shape_cast %get3A_212 : vector<16xi32> to vector<16xi32>
    tpu.vector_store %arg10[%swap3A_213], %swap3A_216 {strides = array<i32>} : memref<72xi32, #tpu.memory_space<vmem>>, vector<16xi32>,
    %get3A_217 = arith.constant 9840 : index
    %get3A_218 = tpu.vector_load %arg8[%get3A_217] {strides = array<i32>} : memref<10000xi32, #tpu.memory_space<vmem>>, vector<16xi32>,
    %get3A_219 = vector.shape_cast %get3A_218 : vector<16xi32> to vector<16xi32>
    %swap3A_220 = arith.constant 48 : index
    %swap3A_221 = tpu.vector_load %arg10[%swap3A_220] {strides = array<i32>} : memref<72xi32, #tpu.memory_space<vmem>>, vector<16xi32>,
    %swap3A_222 = vector.shape_cast %swap3A_221 : vector<16xi32> to vector<16xi32>
    %swap3A_223 = vector.shape_cast %get3A_219 : vector<16xi32> to vector<16xi32>
    tpu.vector_store %arg10[%swap3A_220], %swap3A_223 {strides = array<i32>} : memref<72xi32, #tpu.memory_space<vmem>>, vector<16xi32>,
    %get3A_224 = arith.constant 9848 : index
    %get3A_225 = tpu.vector_load %arg8[%get3A_224] {strides = array<i32>} : memref<10000xi32, #tpu.memory_space<vmem>>, vector<16xi32>,
    %get3A_226 = vector.shape_cast %get3A_225 : vector<16xi32> to vector<16xi32>
    %swap3A_227 = arith.constant 56 : index
    %swap3A_228 = tpu.vector_load %arg10[%swap3A_227] {strides = array<i32>} : memref<72xi32, #tpu.memory_space<vmem>>, vector<16xi32>,
    %swap3A_229 = vector.shape_cast %swap3A_228 : vector<16xi32> to vector<16xi32>
    %swap3A_230 = vector.shape_cast %get3A_226 : vector<16xi32> to vector<16xi32>
    tpu.vector_store %arg10[%swap3A_227], %swap3A_230 {strides = array<i32>} : memref<72xi32, #tpu.memory_space<vmem>>, vector<16xi32>,
    %dma_start3A_231 = arith.constant 9792 : i32
    %dma_start3A_232 = tpu.memref_slice %arg7[%dma_start3A_231] : memref<10000xi32, #tpu.memory_space<vmem>> -> memref<72xi32, #tpu.memory_space<vmem>>
    %dma_start3A_233 = arith.constant 0 : i32
    %dma_start3A_234 = arith.constant 0 : i32
    %dma_start3A_235 = tpu.memref_slice %arg2[%dma_start3A_233, %dma_start3A_234] : memref<10000x128xf32, #tpu.memory_space<hbm>> -> memref<10000x128xf32, #tpu.memory_space<hbm>>
    tpu.enqueue_indirect_dma source(%dma_start3A_235 : memref<10000x128xf32, #tpu.memory_space<hbm>>) target(%arg14 : memref<72x128xf32, #tpu.memory_space<vmem>>) offsets(%dma_start3A_232 : memref<72xi32, #tpu.memory_space<vmem>>) semaphore(%arg18 : memref<!tpu.dma_semaphore, #tpu.memory_space<semaphore_mem>>)
    %dma_wait3A_236 = arith.constant 0 : i32
    %dma_wait3A_237 = tpu.memref_slice %arg7[%dma_wait3A_236] : memref<10000xi32, #tpu.memory_space<vmem>> -> memref<72xi32, #tpu.memory_space<vmem>>
    %dma_wait3A_238 = arith.constant 0 : i32
    %dma_wait3A_239 = arith.constant 0 : i32
    %dma_wait3A_240 = tpu.memref_slice %arg2[%dma_wait3A_238, %dma_wait3A_239] : memref<10000x128xf32, #tpu.memory_space<hbm>> -> memref<10000x128xf32, #tpu.memory_space<hbm>>
    tpu.wait_indirect_dma semaphore(%arg17 : memref<!tpu.dma_semaphore, #tpu.memory_space<semaphore_mem>>) src(%dma_wait3A_240 : memref<10000x128xf32, #tpu.memory_space<hbm>>) dst(%arg13 : memref<72x128xf32, #tpu.memory_space<vmem>>)
    %dma_start3A_241 = arith.constant 0 : i32
    %dma_start3A_242 = arith.constant 0 : i32
    %dma_start3A_243 = tpu.memref_slice %arg16[%dma_start3A_241, %dma_start3A_242] : memref<10240x128xf32, #tpu.memory_space<vmem_shared>> -> memref<10240x128xf32, #tpu.memory_space<vmem_shared>>
    tpu.enqueue_indirect_dma source(%arg13 : memref<72x128xf32, #tpu.memory_space<vmem>>) target(%dma_start3A_243 : memref<10240x128xf32, #tpu.memory_space<vmem_shared>>) offsets(%arg9 : memref<72xi32, #tpu.memory_space<vmem>>) semaphore(%arg20 : memref<!tpu.dma_semaphore, #tpu.memory_space<semaphore_mem>>) {add = true}
    %dma_wait3A_244 = arith.constant 0 : i32
    %dma_wait3A_245 = arith.constant 0 : i32
    %dma_wait3A_246 = tpu.memref_slice %arg16[%dma_wait3A_244, %dma_wait3A_245] : memref<10240x128xf32, #tpu.memory_space<vmem_shared>> -> memref<10240x128xf32, #tpu.memory_space<vmem_shared>>
    tpu.wait_indirect_dma semaphore(%arg22 : memref<!tpu.dma_semaphore, #tpu.memory_space<semaphore_mem>>) src(%arg15 : memref<72x128xf32, #tpu.memory_space<vmem>>) dst(%dma_wait3A_246 : memref<10240x128xf32, #tpu.memory_space<vmem_shared>>)
    %get3A_247 = arith.constant 9864 : index
    %get3A_248 = tpu.vector_load %arg8[%get3A_247] {strides = array<i32>} : memref<10000xi32, #tpu.memory_space<vmem>>, vector<16xi32>,
    %get3A_249 = vector.shape_cast %get3A_248 : vector<16xi32> to vector<16xi32>
    %swap3A_250 = arith.constant 0 : index
    %swap3A_251 = tpu.vector_load %arg11[%swap3A_250] {strides = array<i32>} : memref<72xi32, #tpu.memory_space<vmem>>, vector<16xi32>,
    %swap3A_252 = vector.shape_cast %swap3A_251 : vector<16xi32> to vector<16xi32>
    %swap3A_253 = vector.shape_cast %get3A_249 : vector<16xi32> to vector<16xi32>
    tpu.vector_store %arg11[%swap3A_250], %swap3A_253 {strides = array<i32>} : memref<72xi32, #tpu.memory_space<vmem>>, vector<16xi32>,
    %get3A_254 = arith.constant 9880 : index
    %get3A_255 = tpu.vector_load %arg8[%get3A_254] {strides = array<i32>} : memref<10000xi32, #tpu.memory_space<vmem>>, vector<16xi32>,
    %get3A_256 = vector.shape_cast %get3A_255 : vector<16xi32> to vector<16xi32>
    %swap3A_257 = arith.constant 16 : index
    %swap3A_258 = tpu.vector_load %arg11[%swap3A_257] {strides = array<i32>} : memref<72xi32, #tpu.memory_space<vmem>>, vector<16xi32>,
    %swap3A_259 = vector.shape_cast %swap3A_258 : vector<16xi32> to vector<16xi32>
    %swap3A_260 = vector.shape_cast %get3A_256 : vector<16xi32> to vector<16xi32>
    tpu.vector_store %arg11[%swap3A_257], %swap3A_260 {strides = array<i32>} : memref<72xi32, #tpu.memory_space<vmem>>, vector<16xi32>,
    %get3A_261 = arith.constant 9896 : index
    %get3A_262 = tpu.vector_load %arg8[%get3A_261] {strides = array<i32>} : memref<10000xi32, #tpu.memory_space<vmem>>, vector<16xi32>,
    %get3A_263 = vector.shape_cast %get3A_262 : vector<16xi32> to vector<16xi32>
    %swap3A_264 = arith.constant 32 : index
    %swap3A_265 = tpu.vector_load %arg11[%swap3A_264] {strides = array<i32>} : memref<72xi32, #tpu.memory_space<vmem>>, vector<16xi32>,
    %swap3A_266 = vector.shape_cast %swap3A_265 : vector<16xi32> to vector<16xi32>
    %swap3A_267 = vector.shape_cast %get3A_263 : vector<16xi32> to vector<16xi32>
    tpu.vector_store %arg11[%swap3A_264], %swap3A_267 {strides = array<i32>} : memref<72xi32, #tpu.memory_space<vmem>>, vector<16xi32>,
    %get3A_268 = arith.constant 9912 : index
    %get3A_269 = tpu.vector_load %arg8[%get3A_268] {strides = array<i32>} : memref<10000xi32, #tpu.memory_space<vmem>>, vector<16xi32>,
    %get3A_270 = vector.shape_cast %get3A_269 : vector<16xi32> to vector<16xi32>
    %swap3A_271 = arith.constant 48 : index
    %swap3A_272 = tpu.vector_load %arg11[%swap3A_271] {strides = array<i32>} : memref<72xi32, #tpu.memory_space<vmem>>, vector<16xi32>,
    %swap3A_273 = vector.shape_cast %swap3A_272 : vector<16xi32> to vector<16xi32>
    %swap3A_274 = vector.shape_cast %get3A_270 : vector<16xi32> to vector<16xi32>
    tpu.vector_store %arg11[%swap3A_271], %swap3A_274 {strides = array<i32>} : memref<72xi32, #tpu.memory_space<vmem>>, vector<16xi32>,
    %get3A_275 = arith.constant 9920 : index
    %get3A_276 = tpu.vector_load %arg8[%get3A_275] {strides = array<i32>} : memref<10000xi32, #tpu.memory_space<vmem>>, vector<16xi32>,
    %get3A_277 = vector.shape_cast %get3A_276 : vector<16xi32> to vector<16xi32>
    %swap3A_278 = arith.constant 56 : index
    %swap3A_279 = tpu.vector_load %arg11[%swap3A_278] {strides = array<i32>} : memref<72xi32, #tpu.memory_space<vmem>>, vector<16xi32>,
    %swap3A_280 = vector.shape_cast %swap3A_279 : vector<16xi32> to vector<16xi32>
    %swap3A_281 = vector.shape_cast %get3A_277 : vector<16xi32> to vector<16xi32>
    tpu.vector_store %arg11[%swap3A_278], %swap3A_281 {strides = array<i32>} : memref<72xi32, #tpu.memory_space<vmem>>, vector<16xi32>,
    %dma_start3A_282 = arith.constant 9864 : i32
    %dma_start3A_283 = tpu.memref_slice %arg7[%dma_start3A_282] : memref<10000xi32, #tpu.memory_space<vmem>> -> memref<72xi32, #tpu.memory_space<vmem>>
    %dma_start3A_284 = arith.constant 0 : i32
    %dma_start3A_285 = arith.constant 0 : i32
    %dma_start3A_286 = tpu.memref_slice %arg2[%dma_start3A_284, %dma_start3A_285] : memref<10000x128xf32, #tpu.memory_space<hbm>> -> memref<10000x128xf32, #tpu.memory_space<hbm>>
    tpu.enqueue_indirect_dma source(%dma_start3A_286 : memref<10000x128xf32, #tpu.memory_space<hbm>>) target(%arg15 : memref<72x128xf32, #tpu.memory_space<vmem>>) offsets(%dma_start3A_283 : memref<72xi32, #tpu.memory_space<vmem>>) semaphore(%arg19 : memref<!tpu.dma_semaphore, #tpu.memory_space<semaphore_mem>>)
    %dma_wait3A_287 = arith.constant 0 : i32
    %dma_wait3A_288 = tpu.memref_slice %arg7[%dma_wait3A_287] : memref<10000xi32, #tpu.memory_space<vmem>> -> memref<72xi32, #tpu.memory_space<vmem>>
    %dma_wait3A_289 = arith.constant 0 : i32
    %dma_wait3A_290 = arith.constant 0 : i32
    %dma_wait3A_291 = tpu.memref_slice %arg2[%dma_wait3A_289, %dma_wait3A_290] : memref<10000x128xf32, #tpu.memory_space<hbm>> -> memref<10000x128xf32, #tpu.memory_space<hbm>>
    tpu.wait_indirect_dma semaphore(%arg18 : memref<!tpu.dma_semaphore, #tpu.memory_space<semaphore_mem>>) src(%dma_wait3A_291 : memref<10000x128xf32, #tpu.memory_space<hbm>>) dst(%arg14 : memref<72x128xf32, #tpu.memory_space<vmem>>)
    %dma_start3A_292 = arith.constant 0 : i32
    %dma_start3A_293 = arith.constant 0 : i32
    %dma_start3A_294 = tpu.memref_slice %arg16[%dma_start3A_292, %dma_start3A_293] : memref<10240x128xf32, #tpu.memory_space<vmem_shared>> -> memref<10240x128xf32, #tpu.memory_space<vmem_shared>>
    tpu.enqueue_indirect_dma source(%arg14 : memref<72x128xf32, #tpu.memory_space<vmem>>) target(%dma_start3A_294 : memref<10240x128xf32, #tpu.memory_space<vmem_shared>>) offsets(%arg10 : memref<72xi32, #tpu.memory_space<vmem>>) semaphore(%arg21 : memref<!tpu.dma_semaphore, #tpu.memory_space<semaphore_mem>>) {add = true}
    %dma_wait3A_295 = arith.constant 0 : i32
    %dma_wait3A_296 = arith.constant 0 : i32
    %dma_wait3A_297 = tpu.memref_slice %arg16[%dma_wait3A_295, %dma_wait3A_296] : memref<10240x128xf32, #tpu.memory_space<vmem_shared>> -> memref<10240x128xf32, #tpu.memory_space<vmem_shared>>
    tpu.wait_indirect_dma semaphore(%arg20 : memref<!tpu.dma_semaphore, #tpu.memory_space<semaphore_mem>>) src(%arg13 : memref<72x128xf32, #tpu.memory_space<vmem>>) dst(%dma_wait3A_297 : memref<10240x128xf32, #tpu.memory_space<vmem_shared>>)
    %dma_wait3A_298 = arith.constant 0 : i32
    %dma_wait3A_299 = tpu.memref_slice %arg7[%dma_wait3A_298] : memref<10000xi32, #tpu.memory_space<vmem>> -> memref<72xi32, #tpu.memory_space<vmem>>
    %dma_wait3A_300 = arith.constant 0 : i32
    %dma_wait3A_301 = arith.constant 0 : i32
    %dma_wait3A_302 = tpu.memref_slice %arg2[%dma_wait3A_300, %dma_wait3A_301] : memref<10000x128xf32, #tpu.memory_space<hbm>> -> memref<10000x128xf32, #tpu.memory_space<hbm>>
    tpu.wait_indirect_dma semaphore(%arg19 : memref<!tpu.dma_semaphore, #tpu.memory_space<semaphore_mem>>) src(%dma_wait3A_302 : memref<10000x128xf32, #tpu.memory_space<hbm>>) dst(%arg15 : memref<72x128xf32, #tpu.memory_space<vmem>>)
    %dma_start3A_303 = arith.constant 0 : i32
    %dma_start3A_304 = arith.constant 0 : i32
    %dma_start3A_305 = tpu.memref_slice %arg16[%dma_start3A_303, %dma_start3A_304] : memref<10240x128xf32, #tpu.memory_space<vmem_shared>> -> memref<10240x128xf32, #tpu.memory_space<vmem_shared>>
    tpu.enqueue_indirect_dma source(%arg15 : memref<72x128xf32, #tpu.memory_space<vmem>>) target(%dma_start3A_305 : memref<10240x128xf32, #tpu.memory_space<vmem_shared>>) offsets(%arg11 : memref<72xi32, #tpu.memory_space<vmem>>) semaphore(%arg22 : memref<!tpu.dma_semaphore, #tpu.memory_space<semaphore_mem>>) {add = true}
    %dma_wait3A_306 = arith.constant 0 : i32
    %dma_wait3A_307 = arith.constant 0 : i32
    %dma_wait3A_308 = tpu.memref_slice %arg16[%dma_wait3A_306, %dma_wait3A_307] : memref<10240x128xf32, #tpu.memory_space<vmem_shared>> -> memref<10240x128xf32, #tpu.memory_space<vmem_shared>>
    tpu.wait_indirect_dma semaphore(%arg21 : memref<!tpu.dma_semaphore, #tpu.memory_space<semaphore_mem>>) src(%arg14 : memref<72x128xf32, #tpu.memory_space<vmem>>) dst(%dma_wait3A_308 : memref<10240x128xf32, #tpu.memory_space<vmem_shared>>)
    %dma_wait3A_309 = arith.constant 0 : i32
    %dma_wait3A_310 = arith.constant 0 : i32
    %dma_wait3A_311 = tpu.memref_slice %arg16[%dma_wait3A_309, %dma_wait3A_310] : memref<10240x128xf32, #tpu.memory_space<vmem_shared>> -> memref<10240x128xf32, #tpu.memory_space<vmem_shared>>
    tpu.wait_indirect_dma semaphore(%arg22 : memref<!tpu.dma_semaphore, #tpu.memory_space<semaphore_mem>>) src(%arg15 : memref<72x128xf32, #tpu.memory_space<vmem>>) dst(%dma_wait3A_311 : memref<10240x128xf32, #tpu.memory_space<vmem_shared>>)
    %get3A_312 = arith.constant 9936 : index
    %get3A_313 = tpu.vector_load %arg8[%get3A_312] {strides = array<i32>} : memref<10000xi32, #tpu.memory_space<vmem>>, vector<16xi32>,
    %get3A_314 = vector.shape_cast %get3A_313 : vector<16xi32> to vector<16xi32>
    %swap3A_315 = arith.constant 0 : index
    %swap3A_316 = tpu.vector_load %arg12[%swap3A_315] {strides = array<i32>} : memref<64xi32, #tpu.memory_space<vmem>>, vector<16xi32>,
    %swap3A_317 = vector.shape_cast %swap3A_316 : vector<16xi32> to vector<16xi32>
    %swap3A_318 = vector.shape_cast %get3A_314 : vector<16xi32> to vector<16xi32>
    tpu.vector_store %arg12[%swap3A_315], %swap3A_318 {strides = array<i32>} : memref<64xi32, #tpu.memory_space<vmem>>, vector<16xi32>,
    %get3A_319 = arith.constant 9952 : index
    %get3A_320 = tpu.vector_load %arg8[%get3A_319] {strides = array<i32>} : memref<10000xi32, #tpu.memory_space<vmem>>, vector<16xi32>,
    %get3A_321 = vector.shape_cast %get3A_320 : vector<16xi32> to vector<16xi32>
    %swap3A_322 = arith.constant 16 : index
    %swap3A_323 = tpu.vector_load %arg12[%swap3A_322] {strides = array<i32>} : memref<64xi32, #tpu.memory_space<vmem>>, vector<16xi32>,
    %swap3A_324 = vector.shape_cast %swap3A_323 : vector<16xi32> to vector<16xi32>
    %swap3A_325 = vector.shape_cast %get3A_321 : vector<16xi32> to vector<16xi32>
    tpu.vector_store %arg12[%swap3A_322], %swap3A_325 {strides = array<i32>} : memref<64xi32, #tpu.memory_space<vmem>>, vector<16xi32>,
    %get3A_326 = arith.constant 9968 : index
    %get3A_327 = tpu.vector_load %arg8[%get3A_326] {strides = array<i32>} : memref<10000xi32, #tpu.memory_space<vmem>>, vector<16xi32>,
    %get3A_328 = vector.shape_cast %get3A_327 : vector<16xi32> to vector<16xi32>
    %swap3A_329 = arith.constant 32 : index
    %swap3A_330 = tpu.vector_load %arg12[%swap3A_329] {strides = array<i32>} : memref<64xi32, #tpu.memory_space<vmem>>, vector<16xi32>,
    %swap3A_331 = vector.shape_cast %swap3A_330 : vector<16xi32> to vector<16xi32>
    %swap3A_332 = vector.shape_cast %get3A_328 : vector<16xi32> to vector<16xi32>
    tpu.vector_store %arg12[%swap3A_329], %swap3A_332 {strides = array<i32>} : memref<64xi32, #tpu.memory_space<vmem>>, vector<16xi32>,
    %get3A_333 = arith.constant 9984 : index
    %get3A_334 = tpu.vector_load %arg8[%get3A_333] {strides = array<i32>} : memref<10000xi32, #tpu.memory_space<vmem>>, vector<16xi32>,
    %get3A_335 = vector.shape_cast %get3A_334 : vector<16xi32> to vector<16xi32>
    %swap3A_336 = arith.constant 48 : index
    %swap3A_337 = tpu.vector_load %arg12[%swap3A_336] {strides = array<i32>} : memref<64xi32, #tpu.memory_space<vmem>>, vector<16xi32>,
    %swap3A_338 = vector.shape_cast %swap3A_337 : vector<16xi32> to vector<16xi32>
    %swap3A_339 = vector.shape_cast %get3A_335 : vector<16xi32> to vector<16xi32>
    tpu.vector_store %arg12[%swap3A_336], %swap3A_339 {strides = array<i32>} : memref<64xi32, #tpu.memory_space<vmem>>, vector<16xi32>,
    %dma_start3A_340 = arith.constant 0 : i32
    %dma_start3A_341 = arith.constant 0 : i32
    %dma_start3A_342 = tpu.memref_slice %arg13[%dma_start3A_340, %dma_start3A_341] : memref<72x128xf32, #tpu.memory_space<vmem>> -> memref<64x128xf32, #tpu.memory_space<vmem>>
    %dma_start3A_343 = arith.constant 9936 : i32
    %dma_start3A_344 = tpu.memref_slice %arg7[%dma_start3A_343] : memref<10000xi32, #tpu.memory_space<vmem>> -> memref<64xi32, #tpu.memory_space<vmem>>
    %dma_start3A_345 = arith.constant 0 : i32
    %dma_start3A_346 = arith.constant 0 : i32
    %dma_start3A_347 = tpu.memref_slice %arg2[%dma_start3A_345, %dma_start3A_346] : memref<10000x128xf32, #tpu.memory_space<hbm>> -> memref<10000x128xf32, #tpu.memory_space<hbm>>
    tpu.enqueue_indirect_dma source(%dma_start3A_347 : memref<10000x128xf32, #tpu.memory_space<hbm>>) target(%dma_start3A_342 : memref<64x128xf32, #tpu.memory_space<vmem>>) offsets(%dma_start3A_344 : memref<64xi32, #tpu.memory_space<vmem>>) semaphore(%arg17 : memref<!tpu.dma_semaphore, #tpu.memory_space<semaphore_mem>>)
    %dma_wait3A_348 = arith.constant 0 : i32
    %dma_wait3A_349 = arith.constant 0 : i32
    %dma_wait3A_350 = tpu.memref_slice %arg13[%dma_wait3A_348, %dma_wait3A_349] : memref<72x128xf32, #tpu.memory_space<vmem>> -> memref<64x128xf32, #tpu.memory_space<vmem>>
    %dma_wait3A_351 = arith.constant 0 : i32
    %dma_wait3A_352 = tpu.memref_slice %arg7[%dma_wait3A_351] : memref<10000xi32, #tpu.memory_space<vmem>> -> memref<64xi32, #tpu.memory_space<vmem>>
    %dma_wait3A_353 = arith.constant 0 : i32
    %dma_wait3A_354 = arith.constant 0 : i32
    %dma_wait3A_355 = tpu.memref_slice %arg2[%dma_wait3A_353, %dma_wait3A_354] : memref<10000x128xf32, #tpu.memory_space<hbm>> -> memref<10000x128xf32, #tpu.memory_space<hbm>>
    tpu.wait_indirect_dma semaphore(%arg17 : memref<!tpu.dma_semaphore, #tpu.memory_space<semaphore_mem>>) src(%dma_wait3A_355 : memref<10000x128xf32, #tpu.memory_space<hbm>>) dst(%dma_wait3A_350 : memref<64x128xf32, #tpu.memory_space<vmem>>)
    %dma_start3A_356 = arith.constant 0 : i32
    %dma_start3A_357 = arith.constant 0 : i32
    %dma_start3A_358 = tpu.memref_slice %arg13[%dma_start3A_356, %dma_start3A_357] : memref<72x128xf32, #tpu.memory_space<vmem>> -> memref<64x128xf32, #tpu.memory_space<vmem>>
    %dma_start3A_359 = arith.constant 0 : i32
    %dma_start3A_360 = arith.constant 0 : i32
    %dma_start3A_361 = tpu.memref_slice %arg16[%dma_start3A_359, %dma_start3A_360] : memref<10240x128xf32, #tpu.memory_space<vmem_shared>> -> memref<10240x128xf32, #tpu.memory_space<vmem_shared>>
    tpu.enqueue_indirect_dma source(%dma_start3A_358 : memref<64x128xf32, #tpu.memory_space<vmem>>) target(%dma_start3A_361 : memref<10240x128xf32, #tpu.memory_space<vmem_shared>>) offsets(%arg12 : memref<64xi32, #tpu.memory_space<vmem>>) semaphore(%arg20 : memref<!tpu.dma_semaphore, #tpu.memory_space<semaphore_mem>>) {add = true}
    %dma_wait3A_362 = arith.constant 0 : i32
    %dma_wait3A_363 = arith.constant 0 : i32
    %dma_wait3A_364 = tpu.memref_slice %arg13[%dma_wait3A_362, %dma_wait3A_363] : memref<72x128xf32, #tpu.memory_space<vmem>> -> memref<64x128xf32, #tpu.memory_space<vmem>>
    %dma_wait3A_365 = arith.constant 0 : i32
    %dma_wait3A_366 = arith.constant 0 : i32
    %dma_wait3A_367 = tpu.memref_slice %arg16[%dma_wait3A_365, %dma_wait3A_366] : memref<10240x128xf32, #tpu.memory_space<vmem_shared>> -> memref<10240x128xf32, #tpu.memory_space<vmem_shared>>
    tpu.wait_indirect_dma semaphore(%arg20 : memref<!tpu.dma_semaphore, #tpu.memory_space<semaphore_mem>>) src(%dma_wait3A_364 : memref<64x128xf32, #tpu.memory_space<vmem>>) dst(%dma_wait3A_367 : memref<10240x128xf32, #tpu.memory_space<vmem_shared>>)
    %barrier3A_368 = arith.constant 0 : index
    tpu.barrier barrier_id(%barrier3A_368)
    %mul3A_369 = arith.constant 10240 : i32
    %mul3A_370 = arith.muli %arg0, %mul3A_369 : i32
    %add3A_371 = arith.addi %mul3A_370, %mul3A_0 : i32
    "tpu.region"() ({
      %run_scoped3A = tpu.sem_alloc : memref<!tpu.dma_semaphore, #tpu.memory_space<semaphore_mem>>
      %dma_start3A_372 = arith.constant 0 : i32
      %dma_start3A_373 = tpu.memref_slice %arg6[%add3A_371, %dma_start3A_372] : memref<20480x128xf32, #tpu.memory_space<hbm>> -> memref<640x128xf32, #tpu.memory_space<hbm>>
      %dma_start3A_374 = arith.constant 0 : i32
      %dma_start3A_375 = tpu.memref_slice %arg16[%mul3A_0, %dma_start3A_374] : memref<10240x128xf32, #tpu.memory_space<vmem_shared>> -> memref<640x128xf32, #tpu.memory_space<vmem_shared>>
      tpu.enqueue_dma source(%dma_start3A_375 : memref<640x128xf32, #tpu.memory_space<vmem_shared>>) target(%dma_start3A_373 : memref<640x128xf32, #tpu.memory_space<hbm>>) target_semaphore(%run_scoped3A : memref<!tpu.dma_semaphore, #tpu.memory_space<semaphore_mem>>)
      %dma_wait3A_376 = arith.constant 0 : i32
      %dma_wait3A_377 = tpu.memref_slice %arg6[%add3A_371, %dma_wait3A_376] : memref<20480x128xf32, #tpu.memory_space<hbm>> -> memref<640x128xf32, #tpu.memory_space<hbm>>
      %dma_wait3A_378 = arith.constant 0 : i32
      %dma_wait3A_379 = tpu.memref_slice %arg16[%mul3A_0, %dma_wait3A_378] : memref<10240x128xf32, #tpu.memory_space<vmem_shared>> -> memref<640x128xf32, #tpu.memory_space<vmem_shared>>
      tpu.wait_dma2 semaphore(%run_scoped3A : memref<!tpu.dma_semaphore, #tpu.memory_space<semaphore_mem>>) src(%dma_wait3A_379 : memref<640x128xf32, #tpu.memory_space<vmem_shared>>) dst(%dma_wait3A_377 : memref<640x128xf32, #tpu.memory_space<hbm>>)
      tpu.yield
    }) : () -> ()
    return
  }
}

module attributes {stable_mosaic.version = 14 : i64} {
  func.func @_dense_layer_body(%arg0: memref<10240x128xf32, #tpu.memory_space<vmem>>, %arg1: memref<20480x128xf32, #tpu.memory_space<vmem>>, %arg2: memref<10000x1xf32, #tpu.memory_space<vmem>>, %arg3: memref<128x128xf32, #tpu.memory_space<vmem>>, %arg4: memref<128x128xf32, #tpu.memory_space<vmem>>, %arg5: memref<1x128xf32, #tpu.memory_space<vmem>>, %arg6: memref<1x128xf32, #tpu.memory_space<vmem>>, %arg7: memref<1x128xf32, #tpu.memory_space<vmem>>, %arg8: memref<1x128xf32, #tpu.memory_space<vmem>>, %arg9: memref<10000x128xf32, #tpu.memory_space<vmem>>) attributes {dimension_semantics = [], scalar_prefetch = 0 : i64, scratch_operands = 0 : i64, tpu.core_type = #tpu.core_type<tc>} {
    %get3A = arith.constant 0 : index
    %get3A_0 = arith.constant 0 : index
    %get3A_1 = vector.load %arg0[%get3A, %get3A_0] : memref<10240x128xf32, #tpu.memory_space<vmem>>, vector<10240x128xf32>
    %slice3A = vector.extract_strided_slice %get3A_1 {offsets = [0, 0], sizes = [10000, 128], strides = [1, 1]} : vector<10240x128xf32> to vector<10000x128xf32>
    %get3A_2 = arith.constant 0 : index
    %get3A_3 = arith.constant 0 : index
    %get3A_4 = vector.load %arg1[%get3A_2, %get3A_3] : memref<20480x128xf32, #tpu.memory_space<vmem>>, vector<20480x128xf32>
    %slice3A_5 = vector.extract_strided_slice %get3A_4 {offsets = [0, 0], sizes = [10000, 128], strides = [1, 1]} : vector<20480x128xf32> to vector<10000x128xf32>
    %slice3A_6 = vector.extract_strided_slice %get3A_4 {offsets = [10240, 0], sizes = [10000, 128], strides = [1, 1]} : vector<20480x128xf32> to vector<10000x128xf32>
    %add3A = arith.addf %slice3A_5, %slice3A_6 : vector<10000x128xf32>
    %get3A_7 = arith.constant 0 : index
    %get3A_8 = arith.constant 0 : index
    %get3A_9 = vector.load %arg2[%get3A_7, %get3A_8] : memref<10000x1xf32, #tpu.memory_space<vmem>>, vector<10000x1xf32>
    %max3A = arith.constant 1.000000e+00 : f32
    %max3A_10 = vector.broadcast %max3A : f32 to vector<10000x1xf32>
    %max3A_11 = arith.maximumf %get3A_9, %max3A_10 : vector<10000x1xf32>
    %div3A = arith.constant 1.000000e+00 : f32
    %div3A_12 = vector.broadcast %div3A : f32 to vector<10000x1xf32>
    %div3A_13 = arith.divf %div3A_12, %max3A_11 : vector<10000x1xf32>
    %mul3A = vector.broadcast %div3A_13 : vector<10000x1xf32> to vector<10000x128xf32>
    %mul3A_14 = arith.mulf %add3A, %mul3A : vector<10000x128xf32>
    %get3A_15 = arith.constant 0 : index
    %get3A_16 = arith.constant 0 : index
    %get3A_17 = vector.load %arg3[%get3A_15, %get3A_16] : memref<128x128xf32, #tpu.memory_space<vmem>>, vector<128x128xf32>
    %dot_general3A = arith.constant dense<0.000000e+00> : vector<10000x128xf32>
    %dot_general3A_18 = tpu.matmul %slice3A, %get3A_17, %dot_general3A {dimension_numbers = #tpu.dot_dimension_numbers<[1], [0], [0], [1], [0, 0, 1, 1], [], []>, transpose_lhs_hint = false} : vector<10000x128xf32>, vector<128x128xf32>, vector<10000x128xf32> -> vector<10000x128xf32>
    %get3A_19 = arith.constant 0 : index
    %get3A_20 = arith.constant 0 : index
    %get3A_21 = vector.load %arg4[%get3A_19, %get3A_20] : memref<128x128xf32, #tpu.memory_space<vmem>>, vector<128x128xf32>
    %dot_general3A_22 = arith.constant dense<0.000000e+00> : vector<10000x128xf32>
    %dot_general3A_23 = tpu.matmul %mul3A_14, %get3A_21, %dot_general3A_22 {dimension_numbers = #tpu.dot_dimension_numbers<[1], [0], [0], [1], [0, 0, 1, 1], [], []>, transpose_lhs_hint = false} : vector<10000x128xf32>, vector<128x128xf32>, vector<10000x128xf32> -> vector<10000x128xf32>
    %add3A_24 = arith.addf %dot_general3A_18, %dot_general3A_23 : vector<10000x128xf32>
    %get3A_25 = arith.constant 0 : index
    %get3A_26 = arith.constant 0 : index
    %get3A_27 = vector.load %arg5[%get3A_25, %get3A_26] : memref<1x128xf32, #tpu.memory_space<vmem>>, vector<1x128xf32>
    %add3A_28 = vector.broadcast %get3A_27 : vector<1x128xf32> to vector<10000x128xf32>
    %add3A_29 = arith.addf %add3A_24, %add3A_28 : vector<10000x128xf32>
    %reduce_sum3A = arith.constant dense<0.000000e+00> : vector<128xf32>
    %reduce_sum3A_30 = vector.multi_reduction <add>, %add3A_29, %reduce_sum3A [0] : vector<10000x128xf32> to vector<128xf32>
    %broadcast_in_dim3A = vector.shape_cast %reduce_sum3A_30 : vector<128xf32> to vector<1x128xf32>
    %div3A_31 = arith.constant 1.000000e+04 : f32
    %div3A_32 = vector.broadcast %div3A_31 : f32 to vector<1x128xf32>
    %div3A_33 = arith.divf %broadcast_in_dim3A, %div3A_32 : vector<1x128xf32>
    %get3A_34 = arith.constant 0 : index
    %get3A_35 = arith.constant 0 : index
    %get3A_36 = vector.load %arg8[%get3A_34, %get3A_35] : memref<1x128xf32, #tpu.memory_space<vmem>>, vector<1x128xf32>
    %mul3A_37 = arith.mulf %get3A_36, %div3A_33 : vector<1x128xf32>
    %sub3A = vector.broadcast %mul3A_37 : vector<1x128xf32> to vector<10000x128xf32>
    %sub3A_38 = arith.subf %add3A_29, %sub3A : vector<10000x128xf32>
    %mul3A_39 = arith.mulf %sub3A_38, %sub3A_38 : vector<10000x128xf32>
    %reduce_sum3A_40 = arith.constant dense<0.000000e+00> : vector<128xf32>
    %reduce_sum3A_41 = vector.multi_reduction <add>, %mul3A_39, %reduce_sum3A_40 [0] : vector<10000x128xf32> to vector<128xf32>
    %broadcast_in_dim3A_42 = vector.shape_cast %reduce_sum3A_41 : vector<128xf32> to vector<1x128xf32>
    %div3A_43 = arith.constant 1.000000e+04 : f32
    %div3A_44 = vector.broadcast %div3A_43 : f32 to vector<1x128xf32>
    %div3A_45 = arith.divf %broadcast_in_dim3A_42, %div3A_44 : vector<1x128xf32>
    %get3A_46 = arith.constant 0 : index
    %get3A_47 = arith.constant 0 : index
    %get3A_48 = vector.load %arg6[%get3A_46, %get3A_47] : memref<1x128xf32, #tpu.memory_space<vmem>>, vector<1x128xf32>
    %mul3A_49 = vector.broadcast %get3A_48 : vector<1x128xf32> to vector<10000x128xf32>
    %mul3A_50 = arith.mulf %mul3A_49, %sub3A_38 : vector<10000x128xf32>
    %add3A_51 = arith.constant 9.99999974E-6 : f32
    %add3A_52 = vector.broadcast %add3A_51 : f32 to vector<1x128xf32>
    %add3A_53 = arith.addf %div3A_45, %add3A_52 : vector<1x128xf32>
    %rsqrt3A = math.rsqrt %add3A_53 : vector<1x128xf32>
    %mul3A_54 = vector.broadcast %rsqrt3A : vector<1x128xf32> to vector<10000x128xf32>
    %mul3A_55 = arith.mulf %mul3A_50, %mul3A_54 : vector<10000x128xf32>
    %get3A_56 = arith.constant 0 : index
    %get3A_57 = arith.constant 0 : index
    %get3A_58 = vector.load %arg7[%get3A_56, %get3A_57] : memref<1x128xf32, #tpu.memory_space<vmem>>, vector<1x128xf32>
    %add3A_59 = vector.broadcast %get3A_58 : vector<1x128xf32> to vector<10000x128xf32>
    %add3A_60 = arith.addf %mul3A_55, %add3A_59 : vector<10000x128xf32>
    %max3A_61 = arith.constant 0.000000e+00 : f32
    %max3A_62 = vector.broadcast %max3A_61 : f32 to vector<10000x128xf32>
    %max3A_63 = arith.maximumf %add3A_60, %max3A_62 : vector<10000x128xf32>
    %swap3A = arith.constant 0 : index
    %swap3A_64 = arith.constant 0 : index
    %swap3A_65 = vector.load %arg9[%swap3A, %swap3A_64] : memref<10000x128xf32, #tpu.memory_space<vmem>>, vector<10000x128xf32>
    tpu.vector_store %arg9[%swap3A, %swap3A_64], %max3A_63 {strides = array<i32>} : memref<10000x128xf32, #tpu.memory_space<vmem>>, vector<10000x128xf32>,
    return
  }
}

module attributes {stable_mosaic.version = 14 : i64} {
  func.func @_dense_layer_body(%arg0: memref<10000x128xf32, #tpu.memory_space<vmem>>, %arg1: memref<20480x128xf32, #tpu.memory_space<vmem>>, %arg2: memref<10000x1xf32, #tpu.memory_space<vmem>>, %arg3: memref<128x128xf32, #tpu.memory_space<vmem>>, %arg4: memref<128x128xf32, #tpu.memory_space<vmem>>, %arg5: memref<1x128xf32, #tpu.memory_space<vmem>>, %arg6: memref<1x128xf32, #tpu.memory_space<vmem>>, %arg7: memref<1x128xf32, #tpu.memory_space<vmem>>, %arg8: memref<1x128xf32, #tpu.memory_space<vmem>>, %arg9: memref<10000x128xf32, #tpu.memory_space<vmem>>) attributes {dimension_semantics = [], scalar_prefetch = 0 : i64, scratch_operands = 0 : i64, tpu.core_type = #tpu.core_type<tc>} {
    %get3A = arith.constant 0 : index
    %get3A_0 = arith.constant 0 : index
    %get3A_1 = vector.load %arg0[%get3A, %get3A_0] : memref<10000x128xf32, #tpu.memory_space<vmem>>, vector<10000x128xf32>
    %get3A_2 = arith.constant 0 : index
    %get3A_3 = arith.constant 0 : index
    %get3A_4 = vector.load %arg1[%get3A_2, %get3A_3] : memref<20480x128xf32, #tpu.memory_space<vmem>>, vector<20480x128xf32>
    %slice3A = vector.extract_strided_slice %get3A_4 {offsets = [0, 0], sizes = [10000, 128], strides = [1, 1]} : vector<20480x128xf32> to vector<10000x128xf32>
    %slice3A_5 = vector.extract_strided_slice %get3A_4 {offsets = [10240, 0], sizes = [10000, 128], strides = [1, 1]} : vector<20480x128xf32> to vector<10000x128xf32>
    %add3A = arith.addf %slice3A, %slice3A_5 : vector<10000x128xf32>
    %get3A_6 = arith.constant 0 : index
    %get3A_7 = arith.constant 0 : index
    %get3A_8 = vector.load %arg2[%get3A_6, %get3A_7] : memref<10000x1xf32, #tpu.memory_space<vmem>>, vector<10000x1xf32>
    %max3A = arith.constant 1.000000e+00 : f32
    %max3A_9 = vector.broadcast %max3A : f32 to vector<10000x1xf32>
    %max3A_10 = arith.maximumf %get3A_8, %max3A_9 : vector<10000x1xf32>
    %div3A = arith.constant 1.000000e+00 : f32
    %div3A_11 = vector.broadcast %div3A : f32 to vector<10000x1xf32>
    %div3A_12 = arith.divf %div3A_11, %max3A_10 : vector<10000x1xf32>
    %mul3A = vector.broadcast %div3A_12 : vector<10000x1xf32> to vector<10000x128xf32>
    %mul3A_13 = arith.mulf %add3A, %mul3A : vector<10000x128xf32>
    %get3A_14 = arith.constant 0 : index
    %get3A_15 = arith.constant 0 : index
    %get3A_16 = vector.load %arg3[%get3A_14, %get3A_15] : memref<128x128xf32, #tpu.memory_space<vmem>>, vector<128x128xf32>
    %dot_general3A = arith.constant dense<0.000000e+00> : vector<10000x128xf32>
    %dot_general3A_17 = tpu.matmul %get3A_1, %get3A_16, %dot_general3A {dimension_numbers = #tpu.dot_dimension_numbers<[1], [0], [0], [1], [0, 0, 1, 1], [], []>, transpose_lhs_hint = false} : vector<10000x128xf32>, vector<128x128xf32>, vector<10000x128xf32> -> vector<10000x128xf32>
    %get3A_18 = arith.constant 0 : index
    %get3A_19 = arith.constant 0 : index
    %get3A_20 = vector.load %arg4[%get3A_18, %get3A_19] : memref<128x128xf32, #tpu.memory_space<vmem>>, vector<128x128xf32>
    %dot_general3A_21 = arith.constant dense<0.000000e+00> : vector<10000x128xf32>
    %dot_general3A_22 = tpu.matmul %mul3A_13, %get3A_20, %dot_general3A_21 {dimension_numbers = #tpu.dot_dimension_numbers<[1], [0], [0], [1], [0, 0, 1, 1], [], []>, transpose_lhs_hint = false} : vector<10000x128xf32>, vector<128x128xf32>, vector<10000x128xf32> -> vector<10000x128xf32>
    %add3A_23 = arith.addf %dot_general3A_17, %dot_general3A_22 : vector<10000x128xf32>
    %get3A_24 = arith.constant 0 : index
    %get3A_25 = arith.constant 0 : index
    %get3A_26 = vector.load %arg5[%get3A_24, %get3A_25] : memref<1x128xf32, #tpu.memory_space<vmem>>, vector<1x128xf32>
    %add3A_27 = vector.broadcast %get3A_26 : vector<1x128xf32> to vector<10000x128xf32>
    %add3A_28 = arith.addf %add3A_23, %add3A_27 : vector<10000x128xf32>
    %reduce_sum3A = arith.constant dense<0.000000e+00> : vector<128xf32>
    %reduce_sum3A_29 = vector.multi_reduction <add>, %add3A_28, %reduce_sum3A [0] : vector<10000x128xf32> to vector<128xf32>
    %broadcast_in_dim3A = vector.shape_cast %reduce_sum3A_29 : vector<128xf32> to vector<1x128xf32>
    %div3A_30 = arith.constant 1.000000e+04 : f32
    %div3A_31 = vector.broadcast %div3A_30 : f32 to vector<1x128xf32>
    %div3A_32 = arith.divf %broadcast_in_dim3A, %div3A_31 : vector<1x128xf32>
    %get3A_33 = arith.constant 0 : index
    %get3A_34 = arith.constant 0 : index
    %get3A_35 = vector.load %arg8[%get3A_33, %get3A_34] : memref<1x128xf32, #tpu.memory_space<vmem>>, vector<1x128xf32>
    %mul3A_36 = arith.mulf %get3A_35, %div3A_32 : vector<1x128xf32>
    %sub3A = vector.broadcast %mul3A_36 : vector<1x128xf32> to vector<10000x128xf32>
    %sub3A_37 = arith.subf %add3A_28, %sub3A : vector<10000x128xf32>
    %mul3A_38 = arith.mulf %sub3A_37, %sub3A_37 : vector<10000x128xf32>
    %reduce_sum3A_39 = arith.constant dense<0.000000e+00> : vector<128xf32>
    %reduce_sum3A_40 = vector.multi_reduction <add>, %mul3A_38, %reduce_sum3A_39 [0] : vector<10000x128xf32> to vector<128xf32>
    %broadcast_in_dim3A_41 = vector.shape_cast %reduce_sum3A_40 : vector<128xf32> to vector<1x128xf32>
    %div3A_42 = arith.constant 1.000000e+04 : f32
    %div3A_43 = vector.broadcast %div3A_42 : f32 to vector<1x128xf32>
    %div3A_44 = arith.divf %broadcast_in_dim3A_41, %div3A_43 : vector<1x128xf32>
    %get3A_45 = arith.constant 0 : index
    %get3A_46 = arith.constant 0 : index
    %get3A_47 = vector.load %arg6[%get3A_45, %get3A_46] : memref<1x128xf32, #tpu.memory_space<vmem>>, vector<1x128xf32>
    %mul3A_48 = vector.broadcast %get3A_47 : vector<1x128xf32> to vector<10000x128xf32>
    %mul3A_49 = arith.mulf %mul3A_48, %sub3A_37 : vector<10000x128xf32>
    %add3A_50 = arith.constant 9.99999974E-6 : f32
    %add3A_51 = vector.broadcast %add3A_50 : f32 to vector<1x128xf32>
    %add3A_52 = arith.addf %div3A_44, %add3A_51 : vector<1x128xf32>
    %rsqrt3A = math.rsqrt %add3A_52 : vector<1x128xf32>
    %mul3A_53 = vector.broadcast %rsqrt3A : vector<1x128xf32> to vector<10000x128xf32>
    %mul3A_54 = arith.mulf %mul3A_49, %mul3A_53 : vector<10000x128xf32>
    %get3A_55 = arith.constant 0 : index
    %get3A_56 = arith.constant 0 : index
    %get3A_57 = vector.load %arg7[%get3A_55, %get3A_56] : memref<1x128xf32, #tpu.memory_space<vmem>>, vector<1x128xf32>
    %add3A_58 = vector.broadcast %get3A_57 : vector<1x128xf32> to vector<10000x128xf32>
    %add3A_59 = arith.addf %mul3A_54, %add3A_58 : vector<10000x128xf32>
    %max3A_60 = arith.constant 0.000000e+00 : f32
    %max3A_61 = vector.broadcast %max3A_60 : f32 to vector<10000x128xf32>
    %max3A_62 = arith.maximumf %add3A_59, %max3A_61 : vector<10000x128xf32>
    %swap3A = arith.constant 0 : index
    %swap3A_63 = arith.constant 0 : index
    %swap3A_64 = vector.load %arg9[%swap3A, %swap3A_63] : memref<10000x128xf32, #tpu.memory_space<vmem>>, vector<10000x128xf32>
    tpu.vector_store %arg9[%swap3A, %swap3A_63], %max3A_62 {strides = array<i32>} : memref<10000x128xf32, #tpu.memory_space<vmem>>, vector<10000x128xf32>,
    return
  }
}

module attributes {stable_mosaic.version = 14 : i64} {
  func.func @_final_body(%arg0: memref<10000x128xf32, #tpu.memory_space<vmem>>, %arg1: memref<20480x128xf32, #tpu.memory_space<vmem>>, %arg2: memref<10000x1xf32, #tpu.memory_space<vmem>>, %arg3: memref<128x128xf32, #tpu.memory_space<vmem>>, %arg4: memref<128x128xf32, #tpu.memory_space<vmem>>, %arg5: memref<1x128xf32, #tpu.memory_space<vmem>>, %arg6: memref<1x10000xi32, #tpu.memory_space<vmem>>, %arg7: memref<128x128xf32, #tpu.memory_space<vmem>>, %arg8: memref<1x128xf32, #tpu.memory_space<vmem>>, %arg9: memref<128x10xf32, #tpu.memory_space<vmem>>, %arg10: memref<1x10xf32, #tpu.memory_space<vmem>>, %arg11: memref<64x10xf32, #tpu.memory_space<vmem>>) attributes {dimension_semantics = [], scalar_prefetch = 0 : i64, scratch_operands = 0 : i64, tpu.core_type = #tpu.core_type<tc>} {
    %get3A = arith.constant 0 : index
    %get3A_0 = arith.constant 0 : index
    %get3A_1 = vector.load %arg0[%get3A, %get3A_0] : memref<10000x128xf32, #tpu.memory_space<vmem>>, vector<10000x128xf32>
    %get3A_2 = arith.constant 0 : index
    %get3A_3 = arith.constant 0 : index
    %get3A_4 = vector.load %arg1[%get3A_2, %get3A_3] : memref<20480x128xf32, #tpu.memory_space<vmem>>, vector<20480x128xf32>
    %slice3A = vector.extract_strided_slice %get3A_4 {offsets = [0, 0], sizes = [10000, 128], strides = [1, 1]} : vector<20480x128xf32> to vector<10000x128xf32>
    %slice3A_5 = vector.extract_strided_slice %get3A_4 {offsets = [10240, 0], sizes = [10000, 128], strides = [1, 1]} : vector<20480x128xf32> to vector<10000x128xf32>
    %add3A = arith.addf %slice3A, %slice3A_5 : vector<10000x128xf32>
    %get3A_6 = arith.constant 0 : index
    %get3A_7 = arith.constant 0 : index
    %get3A_8 = vector.load %arg2[%get3A_6, %get3A_7] : memref<10000x1xf32, #tpu.memory_space<vmem>>, vector<10000x1xf32>
    %max3A = arith.constant 1.000000e+00 : f32
    %max3A_9 = vector.broadcast %max3A : f32 to vector<10000x1xf32>
    %max3A_10 = arith.maximumf %get3A_8, %max3A_9 : vector<10000x1xf32>
    %div3A = arith.constant 1.000000e+00 : f32
    %div3A_11 = vector.broadcast %div3A : f32 to vector<10000x1xf32>
    %div3A_12 = arith.divf %div3A_11, %max3A_10 : vector<10000x1xf32>
    %mul3A = vector.broadcast %div3A_12 : vector<10000x1xf32> to vector<10000x128xf32>
    %mul3A_13 = arith.mulf %add3A, %mul3A : vector<10000x128xf32>
    %get3A_14 = arith.constant 0 : index
    %get3A_15 = arith.constant 0 : index
    %get3A_16 = vector.load %arg3[%get3A_14, %get3A_15] : memref<128x128xf32, #tpu.memory_space<vmem>>, vector<128x128xf32>
    %dot_general3A = arith.constant dense<0.000000e+00> : vector<10000x128xf32>
    %dot_general3A_17 = tpu.matmul %get3A_1, %get3A_16, %dot_general3A {dimension_numbers = #tpu.dot_dimension_numbers<[1], [0], [0], [1], [0, 0, 1, 1], [], []>, transpose_lhs_hint = false} : vector<10000x128xf32>, vector<128x128xf32>, vector<10000x128xf32> -> vector<10000x128xf32>
    %get3A_18 = arith.constant 0 : index
    %get3A_19 = arith.constant 0 : index
    %get3A_20 = vector.load %arg4[%get3A_18, %get3A_19] : memref<128x128xf32, #tpu.memory_space<vmem>>, vector<128x128xf32>
    %dot_general3A_21 = arith.constant dense<0.000000e+00> : vector<10000x128xf32>
    %dot_general3A_22 = tpu.matmul %mul3A_13, %get3A_20, %dot_general3A_21 {dimension_numbers = #tpu.dot_dimension_numbers<[1], [0], [0], [1], [0, 0, 1, 1], [], []>, transpose_lhs_hint = false} : vector<10000x128xf32>, vector<128x128xf32>, vector<10000x128xf32> -> vector<10000x128xf32>
    %add3A_23 = arith.addf %dot_general3A_17, %dot_general3A_22 : vector<10000x128xf32>
    %get3A_24 = arith.constant 0 : index
    %get3A_25 = arith.constant 0 : index
    %get3A_26 = vector.load %arg5[%get3A_24, %get3A_25] : memref<1x128xf32, #tpu.memory_space<vmem>>, vector<1x128xf32>
    %add3A_27 = vector.broadcast %get3A_26 : vector<1x128xf32> to vector<10000x128xf32>
    %add3A_28 = arith.addf %add3A_23, %add3A_27 : vector<10000x128xf32>
    %get3A_29 = arith.constant 0 : index
    %get3A_30 = arith.constant 0 : index
    %get3A_31 = vector.load %arg6[%get3A_29, %get3A_30] : memref<1x10000xi32, #tpu.memory_space<vmem>>, vector<1x10000xi32>
    %iota3A = tpu.iota {dimensions = array<i32: 0>} : vector<64x10000xi32>
    %eq3A = vector.broadcast %get3A_31 : vector<1x10000xi32> to vector<64x10000xi32>
    %eq3A_32 = arith.cmpi eq, %eq3A, %iota3A : vector<64x10000xi32>
    %convert_element_type3A = arith.extui %eq3A_32 : vector<64x10000xi1> to vector<64x10000xi32>
    %convert_element_type3A_33 = arith.sitofp %convert_element_type3A : vector<64x10000xi32> to vector<64x10000xf32>
    %dot_general3A_34 = arith.constant dense<0.000000e+00> : vector<64x128xf32>
    %dot_general3A_35 = tpu.matmul %convert_element_type3A_33, %add3A_28, %dot_general3A_34 {dimension_numbers = #tpu.dot_dimension_numbers<[1], [0], [0], [1], [0, 0, 1, 1], [], []>, transpose_lhs_hint = false} : vector<64x10000xf32>, vector<10000x128xf32>, vector<64x128xf32> -> vector<64x128xf32>
    %reduce_sum3A = arith.constant dense<0.000000e+00> : vector<64xf32>
    %reduce_sum3A_36 = vector.multi_reduction <add>, %convert_element_type3A_33, %reduce_sum3A [1] : vector<64x10000xf32> to vector<64xf32>
    %broadcast_in_dim3A = vector.shape_cast %reduce_sum3A_36 : vector<64xf32> to vector<64x1xf32>
    %max3A_37 = arith.constant 1.000000e+00 : f32
    %max3A_38 = vector.broadcast %max3A_37 : f32 to vector<64x1xf32>
    %max3A_39 = arith.maximumf %broadcast_in_dim3A, %max3A_38 : vector<64x1xf32>
    %div3A_40 = arith.constant 1.000000e+00 : f32
    %div3A_41 = vector.broadcast %div3A_40 : f32 to vector<64x1xf32>
    %div3A_42 = arith.divf %div3A_41, %max3A_39 : vector<64x1xf32>
    %mul3A_43 = vector.broadcast %div3A_42 : vector<64x1xf32> to vector<64x128xf32>
    %mul3A_44 = arith.mulf %dot_general3A_35, %mul3A_43 : vector<64x128xf32>
    %get3A_45 = arith.constant 0 : index
    %get3A_46 = arith.constant 0 : index
    %get3A_47 = vector.load %arg7[%get3A_45, %get3A_46] : memref<128x128xf32, #tpu.memory_space<vmem>>, vector<128x128xf32>
    %dot_general3A_48 = arith.constant dense<0.000000e+00> : vector<64x128xf32>
    %dot_general3A_49 = tpu.matmul %mul3A_44, %get3A_47, %dot_general3A_48 {dimension_numbers = #tpu.dot_dimension_numbers<[1], [0], [0], [1], [0, 0, 1, 1], [], []>, transpose_lhs_hint = false} : vector<64x128xf32>, vector<128x128xf32>, vector<64x128xf32> -> vector<64x128xf32>
    %get3A_50 = arith.constant 0 : index
    %get3A_51 = arith.constant 0 : index
    %get3A_52 = vector.load %arg8[%get3A_50, %get3A_51] : memref<1x128xf32, #tpu.memory_space<vmem>>, vector<1x128xf32>
    %add3A_53 = vector.broadcast %get3A_52 : vector<1x128xf32> to vector<64x128xf32>
    %add3A_54 = arith.addf %dot_general3A_49, %add3A_53 : vector<64x128xf32>
    %max3A_55 = arith.constant 0.000000e+00 : f32
    %max3A_56 = vector.broadcast %max3A_55 : f32 to vector<64x128xf32>
    %max3A_57 = arith.maximumf %add3A_54, %max3A_56 : vector<64x128xf32>
    %get3A_58 = arith.constant 0 : index
    %get3A_59 = arith.constant 0 : index
    %get3A_60 = vector.load %arg9[%get3A_58, %get3A_59] : memref<128x10xf32, #tpu.memory_space<vmem>>, vector<128x10xf32>
    %dot_general3A_61 = arith.constant dense<0.000000e+00> : vector<64x10xf32>
    %dot_general3A_62 = tpu.matmul %max3A_57, %get3A_60, %dot_general3A_61 {dimension_numbers = #tpu.dot_dimension_numbers<[1], [0], [0], [1], [0, 0, 1, 1], [], []>, transpose_lhs_hint = false} : vector<64x128xf32>, vector<128x10xf32>, vector<64x10xf32> -> vector<64x10xf32>
    %get3A_63 = arith.constant 0 : index
    %get3A_64 = arith.constant 0 : index
    %get3A_65 = vector.load %arg10[%get3A_63, %get3A_64] : memref<1x10xf32, #tpu.memory_space<vmem>>, vector<1x10xf32>
    %add3A_66 = vector.broadcast %get3A_65 : vector<1x10xf32> to vector<64x10xf32>
    %add3A_67 = arith.addf %dot_general3A_62, %add3A_66 : vector<64x10xf32>
    %swap3A = arith.constant 0 : index
    %swap3A_68 = arith.constant 0 : index
    %swap3A_69 = vector.load %arg11[%swap3A, %swap3A_68] : memref<64x10xf32, #tpu.memory_space<vmem>>, vector<64x10xf32>
    tpu.vector_store %arg11[%swap3A, %swap3A_68], %add3A_67 {strides = array<i32>} : memref<64x10xf32, #tpu.memory_space<vmem>>, vector<64x10xf32>,
    return
  }
}

</mosaic_0001>

<sc_bundles>
// kernel: kernel.10.cloned.1.call-start
scs
__scs_entry_jumppad:
0x0: {  	(pc) =	sbr.rel $0x88, $3  }
0x1: {  	(tag) =	ssettag $0x0;
	lr =	simm.s32 $0x1  }
0x2: {  	[smem:$0x3F8A] =	sst lr;
	_ =	strace $0xD0000000  }
0x3: {  	_ = 	snop  }
0x4: {  	_ = 	snop  }
0x5: {  	_ = 	snop  }
0x6: {  	_ = 	snop  }
0x7: {  	_ = 	snop  }
__scs_overlays_trampoline_lowered:
0x8: {  	[smem:$0x3F99] =	sst s0  }
0x9: {  	[smem:$0x3F9A] =	sst s1  }
0xa: {  	[smem:$0x3F9B] =	sst s2  }
0xb: {  	[smem:$0x3F9C] =	sst s3  }
0xc: {  	[smem:$0x3F9D] =	sst s4  }
0xd: {  	[smem:$0x3F9E] =	sst s5  }
0xe: {  	[smem:$0x3F9F] =	sst s6  }
0xf: {  	[smem:$0x3FA0] =	sst s7  }
0x10: {  	[smem:$0x3FA1] =	sst s8  }
0x11: {  	[smem:$0x3FA2] =	sst s9;
	s0 =	simm.s32 @!p0 $0x0  }
0x12: {  	s1 =	sld [smem:$0x3F88];
	s0 =	simm.s32 @p0 $0x1  }
0x13: {  	[smem:$0x3FA3] =	sst s0;
	s0 =	simm.s32 @!p1 $0x0  }
0x14: {  	s2 =	sld [smem:$0x3F87];
	s0 =	simm.s32 @p1 $0x1  }
0x15: {  	[smem:$0x3FA4] =	sst s0;
	s0 =	simm.s32 @!p2 $0x0  }
0x16: {  	s3 =	sld [smem:$0x3FDB];
	s0 =	simm.s32 @p2 $0x1  }
0x17: {  	s4 =	simm.s32 $0x1BF5;
	[smem:$0x3FA6] =	sst s0  }
0x18: {  	s0 =	sld [smem:$0x3F89];
	_ =	swait.ge [sflag:s4], $0x0  }
0x19: {  	s7 =	sld [smem:$0x3F8A]  }
0x1a: {  	s8 =	sadd.s32 $0xFFFFE003, lr  }
0x1b: {  	s9 =	sadd.s32 $0xFFFFFEF7, lr;
	s5 =	simm.s32 $0xFFFFFFFF;
	p2 =	slt.u32 s8, $0xFFFFF086  }
0x1c: {  	p1 =	slt.u32 s9, $0xF7A;
	s5 =	simm.s32 @!p2 $0x0  }
0x1d: {  	s5 =	simm.s32 @p1 $0x1;
	p0 =	seq.s32 s7, s2  }
0x1e: {  	s7 =	smul.u32 @!p0 $0xF7A, s2;
	p2 =	seq.s32 @!p0 s5, $0x0  }
0x1f: {  	s9 =	smul.u32 $0xF7A, s1;
	s8 =	simm.s32 @!p0 $0x1BF5;
	p2 =	por !p2, p0  }
0x20: {  	[sflag:s8] =	ssyncset.s32 @!p0 $0xFFFFF086;
	s6 =	sadd.s32 @!p0 s3, s7;
	s7 =	simm.s32 @!p0 $0x108  }
0x21: {  	s3 =	sadd.s32 s3, s9;
	s6 =	sadd.s32 @!p0 $0x88, s6;
	s7 =	simm.s32 @p2 $0x1082  }
0x22: {  	[simem:s7], [sflag:s8] =	dma.local @!p0 [hbm:s6], $0xF7A  }
0x23: {  	s9 =	sor.u32 $0xD0000000, s2;
	s6 =	simm.s32 $0x108;
	_ =	swait.ge @!p0 [sflag:s8], $0x0  }
0x24: {  	s3 =	sadd.s32 $0x88, s3;
	s6 =	simm.s32 @!p1 $0x1082;
	[sflag:s4] =	ssyncset.s32 $0xFFFFF086  }
0x25: {  	[simem:s6], [sflag:s4] =	dma.local [hbm:s3], $0xF7A  }
0x26: {  	[smem:$0x3F8A] =	sst s1;
	(tag) =	ssettag s2;
	_ =	strace s9  }
0x27: {  	s1 =	sld [smem:$0x3F9A]  }
0x28: {  	s2 =	sld [smem:$0x3F9B]  }
0x29: {  	s4 =	sld [smem:$0x3F9D]  }
0x2a: {  	p0 =	seq.s32 s5, $0x0;
	s5 =	sld [smem:$0x3F9E]  }
0x2b: {  	s6 =	sld [smem:$0x3F9F]  }
0x2c: {  	s7 =	sld [smem:$0x3FA0]  }
0x2d: {  	s3 =	simm.s32 $0x108;
	s8 =	sld [smem:$0x3FA1]  }
0x2e: {  	s3 =	simm.s32 @!p0 $0x1082;
	s9 =	sld [smem:$0x3FA2]  }
0x2f: {  	lr =	sadd.s32 s0, s3;
	s0 =	sld [smem:$0x3F99]  }
0x30: {  	s3 =	sld [smem:$0x3F9C]  }
0x31: {  	[smem:$0x3FA5] =	sst s10  }
0x32: {  	s10 =	sld [smem:$0x3FA3];
	_ =	sdelay $0x3  }
0x33: {  	p0 =	seq.s32 s10, $0x1;
	s10 =	sld [smem:$0x3FA5];
	_ =	sdelay $0x3  }
0x34: {  	[smem:$0x3FA5] =	sst s10  }
0x35: {  	s10 =	sld [smem:$0x3FA4];
	_ =	sdelay $0x3  }
0x36: {  	p1 =	seq.s32 s10, $0x1;
	s10 =	sld [smem:$0x3FA5];
	_ =	sdelay $0x3  }
0x37: {  	[smem:$0x3FA5] =	sst s10  }
0x38: {  	s10 =	sld [smem:$0x3FA6]  }
0x39: {  	_ = 	snop;
	(pc) =	sbr.ind lr, $3  }
0x3a: {  	_ = 	snop  }
0x3b: {  	_ = 	snop  }
0x3c: {  	p2 =	seq.s32 s10, $0x1;
	s10 =	sld [smem:$0x3FA5]  }
0x3d: {  	_ =	shalt  }
0x3e: {  	_ =	shalt  }
0x3f: {  	_ =	shalt  }
0x40: {  	_ =	shalt  }
0x41: {  	_ =	shalt  }
0x42: {  	_ =	shalt  }
0x43: {  	_ =	shalt  }
0x44: {  	_ =	shalt  }
0x45: {  	_ =	shalt  }
0x46: {  	_ =	shalt  }
0x47: {  	_ =	shalt  }
0x48: {  	_ =	shalt  }
0x49: {  	_ =	shalt  }
0x4a: {  	_ =	shalt  }
0x4b: {  	_ =	shalt  }
0x4c: {  	_ =	shalt  }
0x4d: {  	_ =	shalt  }
0x4e: {  	_ =	shalt  }
0x4f: {  	_ =	shalt  }
0x50: {  	_ =	shalt  }
0x51: {  	_ =	shalt  }
0x52: {  	_ =	shalt  }
0x53: {  	_ =	shalt  }
0x54: {  	_ =	shalt  }
0x55: {  	_ =	shalt  }
0x56: {  	_ =	shalt  }
0x57: {  	_ =	shalt  }
0x58: {  	_ =	shalt  }
0x59: {  	_ =	shalt  }
0x5a: {  	_ =	shalt  }
0x5b: {  	_ =	shalt  }
0x5c: {  	_ =	shalt  }
0x5d: {  	_ =	shalt  }
0x5e: {  	_ =	shalt  }
0x5f: {  	_ =	shalt  }
0x60: {  	_ =	shalt  }
0x61: {  	_ =	shalt  }
0x62: {  	_ =	shalt  }
0x63: {  	_ =	shalt  }
0x64: {  	_ =	shalt  }
0x65: {  	_ =	shalt  }
0x66: {  	_ =	shalt  }
0x67: {  	_ =	shalt  }
0x68: {  	_ =	shalt  }
0x69: {  	_ =	shalt  }
0x6a: {  	_ =	shalt  }
0x6b: {  	_ =	shalt  }
0x6c: {  	_ =	shalt  }
0x6d: {  	_ =	shalt  }
0x6e: {  	_ =	shalt  }
0x6f: {  	_ =	shalt  }
0x70: {  	_ =	shalt  }
0x71: {  	_ =	shalt  }
0x72: {  	_ =	shalt  }
0x73: {  	_ =	shalt  }
0x74: {  	_ =	shalt  }
0x75: {  	_ =	shalt  }
0x76: {  	_ =	shalt  }
0x77: {  	_ =	shalt  }
0x78: {  	_ =	shalt  }
0x79: {  	_ =	shalt  }
0x7a: {  	_ =	shalt  }
0x7b: {  	_ =	shalt  }
0x7c: {  	_ =	shalt  }
0x7d: {  	_ =	shalt  }
0x7e: {  	_ =	shalt  }
0x7f: {  	_ =	shalt  }
0x80: {  	_ =	shalt  }
0x81: {  	_ =	shalt  }
0x82: {  	_ =	shalt  }
0x83: {  	_ =	shalt  }
0x84: {  	_ =	shalt  }
0x85: {  	_ =	shalt  }
0x86: {  	_ =	shalt  }
0x87: {  	_ =	shalt  }
.Lfunc_end0:
.L_simem_size_0:
called_computation_lowered:
.L_overlay_start_0:
0x88: {  	s2 =	sld [smem:$0x3FD9]  }
0x89: {  	s3 =	sld [smem:$0x3FFE];
	_ =	sdelay $0x1  }
0x8a: {  	s1 =	srdreg.scid  }
0x8b: {  	s0 =	sand.u32 $0x1, s1  }
0x8c: {  	s17 =	sshll.u32 s0, $0xA;
	s2 =	sadd.s32 s3, s2  }
0x8d: {  	s2 =	sadd.s32 s2, s17  }
0x8e: {  	[smem:$0x3FB1] =	sst s2  }
0x8f: {  	_ = 	snop  }
0x90: {  	s2 =	sld [smem:$0x3FC6];
	(tm) =	ssettm $0x1  }
0x91: {  	s18 =	sld [smem:$0x3FFB];
	_ =	sdelay $0x3  }
0x92: {  	_ =	strace s18  }
0x93: {  	s3 =	sld [smem:$0x3FFC];
	_ =	sdelay $0x3  }
0x94: {  	_ =	strace s3  }
0x95: {  	s3 =	sld [smem:$0x3FFD];
	_ =	sdelay $0x3  }
0x96: {  	_ =	strace s3  }
0x97: {  	_ =	strace $0x8FFFFFFF  }
0x98: {  	s19 =	sld [smem:$0x3FDB];
	_ =	sdelay $0x1  }
0x99: {  	s4 =	simm.s32 $_scs_section_size  }
0x9a: {  	s5 =	simm.s32 $_size__tile_overlayer_lowered;
	s6 =	simm.s32 $_tile_overlayer_lowered  }
0x9b: {  	s22 =	simm.s32 $0x1BFF;
	s21 =	sshll.u32 s6, $0x1;
	s3 =	sadd.s32 s4, s19  }
0x9c: {  	s7 =	simm.s32 $0x0;
	s20 =	sshll.u32 s5, $0x1;
	s5 =	sadd.s32 s21, s3  }
0x9d: {  	[timem:s7], [sflag:s22] =	dma.local [hbm:s5], s20  }
0x9e: {  	_ =	swait.ge [sflag:s22], s20  }
0x9f: {  	s4 =	ssub.s32 $0x0, s20;
	[sflag:s22] =	ssyncset.done $0x0  }
0xa0: {  	[sflag:s22] =	ssyncadd.s32 s4;
	_ =	sdelay $0x1  }
0xa1: {  	s23 =	simm.s32 $0x1B8B  }
0xa2: {  	_ =	swait.ge [sflag:s23], $0x1  }
0xa3: {  	[sflag:s23] =	ssyncset.done $0x0  }
0xa4: {  	s25 =	simm.s32 $0x1B8E;
	s24 =	sld [smem:$0x3FFE];
	[sflag:s23] =	ssyncadd.s32 $0xFFFFFFFF  }
0xa5: {  	s26 =	simm.s32 $execute0_lowered;
	[smem:$0x3FD2] =	sst s25  }
0xa6: {  	s5 =	sshll.u32 s26, $0x1;
	_ =	strace $0x80000046;
	[dreg:$0x1] =	wrdreg $0xFFFFFFFF  }
0xa7: {  	s28 =	simm.s32 $_size_execute0_lowered;
	s3 =	sadd.s32 s3, s5;
	[dreg:$0x0] =	wrdreg $0x0  }
0xa8: {  	s5 =	sshll.u32 s28, $0x1;
	[dreg:$0x2] =	wrdreg s3  }
0xa9: {  	[dreg:$0x3] =	wrdreg s5  }
0xaa: {  	[dreg:$0x4] =	wrdreg $0xC0  }
0xab: {  	_ =	task [dreg:s7], $0x5FFFF  }
0xac: {  	[dreg:$0x1] =	wrdreg $0xFFFFFFFF  }
0xad: {  	[dreg:$0x0] =	wrdreg $0x60  }
0xae: {  	[dreg:$0x2] =	wrdreg s24  }
0xaf: {  	[dreg:$0x3] =	wrdreg s2  }
0xb0: {  	[dreg:$0x4] =	wrdreg $0xA  }
0xb1: {  	_ =	task.clear_ibuf [dreg:s7], $0x5FFFF;
	_ =	strace $0x90000046  }
0xb2: {  	s29 =	simm.s32 $0xA;
	_ =	strace $0x80000048  }
0xb3: {  	_ =	swait.ge [sflag:s29], $0x1  }
0xb4: {  	[sflag:s29] =	ssyncadd.s32 $0xFFFFFFFF  }
0xb5: {  	_ =	strace $0x90000048  }
0xb6: {  	_ =	sfence  }
0xb7: {  	s30 =	sld [smem:$0x0];
	_ =	sdelay $0x2  }
0xb8: {  	s31 =	sshll.u32 s1, $0xD;
	s1 =	sshrl.u32 s1, $0x2  }
0xb9: {  	s3 =	sand.u32 $0x4000, s31;
	s1 =	sadd.s32 s1, s30  }
0xba: {  	s0 =	sor.u32 s3, s0;
	s1 =	sshll.u32 s1, $0x11  }
0xbb: {  	s0 =	sor.u32 s1, s0  }
0xbc: {  	s0 =	sadd.s32 $0x8F2B, s0  }
0xbd: {  	[sflag:s0] =	ssyncadd.remote.s32 $0x1  }
0xbe: {  	_ =	sfence.sel $0xFFFF  }
0xbf: {  	[dreg:$0x0] =	wrdreg $0xFFFFFFFF;
	(pc) =	sbr.abs _section_cstart, $3  }
0xc0: {  	[dreg:$0x1] =	wrdreg $0xFFFFFFFF  }
0xc1: {  	_ =	task.clear_ibuf [dreg:s7], $0x2FFFF;
	_ =	strace $0x9FFFFFFF  }
0xc2: {  	(tm) =	ssettm $0x7FFFFFFF  }
0xc3: {  	_ =	shalt  }
tec
execute0_lowered:
.L_overlay_start_1:
0x0: {  	(tag) =	ssettag $0x1  }
0x1: {  	s1 =	srdreg.scid;
	s0 =	stileid.u32  }
0x2: {  	s15 =	sand.u32 $0x1, s1;
	s28 =	sshll.u32 s0, $0x1  }
0x3: {  	s9 =	rddreg [dreg:$0x0];
	s10 =	sor.u32 s15, s28  }
0x4: {  	s2 =	rddreg [dreg:$0x1];
	s14 =	smul.u32 $0x140, s10  }
0x5: {  	s3 =	simm.s32 $0x0;
	s1 =	rddreg [dreg:$0x2]  }
0x6: {  	[smem:$0x7FF] =	sst s3;
	s16 =	sadd.s32 $0x4800, s9;
	s4 =	sshrl.u32 s14, $0x3  }
0x7: {  	_ =	strace $0x80000047;
	s5 =	sadd.s32 s16, s4;
	s4 =	simm.s32 $0x2  }
0x8: {  	[tilespmem:s3], [sflag:$0x2] =	stream.linear.gather [hbm4b:s5+s3], $0x50, $0x38;
	[tilespmem:$0x2880] =	vst v63  }
0x9: {  	_ =	swait.ge [sflag:s4], $0x50  }
0xa: {  	s6 =	simm.s32 $0x50;
	[sflag:s4] =	ssyncset.done $0x0  }
0xb: {  	s7 =	simm.s32 $0x80;
	s8 =	simm.s32 $0x1;
	[sflag:s4] =	ssyncadd.s32 $0xFFFFFFB0  }
0xc: {  	[tilespmem:s7], [sflag:$0x1] =	stream.indirect.gather [hbm4b:s2+s6], $0x80, s3, s6, $0xb8;
	[tilespmem:$0x2880] =	vst v63  }
0xd: {  	s10 =	smul.u32 $0x1400, s10;
	_ =	swait.ge [sflag:s8], $0x2800  }
0xe: {  	s17 =	sadd.s32 $0x4E00, s9;
	[sflag:s8] =	ssyncset.done $0x0  }
0xf: {  	s9 =	sadd.s32 s17, s10;
	[sflag:s8] =	ssyncadd.s32 $0xFFFFD800  }
0x10: {  	[hbm4b:s9+s3] =	stream.linear.scatter [tilespmem:s7], [sflag:$0x2], $0x2800, $0x38;
	[tilespmem:$0x2880] =	vst v63  }
0x11: {  	s11 =	sadd.s32 $0x50, s14;
	_ =	swait.ge [sflag:s4], $0x2800  }
0x12: {  	s29 =	sshrl.u32 s11, $0x3;
	[sflag:s4] =	ssyncset.done $0x0  }
0x13: {  	s10 =	sadd.s32 s16, s29;
	[sflag:s4] =	ssyncadd.s32 $0xFFFFD800  }
0x14: {  	[tilespmem:s3], [sflag:$0x2] =	stream.linear.gather [hbm4b:s10+s3], $0x50, $0x38;
	[tilespmem:$0x2880] =	vst v63  }
0x15: {  	_ =	swait.ge [sflag:s4], $0x50  }
0x16: {  	[sflag:s4] =	ssyncset.done $0x0  }
0x17: {  	[sflag:s4] =	ssyncadd.s32 $0xFFFFFFB0  }
0x18: {  	[tilespmem:s7], [sflag:$0x1] =	stream.indirect.gather [hbm4b:s2+s6], $0x80, s3, s6, $0xb8;
	[tilespmem:$0x2880] =	vst v63  }
0x19: {  	_ =	swait.ge [sflag:s8], $0x2800  }
0x1a: {  	s11 =	sshll.u32 s11, $0x4;
	[sflag:s8] =	ssyncset.done $0x0  }
0x1b: {  	s11 =	sadd.s32 s17, s11;
	[sflag:s8] =	ssyncadd.s32 $0xFFFFD800  }
0x1c: {  	[hbm4b:s11+s3] =	stream.linear.scatter [tilespmem:s7], [sflag:$0x2], $0x2800, $0x38;
	[tilespmem:$0x2880] =	vst v63  }
0x1d: {  	s13 =	sadd.s32 $0xA0, s14;
	_ =	swait.ge [sflag:s4], $0x2800  }
0x1e: {  	s12 =	sshrl.u32 s13, $0x3;
	[sflag:s4] =	ssyncset.done $0x0  }
0x1f: {  	s12 =	sadd.s32 s16, s12;
	[sflag:s4] =	ssyncadd.s32 $0xFFFFD800  }
0x20: {  	[tilespmem:s3], [sflag:$0x2] =	stream.linear.gather [hbm4b:s12+s3], $0x50, $0x38;
	[tilespmem:$0x2880] =	vst v63  }
0x21: {  	_ =	swait.ge [sflag:s4], $0x50  }
0x22: {  	[sflag:s4] =	ssyncset.done $0x0  }
0x23: {  	[sflag:s4] =	ssyncadd.s32 $0xFFFFFFB0  }
0x24: {  	[tilespmem:s7], [sflag:$0x1] =	stream.indirect.gather [hbm4b:s2+s6], $0x80, s3, s6, $0xb8;
	[tilespmem:$0x2880] =	vst v63  }
0x25: {  	_ =	swait.ge [sflag:s8], $0x2800  }
0x26: {  	s13 =	sshll.u32 s13, $0x4;
	[sflag:s8] =	ssyncset.done $0x0  }
0x27: {  	s13 =	sadd.s32 s17, s13;
	[sflag:s8] =	ssyncadd.s32 $0xFFFFD800  }
0x28: {  	[hbm4b:s13+s3] =	stream.linear.scatter [tilespmem:s7], [sflag:$0x2], $0x2800, $0x38;
	[tilespmem:$0x2880] =	vst v63  }
0x29: {  	s18 =	sadd.s32 $0xF0, s14;
	_ =	swait.ge [sflag:s4], $0x2800  }
0x2a: {  	s14 =	sshrl.u32 s18, $0x3;
	[sflag:s4] =	ssyncset.done $0x0  }
0x2b: {  	s15 =	ssub.s32 $0x2, s15;
	s14 =	sadd.s32 s16, s14;
	[sflag:s4] =	ssyncadd.s32 $0xFFFFD800  }
0x2c: {  	[tilespmem:s3], [sflag:$0x2] =	stream.linear.gather [hbm4b:s14+s3], $0x50, $0x38;
	[tilespmem:$0x2880] =	vst v63  }
0x2d: {  	s30 =	sshrl.u32 s15, $0x1;
	_ =	swait.ge [sflag:s4], $0x50  }
0x2e: {  	s16 =	ssub.s32 s15, s30;
	[sflag:s4] =	ssyncset.done $0x0  }
0x2f: {  	s16 =	smax.u32 s16, $0x1;
	[sflag:s4] =	ssyncadd.s32 $0xFFFFFFB0  }
0x30: {  	[tilespmem:s7], [sflag:$0x1] =	stream.indirect.gather [hbm4b:s2+s6], $0x80, s3, s6, $0xb8;
	[tilespmem:$0x2880] =	vst v63  }
0x31: {  	p0 =	sne.s32 s16, $0x1;
	_ =	swait.ge [sflag:s8], $0x2800  }
.Ltmp0:
0x32: {  	s31 =	sshll.u32 s18, $0x4;
	[sflag:s8] =	ssyncset.done $0x0;
	(pc) =	sbr.rel @!p0 .LBB2_2-.Ltmp0, $4  }
0x33: {  	s15 =	sadd.s32 s17, s31;
	[sflag:s8] =	ssyncadd.s32 $0xFFFFD800  }
0x34: {  	[hbm4b:s15+s3] =	stream.linear.scatter [tilespmem:s7], [sflag:$0x2], $0x2800, $0x38;
	[tilespmem:$0x2880] =	vst v63  }
0x35: {  	_ =	swait.ge [sflag:s4], $0x2800  }
0x36: {  	s16 =	sadd.s32 $0xFFFFFFFF, s16;
	[sflag:s4] =	ssyncset.done $0x0  }
.LBB2_1:
0x37: {  	p0 =	sne.s32 s16, $0x1;
	s16 =	sadd.s32 $0xFFFFFFFF, s16;
	[sflag:s4] =	ssyncadd.s32 $0xFFFFD800  }
0x38: {  	[tilespmem:s3], [sflag:$0x2] =	stream.linear.gather [hbm4b:s5+s3], $0x50, $0x38;
	[tilespmem:$0x2880] =	vst v63  }
0x39: {  	_ =	swait.ge [sflag:s4], $0x50  }
0x3a: {  	[sflag:s4] =	ssyncset.done $0x0  }
0x3b: {  	[sflag:s4] =	ssyncadd.s32 $0xFFFFFFB0  }
0x3c: {  	[tilespmem:s7], [sflag:$0x1] =	stream.indirect.gather [hbm4b:s2+s6], $0x80, s3, s6, $0xb8;
	[tilespmem:$0x2880] =	vst v63  }
0x3d: {  	_ =	swait.ge [sflag:s8], $0x2800  }
0x3e: {  	[sflag:s8] =	ssyncset.done $0x0  }
0x3f: {  	[sflag:s8] =	ssyncadd.s32 $0xFFFFD800  }
0x40: {  	[hbm4b:s9+s3] =	stream.linear.scatter [tilespmem:s7], [sflag:$0x2], $0x2800, $0x38;
	[tilespmem:$0x2880] =	vst v63  }
0x41: {  	_ =	swait.ge [sflag:s4], $0x2800  }
0x42: {  	[sflag:s4] =	ssyncset.done $0x0  }
0x43: {  	[sflag:s4] =	ssyncadd.s32 $0xFFFFD800  }
0x44: {  	[tilespmem:s3], [sflag:$0x2] =	stream.linear.gather [hbm4b:s10+s3], $0x50, $0x38;
	[tilespmem:$0x2880] =	vst v63  }
0x45: {  	_ =	swait.ge [sflag:s4], $0x50  }
0x46: {  	[sflag:s4] =	ssyncset.done $0x0  }
0x47: {  	[sflag:s4] =	ssyncadd.s32 $0xFFFFFFB0  }
0x48: {  	[tilespmem:s7], [sflag:$0x1] =	stream.indirect.gather [hbm4b:s2+s6], $0x80, s3, s6, $0xb8;
	[tilespmem:$0x2880] =	vst v63  }
0x49: {  	_ =	swait.ge [sflag:s8], $0x2800  }
0x4a: {  	[sflag:s8] =	ssyncset.done $0x0  }
0x4b: {  	[sflag:s8] =	ssyncadd.s32 $0xFFFFD800  }
0x4c: {  	[hbm4b:s11+s3] =	stream.linear.scatter [tilespmem:s7], [sflag:$0x2], $0x2800, $0x38;
	[tilespmem:$0x2880] =	vst v63  }
0x4d: {  	_ =	swait.ge [sflag:s4], $0x2800  }
0x4e: {  	[sflag:s4] =	ssyncset.done $0x0  }
0x4f: {  	[sflag:s4] =	ssyncadd.s32 $0xFFFFD800  }
0x50: {  	[tilespmem:s3], [sflag:$0x2] =	stream.linear.gather [hbm4b:s12+s3], $0x50, $0x38;
	[tilespmem:$0x2880] =	vst v63  }
0x51: {  	_ =	swait.ge [sflag:s4], $0x50  }
0x52: {  	[sflag:s4] =	ssyncset.done $0x0  }
0x53: {  	[sflag:s4] =	ssyncadd.s32 $0xFFFFFFB0  }
0x54: {  	[tilespmem:s7], [sflag:$0x1] =	stream.indirect.gather [hbm4b:s2+s6], $0x80, s3, s6, $0xb8;
	[tilespmem:$0x2880] =	vst v63  }
0x55: {  	_ =	swait.ge [sflag:s8], $0x2800  }
0x56: {  	[sflag:s8] =	ssyncset.done $0x0  }
0x57: {  	[sflag:s8] =	ssyncadd.s32 $0xFFFFD800  }
0x58: {  	[hbm4b:s13+s3] =	stream.linear.scatter [tilespmem:s7], [sflag:$0x2], $0x2800, $0x38;
	[tilespmem:$0x2880] =	vst v63  }
0x59: {  	_ =	swait.ge [sflag:s4], $0x2800  }
0x5a: {  	[sflag:s4] =	ssyncset.done $0x0  }
0x5b: {  	[sflag:s4] =	ssyncadd.s32 $0xFFFFD800  }
0x5c: {  	[tilespmem:s3], [sflag:$0x2] =	stream.linear.gather [hbm4b:s14+s3], $0x50, $0x38;
	[tilespmem:$0x2880] =	vst v63  }
0x5d: {  	_ =	swait.ge [sflag:s4], $0x50  }
0x5e: {  	[sflag:s4] =	ssyncset.done $0x0  }
0x5f: {  	[sflag:s4] =	ssyncadd.s32 $0xFFFFFFB0  }
0x60: {  	[tilespmem:s7], [sflag:$0x1] =	stream.indirect.gather [hbm4b:s2+s6], $0x80, s3, s6, $0xb8;
	[tilespmem:$0x2880] =	vst v63  }
0x61: {  	_ =	swait.ge [sflag:s8], $0x2800  }
.Ltmp1:
0x62: {  	[sflag:s8] =	ssyncset.done $0x0;
	(pc) =	sbr.rel @p0 .LBB2_1-.Ltmp1, $4  }
0x63: {  	[sflag:s8] =	ssyncadd.s32 $0xFFFFD800  }
0x64: {  	[hbm4b:s15+s3] =	stream.linear.scatter [tilespmem:s7], [sflag:$0x2], $0x2800, $0x38;
	[tilespmem:$0x2880] =	vst v63  }
0x65: {  	_ =	swait.ge [sflag:s4], $0x2800  }
0x66: {  	[sflag:s4] =	ssyncset.done $0x0  }
.LBB2_2:
0x67: {  	[sflag:s4] =	ssyncadd.s32 $0xFFFFD800  }
0x68: {  	_ =	sfence.sel $0x180000  }
0x69: {  	[bflag:$0x0] =	sbarrier.arrive $0xFFFF  }
0x6a: {  	p0 =	sne.s32 s0, $0x0;
	_ =	strace $0x90000047  }
0x6b: {  	s0 =	sadd.s32 @!p0 $0x100000, s1;
	[bflag:$0x2] =	sbarrier.arrive $0xFFFF  }
0x6c: {  	[sflag:s0] =	ssyncadd.tile.s32 @!p0 $0x1;
	_ =	shalt  }
.Lfunc_end2:
_tile_overlayer_lowered:
.L_overlay_start_2:
0x6d: {  	(tag) =	ssettag $0x2  }
0x6e: {  	s0 =	rddreg [dreg:$0x0];
	s2 =	stileid.u32  }
0x6f: {  	s1 =	rddreg [dreg:$0x1];
	p0 =	sne.s32 s2, $0x0  }
0x70: {  	s3 =	rddreg [dreg:$0x2];
	[bflag:$0x3] =	sbarrier.arrive $0xFFFF;
	s2 =	simm.s32 @!p0 $0x1C02  }
0x71: {  	[timem:s3], [sflag:s2] =	dma.local @!p0 [hbm:s0], s1  }
0x72: {  	s0 =	simm.s32 @!p0 $0x2  }
0x73: {  	_ =	swait.ge @!p0 [sflag:s0], s1  }
0x74: {  	s1 =	ssub.s32 @!p0 $0x0, s1;
	[sflag:s0] =	ssyncset.done @!p0 $0x0  }
0x75: {  	[sflag:s0] =	ssyncadd.s32 @!p0 s1  }
0x76: {  	[bflag:$0x3] =	sbarrier.arrive $0xFFFF  }
0x77: {  	_ =	shalt  }

// kernel: kernel.13.cloned.1.call-start
scs
__scs_entry_jumppad:
0x0: {  	(pc) =	sbr.rel $0x88, $3  }
0x1: {  	(tag) =	ssettag $0x0;
	lr =	simm.s32 $0x1  }
0x2: {  	[smem:$0x3F8A] =	sst lr;
	_ =	strace $0xD0000000  }
0x3: {  	_ = 	snop  }
0x4: {  	_ = 	snop  }
0x5: {  	_ = 	snop  }
0x6: {  	_ = 	snop  }
0x7: {  	_ = 	snop  }
__scs_overlays_trampoline_lowered:
0x8: {  	[smem:$0x3F99] =	sst s0  }
0x9: {  	[smem:$0x3F9A] =	sst s1  }
0xa: {  	[smem:$0x3F9B] =	sst s2  }
0xb: {  	[smem:$0x3F9C] =	sst s3  }
0xc: {  	[smem:$0x3F9D] =	sst s4  }
0xd: {  	[smem:$0x3F9E] =	sst s5  }
0xe: {  	[smem:$0x3F9F] =	sst s6  }
0xf: {  	[smem:$0x3FA0] =	sst s7  }
0x10: {  	[smem:$0x3FA1] =	sst s8  }
0x11: {  	[smem:$0x3FA2] =	sst s9;
	s0 =	simm.s32 @!p0 $0x0  }
0x12: {  	s1 =	sld [smem:$0x3F88];
	s0 =	simm.s32 @p0 $0x1  }
0x13: {  	[smem:$0x3FA3] =	sst s0;
	s0 =	simm.s32 @!p1 $0x0  }
0x14: {  	s2 =	sld [smem:$0x3F87];
	s0 =	simm.s32 @p1 $0x1  }
0x15: {  	[smem:$0x3FA4] =	sst s0;
	s0 =	simm.s32 @!p2 $0x0  }
0x16: {  	s3 =	sld [smem:$0x3FDB];
	s0 =	simm.s32 @p2 $0x1  }
0x17: {  	s4 =	simm.s32 $0x1BF5;
	[smem:$0x3FA6] =	sst s0  }
0x18: {  	s0 =	sld [smem:$0x3F89];
	_ =	swait.ge [sflag:s4], $0x0  }
0x19: {  	s7 =	sld [smem:$0x3F8A]  }
0x1a: {  	s8 =	sadd.s32 $0xFFFFE003, lr  }
0x1b: {  	s9 =	sadd.s32 $0xFFFFFEF7, lr;
	s5 =	simm.s32 $0xFFFFFFFF;
	p2 =	slt.u32 s8, $0xFFFFF086  }
0x1c: {  	p1 =	slt.u32 s9, $0xF7A;
	s5 =	simm.s32 @!p2 $0x0  }
0x1d: {  	s5 =	simm.s32 @p1 $0x1;
	p0 =	seq.s32 s7, s2  }
0x1e: {  	s7 =	smul.u32 @!p0 $0xF7A, s2;
	p2 =	seq.s32 @!p0 s5, $0x0  }
0x1f: {  	s9 =	smul.u32 $0xF7A, s1;
	s8 =	simm.s32 @!p0 $0x1BF5;
	p2 =	por !p2, p0  }
0x20: {  	[sflag:s8] =	ssyncset.s32 @!p0 $0xFFFFF086;
	s6 =	sadd.s32 @!p0 s3, s7;
	s7 =	simm.s32 @!p0 $0x108  }
0x21: {  	s3 =	sadd.s32 s3, s9;
	s6 =	sadd.s32 @!p0 $0x88, s6;
	s7 =	simm.s32 @p2 $0x1082  }
0x22: {  	[simem:s7], [sflag:s8] =	dma.local @!p0 [hbm:s6], $0xF7A  }
0x23: {  	s9 =	sor.u32 $0xD0000000, s2;
	s6 =	simm.s32 $0x108;
	_ =	swait.ge @!p0 [sflag:s8], $0x0  }
0x24: {  	s3 =	sadd.s32 $0x88, s3;
	s6 =	simm.s32 @!p1 $0x1082;
	[sflag:s4] =	ssyncset.s32 $0xFFFFF086  }
0x25: {  	[simem:s6], [sflag:s4] =	dma.local [hbm:s3], $0xF7A  }
0x26: {  	[smem:$0x3F8A] =	sst s1;
	(tag) =	ssettag s2;
	_ =	strace s9  }
0x27: {  	s1 =	sld [smem:$0x3F9A]  }
0x28: {  	s2 =	sld [smem:$0x3F9B]  }
0x29: {  	s4 =	sld [smem:$0x3F9D]  }
0x2a: {  	p0 =	seq.s32 s5, $0x0;
	s5 =	sld [smem:$0x3F9E]  }
0x2b: {  	s6 =	sld [smem:$0x3F9F]  }
0x2c: {  	s7 =	sld [smem:$0x3FA0]  }
0x2d: {  	s3 =	simm.s32 $0x108;
	s8 =	sld [smem:$0x3FA1]  }
0x2e: {  	s3 =	simm.s32 @!p0 $0x1082;
	s9 =	sld [smem:$0x3FA2]  }
0x2f: {  	lr =	sadd.s32 s0, s3;
	s0 =	sld [smem:$0x3F99]  }
0x30: {  	s3 =	sld [smem:$0x3F9C]  }
0x31: {  	[smem:$0x3FA5] =	sst s10  }
0x32: {  	s10 =	sld [smem:$0x3FA3];
	_ =	sdelay $0x3  }
0x33: {  	p0 =	seq.s32 s10, $0x1;
	s10 =	sld [smem:$0x3FA5];
	_ =	sdelay $0x3  }
0x34: {  	[smem:$0x3FA5] =	sst s10  }
0x35: {  	s10 =	sld [smem:$0x3FA4];
	_ =	sdelay $0x3  }
0x36: {  	p1 =	seq.s32 s10, $0x1;
	s10 =	sld [smem:$0x3FA5];
	_ =	sdelay $0x3  }
0x37: {  	[smem:$0x3FA5] =	sst s10  }
0x38: {  	s10 =	sld [smem:$0x3FA6]  }
0x39: {  	_ = 	snop;
	(pc) =	sbr.ind lr, $3  }
0x3a: {  	_ = 	snop  }
0x3b: {  	_ = 	snop  }
0x3c: {  	p2 =	seq.s32 s10, $0x1;
	s10 =	sld [smem:$0x3FA5]  }
0x3d: {  	_ =	shalt  }
0x3e: {  	_ =	shalt  }
0x3f: {  	_ =	shalt  }
0x40: {  	_ =	shalt  }
0x41: {  	_ =	shalt  }
0x42: {  	_ =	shalt  }
0x43: {  	_ =	shalt  }
0x44: {  	_ =	shalt  }
0x45: {  	_ =	shalt  }
0x46: {  	_ =	shalt  }
0x47: {  	_ =	shalt  }
0x48: {  	_ =	shalt  }
0x49: {  	_ =	shalt  }
0x4a: {  	_ =	shalt  }
0x4b: {  	_ =	shalt  }
0x4c: {  	_ =	shalt  }
0x4d: {  	_ =	shalt  }
0x4e: {  	_ =	shalt  }
0x4f: {  	_ =	shalt  }
0x50: {  	_ =	shalt  }
0x51: {  	_ =	shalt  }
0x52: {  	_ =	shalt  }
0x53: {  	_ =	shalt  }
0x54: {  	_ =	shalt  }
0x55: {  	_ =	shalt  }
0x56: {  	_ =	shalt  }
0x57: {  	_ =	shalt  }
0x58: {  	_ =	shalt  }
0x59: {  	_ =	shalt  }
0x5a: {  	_ =	shalt  }
0x5b: {  	_ =	shalt  }
0x5c: {  	_ =	shalt  }
0x5d: {  	_ =	shalt  }
0x5e: {  	_ =	shalt  }
0x5f: {  	_ =	shalt  }
0x60: {  	_ =	shalt  }
0x61: {  	_ =	shalt  }
0x62: {  	_ =	shalt  }
0x63: {  	_ =	shalt  }
0x64: {  	_ =	shalt  }
0x65: {  	_ =	shalt  }
0x66: {  	_ =	shalt  }
0x67: {  	_ =	shalt  }
0x68: {  	_ =	shalt  }
0x69: {  	_ =	shalt  }
0x6a: {  	_ =	shalt  }
0x6b: {  	_ =	shalt  }
0x6c: {  	_ =	shalt  }
0x6d: {  	_ =	shalt  }
0x6e: {  	_ =	shalt  }
0x6f: {  	_ =	shalt  }
0x70: {  	_ =	shalt  }
0x71: {  	_ =	shalt  }
0x72: {  	_ =	shalt  }
0x73: {  	_ =	shalt  }
0x74: {  	_ =	shalt  }
0x75: {  	_ =	shalt  }
0x76: {  	_ =	shalt  }
0x77: {  	_ =	shalt  }
0x78: {  	_ =	shalt  }
0x79: {  	_ =	shalt  }
0x7a: {  	_ =	shalt  }
0x7b: {  	_ =	shalt  }
0x7c: {  	_ =	shalt  }
0x7d: {  	_ =	shalt  }
0x7e: {  	_ =	shalt  }
0x7f: {  	_ =	shalt  }
0x80: {  	_ =	shalt  }
0x81: {  	_ =	shalt  }
0x82: {  	_ =	shalt  }
0x83: {  	_ =	shalt  }
0x84: {  	_ =	shalt  }
0x85: {  	_ =	shalt  }
0x86: {  	_ =	shalt  }
0x87: {  	_ =	shalt  }
.Lfunc_end0:
.L_simem_size_0:
called_computation.1_lowered:
.L_overlay_start_0:
0x88: {  	s2 =	sld [smem:$0x3FD9]  }
0x89: {  	s3 =	sld [smem:$0x3FFE];
	_ =	sdelay $0x1  }
0x8a: {  	s1 =	srdreg.scid  }
0x8b: {  	s0 =	sand.u32 $0x1, s1  }
0x8c: {  	s17 =	sshll.u32 s0, $0xA;
	s2 =	sadd.s32 s3, s2  }
0x8d: {  	s2 =	sadd.s32 s2, s17  }
0x8e: {  	[smem:$0x3FB1] =	sst s2  }
0x8f: {  	_ = 	snop  }
0x90: {  	(tm) =	ssettm $0x1  }
0x91: {  	s18 =	sld [smem:$0x3FFB];
	_ =	sdelay $0x3  }
0x92: {  	_ =	strace s18  }
0x93: {  	s2 =	sld [smem:$0x3FFC];
	_ =	sdelay $0x3  }
0x94: {  	_ =	strace s2  }
0x95: {  	s2 =	sld [smem:$0x3FFD];
	_ =	sdelay $0x3  }
0x96: {  	_ =	strace s2  }
0x97: {  	_ =	strace $0x8FFFFFFF  }
0x98: {  	s19 =	sld [smem:$0x3FDB];
	_ =	sdelay $0x1  }
0x99: {  	s20 =	simm.s32 $_scs_section_size  }
0x9a: {  	s4 =	simm.s32 $_size__tile_overlayer_lowered;
	s5 =	simm.s32 $_tile_overlayer_lowered  }
0x9b: {  	s6 =	simm.s32 $0x1BFF;
	s21 =	sshll.u32 s5, $0x1;
	s3 =	sadd.s32 s20, s19  }
0x9c: {  	s22 =	simm.s32 $0x0;
	s4 =	sshll.u32 s4, $0x1;
	s5 =	sadd.s32 s21, s3  }
0x9d: {  	[timem:s22], [sflag:s6] =	dma.local [hbm:s5], s4  }
0x9e: {  	_ =	swait.ge [sflag:s6], s4  }
0x9f: {  	s4 =	ssub.s32 $0x0, s4;
	[sflag:s6] =	ssyncset.done $0x0  }
0xa0: {  	[sflag:s6] =	ssyncadd.s32 s4;
	_ =	sdelay $0x1  }
0xa1: {  	s23 =	simm.s32 $0x1B8B  }
0xa2: {  	_ =	swait.ge [sflag:s23], $0x1  }
0xa3: {  	[sflag:s23] =	ssyncset.done $0x0  }
0xa4: {  	[sflag:s23] =	ssyncadd.s32 $0xFFFFFFFF  }
0xa5: {  	s4 =	sld [smem:$0x0]  }
0xa6: {  	s5 =	sand.u32 $0xFFFFFFFE, s1  }
0xa7: {  	p0 =	sne.s32 s1, s5  }
0xa8: {  	s5 =	sshll.u32 @p0 s5, $0xE  }
0xa9: {  	s5 =	sadd.s32 @p0 $0x11B8D, s5;
	s6 =	sshll.u32 @p0 s4, $0x11  }
0xaa: {  	s5 =	sor.u32 @p0 s6, s5  }
0xab: {  	[sflag:s5] =	ssyncadd.remote.s32 @p0 $0x1;
	_ =	sdelay $0x1  }
0xac: {  	s5 =	simm.s32 @p0 $0x1B8D  }
0xad: {  	_ =	swait.eq @p0 [sflag:s5], $0x1  }
0xae: {  	[sflag:s5] =	ssyncadd.s32 @p0 $0xFFFFFFFF  }
0xaf: {  	s6 =	sshll.u32 @!p0 s1, $0xE  }
0xb0: {  	s6 =	sor.u32 @!p0 $0x4000, s6;
	s5 =	simm.s32 @!p0 $0x1B8D  }
0xb1: {  	s4 =	sshll.u32 @!p0 s4, $0x11;
	s6 =	sadd.s32 @!p0 $0x11B8D, s6;
	_ =	swait.eq @!p0 [sflag:s5], $0x1  }
0xb2: {  	s4 =	sor.u32 @!p0 s4, s6;
	[sflag:s5] =	ssyncadd.s32 @!p0 $0xFFFFFFFF  }
0xb3: {  	s25 =	simm.s32 $0x1B8E;
	s24 =	sld [smem:$0x3FFE];
	[sflag:s4] =	ssyncadd.remote.s32 @!p0 $0x1  }
0xb4: {  	s26 =	simm.s32 $execute0_lowered;
	[smem:$0x3FD2] =	sst s25  }
0xb5: {  	s5 =	sshll.u32 s26, $0x1;
	_ =	strace $0x80000049;
	[dreg:$0x1] =	wrdreg $0xFFFFFFFF  }
0xb6: {  	s28 =	simm.s32 $_size_execute0_lowered;
	s3 =	sadd.s32 s3, s5;
	[dreg:$0x0] =	wrdreg $0x0  }
0xb7: {  	s5 =	sshll.u32 s28, $0x1;
	[dreg:$0x2] =	wrdreg s3  }
0xb8: {  	[dreg:$0x3] =	wrdreg s5  }
0xb9: {  	[dreg:$0x4] =	wrdreg $0xC0  }
0xba: {  	_ =	task [dreg:s22], $0x5FFFF  }
0xbb: {  	[dreg:$0x1] =	wrdreg $0xFFFFFFFF  }
0xbc: {  	[dreg:$0x0] =	wrdreg $0x60  }
0xbd: {  	[dreg:$0x2] =	wrdreg s24  }
0xbe: {  	[dreg:$0x3] =	wrdreg $0x29000  }
0xbf: {  	[dreg:$0x4] =	wrdreg $0x9  }
0xc0: {  	_ =	task.clear_ibuf [dreg:s22], $0x5FFFF;
	_ =	strace $0x90000049  }
0xc1: {  	s29 =	simm.s32 $0x9;
	_ =	strace $0x8000004B  }
0xc2: {  	_ =	swait.ge [sflag:s29], $0x1  }
0xc3: {  	[sflag:s29] =	ssyncadd.s32 $0xFFFFFFFF  }
0xc4: {  	_ =	strace $0x9000004B  }
0xc5: {  	_ =	sfence  }
0xc6: {  	s30 =	sld [smem:$0x0];
	_ =	sdelay $0x2  }
0xc7: {  	s31 =	sshll.u32 s1, $0xD;
	s1 =	sshrl.u32 s1, $0x2  }
0xc8: {  	s4 =	sand.u32 $0x4000, s31;
	s1 =	sadd.s32 s1, s30  }
0xc9: {  	s0 =	sor.u32 s4, s0;
	s1 =	sshll.u32 s1, $0x11  }
0xca: {  	s0 =	sor.u32 s1, s0  }
0xcb: {  	s0 =	sadd.s32 $0x8F2B, s0  }
0xcc: {  	[sflag:s0] =	ssyncadd.remote.s32 $0x1  }
0xcd: {  	_ =	sfence.sel $0xFFFF  }
0xce: {  	[dreg:$0x0] =	wrdreg $0xFFFFFFFF;
	(pc) =	sbr.abs _section_cstart, $3  }
0xcf: {  	[dreg:$0x1] =	wrdreg $0xFFFFFFFF  }
0xd0: {  	_ =	task.clear_ibuf [dreg:s22], $0x2FFFF;
	_ =	strace $0x9FFFFFFF  }
0xd1: {  	(tm) =	ssettm $0x7FFFFFFF  }
tec
execute0_lowered:
.L_overlay_start_1:
0x0: {  	(tag) =	ssettag $0x1  }
0x1: {  	s6 =	rddreg [dreg:$0x0]  }
0x2: {  	s2 =	rddreg [dreg:$0x1]  }
0x3: {  	s0 =	rddreg [dreg:$0x2];
	s3 =	simm.s32 $0x0;
	s1 =	stileid.u32  }
0x4: {  	s4 =	srdreg.scid;
	s16 =	simm.s32 $0x50;
	s17 =	simm.s32 $0x80  }
0x5: {  	s18 =	simm.s32 $0x1;
	s19 =	simm.s32 $0x2;
	s7 =	smul.u32 $0x2800, s1  }
0x6: {  	s20 =	simm.s32 $0x0;
	[smem:$0x7FF] =	sst s3;
	s11 =	smul.u32 $0x50000, s1  }
0x7: {  	s8 =	sand.u32 $0x1, s4;
	s4 =	sadd.s32 $0x2CE00, s6;
	s13 =	smul.u32 $0x2710, s1  }
0x8: {  	s5 =	sadd.s32 $0x68A00, s6;
	s29 =	sshll.u32 s1, $0x6;
	s9 =	smul.u32 $0x28000, s8  }
0x9: {  	_ =	strace $0x8000004A;
	s12 =	ssub.s32 $0x2, s8;
	s8 =	smul.u32 $0x27100, s8  }
0xa: {  	s10 =	sadd.s32 s7, s6;
	s26 =	sshrl.u32 s12, $0x1;
	s28 =	sshrl.u32 s11, $0x2  }
0xb: {  	s7 =	sadd.s32 s7, s9;
	s12 =	ssub.s32 s12, s26;
	s15 =	sadd.s32 s28, s2  }
0xc: {  	s30 =	sadd.s32 s13, s8;
	s14 =	sadd.s32 s7, s6;
	s6 =	sadd.s32 $0x40A00, s10  }
0xd: {  	s7 =	sor.u32 $0x1C03, s29;
	s8 =	sshrl.u32 s30, $0x3;
	s13 =	sadd.s32 $0x50, s30  }
0xe: {  	s10 =	smax.u32 s12, $0x1;
	s11 =	sadd.s32 $0xA0, s30;
	s8 =	sadd.s32 s4, s8  }
0xf: {  	s9 =	sadd.s32 $0x69000, s14;
	s31 =	sshrl.u32 s13, $0x3;
	s13 =	sshrl.u32 s15, $0x3  }
0x10: {  	s14 =	simm.s32 $0x3;
	s15 =	simm.s32 $0x100;
	s12 =	sadd.s32 s31, s4  }
.LBB2_1:
0x11: {  	[spmem:s13], [sflag:s7] =	dma.local [hbm:s6], $0x2800  }
0x12: {  	_ =	swait.ge [sflag:s14], $0x2800  }
0x13: {  	[sflag:s14] =	ssyncset.done $0x0  }
0x14: {  	[sflag:s14] =	ssyncadd.s32 $0xFFFFD800  }
0x15: {  	[tilespmem:s15], [sflag:$0x3] =	stream.linear.gather [hbm4b:s5+s3], $0x2800, $0x38;
	[tilespmem:$0x16900] =	vst v63  }
0x16: {  	_ =	swait.ge [sflag:s14], $0x2800  }
0x17: {  	[sflag:s14] =	ssyncset.done $0x0  }
0x18: {  	[sflag:s14] =	ssyncadd.s32 $0xFFFFD800  }
0x19: {  	[bflag:$0x0] =	sbarrier.arrive $0xFFFF  }
0x1a: {  	[tilespmem:s3], [sflag:$0x3] =	stream.linear.gather [hbm4b:s8+s3], $0x50, $0x38;
	[tilespmem:$0x16900] =	vst v63  }
0x1b: {  	_ =	swait.ge [sflag:s14], $0x50  }
0x1c: {  	[sflag:s14] =	ssyncset.done $0x0  }
0x1d: {  	[sflag:s14] =	ssyncadd.s32 $0xFFFFFFB0  }
0x1e: {  	[spmem:s2] =	stream.indirect.scatter.add.f32 [tilespmem:s15], [sflag:$0x1], $0x80, s3, s16, $0xb8;
	[tilespmem:$0x16900] =	vst v63  }
0x1f: {  	s21 =	sadd.s32 $0x0, s12  }
0x20: {  	[tilespmem:s17], [sflag:$0x3] =	stream.linear.gather [hbm4b:s21+s3], $0x50, $0x38;
	[tilespmem:$0x16900] =	vst v63  }
0x21: {  	_ =	swait.ge [sflag:s14], $0x50  }
0x22: {  	[sflag:s14] =	ssyncset.done $0x0  }
0x23: {  	[sflag:s14] =	ssyncadd.s32 $0xFFFFFFB0  }
0x24: {  	_ =	swait.ge [sflag:s18], $0x2800  }
0x25: {  	[sflag:s18] =	ssyncset.done $0x0  }
0x26: {  	s31 =	sshrl.u32 s11, $0x3;
	[sflag:s18] =	ssyncadd.s32 $0xFFFFD800  }
0x27: {  	[spmem:s2] =	stream.indirect.scatter.add.f32 [tilespmem:s15], [sflag:$0x2], $0x80, s17, s16, $0xb8;
	[tilespmem:$0x16900] =	vst v63  }
0x28: {  	s21 =	sadd.s32 s4, s31  }
0x29: {  	[tilespmem:s3], [sflag:$0x3] =	stream.linear.gather [hbm4b:s21+s3], $0x50, $0x38;
	[tilespmem:$0x16900] =	vst v63  }
0x2a: {  	_ =	swait.ge [sflag:s14], $0x50  }
0x2b: {  	[sflag:s14] =	ssyncset.done $0x0  }
0x2c: {  	[sflag:s14] =	ssyncadd.s32 $0xFFFFFFB0  }
0x2d: {  	_ =	swait.ge [sflag:s19], $0x2800  }
0x2e: {  	s22 =	smov.u32 s11;
	s21 =	simm.s32 $0x14;
	[sflag:s19] =	ssyncset.done $0x0  }
.LBB2_2:
0x2f: {  	p0 =	sne.s32 s21, $0x4C4;
	[sflag:s19] =	ssyncadd.s32 $0xFFFFD800;
	s22 =	sadd.s32 $0xA0, s22  }
0x30: {  	[spmem:s2] =	stream.indirect.scatter.add.f32 [tilespmem:s15], [sflag:$0x1], $0x80, s3, s16, $0xb8;
	[tilespmem:$0x16900] =	vst v63  }
0x31: {  	s23 =	sadd.s32 s21, s12;
	s21 =	sadd.s32 $0x14, s21  }
0x32: {  	[tilespmem:s17], [sflag:$0x3] =	stream.linear.gather [hbm4b:s23+s3], $0x50, $0x38;
	[tilespmem:$0x16900] =	vst v63  }
0x33: {  	_ =	swait.ge [sflag:s14], $0x50  }
0x34: {  	[sflag:s14] =	ssyncset.done $0x0  }
0x35: {  	[sflag:s14] =	ssyncadd.s32 $0xFFFFFFB0  }
0x36: {  	_ =	swait.ge [sflag:s18], $0x2800  }
0x37: {  	[sflag:s18] =	ssyncset.done $0x0  }
0x38: {  	s23 =	sshrl.u32 s22, $0x3;
	[sflag:s18] =	ssyncadd.s32 $0xFFFFD800  }
0x39: {  	[spmem:s2] =	stream.indirect.scatter.add.f32 [tilespmem:s15], [sflag:$0x2], $0x80, s17, s16, $0xb8;
	[tilespmem:$0x16900] =	vst v63  }
0x3a: {  	s23 =	sadd.s32 s4, s23  }
0x3b: {  	[tilespmem:s3], [sflag:$0x3] =	stream.linear.gather [hbm4b:s23+s3], $0x50, $0x38;
	[tilespmem:$0x16900] =	vst v63  }
.Ltmp0:
0x3c: {  	_ =	swait.ge [sflag:s14], $0x50;
	(pc) =	sbr.rel @p0 .LBB2_2-.Ltmp0, $4  }
0x3d: {  	[sflag:s14] =	ssyncset.done $0x0  }
0x3e: {  	[sflag:s14] =	ssyncadd.s32 $0xFFFFFFB0  }
0x3f: {  	_ =	swait.ge [sflag:s19], $0x2800  }
0x40: {  	[sflag:s19] =	ssyncset.done $0x0  }
0x41: {  	[sflag:s19] =	ssyncadd.s32 $0xFFFFD800  }
0x42: {  	[spmem:s2] =	stream.indirect.scatter.add.f32 [tilespmem:s15], [sflag:$0x1], $0x80, s3, s16, $0xb8;
	[tilespmem:$0x16900] =	vst v63  }
0x43: {  	_ =	swait.ge [sflag:s18], $0x2800  }
0x44: {  	s20 =	sadd.s32 $0x1, s20;
	[sflag:s18] =	ssyncset.done $0x0  }
0x45: {  	p0 =	sne.s32 s20, s10;
	[sflag:s18] =	ssyncadd.s32 $0xFFFFD800  }
.Ltmp1:
0x46: {  	[bflag:$0x0] =	sbarrier.arrive $0xFFFF;
	(pc) =	sbr.rel @p0 .LBB2_1-.Ltmp1, $4  }
0x47: {  	[hbm:s9], [sflag:s7] =	dma.local [spmem:s13], $0x2800  }
0x48: {  	_ =	swait.ge [sflag:s14], $0x2800  }
0x49: {  	[sflag:s14] =	ssyncset.done $0x0  }
0x4a: {  	[sflag:s14] =	ssyncadd.s32 $0xFFFFD800  }
0x4b: {  	_ =	sfence.sel $0x180000  }
0x4c: {  	[bflag:$0x0] =	sbarrier.arrive $0xFFFF  }
0x4d: {  	p0 =	sne.s32 s1, $0x0;
	_ =	strace $0x9000004A  }
0x4e: {  	s0 =	sadd.s32 @!p0 $0x100000, s0;
	[bflag:$0x2] =	sbarrier.arrive $0xFFFF  }
0x4f: {  	[sflag:s0] =	ssyncadd.tile.s32 @!p0 $0x1;
	_ =	shalt  }
.Lfunc_end2:
_tile_overlayer_lowered:
.L_overlay_start_2:
0x50: {  	(tag) =	ssettag $0x2  }
0x51: {  	s0 =	rddreg [dreg:$0x0];
	s2 =	stileid.u32  }
0x52: {  	s1 =	rddreg [dreg:$0x1];
	p0 =	sne.s32 s2, $0x0  }
0x53: {  	s3 =	rddreg [dreg:$0x2];
	[bflag:$0x3] =	sbarrier.arrive $0xFFFF;
	s2 =	simm.s32 @!p0 $0x1C03  }
0x54: {  	[timem:s3], [sflag:s2] =	dma.local @!p0 [hbm:s0], s1  }
0x55: {  	s0 =	simm.s32 @!p0 $0x3  }
0x56: {  	_ =	swait.ge @!p0 [sflag:s0], s1  }
0x57: {  	s1 =	ssub.s32 @!p0 $0x0, s1;
	[sflag:s0] =	ssyncset.done @!p0 $0x0  }
0x58: {  	[sflag:s0] =	ssyncadd.s32 @!p0 s1  }
0x59: {  	[bflag:$0x3] =	sbarrier.arrive $0xFFFF  }
0x5a: {  	_ =	shalt  }

// kernel: kernel.16.cloned.1.call-start
scs
__scs_entry_jumppad:
0x0: {  	(pc) =	sbr.rel $0x88, $3  }
0x1: {  	(tag) =	ssettag $0x0;
	lr =	simm.s32 $0x1  }
0x2: {  	[smem:$0x3F8A] =	sst lr;
	_ =	strace $0xD0000000  }
0x3: {  	_ = 	snop  }
0x4: {  	_ = 	snop  }
0x5: {  	_ = 	snop  }
0x6: {  	_ = 	snop  }
0x7: {  	_ = 	snop  }
__scs_overlays_trampoline_lowered:
0x8: {  	[smem:$0x3F99] =	sst s0  }
0x9: {  	[smem:$0x3F9A] =	sst s1  }
0xa: {  	[smem:$0x3F9B] =	sst s2  }
0xb: {  	[smem:$0x3F9C] =	sst s3  }
0xc: {  	[smem:$0x3F9D] =	sst s4  }
0xd: {  	[smem:$0x3F9E] =	sst s5  }
0xe: {  	[smem:$0x3F9F] =	sst s6  }
0xf: {  	[smem:$0x3FA0] =	sst s7  }
0x10: {  	[smem:$0x3FA1] =	sst s8  }
0x11: {  	[smem:$0x3FA2] =	sst s9;
	s0 =	simm.s32 @!p0 $0x0  }
0x12: {  	s1 =	sld [smem:$0x3F88];
	s0 =	simm.s32 @p0 $0x1  }
0x13: {  	[smem:$0x3FA3] =	sst s0;
	s0 =	simm.s32 @!p1 $0x0  }
0x14: {  	s2 =	sld [smem:$0x3F87];
	s0 =	simm.s32 @p1 $0x1  }
0x15: {  	[smem:$0x3FA4] =	sst s0;
	s0 =	simm.s32 @!p2 $0x0  }
0x16: {  	s3 =	sld [smem:$0x3FDB];
	s0 =	simm.s32 @p2 $0x1  }
0x17: {  	s4 =	simm.s32 $0x1BF5;
	[smem:$0x3FA6] =	sst s0  }
0x18: {  	s0 =	sld [smem:$0x3F89];
	_ =	swait.ge [sflag:s4], $0x0  }
0x19: {  	s7 =	sld [smem:$0x3F8A]  }
0x1a: {  	s8 =	sadd.s32 $0xFFFFE003, lr  }
0x1b: {  	s9 =	sadd.s32 $0xFFFFFEF7, lr;
	s5 =	simm.s32 $0xFFFFFFFF;
	p2 =	slt.u32 s8, $0xFFFFF086  }
0x1c: {  	p1 =	slt.u32 s9, $0xF7A;
	s5 =	simm.s32 @!p2 $0x0  }
0x1d: {  	s5 =	simm.s32 @p1 $0x1;
	p0 =	seq.s32 s7, s2  }
0x1e: {  	s7 =	smul.u32 @!p0 $0xF7A, s2;
	p2 =	seq.s32 @!p0 s5, $0x0  }
0x1f: {  	s9 =	smul.u32 $0xF7A, s1;
	s8 =	simm.s32 @!p0 $0x1BF5;
	p2 =	por !p2, p0  }
0x20: {  	[sflag:s8] =	ssyncset.s32 @!p0 $0xFFFFF086;
	s6 =	sadd.s32 @!p0 s3, s7;
	s7 =	simm.s32 @!p0 $0x108  }
0x21: {  	s3 =	sadd.s32 s3, s9;
	s6 =	sadd.s32 @!p0 $0x88, s6;
	s7 =	simm.s32 @p2 $0x1082  }
0x22: {  	[simem:s7], [sflag:s8] =	dma.local @!p0 [hbm:s6], $0xF7A  }
0x23: {  	s9 =	sor.u32 $0xD0000000, s2;
	s6 =	simm.s32 $0x108;
	_ =	swait.ge @!p0 [sflag:s8], $0x0  }
0x24: {  	s3 =	sadd.s32 $0x88, s3;
	s6 =	simm.s32 @!p1 $0x1082;
	[sflag:s4] =	ssyncset.s32 $0xFFFFF086  }
0x25: {  	[simem:s6], [sflag:s4] =	dma.local [hbm:s3], $0xF7A  }
0x26: {  	[smem:$0x3F8A] =	sst s1;
	(tag) =	ssettag s2;
	_ =	strace s9  }
0x27: {  	s1 =	sld [smem:$0x3F9A]  }
0x28: {  	s2 =	sld [smem:$0x3F9B]  }
0x29: {  	s4 =	sld [smem:$0x3F9D]  }
0x2a: {  	p0 =	seq.s32 s5, $0x0;
	s5 =	sld [smem:$0x3F9E]  }
0x2b: {  	s6 =	sld [smem:$0x3F9F]  }
0x2c: {  	s7 =	sld [smem:$0x3FA0]  }
0x2d: {  	s3 =	simm.s32 $0x108;
	s8 =	sld [smem:$0x3FA1]  }
0x2e: {  	s3 =	simm.s32 @!p0 $0x1082;
	s9 =	sld [smem:$0x3FA2]  }
0x2f: {  	lr =	sadd.s32 s0, s3;
	s0 =	sld [smem:$0x3F99]  }
0x30: {  	s3 =	sld [smem:$0x3F9C]  }
0x31: {  	[smem:$0x3FA5] =	sst s10  }
0x32: {  	s10 =	sld [smem:$0x3FA3];
	_ =	sdelay $0x3  }
0x33: {  	p0 =	seq.s32 s10, $0x1;
	s10 =	sld [smem:$0x3FA5];
	_ =	sdelay $0x3  }
0x34: {  	[smem:$0x3FA5] =	sst s10  }
0x35: {  	s10 =	sld [smem:$0x3FA4];
	_ =	sdelay $0x3  }
0x36: {  	p1 =	seq.s32 s10, $0x1;
	s10 =	sld [smem:$0x3FA5];
	_ =	sdelay $0x3  }
0x37: {  	[smem:$0x3FA5] =	sst s10  }
0x38: {  	s10 =	sld [smem:$0x3FA6]  }
0x39: {  	_ = 	snop;
	(pc) =	sbr.ind lr, $3  }
0x3a: {  	_ = 	snop  }
0x3b: {  	_ = 	snop  }
0x3c: {  	p2 =	seq.s32 s10, $0x1;
	s10 =	sld [smem:$0x3FA5]  }
0x3d: {  	_ =	shalt  }
0x3e: {  	_ =	shalt  }
0x3f: {  	_ =	shalt  }
0x40: {  	_ =	shalt  }
0x41: {  	_ =	shalt  }
0x42: {  	_ =	shalt  }
0x43: {  	_ =	shalt  }
0x44: {  	_ =	shalt  }
0x45: {  	_ =	shalt  }
0x46: {  	_ =	shalt  }
0x47: {  	_ =	shalt  }
0x48: {  	_ =	shalt  }
0x49: {  	_ =	shalt  }
0x4a: {  	_ =	shalt  }
0x4b: {  	_ =	shalt  }
0x4c: {  	_ =	shalt  }
0x4d: {  	_ =	shalt  }
0x4e: {  	_ =	shalt  }
0x4f: {  	_ =	shalt  }
0x50: {  	_ =	shalt  }
0x51: {  	_ =	shalt  }
0x52: {  	_ =	shalt  }
0x53: {  	_ =	shalt  }
0x54: {  	_ =	shalt  }
0x55: {  	_ =	shalt  }
0x56: {  	_ =	shalt  }
0x57: {  	_ =	shalt  }
0x58: {  	_ =	shalt  }
0x59: {  	_ =	shalt  }
0x5a: {  	_ =	shalt  }
0x5b: {  	_ =	shalt  }
0x5c: {  	_ =	shalt  }
0x5d: {  	_ =	shalt  }
0x5e: {  	_ =	shalt  }
0x5f: {  	_ =	shalt  }
0x60: {  	_ =	shalt  }
0x61: {  	_ =	shalt  }
0x62: {  	_ =	shalt  }
0x63: {  	_ =	shalt  }
0x64: {  	_ =	shalt  }
0x65: {  	_ =	shalt  }
0x66: {  	_ =	shalt  }
0x67: {  	_ =	shalt  }
0x68: {  	_ =	shalt  }
0x69: {  	_ =	shalt  }
0x6a: {  	_ =	shalt  }
0x6b: {  	_ =	shalt  }
0x6c: {  	_ =	shalt  }
0x6d: {  	_ =	shalt  }
0x6e: {  	_ =	shalt  }
0x6f: {  	_ =	shalt  }
0x70: {  	_ =	shalt  }
0x71: {  	_ =	shalt  }
0x72: {  	_ =	shalt  }
0x73: {  	_ =	shalt  }
0x74: {  	_ =	shalt  }
0x75: {  	_ =	shalt  }
0x76: {  	_ =	shalt  }
0x77: {  	_ =	shalt  }
0x78: {  	_ =	shalt  }
0x79: {  	_ =	shalt  }
0x7a: {  	_ =	shalt  }
0x7b: {  	_ =	shalt  }
0x7c: {  	_ =	shalt  }
0x7d: {  	_ =	shalt  }
0x7e: {  	_ =	shalt  }
0x7f: {  	_ =	shalt  }
0x80: {  	_ =	shalt  }
0x81: {  	_ =	shalt  }
0x82: {  	_ =	shalt  }
0x83: {  	_ =	shalt  }
0x84: {  	_ =	shalt  }
0x85: {  	_ =	shalt  }
0x86: {  	_ =	shalt  }
0x87: {  	_ =	shalt  }
.Lfunc_end0:
.L_simem_size_0:
called_computation.2_lowered:
.L_overlay_start_0:
0x88: {  	s2 =	sld [smem:$0x3FD9]  }
0x89: {  	s3 =	sld [smem:$0x3FFE];
	_ =	sdelay $0x1  }
0x8a: {  	s1 =	srdreg.scid  }
0x8b: {  	s0 =	sand.u32 $0x1, s1  }
0x8c: {  	s17 =	sshll.u32 s0, $0xA;
	s2 =	sadd.s32 s3, s2  }
0x8d: {  	s2 =	sadd.s32 s2, s17  }
0x8e: {  	[smem:$0x3FB1] =	sst s2  }
0x8f: {  	_ = 	snop  }
0x90: {  	(tm) =	ssettm $0x1  }
0x91: {  	s18 =	sld [smem:$0x3FFB];
	_ =	sdelay $0x3  }
0x92: {  	_ =	strace s18  }
0x93: {  	s2 =	sld [smem:$0x3FFC];
	_ =	sdelay $0x3  }
0x94: {  	_ =	strace s2  }
0x95: {  	s2 =	sld [smem:$0x3FFD];
	_ =	sdelay $0x3  }
0x96: {  	_ =	strace s2  }
0x97: {  	_ =	strace $0x8FFFFFFF  }
0x98: {  	s19 =	sld [smem:$0x3FDB];
	_ =	sdelay $0x1  }
0x99: {  	s20 =	simm.s32 $_scs_section_size  }
0x9a: {  	s4 =	simm.s32 $_size__tile_overlayer_lowered;
	s5 =	simm.s32 $_tile_overlayer_lowered  }
0x9b: {  	s6 =	simm.s32 $0x1BFF;
	s21 =	sshll.u32 s5, $0x1;
	s3 =	sadd.s32 s20, s19  }
0x9c: {  	s22 =	simm.s32 $0x0;
	s4 =	sshll.u32 s4, $0x1;
	s5 =	sadd.s32 s21, s3  }
0x9d: {  	[timem:s22], [sflag:s6] =	dma.local [hbm:s5], s4  }
0x9e: {  	_ =	swait.ge [sflag:s6], s4  }
0x9f: {  	s4 =	ssub.s32 $0x0, s4;
	[sflag:s6] =	ssyncset.done $0x0  }
0xa0: {  	[sflag:s6] =	ssyncadd.s32 s4;
	_ =	sdelay $0x1  }
0xa1: {  	s23 =	simm.s32 $0x1B8B  }
0xa2: {  	_ =	swait.ge [sflag:s23], $0x1  }
0xa3: {  	[sflag:s23] =	ssyncset.done $0x0  }
0xa4: {  	[sflag:s23] =	ssyncadd.s32 $0xFFFFFFFF  }
0xa5: {  	s4 =	sld [smem:$0x0]  }
0xa6: {  	s5 =	sand.u32 $0xFFFFFFFE, s1  }
0xa7: {  	p0 =	sne.s32 s1, s5  }
0xa8: {  	s5 =	sshll.u32 @p0 s5, $0xE  }
0xa9: {  	s5 =	sadd.s32 @p0 $0x11B8D, s5;
	s6 =	sshll.u32 @p0 s4, $0x11  }
0xaa: {  	s5 =	sor.u32 @p0 s6, s5  }
0xab: {  	[sflag:s5] =	ssyncadd.remote.s32 @p0 $0x1;
	_ =	sdelay $0x1  }
0xac: {  	s5 =	simm.s32 @p0 $0x1B8D  }
0xad: {  	_ =	swait.eq @p0 [sflag:s5], $0x1  }
0xae: {  	[sflag:s5] =	ssyncadd.s32 @p0 $0xFFFFFFFF  }
0xaf: {  	s6 =	sshll.u32 @!p0 s1, $0xE  }
0xb0: {  	s6 =	sor.u32 @!p0 $0x4000, s6;
	s5 =	simm.s32 @!p0 $0x1B8D  }
0xb1: {  	s4 =	sshll.u32 @!p0 s4, $0x11;
	s6 =	sadd.s32 @!p0 $0x11B8D, s6;
	_ =	swait.eq @!p0 [sflag:s5], $0x1  }
0xb2: {  	s4 =	sor.u32 @!p0 s4, s6;
	[sflag:s5] =	ssyncadd.s32 @!p0 $0xFFFFFFFF  }
0xb3: {  	s25 =	simm.s32 $0x1B8E;
	s24 =	sld [smem:$0x3FFE];
	[sflag:s4] =	ssyncadd.remote.s32 @!p0 $0x1  }
0xb4: {  	s26 =	simm.s32 $execute0_lowered;
	[smem:$0x3FD2] =	sst s25  }
0xb5: {  	s5 =	sshll.u32 s26, $0x1;
	_ =	strace $0x8000004C;
	[dreg:$0x1] =	wrdreg $0xFFFFFFFF  }
0xb6: {  	s28 =	simm.s32 $_size_execute0_lowered;
	s3 =	sadd.s32 s3, s5;
	[dreg:$0x0] =	wrdreg $0x0  }
0xb7: {  	s5 =	sshll.u32 s28, $0x1;
	[dreg:$0x2] =	wrdreg s3  }
0xb8: {  	[dreg:$0x3] =	wrdreg s5  }
0xb9: {  	[dreg:$0x4] =	wrdreg $0xC0  }
0xba: {  	_ =	task [dreg:s22], $0x5FFFF  }
0xbb: {  	[dreg:$0x1] =	wrdreg $0xFFFFFFFF  }
0xbc: {  	[dreg:$0x0] =	wrdreg $0x60  }
0xbd: {  	[dreg:$0x2] =	wrdreg s24  }
0xbe: {  	[dreg:$0x3] =	wrdreg $0xBD000  }
0xbf: {  	[dreg:$0x4] =	wrdreg $0xA  }
0xc0: {  	_ =	task.clear_ibuf [dreg:s22], $0x5FFFF;
	_ =	strace $0x9000004C  }
0xc1: {  	s29 =	simm.s32 $0xA;
	_ =	strace $0x8000004E  }
0xc2: {  	_ =	swait.ge [sflag:s29], $0x1  }
0xc3: {  	[sflag:s29] =	ssyncadd.s32 $0xFFFFFFFF  }
0xc4: {  	_ =	strace $0x9000004E  }
0xc5: {  	_ =	sfence  }
0xc6: {  	s30 =	sld [smem:$0x0];
	_ =	sdelay $0x2  }
0xc7: {  	s31 =	sshll.u32 s1, $0xD;
	s1 =	sshrl.u32 s1, $0x2  }
0xc8: {  	s4 =	sand.u32 $0x4000, s31;
	s1 =	sadd.s32 s1, s30  }
0xc9: {  	s0 =	sor.u32 s4, s0;
	s1 =	sshll.u32 s1, $0x11  }
0xca: {  	s0 =	sor.u32 s1, s0  }
0xcb: {  	s0 =	sadd.s32 $0x8F2B, s0  }
0xcc: {  	[sflag:s0] =	ssyncadd.remote.s32 $0x1  }
0xcd: {  	_ =	sfence.sel $0xFFFF  }
0xce: {  	[dreg:$0x0] =	wrdreg $0xFFFFFFFF;
	(pc) =	sbr.abs _section_cstart, $3  }
0xcf: {  	[dreg:$0x1] =	wrdreg $0xFFFFFFFF  }
0xd0: {  	_ =	task.clear_ibuf [dreg:s22], $0x2FFFF;
	_ =	strace $0x9FFFFFFF  }
0xd1: {  	(tm) =	ssettm $0x7FFFFFFF  }
tec
execute0_lowered:
.L_overlay_start_1:
0x0: {  	(tag) =	ssettag $0x1  }
0x1: {  	s0 =	srdreg.scid  }
0x2: {  	s1 =	rddreg [dreg:$0x0];
	s10 =	stileid.u32  }
0x3: {  	s2 =	rddreg [dreg:$0x1];
	s3 =	simm.s32 $0x0;
	s12 =	simm.s32 $0x7  }
0x4: {  	s14 =	simm.s32 $0x48;
	s15 =	simm.s32 $0x5100;
	s16 =	simm.s32 $0x7500  }
0x5: {  	s17 =	simm.s32 $0x1;
	s18 =	simm.s32 $0x4F00;
	s20 =	simm.s32 $0x9900  }
0x6: {  	s21 =	simm.s32 $0x2;
	s22 =	simm.s32 $0x4F80;
	s5 =	smul.u32 $0x2710, s10  }
0x7: {  	s23 =	simm.s32 $0x4;
	s28 =	simm.s32 $0x5;
	s25 =	smul.u32 $0x2800, s10  }
0x8: {  	s29 =	simm.s32 $0x6;
	s0 =	sand.u32 $0x1, s0;
	s26 =	smul.u32 $0x50000, s10  }
0x9: {  	s13 =	simm.s32 $0x5080;
	s19 =	simm.s32 $0x0;
	s4 =	smul.u32 $0x27100, s0  }
0xa: {  	[smem:$0x7FF] =	sst s3;
	s31 =	sshll.u32 s10, $0x6;
	s7 =	smul.u32 $0x28000, s0  }
0xb: {  	_ =	strace $0x8000004D;
	s0 =	ssub.s32 $0x2, s0;
	s9 =	sadd.s32 s25, s1  }
0xc: {  	s30 =	sshrl.u32 s0, $0x1;
	s4 =	sadd.s32 s5, s4;
	s5 =	sadd.s32 s25, s7  }
0xd: {  	s0 =	ssub.s32 s0, s30;
	s25 =	simm.s32 $0x3;
	s6 =	sshrl.u32 s4, $0x3  }
0xe: {  	s4 =	sadd.s32 $0x4E00, s1;
	s10 =	smax.u32 s0, $0x1;
	s0 =	simm.s32 $0x26D0  }
0xf: {  	s8 =	sadd.s32 s6, s1;
	s1 =	sadd.s32 s5, s1;
	s6 =	sshrl.u32 s26, $0x2  }
0x10: {  	s5 =	sadd.s32 $0x40A00, s9;
	s26 =	simm.s32 $0x5000;
	s11 =	sadd.s32 s6, s2  }
0x11: {  	s6 =	sor.u32 $0x1C07, s31;
	s7 =	sadd.s32 $0x36C00, s8;
	s8 =	sadd.s32 $0x2CE00, s8  }
0x12: {  	s9 =	sadd.s32 $0xB9000, s1;
	s1 =	simm.s32 $0x40;
	s11 =	sshrl.u32 s11, $0x3  }
.LBB2_1:
0x13: {  	[spmem:s11], [sflag:s6] =	dma.local [hbm:s5], $0x2800  }
0x14: {  	_ =	swait.ge [sflag:s12], $0x2800  }
0x15: {  	[sflag:s12] =	ssyncset.done $0x0  }
0x16: {  	[sflag:s12] =	ssyncadd.s32 $0xFFFFD800  }
0x17: {  	[tilespmem:s3], [sflag:$0x7] =	stream.linear.gather [hbm4b:s7+s3], $0x2710, $0x38;
	[tilespmem:$0x1FD00] =	vst v63  }
0x18: {  	_ =	swait.ge [sflag:s12], $0x2710  }
0x19: {  	[sflag:s12] =	ssyncset.done $0x0  }
0x1a: {  	s24 =	simm.s32 $0x2780;
	[sflag:s12] =	ssyncadd.s32 $0xFFFFD8F0  }
0x1b: {  	[tilespmem:s24], [sflag:$0x7] =	stream.linear.gather [hbm4b:s8+s3], $0x2710, $0x38;
	[tilespmem:$0x1FD00] =	vst v63  }
0x1c: {  	_ =	swait.ge [sflag:s12], $0x2710  }
0x1d: {  	[sflag:s12] =	ssyncset.done $0x0  }
0x1e: {  	[sflag:s12] =	ssyncadd.s32 $0xFFFFD8F0  }
0x1f: {  	[bflag:$0x0] =	sbarrier.arrive $0xFFFF  }
0x20: {  	v0 =	vld [tilespmem:$0x2780]  }
0x21: {  	v1 =	vld [tilespmem:$0x2790]  }
0x22: {  	v2 =	vld [tilespmem:$0x27A0]  }
0x23: {  	v3 =	vld [tilespmem:$0x27B0]  }
0x24: {  	v46 =	vld [tilespmem:$0x27C8]  }
0x25: {  	v47 =	vld [tilespmem:$0x27D8];
	[tilespmem:$0x4F00] =	vst v0  }
0x26: {  	v48 =	vld [tilespmem:$0x27E8];
	[tilespmem:$0x4F10] =	vst v1  }
0x27: {  	v49 =	vld [tilespmem:$0x27F8];
	[tilespmem:$0x4F20] =	vst v2  }
0x28: {  	v4 =	vld [tilespmem:$0x27B8];
	[tilespmem:$0x4F30] =	vst v3  }
0x29: {  	v50 =	vld [tilespmem:$0x2800];
	[tilespmem:$0x4F80] =	vst v46  }
0x2a: {  	[tilespmem:$0x4F90] =	vst v47  }
0x2b: {  	[tilespmem:$0x4FA0] =	vst v48  }
0x2c: {  	[tilespmem:$0x4FB0] =	vst v49  }
0x2d: {  	[tilespmem:$0x4F38] =	vst v4  }
0x2e: {  	[tilespmem:$0x4FB8] =	vst v50  }
0x2f: {  	[tilespmem:s15], [sflag:$0x1] =	stream.indirect.gather [hbm4b:s4+s14], $0x80, s3, s14, $0xb8;
	[tilespmem:$0x1FD00] =	vst v63  }
0x30: {  	_ = 	snop  }
0x31: {  	[tilespmem:s16], [sflag:$0x2] =	stream.indirect.gather [hbm4b:s4+s14], $0x80, s14, s14, $0xb8;
	[tilespmem:$0x1FD00] =	vst v63  }
0x32: {  	_ =	swait.ge [sflag:s17], $0x2400  }
0x33: {  	[sflag:s17] =	ssyncset.done $0x0  }
0x34: {  	[sflag:s17] =	ssyncadd.s32 $0xFFFFDC00  }
0x35: {  	[spmem:s2] =	stream.indirect.scatter.add.f32 [tilespmem:s15], [sflag:$0x4], $0x80, s18, s14, $0xb8;
	[tilespmem:$0x1FD00] =	vst v63  }
0x36: {  	v51 =	vld [tilespmem:$0x2810]  }
0x37: {  	v52 =	vld [tilespmem:$0x2820]  }
0x38: {  	v53 =	vld [tilespmem:$0x2830]  }
0x39: {  	v54 =	vld [tilespmem:$0x2840]  }
0x3a: {  	v55 =	vld [tilespmem:$0x2848]  }
0x3b: {  	[tilespmem:$0x5000] =	vst v51  }
0x3c: {  	[tilespmem:$0x5010] =	vst v52  }
0x3d: {  	[tilespmem:$0x5020] =	vst v53  }
0x3e: {  	[tilespmem:$0x5030] =	vst v54  }
0x3f: {  	s31 =	simm.s32 $0x90;
	[tilespmem:$0x5038] =	vst v55  }
0x40: {  	[tilespmem:s20], [sflag:$0x3] =	stream.indirect.gather [hbm4b:s4+s14], $0x80, s31, s14, $0xb8;
	[tilespmem:$0x1FD00] =	vst v63  }
0x41: {  	_ =	swait.ge [sflag:s21], $0x2400  }
0x42: {  	[sflag:s21] =	ssyncset.done $0x0  }
0x43: {  	[sflag:s21] =	ssyncadd.s32 $0xFFFFDC00  }
0x44: {  	[spmem:s2] =	stream.indirect.scatter.add.f32 [tilespmem:s16], [sflag:$0x5], $0x80, s22, s14, $0xb8;
	[tilespmem:$0x1FD00] =	vst v63  }
0x45: {  	_ =	swait.ge [sflag:s23], $0x2400  }
0x46: {  	[sflag:s23] =	ssyncset.done $0x0  }
0x47: {  	[sflag:s23] =	ssyncadd.s32 $0xFFFFDC00  }
0x48: {  	v56 =	vld [tilespmem:$0x2858]  }
0x49: {  	v57 =	vld [tilespmem:$0x2868]  }
0x4a: {  	v58 =	vld [tilespmem:$0x2878]  }
0x4b: {  	v59 =	vld [tilespmem:$0x2888]  }
0x4c: {  	v60 =	vld [tilespmem:$0x2890]  }
0x4d: {  	[tilespmem:$0x4F00] =	vst v56  }
0x4e: {  	[tilespmem:$0x4F10] =	vst v57  }
0x4f: {  	[tilespmem:$0x4F20] =	vst v58  }
0x50: {  	[tilespmem:$0x4F30] =	vst v59  }
0x51: {  	s31 =	simm.s32 $0xD8;
	[tilespmem:$0x4F38] =	vst v60  }
0x52: {  	[tilespmem:s15], [sflag:$0x1] =	stream.indirect.gather [hbm4b:s4+s14], $0x80, s31, s14, $0xb8;
	[tilespmem:$0x1FD00] =	vst v63  }
0x53: {  	_ =	swait.ge [sflag:s25], $0x2400  }
0x54: {  	[sflag:s25] =	ssyncset.done $0x0  }
0x55: {  	[sflag:s25] =	ssyncadd.s32 $0xFFFFDC00  }
0x56: {  	[spmem:s2] =	stream.indirect.scatter.add.f32 [tilespmem:s20], [sflag:$0x6], $0x80, s26, s14, $0xb8;
	[tilespmem:$0x1FD00] =	vst v63  }
0x57: {  	_ =	swait.ge [sflag:s28], $0x2400  }
0x58: {  	[sflag:s28] =	ssyncset.done $0x0  }
0x59: {  	s31 =	simm.s32 $0x1E8;
	[sflag:s28] =	ssyncadd.s32 $0xFFFFDC00  }
0x5a: {  	v61 =	vld [tilespmem:s31+$0x26B8];
	_ =	sdelay $0x4  }
0x5b: {  	[tilespmem:$0x4F80] =	vst v61  }
0x5c: {  	v0 =	vld [tilespmem:s31+$0x26C8];
	_ =	sdelay $0x4  }
0x5d: {  	[tilespmem:$0x4F90] =	vst v0  }
0x5e: {  	v0 =	vld [tilespmem:s31+$0x26D8];
	_ =	sdelay $0x4  }
0x5f: {  	[tilespmem:$0x4FA0] =	vst v0  }
0x60: {  	v0 =	vld [tilespmem:s31+$0x26E8];
	_ =	sdelay $0x4  }
0x61: {  	[tilespmem:$0x4FB0] =	vst v0  }
0x62: {  	v0 =	vld [tilespmem:s31+$0x26F0];
	_ =	sdelay $0x4  }
0x63: {  	s30 =	simm.s32 $0x120;
	[tilespmem:$0x4FB8] =	vst v0  }
0x64: {  	[tilespmem:s16], [sflag:$0x2] =	stream.indirect.gather [hbm4b:s4+s14], $0x80, s30, s14, $0xb8;
	[tilespmem:$0x1FD00] =	vst v63  }
0x65: {  	_ =	swait.ge [sflag:s17], $0x2400  }
0x66: {  	[sflag:s17] =	ssyncset.done $0x0  }
0x67: {  	[sflag:s17] =	ssyncadd.s32 $0xFFFFDC00  }
0x68: {  	[spmem:s2] =	stream.indirect.scatter.add.f32 [tilespmem:s15], [sflag:$0x4], $0x80, s18, s14, $0xb8;
	[tilespmem:$0x1FD00] =	vst v63  }
0x69: {  	_ =	swait.ge [sflag:s29], $0x2400  }
0x6a: {  	[sflag:s29] =	ssyncset.done $0x0  }
0x6b: {  	[sflag:s29] =	ssyncadd.s32 $0xFFFFDC00  }
0x6c: {  	v62 =	vld [tilespmem:s31+$0x2700];
	_ =	sdelay $0x4  }
0x6d: {  	[tilespmem:$0x5000] =	vst v62  }
0x6e: {  	v0 =	vld [tilespmem:s31+$0x2710];
	_ =	sdelay $0x4  }
0x6f: {  	[tilespmem:$0x5010] =	vst v0  }
0x70: {  	v0 =	vld [tilespmem:s31+$0x2720];
	_ =	sdelay $0x4  }
0x71: {  	[tilespmem:$0x5020] =	vst v0  }
0x72: {  	v0 =	vld [tilespmem:s31+$0x2730];
	_ =	sdelay $0x4  }
0x73: {  	[tilespmem:$0x5030] =	vst v0  }
0x74: {  	v0 =	vld [tilespmem:s31+$0x2738];
	_ =	sdelay $0x4  }
0x75: {  	s30 =	simm.s32 $0x168;
	[tilespmem:$0x5038] =	vst v0  }
0x76: {  	[tilespmem:s20], [sflag:$0x3] =	stream.indirect.gather [hbm4b:s4+s14], $0x80, s30, s14, $0xb8;
	[tilespmem:$0x1FD00] =	vst v63  }
0x77: {  	_ =	swait.ge [sflag:s21], $0x2400  }
0x78: {  	[sflag:s21] =	ssyncset.done $0x0  }
0x79: {  	[sflag:s21] =	ssyncadd.s32 $0xFFFFDC00  }
0x7a: {  	[spmem:s2] =	stream.indirect.scatter.add.f32 [tilespmem:s16], [sflag:$0x5], $0x80, s22, s14, $0xb8;
	[tilespmem:$0x1FD00] =	vst v63  }
0x7b: {  	_ =	swait.ge [sflag:s23], $0x2400  }
0x7c: {  	[sflag:s23] =	ssyncset.done $0x0  }
0x7d: {  	[sflag:s23] =	ssyncadd.s32 $0xFFFFDC00  }
0x7e: {  	v63 =	vld [tilespmem:s31+$0x2748];
	_ =	sdelay $0x4  }
0x7f: {  	[tilespmem:$0x4F00] =	vst v63  }
0x80: {  	v0 =	vld [tilespmem:s31+$0x2758];
	_ =	sdelay $0x4  }
0x81: {  	[tilespmem:$0x4F10] =	vst v0  }
0x82: {  	v0 =	vld [tilespmem:s31+$0x2768];
	_ =	sdelay $0x4  }
0x83: {  	[tilespmem:$0x4F20] =	vst v0  }
0x84: {  	v0 =	vld [tilespmem:s31+$0x2778];
	_ =	sdelay $0x4  }
0x85: {  	[tilespmem:$0x4F30] =	vst v0  }
0x86: {  	v0 =	vld [tilespmem:s31+$0x2780];
	_ =	sdelay $0x4  }
0x87: {  	s24 =	simm.s32 $0xB00;
	s30 =	simm.s32 $0x1B0;
	[tilespmem:$0x4F38] =	vst v0  }
.LBB2_2:
0x88: {  	[tilespmem:s15], [sflag:$0x1] =	stream.indirect.gather [hbm4b:s4+s14], $0x80, s30, s14, $0xb8;
	[tilespmem:$0x1FD00] =	vst v63  }
0x89: {  	s30 =	smov.u32 s24  }
0x8a: {  	p0 =	sne.s32 s24, $0x98C0;
	s24 =	sadd.s32 $0x360, s24;
	_ =	swait.ge [sflag:s25], $0x2400  }
0x8b: {  	[sflag:s25] =	ssyncset.done $0x0  }
0x8c: {  	[sflag:s25] =	ssyncadd.s32 $0xFFFFDC00  }
0x8d: {  	[spmem:s2] =	stream.indirect.scatter.add.f32 [tilespmem:s20], [sflag:$0x6], $0x80, s26, s14, $0xb8;
	[tilespmem:$0x1FD00] =	vst v63  }
0x8e: {  	_ =	swait.ge [sflag:s28], $0x2400  }
0x8f: {  	[sflag:s28] =	ssyncset.done $0x0  }
0x90: {  	s30 =	sshra.s32 s30, $0x2;
	[sflag:s28] =	ssyncadd.s32 $0xFFFFDC00  }
0x91: {  	v0 =	vld [tilespmem:s30+$0x26B8];
	_ =	sdelay $0x4  }
0x92: {  	[tilespmem:$0x4F80] =	vst v0  }
0x93: {  	v0 =	vld [tilespmem:s30+$0x26C8];
	_ =	sdelay $0x4  }
0x94: {  	[tilespmem:$0x4F90] =	vst v0  }
0x95: {  	v0 =	vld [tilespmem:s30+$0x26D8];
	_ =	sdelay $0x4  }
0x96: {  	[tilespmem:$0x4FA0] =	vst v0  }
0x97: {  	v0 =	vld [tilespmem:s30+$0x26E8];
	_ =	sdelay $0x4  }
0x98: {  	[tilespmem:$0x4FB0] =	vst v0  }
0x99: {  	v0 =	vld [tilespmem:s30+$0x26F0];
	_ =	sdelay $0x4  }
0x9a: {  	s31 =	sadd.s32 $0xFFFFFF38, s30;
	[tilespmem:$0x4FB8] =	vst v0  }
0x9b: {  	[tilespmem:s16], [sflag:$0x2] =	stream.indirect.gather [hbm4b:s4+s14], $0x80, s31, s14, $0xb8;
	[tilespmem:$0x1FD00] =	vst v63  }
0x9c: {  	_ =	swait.ge [sflag:s17], $0x2400  }
0x9d: {  	[sflag:s17] =	ssyncset.done $0x0  }
0x9e: {  	[sflag:s17] =	ssyncadd.s32 $0xFFFFDC00  }
0x9f: {  	[spmem:s2] =	stream.indirect.scatter.add.f32 [tilespmem:s15], [sflag:$0x4], $0x80, s18, s14, $0xb8;
	[tilespmem:$0x1FD00] =	vst v63  }
0xa0: {  	_ =	swait.ge [sflag:s29], $0x2400  }
0xa1: {  	[sflag:s29] =	ssyncset.done $0x0  }
0xa2: {  	[sflag:s29] =	ssyncadd.s32 $0xFFFFDC00  }
0xa3: {  	v0 =	vld [tilespmem:s30+$0x2700];
	_ =	sdelay $0x4  }
0xa4: {  	[tilespmem:$0x5000] =	vst v0  }
0xa5: {  	v0 =	vld [tilespmem:s30+$0x2710];
	_ =	sdelay $0x4  }
0xa6: {  	[tilespmem:$0x5010] =	vst v0  }
0xa7: {  	v0 =	vld [tilespmem:s30+$0x2720];
	_ =	sdelay $0x4  }
0xa8: {  	[tilespmem:$0x5020] =	vst v0  }
0xa9: {  	v0 =	vld [tilespmem:s30+$0x2730];
	_ =	sdelay $0x4  }
0xaa: {  	[tilespmem:$0x5030] =	vst v0  }
0xab: {  	v0 =	vld [tilespmem:s30+$0x2738];
	_ =	sdelay $0x4  }
0xac: {  	s31 =	sadd.s32 $0xFFFFFF80, s30;
	[tilespmem:$0x5038] =	vst v0  }
0xad: {  	[tilespmem:s20], [sflag:$0x3] =	stream.indirect.gather [hbm4b:s4+s14], $0x80, s31, s14, $0xb8;
	[tilespmem:$0x1FD00] =	vst v63  }
0xae: {  	_ =	swait.ge [sflag:s21], $0x2400  }
0xaf: {  	[sflag:s21] =	ssyncset.done $0x0  }
0xb0: {  	[sflag:s21] =	ssyncadd.s32 $0xFFFFDC00  }
0xb1: {  	[spmem:s2] =	stream.indirect.scatter.add.f32 [tilespmem:s16], [sflag:$0x5], $0x80, s22, s14, $0xb8;
	[tilespmem:$0x1FD00] =	vst v63  }
0xb2: {  	_ =	swait.ge [sflag:s23], $0x2400  }
0xb3: {  	[sflag:s23] =	ssyncset.done $0x0  }
0xb4: {  	[sflag:s23] =	ssyncadd.s32 $0xFFFFDC00  }
0xb5: {  	v0 =	vld [tilespmem:s30+$0x2748];
	_ =	sdelay $0x4  }
0xb6: {  	[tilespmem:$0x4F00] =	vst v0  }
0xb7: {  	v0 =	vld [tilespmem:s30+$0x2758];
	_ =	sdelay $0x4  }
0xb8: {  	[tilespmem:$0x4F10] =	vst v0  }
0xb9: {  	v0 =	vld [tilespmem:s30+$0x2768];
	_ =	sdelay $0x4  }
0xba: {  	[tilespmem:$0x4F20] =	vst v0  }
0xbb: {  	v0 =	vld [tilespmem:s30+$0x2778];
	_ =	sdelay $0x4  }
0xbc: {  	[tilespmem:$0x4F30] =	vst v0  }
0xbd: {  	v0 =	vld [tilespmem:s30+$0x2780]  }
.Ltmp0:
0xbe: {  	(pc) =	sbr.rel @p0 .LBB2_2-.Ltmp0, $2  }
0xbf: {  	_ =	sdelay $0x2  }
0xc0: {  	s30 =	sadd.s32 $0xFFFFFFC8, s30;
	[tilespmem:$0x4F38] =	vst v0  }
0xc1: {  	[tilespmem:s15], [sflag:$0x1] =	stream.indirect.gather [hbm4b:s4+s14], $0x80, s30, s14, $0xb8;
	[tilespmem:$0x1FD00] =	vst v63  }
0xc2: {  	_ =	swait.ge [sflag:s25], $0x2400  }
0xc3: {  	[sflag:s25] =	ssyncset.done $0x0  }
0xc4: {  	[sflag:s25] =	ssyncadd.s32 $0xFFFFDC00  }
0xc5: {  	[spmem:s2] =	stream.indirect.scatter.add.f32 [tilespmem:s20], [sflag:$0x6], $0x80, s26, s14, $0xb8;
	[tilespmem:$0x1FD00] =	vst v63  }
0xc6: {  	_ =	swait.ge [sflag:s28], $0x2400  }
0xc7: {  	[sflag:s28] =	ssyncset.done $0x0  }
0xc8: {  	[sflag:s28] =	ssyncadd.s32 $0xFFFFDC00  }
0xc9: {  	v0 =	vld [tilespmem:$0x4DC0]  }
0xca: {  	v1 =	vld [tilespmem:$0x4DD0]  }
0xcb: {  	v2 =	vld [tilespmem:$0x4DE0]  }
0xcc: {  	v3 =	vld [tilespmem:$0x4DF0]  }
0xcd: {  	v4 =	vld [tilespmem:$0x4DF8]  }
0xce: {  	[tilespmem:$0x4F80] =	vst v0  }
0xcf: {  	[tilespmem:$0x4F90] =	vst v1  }
0xd0: {  	[tilespmem:$0x4FA0] =	vst v2  }
0xd1: {  	[tilespmem:$0x4FB0] =	vst v3  }
0xd2: {  	s24 =	simm.s32 $0x2640;
	[tilespmem:$0x4FB8] =	vst v4  }
0xd3: {  	[tilespmem:s16], [sflag:$0x2] =	stream.indirect.gather [hbm4b:s4+s14], $0x80, s24, s14, $0xb8;
	[tilespmem:$0x1FD00] =	vst v63  }
0xd4: {  	_ =	swait.ge [sflag:s17], $0x2400  }
0xd5: {  	[sflag:s17] =	ssyncset.done $0x0  }
0xd6: {  	[sflag:s17] =	ssyncadd.s32 $0xFFFFDC00  }
0xd7: {  	[spmem:s2] =	stream.indirect.scatter.add.f32 [tilespmem:s15], [sflag:$0x4], $0x80, s18, s14, $0xb8;
	[tilespmem:$0x1FD00] =	vst v63  }
0xd8: {  	_ =	swait.ge [sflag:s29], $0x2400  }
0xd9: {  	[sflag:s29] =	ssyncset.done $0x0  }
0xda: {  	[sflag:s29] =	ssyncadd.s32 $0xFFFFDC00  }
0xdb: {  	v55 =	vld [tilespmem:$0x4E08]  }
0xdc: {  	v56 =	vld [tilespmem:$0x4E18]  }
0xdd: {  	v57 =	vld [tilespmem:$0x4E28]  }
0xde: {  	v58 =	vld [tilespmem:$0x4E38]  }
0xdf: {  	v59 =	vld [tilespmem:$0x4E40]  }
0xe0: {  	[tilespmem:$0x5000] =	vst v55  }
0xe1: {  	[tilespmem:$0x5010] =	vst v56  }
0xe2: {  	[tilespmem:$0x5020] =	vst v57  }
0xe3: {  	[tilespmem:$0x5030] =	vst v58  }
0xe4: {  	s31 =	simm.s32 $0x2688;
	[tilespmem:$0x5038] =	vst v59  }
0xe5: {  	[tilespmem:s20], [sflag:$0x3] =	stream.indirect.gather [hbm4b:s4+s14], $0x80, s31, s14, $0xb8;
	[tilespmem:$0x1FD00] =	vst v63  }
0xe6: {  	_ =	swait.ge [sflag:s21], $0x2400  }
0xe7: {  	[sflag:s21] =	ssyncset.done $0x0  }
0xe8: {  	[sflag:s21] =	ssyncadd.s32 $0xFFFFDC00  }
0xe9: {  	[spmem:s2] =	stream.indirect.scatter.add.f32 [tilespmem:s16], [sflag:$0x5], $0x80, s22, s14, $0xb8;
	[tilespmem:$0x1FD00] =	vst v63  }
0xea: {  	_ =	swait.ge [sflag:s23], $0x2400  }
0xeb: {  	[sflag:s23] =	ssyncset.done $0x0  }
0xec: {  	[sflag:s23] =	ssyncadd.s32 $0xFFFFDC00  }
0xed: {  	_ =	swait.ge [sflag:s25], $0x2400  }
0xee: {  	[sflag:s25] =	ssyncset.done $0x0  }
0xef: {  	[sflag:s25] =	ssyncadd.s32 $0xFFFFDC00  }
0xf0: {  	[spmem:s2] =	stream.indirect.scatter.add.f32 [tilespmem:s20], [sflag:$0x6], $0x80, s26, s14, $0xb8;
	[tilespmem:$0x1FD00] =	vst v63  }
0xf1: {  	_ =	swait.ge [sflag:s28], $0x2400  }
0xf2: {  	[sflag:s28] =	ssyncset.done $0x0  }
0xf3: {  	[sflag:s28] =	ssyncadd.s32 $0xFFFFDC00  }
0xf4: {  	_ =	swait.ge [sflag:s29], $0x2400  }
0xf5: {  	[sflag:s29] =	ssyncset.done $0x0  }
0xf6: {  	[sflag:s29] =	ssyncadd.s32 $0xFFFFDC00  }
0xf7: {  	v60 =	vld [tilespmem:$0x4E50]  }
0xf8: {  	v61 =	vld [tilespmem:$0x4E60]  }
0xf9: {  	v62 =	vld [tilespmem:$0x4E70]  }
0xfa: {  	v63 =	vld [tilespmem:$0x4E80];
	_ =	sdelay $0x1  }
0xfb: {  	[tilespmem:$0x5080] =	vst v60  }
0xfc: {  	[tilespmem:$0x5090] =	vst v61  }
0xfd: {  	[tilespmem:$0x50A0] =	vst v62  }
0xfe: {  	[tilespmem:$0x50B0] =	vst v63  }
0xff: {  	[tilespmem:s15], [sflag:$0x1] =	stream.indirect.gather [hbm4b:s4+s1], $0x80, s0, s1, $0xb8;
	[tilespmem:$0x1FD00] =	vst v63  }
0x100: {  	_ =	swait.ge [sflag:s17], $0x2000  }
0x101: {  	[sflag:s17] =	ssyncset.done $0x0  }
0x102: {  	[sflag:s17] =	ssyncadd.s32 $0xFFFFE000  }
0x103: {  	[spmem:s2] =	stream.indirect.scatter.add.f32 [tilespmem:s15], [sflag:$0x4], $0x80, s13, s1, $0xb8;
	[tilespmem:$0x1FD00] =	vst v63  }
0x104: {  	_ =	swait.ge [sflag:s23], $0x2000  }
0x105: {  	s19 =	sadd.s32 $0x1, s19;
	[sflag:s23] =	ssyncset.done $0x0  }
0x106: {  	p0 =	sne.s32 s19, s10;
	[sflag:s23] =	ssyncadd.s32 $0xFFFFE000  }
.Ltmp1:
0x107: {  	[bflag:$0x0] =	sbarrier.arrive $0xFFFF;
	(pc) =	sbr.rel @p0 .LBB2_1-.Ltmp1, $4  }
0x108: {  	[hbm:s9], [sflag:s6] =	dma.local [spmem:s11], $0x2800  }
0x109: {  	_ =	swait.ge [sflag:s12], $0x2800  }
0x10a: {  	[sflag:s12] =	ssyncset.done $0x0  }
0x10b: {  	[sflag:s12] =	ssyncadd.s32 $0xFFFFD800  }
0x10c: {  	_ =	sfence.sel $0x180000  }
0x10d: {  	[bflag:$0x0] =	sbarrier.arrive $0xFFFF  }
0x10e: {  	_ =	strace $0x9000004D  }
0x10f: {  	s0 =	stileid.u32;
	[bflag:$0x2] =	sbarrier.arrive $0xFFFF  }
0x110: {  	p0 =	sne.s32 s0, $0x0;
	s0 =	rddreg [dreg:$0x2]  }
0x111: {  	s0 =	sadd.s32 @!p0 $0x100000, s0  }
0x112: {  	[sflag:s0] =	ssyncadd.tile.s32 @!p0 $0x1;
	_ =	shalt  }
.Lfunc_end2:
_tile_overlayer_lowered:
.L_overlay_start_2:
0x113: {  	(tag) =	ssettag $0x2  }
0x114: {  	s0 =	rddreg [dreg:$0x0];
	s2 =	stileid.u32  }
0x115: {  	s1 =	rddreg [dreg:$0x1];
	p0 =	sne.s32 s2, $0x0  }
0x116: {  	s3 =	rddreg [dreg:$0x2];
	[bflag:$0x3] =	sbarrier.arrive $0xFFFF;
	s2 =	simm.s32 @!p0 $0x1C07  }
0x117: {  	[timem:s3], [sflag:s2] =	dma.local @!p0 [hbm:s0], s1  }
0x118: {  	s0 =	simm.s32 @!p0 $0x7  }
0x119: {  	_ =	swait.ge @!p0 [sflag:s0], s1  }
0x11a: {  	s1 =	ssub.s32 @!p0 $0x0, s1;
	[sflag:s0] =	ssyncset.done @!p0 $0x0  }
0x11b: {  	[sflag:s0] =	ssyncadd.s32 @!p0 s1  }
0x11c: {  	[bflag:$0x3] =	sbarrier.arrive $0xFFFF  }
0x11d: {  	_ =	shalt  }

// kernel: kernel.19.cloned.1.call-start
scs
__scs_entry_jumppad:
0x0: {  	(pc) =	sbr.rel $0x88, $3  }
0x1: {  	(tag) =	ssettag $0x0;
	lr =	simm.s32 $0x1  }
0x2: {  	[smem:$0x3F8A] =	sst lr;
	_ =	strace $0xD0000000  }
0x3: {  	_ = 	snop  }
0x4: {  	_ = 	snop  }
0x5: {  	_ = 	snop  }
0x6: {  	_ = 	snop  }
0x7: {  	_ = 	snop  }
__scs_overlays_trampoline_lowered:
0x8: {  	[smem:$0x3F99] =	sst s0  }
0x9: {  	[smem:$0x3F9A] =	sst s1  }
0xa: {  	[smem:$0x3F9B] =	sst s2  }
0xb: {  	[smem:$0x3F9C] =	sst s3  }
0xc: {  	[smem:$0x3F9D] =	sst s4  }
0xd: {  	[smem:$0x3F9E] =	sst s5  }
0xe: {  	[smem:$0x3F9F] =	sst s6  }
0xf: {  	[smem:$0x3FA0] =	sst s7  }
0x10: {  	[smem:$0x3FA1] =	sst s8  }
0x11: {  	[smem:$0x3FA2] =	sst s9;
	s0 =	simm.s32 @!p0 $0x0  }
0x12: {  	s1 =	sld [smem:$0x3F88];
	s0 =	simm.s32 @p0 $0x1  }
0x13: {  	[smem:$0x3FA3] =	sst s0;
	s0 =	simm.s32 @!p1 $0x0  }
0x14: {  	s2 =	sld [smem:$0x3F87];
	s0 =	simm.s32 @p1 $0x1  }
0x15: {  	[smem:$0x3FA4] =	sst s0;
	s0 =	simm.s32 @!p2 $0x0  }
0x16: {  	s3 =	sld [smem:$0x3FDB];
	s0 =	simm.s32 @p2 $0x1  }
0x17: {  	s4 =	simm.s32 $0x1BF5;
	[smem:$0x3FA6] =	sst s0  }
0x18: {  	s0 =	sld [smem:$0x3F89];
	_ =	swait.ge [sflag:s4], $0x0  }
0x19: {  	s7 =	sld [smem:$0x3F8A]  }
0x1a: {  	s8 =	sadd.s32 $0xFFFFE003, lr  }
0x1b: {  	s9 =	sadd.s32 $0xFFFFFEF7, lr;
	s5 =	simm.s32 $0xFFFFFFFF;
	p2 =	slt.u32 s8, $0xFFFFF086  }
0x1c: {  	p1 =	slt.u32 s9, $0xF7A;
	s5 =	simm.s32 @!p2 $0x0  }
0x1d: {  	s5 =	simm.s32 @p1 $0x1;
	p0 =	seq.s32 s7, s2  }
0x1e: {  	s7 =	smul.u32 @!p0 $0xF7A, s2;
	p2 =	seq.s32 @!p0 s5, $0x0  }
0x1f: {  	s9 =	smul.u32 $0xF7A, s1;
	s8 =	simm.s32 @!p0 $0x1BF5;
	p2 =	por !p2, p0  }
0x20: {  	[sflag:s8] =	ssyncset.s32 @!p0 $0xFFFFF086;
	s6 =	sadd.s32 @!p0 s3, s7;
	s7 =	simm.s32 @!p0 $0x108  }
0x21: {  	s3 =	sadd.s32 s3, s9;
	s6 =	sadd.s32 @!p0 $0x88, s6;
	s7 =	simm.s32 @p2 $0x1082  }
0x22: {  	[simem:s7], [sflag:s8] =	dma.local @!p0 [hbm:s6], $0xF7A  }
0x23: {  	s9 =	sor.u32 $0xD0000000, s2;
	s6 =	simm.s32 $0x108;
	_ =	swait.ge @!p0 [sflag:s8], $0x0  }
0x24: {  	s3 =	sadd.s32 $0x88, s3;
	s6 =	simm.s32 @!p1 $0x1082;
	[sflag:s4] =	ssyncset.s32 $0xFFFFF086  }
0x25: {  	[simem:s6], [sflag:s4] =	dma.local [hbm:s3], $0xF7A  }
0x26: {  	[smem:$0x3F8A] =	sst s1;
	(tag) =	ssettag s2;
	_ =	strace s9  }
0x27: {  	s1 =	sld [smem:$0x3F9A]  }
0x28: {  	s2 =	sld [smem:$0x3F9B]  }
0x29: {  	s4 =	sld [smem:$0x3F9D]  }
0x2a: {  	p0 =	seq.s32 s5, $0x0;
	s5 =	sld [smem:$0x3F9E]  }
0x2b: {  	s6 =	sld [smem:$0x3F9F]  }
0x2c: {  	s7 =	sld [smem:$0x3FA0]  }
0x2d: {  	s3 =	simm.s32 $0x108;
	s8 =	sld [smem:$0x3FA1]  }
0x2e: {  	s3 =	simm.s32 @!p0 $0x1082;
	s9 =	sld [smem:$0x3FA2]  }
0x2f: {  	lr =	sadd.s32 s0, s3;
	s0 =	sld [smem:$0x3F99]  }
0x30: {  	s3 =	sld [smem:$0x3F9C]  }
0x31: {  	[smem:$0x3FA5] =	sst s10  }
0x32: {  	s10 =	sld [smem:$0x3FA3];
	_ =	sdelay $0x3  }
0x33: {  	p0 =	seq.s32 s10, $0x1;
	s10 =	sld [smem:$0x3FA5];
	_ =	sdelay $0x3  }
0x34: {  	[smem:$0x3FA5] =	sst s10  }
0x35: {  	s10 =	sld [smem:$0x3FA4];
	_ =	sdelay $0x3  }
0x36: {  	p1 =	seq.s32 s10, $0x1;
	s10 =	sld [smem:$0x3FA5];
	_ =	sdelay $0x3  }
0x37: {  	[smem:$0x3FA5] =	sst s10  }
0x38: {  	s10 =	sld [smem:$0x3FA6]  }
0x39: {  	_ = 	snop;
	(pc) =	sbr.ind lr, $3  }
0x3a: {  	_ = 	snop  }
0x3b: {  	_ = 	snop  }
0x3c: {  	p2 =	seq.s32 s10, $0x1;
	s10 =	sld [smem:$0x3FA5]  }
0x3d: {  	_ =	shalt  }
0x3e: {  	_ =	shalt  }
0x3f: {  	_ =	shalt  }
0x40: {  	_ =	shalt  }
0x41: {  	_ =	shalt  }
0x42: {  	_ =	shalt  }
0x43: {  	_ =	shalt  }
0x44: {  	_ =	shalt  }
0x45: {  	_ =	shalt  }
0x46: {  	_ =	shalt  }
0x47: {  	_ =	shalt  }
0x48: {  	_ =	shalt  }
0x49: {  	_ =	shalt  }
0x4a: {  	_ =	shalt  }
0x4b: {  	_ =	shalt  }
0x4c: {  	_ =	shalt  }
0x4d: {  	_ =	shalt  }
0x4e: {  	_ =	shalt  }
0x4f: {  	_ =	shalt  }
0x50: {  	_ =	shalt  }
0x51: {  	_ =	shalt  }
0x52: {  	_ =	shalt  }
0x53: {  	_ =	shalt  }
0x54: {  	_ =	shalt  }
0x55: {  	_ =	shalt  }
0x56: {  	_ =	shalt  }
0x57: {  	_ =	shalt  }
0x58: {  	_ =	shalt  }
0x59: {  	_ =	shalt  }
0x5a: {  	_ =	shalt  }
0x5b: {  	_ =	shalt  }
0x5c: {  	_ =	shalt  }
0x5d: {  	_ =	shalt  }
0x5e: {  	_ =	shalt  }
0x5f: {  	_ =	shalt  }
0x60: {  	_ =	shalt  }
0x61: {  	_ =	shalt  }
0x62: {  	_ =	shalt  }
0x63: {  	_ =	shalt  }
0x64: {  	_ =	shalt  }
0x65: {  	_ =	shalt  }
0x66: {  	_ =	shalt  }
0x67: {  	_ =	shalt  }
0x68: {  	_ =	shalt  }
0x69: {  	_ =	shalt  }
0x6a: {  	_ =	shalt  }
0x6b: {  	_ =	shalt  }
0x6c: {  	_ =	shalt  }
0x6d: {  	_ =	shalt  }
0x6e: {  	_ =	shalt  }
0x6f: {  	_ =	shalt  }
0x70: {  	_ =	shalt  }
0x71: {  	_ =	shalt  }
0x72: {  	_ =	shalt  }
0x73: {  	_ =	shalt  }
0x74: {  	_ =	shalt  }
0x75: {  	_ =	shalt  }
0x76: {  	_ =	shalt  }
0x77: {  	_ =	shalt  }
0x78: {  	_ =	shalt  }
0x79: {  	_ =	shalt  }
0x7a: {  	_ =	shalt  }
0x7b: {  	_ =	shalt  }
0x7c: {  	_ =	shalt  }
0x7d: {  	_ =	shalt  }
0x7e: {  	_ =	shalt  }
0x7f: {  	_ =	shalt  }
0x80: {  	_ =	shalt  }
0x81: {  	_ =	shalt  }
0x82: {  	_ =	shalt  }
0x83: {  	_ =	shalt  }
0x84: {  	_ =	shalt  }
0x85: {  	_ =	shalt  }
0x86: {  	_ =	shalt  }
0x87: {  	_ =	shalt  }
.Lfunc_end0:
.L_simem_size_0:
called_computation.3_lowered:
.L_overlay_start_0:
0x88: {  	s2 =	sld [smem:$0x3FD9]  }
0x89: {  	s3 =	sld [smem:$0x3FFE];
	_ =	sdelay $0x1  }
0x8a: {  	s1 =	srdreg.scid  }
0x8b: {  	s0 =	sand.u32 $0x1, s1  }
0x8c: {  	s16 =	sshll.u32 s0, $0xA;
	s2 =	sadd.s32 s3, s2  }
0x8d: {  	s2 =	sadd.s32 s2, s16  }
0x8e: {  	[smem:$0x3FB1] =	sst s2  }
0x8f: {  	_ = 	snop  }
0x90: {  	(tm) =	ssettm $0x1  }
0x91: {  	s17 =	sld [smem:$0x3FFB];
	_ =	sdelay $0x3  }
0x92: {  	_ =	strace s17  }
0x93: {  	s2 =	sld [smem:$0x3FFC];
	_ =	sdelay $0x3  }
0x94: {  	_ =	strace s2  }
0x95: {  	s2 =	sld [smem:$0x3FFD];
	_ =	sdelay $0x3  }
0x96: {  	_ =	strace s2  }
0x97: {  	_ =	strace $0x8FFFFFFF  }
0x98: {  	s18 =	sld [smem:$0x3FDB];
	_ =	sdelay $0x1  }
0x99: {  	s19 =	simm.s32 $_scs_section_size  }
0x9a: {  	s4 =	simm.s32 $_size__tile_overlayer_lowered;
	s5 =	simm.s32 $_tile_overlayer_lowered  }
0x9b: {  	s22 =	simm.s32 $0x1BFF;
	s21 =	sshll.u32 s5, $0x1;
	s2 =	sadd.s32 s19, s18  }
0x9c: {  	s6 =	simm.s32 $0x0;
	s20 =	sshll.u32 s4, $0x1;
	s4 =	sadd.s32 s21, s2  }
0x9d: {  	[timem:s6], [sflag:s22] =	dma.local [hbm:s4], s20  }
0x9e: {  	_ =	swait.ge [sflag:s22], s20  }
0x9f: {  	s3 =	ssub.s32 $0x0, s20;
	[sflag:s22] =	ssyncset.done $0x0  }
0xa0: {  	[sflag:s22] =	ssyncadd.s32 s3;
	_ =	sdelay $0x1  }
0xa1: {  	s23 =	simm.s32 $0x1B8B  }
0xa2: {  	_ =	swait.ge [sflag:s23], $0x1  }
0xa3: {  	[sflag:s23] =	ssyncset.done $0x0  }
0xa4: {  	s25 =	simm.s32 $0x1B8E;
	s24 =	sld [smem:$0x3FFE];
	[sflag:s23] =	ssyncadd.s32 $0xFFFFFFFF  }
0xa5: {  	s26 =	simm.s32 $execute0_lowered;
	[smem:$0x3FD2] =	sst s25  }
0xa6: {  	s4 =	sshll.u32 s26, $0x1;
	_ =	strace $0x8000004F;
	[dreg:$0x1] =	wrdreg $0xFFFFFFFF  }
0xa7: {  	s28 =	simm.s32 $_size_execute0_lowered;
	s2 =	sadd.s32 s2, s4;
	[dreg:$0x0] =	wrdreg $0x0  }
0xa8: {  	s4 =	sshll.u32 s28, $0x1;
	[dreg:$0x2] =	wrdreg s2  }
0xa9: {  	[dreg:$0x3] =	wrdreg s4  }
0xaa: {  	[dreg:$0x4] =	wrdreg $0xC0  }
0xab: {  	_ =	task [dreg:s6], $0x5FFFF  }
0xac: {  	[dreg:$0x1] =	wrdreg $0xFFFFFFFF  }
0xad: {  	[dreg:$0x0] =	wrdreg $0x60  }
0xae: {  	[dreg:$0x2] =	wrdreg s24  }
0xaf: {  	[dreg:$0x3] =	wrdreg $0xBD000  }
0xb0: {  	[dreg:$0x4] =	wrdreg $0x9  }
0xb1: {  	_ =	task.clear_ibuf [dreg:s6], $0x5FFFF;
	_ =	strace $0x9000004F  }
0xb2: {  	s29 =	simm.s32 $0x9;
	_ =	strace $0x80000051  }
0xb3: {  	_ =	swait.ge [sflag:s29], $0x1  }
0xb4: {  	[sflag:s29] =	ssyncadd.s32 $0xFFFFFFFF  }
0xb5: {  	_ =	strace $0x90000051  }
0xb6: {  	_ =	sfence  }
0xb7: {  	s30 =	sld [smem:$0x0];
	_ =	sdelay $0x2  }
0xb8: {  	s31 =	sshll.u32 s1, $0xD;
	s1 =	sshrl.u32 s1, $0x2  }
0xb9: {  	s3 =	sand.u32 $0x4000, s31;
	s1 =	sadd.s32 s1, s30  }
0xba: {  	s0 =	sor.u32 s3, s0;
	s1 =	sshll.u32 s1, $0x11  }
0xbb: {  	s0 =	sor.u32 s1, s0  }
0xbc: {  	s0 =	sadd.s32 $0x8F2B, s0  }
0xbd: {  	[sflag:s0] =	ssyncadd.remote.s32 $0x1  }
0xbe: {  	_ =	sfence.sel $0xFFFF  }
0xbf: {  	[dreg:$0x0] =	wrdreg $0xFFFFFFFF;
	(pc) =	sbr.abs _section_cstart, $3  }
0xc0: {  	[dreg:$0x1] =	wrdreg $0xFFFFFFFF  }
0xc1: {  	_ =	task.clear_ibuf [dreg:s6], $0x2FFFF;
	_ =	strace $0x9FFFFFFF  }
0xc2: {  	(tm) =	ssettm $0x7FFFFFFF  }
0xc3: {  	_ =	shalt  }
tec
execute0_lowered:
.L_overlay_start_1:
0x0: {  	(tag) =	ssettag $0x1  }
0x1: {  	s0 =	srdreg.scid  }
0x2: {  	s1 =	rddreg [dreg:$0x0];
	s10 =	stileid.u32  }
0x3: {  	s2 =	rddreg [dreg:$0x1];
	s3 =	simm.s32 $0x0;
	s12 =	simm.s32 $0x7  }
0x4: {  	s14 =	simm.s32 $0x48;
	s15 =	simm.s32 $0x5100;
	s16 =	simm.s32 $0x7500  }
0x5: {  	s17 =	simm.s32 $0x1;
	s18 =	simm.s32 $0x4F00;
	s20 =	simm.s32 $0x9900  }
0x6: {  	s21 =	simm.s32 $0x2;
	s22 =	simm.s32 $0x4F80;
	s5 =	smul.u32 $0x2710, s10  }
0x7: {  	s23 =	simm.s32 $0x4;
	s28 =	simm.s32 $0x5;
	s25 =	smul.u32 $0x2800, s10  }
0x8: {  	s29 =	simm.s32 $0x6;
	s0 =	sand.u32 $0x1, s0;
	s26 =	smul.u32 $0x50000, s10  }
0x9: {  	s13 =	simm.s32 $0x5080;
	s19 =	simm.s32 $0x0;
	s4 =	smul.u32 $0x27100, s0  }
0xa: {  	[smem:$0x7FF] =	sst s3;
	s31 =	sshll.u32 s10, $0x6;
	s7 =	smul.u32 $0x28000, s0  }
0xb: {  	_ =	strace $0x80000050;
	s0 =	ssub.s32 $0x2, s0;
	s9 =	sadd.s32 s25, s1  }
0xc: {  	s30 =	sshrl.u32 s0, $0x1;
	s4 =	sadd.s32 s5, s4;
	s5 =	sadd.s32 s25, s7  }
0xd: {  	s0 =	ssub.s32 s0, s30;
	s25 =	simm.s32 $0x3;
	s6 =	sshrl.u32 s4, $0x3  }
0xe: {  	s4 =	sadd.s32 $0x4800, s1;
	s10 =	smax.u32 s0, $0x1;
	s0 =	simm.s32 $0x26D0  }
0xf: {  	s8 =	sadd.s32 s6, s1;
	s1 =	sadd.s32 s5, s1;
	s6 =	sshrl.u32 s26, $0x2  }
0x10: {  	s5 =	sadd.s32 $0x40A00, s9;
	s26 =	simm.s32 $0x5000;
	s11 =	sadd.s32 s6, s2  }
0x11: {  	s6 =	sor.u32 $0x1C07, s31;
	s7 =	sadd.s32 $0x36C00, s8;
	s8 =	sadd.s32 $0x2CE00, s8  }
0x12: {  	s9 =	sadd.s32 $0x68A00, s1;
	s1 =	simm.s32 $0x40;
	s11 =	sshrl.u32 s11, $0x3  }
.LBB2_1:
0x13: {  	[spmem:s11], [sflag:s6] =	dma.local [hbm:s5], $0x2800  }
0x14: {  	_ =	swait.ge [sflag:s12], $0x2800  }
0x15: {  	[sflag:s12] =	ssyncset.done $0x0  }
0x16: {  	[sflag:s12] =	ssyncadd.s32 $0xFFFFD800  }
0x17: {  	[tilespmem:s3], [sflag:$0x7] =	stream.linear.gather [hbm4b:s7+s3], $0x2710, $0x38;
	[tilespmem:$0x1FD00] =	vst v63  }
0x18: {  	_ =	swait.ge [sflag:s12], $0x2710  }
0x19: {  	[sflag:s12] =	ssyncset.done $0x0  }
0x1a: {  	s24 =	simm.s32 $0x2780;
	[sflag:s12] =	ssyncadd.s32 $0xFFFFD8F0  }
0x1b: {  	[tilespmem:s24], [sflag:$0x7] =	stream.linear.gather [hbm4b:s8+s3], $0x2710, $0x38;
	[tilespmem:$0x1FD00] =	vst v63  }
0x1c: {  	_ =	swait.ge [sflag:s12], $0x2710  }
0x1d: {  	[sflag:s12] =	ssyncset.done $0x0  }
0x1e: {  	[sflag:s12] =	ssyncadd.s32 $0xFFFFD8F0  }
0x1f: {  	[bflag:$0x0] =	sbarrier.arrive $0xFFFF  }
0x20: {  	v0 =	vld [tilespmem:$0x2780]  }
0x21: {  	v1 =	vld [tilespmem:$0x2790]  }
0x22: {  	v2 =	vld [tilespmem:$0x27A0]  }
0x23: {  	v3 =	vld [tilespmem:$0x27B0]  }
0x24: {  	v46 =	vld [tilespmem:$0x27C8]  }
0x25: {  	v47 =	vld [tilespmem:$0x27D8];
	[tilespmem:$0x4F00] =	vst v0  }
0x26: {  	v48 =	vld [tilespmem:$0x27E8];
	[tilespmem:$0x4F10] =	vst v1  }
0x27: {  	v49 =	vld [tilespmem:$0x27F8];
	[tilespmem:$0x4F20] =	vst v2  }
0x28: {  	v4 =	vld [tilespmem:$0x27B8];
	[tilespmem:$0x4F30] =	vst v3  }
0x29: {  	v50 =	vld [tilespmem:$0x2800];
	[tilespmem:$0x4F80] =	vst v46  }
0x2a: {  	[tilespmem:$0x4F90] =	vst v47  }
0x2b: {  	[tilespmem:$0x4FA0] =	vst v48  }
0x2c: {  	[tilespmem:$0x4FB0] =	vst v49  }
0x2d: {  	[tilespmem:$0x4F38] =	vst v4  }
0x2e: {  	[tilespmem:$0x4FB8] =	vst v50  }
0x2f: {  	[tilespmem:s15], [sflag:$0x1] =	stream.indirect.gather [hbm4b:s4+s14], $0x80, s3, s14, $0xb8;
	[tilespmem:$0x1FD00] =	vst v63  }
0x30: {  	_ = 	snop  }
0x31: {  	[tilespmem:s16], [sflag:$0x2] =	stream.indirect.gather [hbm4b:s4+s14], $0x80, s14, s14, $0xb8;
	[tilespmem:$0x1FD00] =	vst v63  }
0x32: {  	_ =	swait.ge [sflag:s17], $0x2400  }
0x33: {  	[sflag:s17] =	ssyncset.done $0x0  }
0x34: {  	[sflag:s17] =	ssyncadd.s32 $0xFFFFDC00  }
0x35: {  	[spmem:s2] =	stream.indirect.scatter.add.f32 [tilespmem:s15], [sflag:$0x4], $0x80, s18, s14, $0xb8;
	[tilespmem:$0x1FD00] =	vst v63  }
0x36: {  	v51 =	vld [tilespmem:$0x2810]  }
0x37: {  	v52 =	vld [tilespmem:$0x2820]  }
0x38: {  	v53 =	vld [tilespmem:$0x2830]  }
0x39: {  	v54 =	vld [tilespmem:$0x2840]  }
0x3a: {  	v55 =	vld [tilespmem:$0x2848]  }
0x3b: {  	[tilespmem:$0x5000] =	vst v51  }
0x3c: {  	[tilespmem:$0x5010] =	vst v52  }
0x3d: {  	[tilespmem:$0x5020] =	vst v53  }
0x3e: {  	[tilespmem:$0x5030] =	vst v54  }
0x3f: {  	s31 =	simm.s32 $0x90;
	[tilespmem:$0x5038] =	vst v55  }
0x40: {  	[tilespmem:s20], [sflag:$0x3] =	stream.indirect.gather [hbm4b:s4+s14], $0x80, s31, s14, $0xb8;
	[tilespmem:$0x1FD00] =	vst v63  }
0x41: {  	_ =	swait.ge [sflag:s21], $0x2400  }
0x42: {  	[sflag:s21] =	ssyncset.done $0x0  }
0x43: {  	[sflag:s21] =	ssyncadd.s32 $0xFFFFDC00  }
0x44: {  	[spmem:s2] =	stream.indirect.scatter.add.f32 [tilespmem:s16], [sflag:$0x5], $0x80, s22, s14, $0xb8;
	[tilespmem:$0x1FD00] =	vst v63  }
0x45: {  	_ =	swait.ge [sflag:s23], $0x2400  }
0x46: {  	[sflag:s23] =	ssyncset.done $0x0  }
0x47: {  	[sflag:s23] =	ssyncadd.s32 $0xFFFFDC00  }
0x48: {  	v56 =	vld [tilespmem:$0x2858]  }
0x49: {  	v57 =	vld [tilespmem:$0x2868]  }
0x4a: {  	v58 =	vld [tilespmem:$0x2878]  }
0x4b: {  	v59 =	vld [tilespmem:$0x2888]  }
0x4c: {  	v60 =	vld [tilespmem:$0x2890]  }
0x4d: {  	[tilespmem:$0x4F00] =	vst v56  }
0x4e: {  	[tilespmem:$0x4F10] =	vst v57  }
0x4f: {  	[tilespmem:$0x4F20] =	vst v58  }
0x50: {  	[tilespmem:$0x4F30] =	vst v59  }
0x51: {  	s31 =	simm.s32 $0xD8;
	[tilespmem:$0x4F38] =	vst v60  }
0x52: {  	[tilespmem:s15], [sflag:$0x1] =	stream.indirect.gather [hbm4b:s4+s14], $0x80, s31, s14, $0xb8;
	[tilespmem:$0x1FD00] =	vst v63  }
0x53: {  	_ =	swait.ge [sflag:s25], $0x2400  }
0x54: {  	[sflag:s25] =	ssyncset.done $0x0  }
0x55: {  	[sflag:s25] =	ssyncadd.s32 $0xFFFFDC00  }
0x56: {  	[spmem:s2] =	stream.indirect.scatter.add.f32 [tilespmem:s20], [sflag:$0x6], $0x80, s26, s14, $0xb8;
	[tilespmem:$0x1FD00] =	vst v63  }
0x57: {  	_ =	swait.ge [sflag:s28], $0x2400  }
0x58: {  	[sflag:s28] =	ssyncset.done $0x0  }
0x59: {  	s31 =	simm.s32 $0x1E8;
	[sflag:s28] =	ssyncadd.s32 $0xFFFFDC00  }
0x5a: {  	v61 =	vld [tilespmem:s31+$0x26B8];
	_ =	sdelay $0x4  }
0x5b: {  	[tilespmem:$0x4F80] =	vst v61  }
0x5c: {  	v0 =	vld [tilespmem:s31+$0x26C8];
	_ =	sdelay $0x4  }
0x5d: {  	[tilespmem:$0x4F90] =	vst v0  }
0x5e: {  	v0 =	vld [tilespmem:s31+$0x26D8];
	_ =	sdelay $0x4  }
0x5f: {  	[tilespmem:$0x4FA0] =	vst v0  }
0x60: {  	v0 =	vld [tilespmem:s31+$0x26E8];
	_ =	sdelay $0x4  }
0x61: {  	[tilespmem:$0x4FB0] =	vst v0  }
0x62: {  	v0 =	vld [tilespmem:s31+$0x26F0];
	_ =	sdelay $0x4  }
0x63: {  	s30 =	simm.s32 $0x120;
	[tilespmem:$0x4FB8] =	vst v0  }
0x64: {  	[tilespmem:s16], [sflag:$0x2] =	stream.indirect.gather [hbm4b:s4+s14], $0x80, s30, s14, $0xb8;
	[tilespmem:$0x1FD00] =	vst v63  }
0x65: {  	_ =	swait.ge [sflag:s17], $0x2400  }
0x66: {  	[sflag:s17] =	ssyncset.done $0x0  }
0x67: {  	[sflag:s17] =	ssyncadd.s32 $0xFFFFDC00  }
0x68: {  	[spmem:s2] =	stream.indirect.scatter.add.f32 [tilespmem:s15], [sflag:$0x4], $0x80, s18, s14, $0xb8;
	[tilespmem:$0x1FD00] =	vst v63  }
0x69: {  	_ =	swait.ge [sflag:s29], $0x2400  }
0x6a: {  	[sflag:s29] =	ssyncset.done $0x0  }
0x6b: {  	[sflag:s29] =	ssyncadd.s32 $0xFFFFDC00  }
0x6c: {  	v62 =	vld [tilespmem:s31+$0x2700];
	_ =	sdelay $0x4  }
0x6d: {  	[tilespmem:$0x5000] =	vst v62  }
0x6e: {  	v0 =	vld [tilespmem:s31+$0x2710];
	_ =	sdelay $0x4  }
0x6f: {  	[tilespmem:$0x5010] =	vst v0  }
0x70: {  	v0 =	vld [tilespmem:s31+$0x2720];
	_ =	sdelay $0x4  }
0x71: {  	[tilespmem:$0x5020] =	vst v0  }
0x72: {  	v0 =	vld [tilespmem:s31+$0x2730];
	_ =	sdelay $0x4  }
0x73: {  	[tilespmem:$0x5030] =	vst v0  }
0x74: {  	v0 =	vld [tilespmem:s31+$0x2738];
	_ =	sdelay $0x4  }
0x75: {  	s30 =	simm.s32 $0x168;
	[tilespmem:$0x5038] =	vst v0  }
0x76: {  	[tilespmem:s20], [sflag:$0x3] =	stream.indirect.gather [hbm4b:s4+s14], $0x80, s30, s14, $0xb8;
	[tilespmem:$0x1FD00] =	vst v63  }
0x77: {  	_ =	swait.ge [sflag:s21], $0x2400  }
0x78: {  	[sflag:s21] =	ssyncset.done $0x0  }
0x79: {  	[sflag:s21] =	ssyncadd.s32 $0xFFFFDC00  }
0x7a: {  	[spmem:s2] =	stream.indirect.scatter.add.f32 [tilespmem:s16], [sflag:$0x5], $0x80, s22, s14, $0xb8;
	[tilespmem:$0x1FD00] =	vst v63  }
0x7b: {  	_ =	swait.ge [sflag:s23], $0x2400  }
0x7c: {  	[sflag:s23] =	ssyncset.done $0x0  }
0x7d: {  	[sflag:s23] =	ssyncadd.s32 $0xFFFFDC00  }
0x7e: {  	v63 =	vld [tilespmem:s31+$0x2748];
	_ =	sdelay $0x4  }
0x7f: {  	[tilespmem:$0x4F00] =	vst v63  }
0x80: {  	v0 =	vld [tilespmem:s31+$0x2758];
	_ =	sdelay $0x4  }
0x81: {  	[tilespmem:$0x4F10] =	vst v0  }
0x82: {  	v0 =	vld [tilespmem:s31+$0x2768];
	_ =	sdelay $0x4  }
0x83: {  	[tilespmem:$0x4F20] =	vst v0  }
0x84: {  	v0 =	vld [tilespmem:s31+$0x2778];
	_ =	sdelay $0x4  }
0x85: {  	[tilespmem:$0x4F30] =	vst v0  }
0x86: {  	v0 =	vld [tilespmem:s31+$0x2780];
	_ =	sdelay $0x4  }
0x87: {  	s24 =	simm.s32 $0xB00;
	s30 =	simm.s32 $0x1B0;
	[tilespmem:$0x4F38] =	vst v0  }
.LBB2_2:
0x88: {  	[tilespmem:s15], [sflag:$0x1] =	stream.indirect.gather [hbm4b:s4+s14], $0x80, s30, s14, $0xb8;
	[tilespmem:$0x1FD00] =	vst v63  }
0x89: {  	s30 =	smov.u32 s24  }
0x8a: {  	p0 =	sne.s32 s24, $0x98C0;
	s24 =	sadd.s32 $0x360, s24;
	_ =	swait.ge [sflag:s25], $0x2400  }
0x8b: {  	[sflag:s25] =	ssyncset.done $0x0  }
0x8c: {  	[sflag:s25] =	ssyncadd.s32 $0xFFFFDC00  }
0x8d: {  	[spmem:s2] =	stream.indirect.scatter.add.f32 [tilespmem:s20], [sflag:$0x6], $0x80, s26, s14, $0xb8;
	[tilespmem:$0x1FD00] =	vst v63  }
0x8e: {  	_ =	swait.ge [sflag:s28], $0x2400  }
0x8f: {  	[sflag:s28] =	ssyncset.done $0x0  }
0x90: {  	s30 =	sshra.s32 s30, $0x2;
	[sflag:s28] =	ssyncadd.s32 $0xFFFFDC00  }
0x91: {  	v0 =	vld [tilespmem:s30+$0x26B8];
	_ =	sdelay $0x4  }
0x92: {  	[tilespmem:$0x4F80] =	vst v0  }
0x93: {  	v0 =	vld [tilespmem:s30+$0x26C8];
	_ =	sdelay $0x4  }
0x94: {  	[tilespmem:$0x4F90] =	vst v0  }
0x95: {  	v0 =	vld [tilespmem:s30+$0x26D8];
	_ =	sdelay $0x4  }
0x96: {  	[tilespmem:$0x4FA0] =	vst v0  }
0x97: {  	v0 =	vld [tilespmem:s30+$0x26E8];
	_ =	sdelay $0x4  }
0x98: {  	[tilespmem:$0x4FB0] =	vst v0  }
0x99: {  	v0 =	vld [tilespmem:s30+$0x26F0];
	_ =	sdelay $0x4  }
0x9a: {  	s31 =	sadd.s32 $0xFFFFFF38, s30;
	[tilespmem:$0x4FB8] =	vst v0  }
0x9b: {  	[tilespmem:s16], [sflag:$0x2] =	stream.indirect.gather [hbm4b:s4+s14], $0x80, s31, s14, $0xb8;
	[tilespmem:$0x1FD00] =	vst v63  }
0x9c: {  	_ =	swait.ge [sflag:s17], $0x2400  }
0x9d: {  	[sflag:s17] =	ssyncset.done $0x0  }
0x9e: {  	[sflag:s17] =	ssyncadd.s32 $0xFFFFDC00  }
0x9f: {  	[spmem:s2] =	stream.indirect.scatter.add.f32 [tilespmem:s15], [sflag:$0x4], $0x80, s18, s14, $0xb8;
	[tilespmem:$0x1FD00] =	vst v63  }
0xa0: {  	_ =	swait.ge [sflag:s29], $0x2400  }
0xa1: {  	[sflag:s29] =	ssyncset.done $0x0  }
0xa2: {  	[sflag:s29] =	ssyncadd.s32 $0xFFFFDC00  }
0xa3: {  	v0 =	vld [tilespmem:s30+$0x2700];
	_ =	sdelay $0x4  }
0xa4: {  	[tilespmem:$0x5000] =	vst v0  }
0xa5: {  	v0 =	vld [tilespmem:s30+$0x2710];
	_ =	sdelay $0x4  }
0xa6: {  	[tilespmem:$0x5010] =	vst v0  }
0xa7: {  	v0 =	vld [tilespmem:s30+$0x2720];
	_ =	sdelay $0x4  }
0xa8: {  	[tilespmem:$0x5020] =	vst v0  }
0xa9: {  	v0 =	vld [tilespmem:s30+$0x2730];
	_ =	sdelay $0x4  }
0xaa: {  	[tilespmem:$0x5030] =	vst v0  }
0xab: {  	v0 =	vld [tilespmem:s30+$0x2738];
	_ =	sdelay $0x4  }
0xac: {  	s31 =	sadd.s32 $0xFFFFFF80, s30;
	[tilespmem:$0x5038] =	vst v0  }
0xad: {  	[tilespmem:s20], [sflag:$0x3] =	stream.indirect.gather [hbm4b:s4+s14], $0x80, s31, s14, $0xb8;
	[tilespmem:$0x1FD00] =	vst v63  }
0xae: {  	_ =	swait.ge [sflag:s21], $0x2400  }
0xaf: {  	[sflag:s21] =	ssyncset.done $0x0  }
0xb0: {  	[sflag:s21] =	ssyncadd.s32 $0xFFFFDC00  }
0xb1: {  	[spmem:s2] =	stream.indirect.scatter.add.f32 [tilespmem:s16], [sflag:$0x5], $0x80, s22, s14, $0xb8;
	[tilespmem:$0x1FD00] =	vst v63  }
0xb2: {  	_ =	swait.ge [sflag:s23], $0x2400  }
0xb3: {  	[sflag:s23] =	ssyncset.done $0x0  }
0xb4: {  	[sflag:s23] =	ssyncadd.s32 $0xFFFFDC00  }
0xb5: {  	v0 =	vld [tilespmem:s30+$0x2748];
	_ =	sdelay $0x4  }
0xb6: {  	[tilespmem:$0x4F00] =	vst v0  }
0xb7: {  	v0 =	vld [tilespmem:s30+$0x2758];
	_ =	sdelay $0x4  }
0xb8: {  	[tilespmem:$0x4F10] =	vst v0  }
0xb9: {  	v0 =	vld [tilespmem:s30+$0x2768];
	_ =	sdelay $0x4  }
0xba: {  	[tilespmem:$0x4F20] =	vst v0  }
0xbb: {  	v0 =	vld [tilespmem:s30+$0x2778];
	_ =	sdelay $0x4  }
0xbc: {  	[tilespmem:$0x4F30] =	vst v0  }
0xbd: {  	v0 =	vld [tilespmem:s30+$0x2780]  }
.Ltmp0:
0xbe: {  	(pc) =	sbr.rel @p0 .LBB2_2-.Ltmp0, $2  }
0xbf: {  	_ =	sdelay $0x2  }
0xc0: {  	s30 =	sadd.s32 $0xFFFFFFC8, s30;
	[tilespmem:$0x4F38] =	vst v0  }
0xc1: {  	[tilespmem:s15], [sflag:$0x1] =	stream.indirect.gather [hbm4b:s4+s14], $0x80, s30, s14, $0xb8;
	[tilespmem:$0x1FD00] =	vst v63  }
0xc2: {  	_ =	swait.ge [sflag:s25], $0x2400  }
0xc3: {  	[sflag:s25] =	ssyncset.done $0x0  }
0xc4: {  	[sflag:s25] =	ssyncadd.s32 $0xFFFFDC00  }
0xc5: {  	[spmem:s2] =	stream.indirect.scatter.add.f32 [tilespmem:s20], [sflag:$0x6], $0x80, s26, s14, $0xb8;
	[tilespmem:$0x1FD00] =	vst v63  }
0xc6: {  	_ =	swait.ge [sflag:s28], $0x2400  }
0xc7: {  	[sflag:s28] =	ssyncset.done $0x0  }
0xc8: {  	[sflag:s28] =	ssyncadd.s32 $0xFFFFDC00  }
0xc9: {  	v0 =	vld [tilespmem:$0x4DC0]  }
0xca: {  	v1 =	vld [tilespmem:$0x4DD0]  }
0xcb: {  	v2 =	vld [tilespmem:$0x4DE0]  }
0xcc: {  	v3 =	vld [tilespmem:$0x4DF0]  }
0xcd: {  	v4 =	vld [tilespmem:$0x4DF8]  }
0xce: {  	[tilespmem:$0x4F80] =	vst v0  }
0xcf: {  	[tilespmem:$0x4F90] =	vst v1  }
0xd0: {  	[tilespmem:$0x4FA0] =	vst v2  }
0xd1: {  	[tilespmem:$0x4FB0] =	vst v3  }
0xd2: {  	s24 =	simm.s32 $0x2640;
	[tilespmem:$0x4FB8] =	vst v4  }
0xd3: {  	[tilespmem:s16], [sflag:$0x2] =	stream.indirect.gather [hbm4b:s4+s14], $0x80, s24, s14, $0xb8;
	[tilespmem:$0x1FD00] =	vst v63  }
0xd4: {  	_ =	swait.ge [sflag:s17], $0x2400  }
0xd5: {  	[sflag:s17] =	ssyncset.done $0x0  }
0xd6: {  	[sflag:s17] =	ssyncadd.s32 $0xFFFFDC00  }
0xd7: {  	[spmem:s2] =	stream.indirect.scatter.add.f32 [tilespmem:s15], [sflag:$0x4], $0x80, s18, s14, $0xb8;
	[tilespmem:$0x1FD00] =	vst v63  }
0xd8: {  	_ =	swait.ge [sflag:s29], $0x2400  }
0xd9: {  	[sflag:s29] =	ssyncset.done $0x0  }
0xda: {  	[sflag:s29] =	ssyncadd.s32 $0xFFFFDC00  }
0xdb: {  	v55 =	vld [tilespmem:$0x4E08]  }
0xdc: {  	v56 =	vld [tilespmem:$0x4E18]  }
0xdd: {  	v57 =	vld [tilespmem:$0x4E28]  }
0xde: {  	v58 =	vld [tilespmem:$0x4E38]  }
0xdf: {  	v59 =	vld [tilespmem:$0x4E40]  }
0xe0: {  	[tilespmem:$0x5000] =	vst v55  }
0xe1: {  	[tilespmem:$0x5010] =	vst v56  }
0xe2: {  	[tilespmem:$0x5020] =	vst v57  }
0xe3: {  	[tilespmem:$0x5030] =	vst v58  }
0xe4: {  	s31 =	simm.s32 $0x2688;
	[tilespmem:$0x5038] =	vst v59  }
0xe5: {  	[tilespmem:s20], [sflag:$0x3] =	stream.indirect.gather [hbm4b:s4+s14], $0x80, s31, s14, $0xb8;
	[tilespmem:$0x1FD00] =	vst v63  }
0xe6: {  	_ =	swait.ge [sflag:s21], $0x2400  }
0xe7: {  	[sflag:s21] =	ssyncset.done $0x0  }
0xe8: {  	[sflag:s21] =	ssyncadd.s32 $0xFFFFDC00  }
0xe9: {  	[spmem:s2] =	stream.indirect.scatter.add.f32 [tilespmem:s16], [sflag:$0x5], $0x80, s22, s14, $0xb8;
	[tilespmem:$0x1FD00] =	vst v63  }
0xea: {  	_ =	swait.ge [sflag:s23], $0x2400  }
0xeb: {  	[sflag:s23] =	ssyncset.done $0x0  }
0xec: {  	[sflag:s23] =	ssyncadd.s32 $0xFFFFDC00  }
0xed: {  	_ =	swait.ge [sflag:s25], $0x2400  }
0xee: {  	[sflag:s25] =	ssyncset.done $0x0  }
0xef: {  	[sflag:s25] =	ssyncadd.s32 $0xFFFFDC00  }
0xf0: {  	[spmem:s2] =	stream.indirect.scatter.add.f32 [tilespmem:s20], [sflag:$0x6], $0x80, s26, s14, $0xb8;
	[tilespmem:$0x1FD00] =	vst v63  }
0xf1: {  	_ =	swait.ge [sflag:s28], $0x2400  }
0xf2: {  	[sflag:s28] =	ssyncset.done $0x0  }
0xf3: {  	[sflag:s28] =	ssyncadd.s32 $0xFFFFDC00  }
0xf4: {  	_ =	swait.ge [sflag:s29], $0x2400  }
0xf5: {  	[sflag:s29] =	ssyncset.done $0x0  }
0xf6: {  	[sflag:s29] =	ssyncadd.s32 $0xFFFFDC00  }
0xf7: {  	v60 =	vld [tilespmem:$0x4E50]  }
0xf8: {  	v61 =	vld [tilespmem:$0x4E60]  }
0xf9: {  	v62 =	vld [tilespmem:$0x4E70]  }
0xfa: {  	v63 =	vld [tilespmem:$0x4E80];
	_ =	sdelay $0x1  }
0xfb: {  	[tilespmem:$0x5080] =	vst v60  }
0xfc: {  	[tilespmem:$0x5090] =	vst v61  }
0xfd: {  	[tilespmem:$0x50A0] =	vst v62  }
0xfe: {  	[tilespmem:$0x50B0] =	vst v63  }
0xff: {  	[tilespmem:s15], [sflag:$0x1] =	stream.indirect.gather [hbm4b:s4+s1], $0x80, s0, s1, $0xb8;
	[tilespmem:$0x1FD00] =	vst v63  }
0x100: {  	_ =	swait.ge [sflag:s17], $0x2000  }
0x101: {  	[sflag:s17] =	ssyncset.done $0x0  }
0x102: {  	[sflag:s17] =	ssyncadd.s32 $0xFFFFE000  }
0x103: {  	[spmem:s2] =	stream.indirect.scatter.add.f32 [tilespmem:s15], [sflag:$0x4], $0x80, s13, s1, $0xb8;
	[tilespmem:$0x1FD00] =	vst v63  }
0x104: {  	_ =	swait.ge [sflag:s23], $0x2000  }
0x105: {  	s19 =	sadd.s32 $0x1, s19;
	[sflag:s23] =	ssyncset.done $0x0  }
0x106: {  	p0 =	sne.s32 s19, s10;
	[sflag:s23] =	ssyncadd.s32 $0xFFFFE000  }
.Ltmp1:
0x107: {  	[bflag:$0x0] =	sbarrier.arrive $0xFFFF;
	(pc) =	sbr.rel @p0 .LBB2_1-.Ltmp1, $4  }
0x108: {  	[hbm:s9], [sflag:s6] =	dma.local [spmem:s11], $0x2800  }
0x109: {  	_ =	swait.ge [sflag:s12], $0x2800  }
0x10a: {  	[sflag:s12] =	ssyncset.done $0x0  }
0x10b: {  	[sflag:s12] =	ssyncadd.s32 $0xFFFFD800  }
0x10c: {  	_ =	sfence.sel $0x180000  }
0x10d: {  	[bflag:$0x0] =	sbarrier.arrive $0xFFFF  }
0x10e: {  	_ =	strace $0x90000050  }
0x10f: {  	s0 =	stileid.u32;
	[bflag:$0x2] =	sbarrier.arrive $0xFFFF  }
0x110: {  	p0 =	sne.s32 s0, $0x0;
	s0 =	rddreg [dreg:$0x2]  }
0x111: {  	s0 =	sadd.s32 @!p0 $0x100000, s0  }
0x112: {  	[sflag:s0] =	ssyncadd.tile.s32 @!p0 $0x1;
	_ =	shalt  }
.Lfunc_end2:
_tile_overlayer_lowered:
.L_overlay_start_2:
0x113: {  	(tag) =	ssettag $0x2  }
0x114: {  	s0 =	rddreg [dreg:$0x0];
	s2 =	stileid.u32  }
0x115: {  	s1 =	rddreg [dreg:$0x1];
	p0 =	sne.s32 s2, $0x0  }
0x116: {  	s3 =	rddreg [dreg:$0x2];
	[bflag:$0x3] =	sbarrier.arrive $0xFFFF;
	s2 =	simm.s32 @!p0 $0x1C07  }
0x117: {  	[timem:s3], [sflag:s2] =	dma.local @!p0 [hbm:s0], s1  }
0x118: {  	s0 =	simm.s32 @!p0 $0x7  }
0x119: {  	_ =	swait.ge @!p0 [sflag:s0], s1  }
0x11a: {  	s1 =	ssub.s32 @!p0 $0x0, s1;
	[sflag:s0] =	ssyncset.done @!p0 $0x0  }
0x11b: {  	[sflag:s0] =	ssyncadd.s32 @!p0 s1  }
0x11c: {  	[bflag:$0x3] =	sbarrier.arrive $0xFFFF  }
0x11d: {  	_ =	shalt  }

// kernel: kernel.22.cloned.1.call-start
scs
__scs_entry_jumppad:
0x0: {  	(pc) =	sbr.rel $0x88, $3  }
0x1: {  	(tag) =	ssettag $0x0;
	lr =	simm.s32 $0x1  }
0x2: {  	[smem:$0x3F8A] =	sst lr;
	_ =	strace $0xD0000000  }
0x3: {  	_ = 	snop  }
0x4: {  	_ = 	snop  }
0x5: {  	_ = 	snop  }
0x6: {  	_ = 	snop  }
0x7: {  	_ = 	snop  }
__scs_overlays_trampoline_lowered:
0x8: {  	[smem:$0x3F99] =	sst s0  }
0x9: {  	[smem:$0x3F9A] =	sst s1  }
0xa: {  	[smem:$0x3F9B] =	sst s2  }
0xb: {  	[smem:$0x3F9C] =	sst s3  }
0xc: {  	[smem:$0x3F9D] =	sst s4  }
0xd: {  	[smem:$0x3F9E] =	sst s5  }
0xe: {  	[smem:$0x3F9F] =	sst s6  }
0xf: {  	[smem:$0x3FA0] =	sst s7  }
0x10: {  	[smem:$0x3FA1] =	sst s8  }
0x11: {  	[smem:$0x3FA2] =	sst s9;
	s0 =	simm.s32 @!p0 $0x0  }
0x12: {  	s1 =	sld [smem:$0x3F88];
	s0 =	simm.s32 @p0 $0x1  }
0x13: {  	[smem:$0x3FA3] =	sst s0;
	s0 =	simm.s32 @!p1 $0x0  }
0x14: {  	s2 =	sld [smem:$0x3F87];
	s0 =	simm.s32 @p1 $0x1  }
0x15: {  	[smem:$0x3FA4] =	sst s0;
	s0 =	simm.s32 @!p2 $0x0  }
0x16: {  	s3 =	sld [smem:$0x3FDB];
	s0 =	simm.s32 @p2 $0x1  }
0x17: {  	s4 =	simm.s32 $0x1BF5;
	[smem:$0x3FA6] =	sst s0  }
0x18: {  	s0 =	sld [smem:$0x3F89];
	_ =	swait.ge [sflag:s4], $0x0  }
0x19: {  	s7 =	sld [smem:$0x3F8A]  }
0x1a: {  	s8 =	sadd.s32 $0xFFFFE003, lr  }
0x1b: {  	s9 =	sadd.s32 $0xFFFFFEF7, lr;
	s5 =	simm.s32 $0xFFFFFFFF;
	p2 =	slt.u32 s8, $0xFFFFF086  }
0x1c: {  	p1 =	slt.u32 s9, $0xF7A;
	s5 =	simm.s32 @!p2 $0x0  }
0x1d: {  	s5 =	simm.s32 @p1 $0x1;
	p0 =	seq.s32 s7, s2  }
0x1e: {  	s7 =	smul.u32 @!p0 $0xF7A, s2;
	p2 =	seq.s32 @!p0 s5, $0x0  }
0x1f: {  	s9 =	smul.u32 $0xF7A, s1;
	s8 =	simm.s32 @!p0 $0x1BF5;
	p2 =	por !p2, p0  }
0x20: {  	[sflag:s8] =	ssyncset.s32 @!p0 $0xFFFFF086;
	s6 =	sadd.s32 @!p0 s3, s7;
	s7 =	simm.s32 @!p0 $0x108  }
0x21: {  	s3 =	sadd.s32 s3, s9;
	s6 =	sadd.s32 @!p0 $0x88, s6;
	s7 =	simm.s32 @p2 $0x1082  }
0x22: {  	[simem:s7], [sflag:s8] =	dma.local @!p0 [hbm:s6], $0xF7A  }
0x23: {  	s9 =	sor.u32 $0xD0000000, s2;
	s6 =	simm.s32 $0x108;
	_ =	swait.ge @!p0 [sflag:s8], $0x0  }
0x24: {  	s3 =	sadd.s32 $0x88, s3;
	s6 =	simm.s32 @!p1 $0x1082;
	[sflag:s4] =	ssyncset.s32 $0xFFFFF086  }
0x25: {  	[simem:s6], [sflag:s4] =	dma.local [hbm:s3], $0xF7A  }
0x26: {  	[smem:$0x3F8A] =	sst s1;
	(tag) =	ssettag s2;
	_ =	strace s9  }
0x27: {  	s1 =	sld [smem:$0x3F9A]  }
0x28: {  	s2 =	sld [smem:$0x3F9B]  }
0x29: {  	s4 =	sld [smem:$0x3F9D]  }
0x2a: {  	p0 =	seq.s32 s5, $0x0;
	s5 =	sld [smem:$0x3F9E]  }
0x2b: {  	s6 =	sld [smem:$0x3F9F]  }
0x2c: {  	s7 =	sld [smem:$0x3FA0]  }
0x2d: {  	s3 =	simm.s32 $0x108;
	s8 =	sld [smem:$0x3FA1]  }
0x2e: {  	s3 =	simm.s32 @!p0 $0x1082;
	s9 =	sld [smem:$0x3FA2]  }
0x2f: {  	lr =	sadd.s32 s0, s3;
	s0 =	sld [smem:$0x3F99]  }
0x30: {  	s3 =	sld [smem:$0x3F9C]  }
0x31: {  	[smem:$0x3FA5] =	sst s10  }
0x32: {  	s10 =	sld [smem:$0x3FA3];
	_ =	sdelay $0x3  }
0x33: {  	p0 =	seq.s32 s10, $0x1;
	s10 =	sld [smem:$0x3FA5];
	_ =	sdelay $0x3  }
0x34: {  	[smem:$0x3FA5] =	sst s10  }
0x35: {  	s10 =	sld [smem:$0x3FA4];
	_ =	sdelay $0x3  }
0x36: {  	p1 =	seq.s32 s10, $0x1;
	s10 =	sld [smem:$0x3FA5];
	_ =	sdelay $0x3  }
0x37: {  	[smem:$0x3FA5] =	sst s10  }
0x38: {  	s10 =	sld [smem:$0x3FA6]  }
0x39: {  	_ = 	snop;
	(pc) =	sbr.ind lr, $3  }
0x3a: {  	_ = 	snop  }
0x3b: {  	_ = 	snop  }
0x3c: {  	p2 =	seq.s32 s10, $0x1;
	s10 =	sld [smem:$0x3FA5]  }
0x3d: {  	_ =	shalt  }
0x3e: {  	_ =	shalt  }
0x3f: {  	_ =	shalt  }
0x40: {  	_ =	shalt  }
0x41: {  	_ =	shalt  }
0x42: {  	_ =	shalt  }
0x43: {  	_ =	shalt  }
0x44: {  	_ =	shalt  }
0x45: {  	_ =	shalt  }
0x46: {  	_ =	shalt  }
0x47: {  	_ =	shalt  }
0x48: {  	_ =	shalt  }
0x49: {  	_ =	shalt  }
0x4a: {  	_ =	shalt  }
0x4b: {  	_ =	shalt  }
0x4c: {  	_ =	shalt  }
0x4d: {  	_ =	shalt  }
0x4e: {  	_ =	shalt  }
0x4f: {  	_ =	shalt  }
0x50: {  	_ =	shalt  }
0x51: {  	_ =	shalt  }
0x52: {  	_ =	shalt  }
0x53: {  	_ =	shalt  }
0x54: {  	_ =	shalt  }
0x55: {  	_ =	shalt  }
0x56: {  	_ =	shalt  }
0x57: {  	_ =	shalt  }
0x58: {  	_ =	shalt  }
0x59: {  	_ =	shalt  }
0x5a: {  	_ =	shalt  }
0x5b: {  	_ =	shalt  }
0x5c: {  	_ =	shalt  }
0x5d: {  	_ =	shalt  }
0x5e: {  	_ =	shalt  }
0x5f: {  	_ =	shalt  }
0x60: {  	_ =	shalt  }
0x61: {  	_ =	shalt  }
0x62: {  	_ =	shalt  }
0x63: {  	_ =	shalt  }
0x64: {  	_ =	shalt  }
0x65: {  	_ =	shalt  }
0x66: {  	_ =	shalt  }
0x67: {  	_ =	shalt  }
0x68: {  	_ =	shalt  }
0x69: {  	_ =	shalt  }
0x6a: {  	_ =	shalt  }
0x6b: {  	_ =	shalt  }
0x6c: {  	_ =	shalt  }
0x6d: {  	_ =	shalt  }
0x6e: {  	_ =	shalt  }
0x6f: {  	_ =	shalt  }
0x70: {  	_ =	shalt  }
0x71: {  	_ =	shalt  }
0x72: {  	_ =	shalt  }
0x73: {  	_ =	shalt  }
0x74: {  	_ =	shalt  }
0x75: {  	_ =	shalt  }
0x76: {  	_ =	shalt  }
0x77: {  	_ =	shalt  }
0x78: {  	_ =	shalt  }
0x79: {  	_ =	shalt  }
0x7a: {  	_ =	shalt  }
0x7b: {  	_ =	shalt  }
0x7c: {  	_ =	shalt  }
0x7d: {  	_ =	shalt  }
0x7e: {  	_ =	shalt  }
0x7f: {  	_ =	shalt  }
0x80: {  	_ =	shalt  }
0x81: {  	_ =	shalt  }
0x82: {  	_ =	shalt  }
0x83: {  	_ =	shalt  }
0x84: {  	_ =	shalt  }
0x85: {  	_ =	shalt  }
0x86: {  	_ =	shalt  }
0x87: {  	_ =	shalt  }
.Lfunc_end0:
.L_simem_size_0:
called_computation.4_lowered:
.L_overlay_start_0:
0x88: {  	s2 =	sld [smem:$0x3FD9]  }
0x89: {  	s3 =	sld [smem:$0x3FFE];
	_ =	sdelay $0x1  }
0x8a: {  	s1 =	srdreg.scid  }
0x8b: {  	s0 =	sand.u32 $0x1, s1  }
0x8c: {  	s16 =	sshll.u32 s0, $0xA;
	s2 =	sadd.s32 s3, s2  }
0x8d: {  	s2 =	sadd.s32 s2, s16  }
0x8e: {  	[smem:$0x3FB1] =	sst s2  }
0x8f: {  	_ = 	snop  }
0x90: {  	(tm) =	ssettm $0x1  }
0x91: {  	s17 =	sld [smem:$0x3FFB];
	_ =	sdelay $0x3  }
0x92: {  	_ =	strace s17  }
0x93: {  	s2 =	sld [smem:$0x3FFC];
	_ =	sdelay $0x3  }
0x94: {  	_ =	strace s2  }
0x95: {  	s2 =	sld [smem:$0x3FFD];
	_ =	sdelay $0x3  }
0x96: {  	_ =	strace s2  }
0x97: {  	_ =	strace $0x8FFFFFFF  }
0x98: {  	s18 =	sld [smem:$0x3FDB];
	_ =	sdelay $0x1  }
0x99: {  	s19 =	simm.s32 $_scs_section_size  }
0x9a: {  	s4 =	simm.s32 $_size__tile_overlayer_lowered;
	s5 =	simm.s32 $_tile_overlayer_lowered  }
0x9b: {  	s22 =	simm.s32 $0x1BFF;
	s21 =	sshll.u32 s5, $0x1;
	s2 =	sadd.s32 s19, s18  }
0x9c: {  	s6 =	simm.s32 $0x0;
	s20 =	sshll.u32 s4, $0x1;
	s4 =	sadd.s32 s21, s2  }
0x9d: {  	[timem:s6], [sflag:s22] =	dma.local [hbm:s4], s20  }
0x9e: {  	_ =	swait.ge [sflag:s22], s20  }
0x9f: {  	s3 =	ssub.s32 $0x0, s20;
	[sflag:s22] =	ssyncset.done $0x0  }
0xa0: {  	[sflag:s22] =	ssyncadd.s32 s3;
	_ =	sdelay $0x1  }
0xa1: {  	s23 =	simm.s32 $0x1B8B  }
0xa2: {  	_ =	swait.ge [sflag:s23], $0x1  }
0xa3: {  	[sflag:s23] =	ssyncset.done $0x0  }
0xa4: {  	s25 =	simm.s32 $0x1B8E;
	s24 =	sld [smem:$0x3FFE];
	[sflag:s23] =	ssyncadd.s32 $0xFFFFFFFF  }
0xa5: {  	s26 =	simm.s32 $execute0_lowered;
	[smem:$0x3FD2] =	sst s25  }
0xa6: {  	s4 =	sshll.u32 s26, $0x1;
	_ =	strace $0x80000052;
	[dreg:$0x1] =	wrdreg $0xFFFFFFFF  }
0xa7: {  	s28 =	simm.s32 $_size_execute0_lowered;
	s2 =	sadd.s32 s2, s4;
	[dreg:$0x0] =	wrdreg $0x0  }
0xa8: {  	s4 =	sshll.u32 s28, $0x1;
	[dreg:$0x2] =	wrdreg s2  }
0xa9: {  	[dreg:$0x3] =	wrdreg s4  }
0xaa: {  	[dreg:$0x4] =	wrdreg $0xC0  }
0xab: {  	_ =	task [dreg:s6], $0x5FFFF  }
0xac: {  	[dreg:$0x1] =	wrdreg $0xFFFFFFFF  }
0xad: {  	[dreg:$0x0] =	wrdreg $0x60  }
0xae: {  	[dreg:$0x2] =	wrdreg s24  }
0xaf: {  	[dreg:$0x3] =	wrdreg $0xBD000  }
0xb0: {  	[dreg:$0x4] =	wrdreg $0x9  }
0xb1: {  	_ =	task.clear_ibuf [dreg:s6], $0x5FFFF;
	_ =	strace $0x90000052  }
0xb2: {  	s29 =	simm.s32 $0x9;
	_ =	strace $0x80000054  }
0xb3: {  	_ =	swait.ge [sflag:s29], $0x1  }
0xb4: {  	[sflag:s29] =	ssyncadd.s32 $0xFFFFFFFF  }
0xb5: {  	_ =	strace $0x90000054  }
0xb6: {  	_ =	sfence  }
0xb7: {  	s30 =	sld [smem:$0x0];
	_ =	sdelay $0x2  }
0xb8: {  	s31 =	sshll.u32 s1, $0xD;
	s1 =	sshrl.u32 s1, $0x2  }
0xb9: {  	s3 =	sand.u32 $0x4000, s31;
	s1 =	sadd.s32 s1, s30  }
0xba: {  	s0 =	sor.u32 s3, s0;
	s1 =	sshll.u32 s1, $0x11  }
0xbb: {  	s0 =	sor.u32 s1, s0  }
0xbc: {  	s0 =	sadd.s32 $0x8F2B, s0  }
0xbd: {  	[sflag:s0] =	ssyncadd.remote.s32 $0x1  }
0xbe: {  	_ =	sfence.sel $0xFFFF  }
0xbf: {  	[dreg:$0x0] =	wrdreg $0xFFFFFFFF;
	(pc) =	sbr.abs _section_cstart, $3  }
0xc0: {  	[dreg:$0x1] =	wrdreg $0xFFFFFFFF  }
0xc1: {  	_ =	task.clear_ibuf [dreg:s6], $0x2FFFF;
	_ =	strace $0x9FFFFFFF  }
0xc2: {  	(tm) =	ssettm $0x7FFFFFFF  }
0xc3: {  	_ =	shalt  }
tec
execute0_lowered:
.L_overlay_start_1:
0x0: {  	(tag) =	ssettag $0x1  }
0x1: {  	s0 =	srdreg.scid  }
0x2: {  	s1 =	rddreg [dreg:$0x0];
	s10 =	stileid.u32  }
0x3: {  	s2 =	rddreg [dreg:$0x1];
	s3 =	simm.s32 $0x0;
	s12 =	simm.s32 $0x7  }
0x4: {  	s14 =	simm.s32 $0x48;
	s15 =	simm.s32 $0x5100;
	s16 =	simm.s32 $0x7500  }
0x5: {  	s17 =	simm.s32 $0x1;
	s18 =	simm.s32 $0x4F00;
	s20 =	simm.s32 $0x9900  }
0x6: {  	s21 =	simm.s32 $0x2;
	s22 =	simm.s32 $0x4F80;
	s5 =	smul.u32 $0x2710, s10  }
0x7: {  	s23 =	simm.s32 $0x4;
	s28 =	simm.s32 $0x5;
	s25 =	smul.u32 $0x2800, s10  }
0x8: {  	s29 =	simm.s32 $0x6;
	s0 =	sand.u32 $0x1, s0;
	s26 =	smul.u32 $0x50000, s10  }
0x9: {  	s13 =	simm.s32 $0x5080;
	s19 =	simm.s32 $0x0;
	s4 =	smul.u32 $0x27100, s0  }
0xa: {  	[smem:$0x7FF] =	sst s3;
	s31 =	sshll.u32 s10, $0x6;
	s7 =	smul.u32 $0x28000, s0  }
0xb: {  	_ =	strace $0x80000053;
	s0 =	ssub.s32 $0x2, s0;
	s9 =	sadd.s32 s25, s1  }
0xc: {  	s30 =	sshrl.u32 s0, $0x1;
	s4 =	sadd.s32 s5, s4;
	s5 =	sadd.s32 s25, s7  }
0xd: {  	s0 =	ssub.s32 s0, s30;
	s25 =	simm.s32 $0x3;
	s6 =	sshrl.u32 s4, $0x3  }
0xe: {  	s4 =	sadd.s32 $0x4800, s1;
	s10 =	smax.u32 s0, $0x1;
	s0 =	simm.s32 $0x26D0  }
0xf: {  	s8 =	sadd.s32 s6, s1;
	s1 =	sadd.s32 s5, s1;
	s6 =	sshrl.u32 s26, $0x2  }
0x10: {  	s5 =	sadd.s32 $0x40A00, s9;
	s26 =	simm.s32 $0x5000;
	s11 =	sadd.s32 s6, s2  }
0x11: {  	s6 =	sor.u32 $0x1C07, s31;
	s7 =	sadd.s32 $0x36C00, s8;
	s8 =	sadd.s32 $0x2CE00, s8  }
0x12: {  	s9 =	sadd.s32 $0x68A00, s1;
	s1 =	simm.s32 $0x40;
	s11 =	sshrl.u32 s11, $0x3  }
.LBB2_1:
0x13: {  	[spmem:s11], [sflag:s6] =	dma.local [hbm:s5], $0x2800  }
0x14: {  	_ =	swait.ge [sflag:s12], $0x2800  }
0x15: {  	[sflag:s12] =	ssyncset.done $0x0  }
0x16: {  	[sflag:s12] =	ssyncadd.s32 $0xFFFFD800  }
0x17: {  	[tilespmem:s3], [sflag:$0x7] =	stream.linear.gather [hbm4b:s7+s3], $0x2710, $0x38;
	[tilespmem:$0x1FD00] =	vst v63  }
0x18: {  	_ =	swait.ge [sflag:s12], $0x2710  }
0x19: {  	[sflag:s12] =	ssyncset.done $0x0  }
0x1a: {  	s24 =	simm.s32 $0x2780;
	[sflag:s12] =	ssyncadd.s32 $0xFFFFD8F0  }
0x1b: {  	[tilespmem:s24], [sflag:$0x7] =	stream.linear.gather [hbm4b:s8+s3], $0x2710, $0x38;
	[tilespmem:$0x1FD00] =	vst v63  }
0x1c: {  	_ =	swait.ge [sflag:s12], $0x2710  }
0x1d: {  	[sflag:s12] =	ssyncset.done $0x0  }
0x1e: {  	[sflag:s12] =	ssyncadd.s32 $0xFFFFD8F0  }
0x1f: {  	[bflag:$0x0] =	sbarrier.arrive $0xFFFF  }
0x20: {  	v0 =	vld [tilespmem:$0x2780]  }
0x21: {  	v1 =	vld [tilespmem:$0x2790]  }
0x22: {  	v2 =	vld [tilespmem:$0x27A0]  }
0x23: {  	v3 =	vld [tilespmem:$0x27B0]  }
0x24: {  	v46 =	vld [tilespmem:$0x27C8]  }
0x25: {  	v47 =	vld [tilespmem:$0x27D8];
	[tilespmem:$0x4F00] =	vst v0  }
0x26: {  	v48 =	vld [tilespmem:$0x27E8];
	[tilespmem:$0x4F10] =	vst v1  }
0x27: {  	v49 =	vld [tilespmem:$0x27F8];
	[tilespmem:$0x4F20] =	vst v2  }
0x28: {  	v4 =	vld [tilespmem:$0x27B8];
	[tilespmem:$0x4F30] =	vst v3  }
0x29: {  	v50 =	vld [tilespmem:$0x2800];
	[tilespmem:$0x4F80] =	vst v46  }
0x2a: {  	[tilespmem:$0x4F90] =	vst v47  }
0x2b: {  	[tilespmem:$0x4FA0] =	vst v48  }
0x2c: {  	[tilespmem:$0x4FB0] =	vst v49  }
0x2d: {  	[tilespmem:$0x4F38] =	vst v4  }
0x2e: {  	[tilespmem:$0x4FB8] =	vst v50  }
0x2f: {  	[tilespmem:s15], [sflag:$0x1] =	stream.indirect.gather [hbm4b:s4+s14], $0x80, s3, s14, $0xb8;
	[tilespmem:$0x1FD00] =	vst v63  }
0x30: {  	_ = 	snop  }
0x31: {  	[tilespmem:s16], [sflag:$0x2] =	stream.indirect.gather [hbm4b:s4+s14], $0x80, s14, s14, $0xb8;
	[tilespmem:$0x1FD00] =	vst v63  }
0x32: {  	_ =	swait.ge [sflag:s17], $0x2400  }
0x33: {  	[sflag:s17] =	ssyncset.done $0x0  }
0x34: {  	[sflag:s17] =	ssyncadd.s32 $0xFFFFDC00  }
0x35: {  	[spmem:s2] =	stream.indirect.scatter.add.f32 [tilespmem:s15], [sflag:$0x4], $0x80, s18, s14, $0xb8;
	[tilespmem:$0x1FD00] =	vst v63  }
0x36: {  	v51 =	vld [tilespmem:$0x2810]  }
0x37: {  	v52 =	vld [tilespmem:$0x2820]  }
0x38: {  	v53 =	vld [tilespmem:$0x2830]  }
0x39: {  	v54 =	vld [tilespmem:$0x2840]  }
0x3a: {  	v55 =	vld [tilespmem:$0x2848]  }
0x3b: {  	[tilespmem:$0x5000] =	vst v51  }
0x3c: {  	[tilespmem:$0x5010] =	vst v52  }
0x3d: {  	[tilespmem:$0x5020] =	vst v53  }
0x3e: {  	[tilespmem:$0x5030] =	vst v54  }
0x3f: {  	s31 =	simm.s32 $0x90;
	[tilespmem:$0x5038] =	vst v55  }
0x40: {  	[tilespmem:s20], [sflag:$0x3] =	stream.indirect.gather [hbm4b:s4+s14], $0x80, s31, s14, $0xb8;
	[tilespmem:$0x1FD00] =	vst v63  }
0x41: {  	_ =	swait.ge [sflag:s21], $0x2400  }
0x42: {  	[sflag:s21] =	ssyncset.done $0x0  }
0x43: {  	[sflag:s21] =	ssyncadd.s32 $0xFFFFDC00  }
0x44: {  	[spmem:s2] =	stream.indirect.scatter.add.f32 [tilespmem:s16], [sflag:$0x5], $0x80, s22, s14, $0xb8;
	[tilespmem:$0x1FD00] =	vst v63  }
0x45: {  	_ =	swait.ge [sflag:s23], $0x2400  }
0x46: {  	[sflag:s23] =	ssyncset.done $0x0  }
0x47: {  	[sflag:s23] =	ssyncadd.s32 $0xFFFFDC00  }
0x48: {  	v56 =	vld [tilespmem:$0x2858]  }
0x49: {  	v57 =	vld [tilespmem:$0x2868]  }
0x4a: {  	v58 =	vld [tilespmem:$0x2878]  }
0x4b: {  	v59 =	vld [tilespmem:$0x2888]  }
0x4c: {  	v60 =	vld [tilespmem:$0x2890]  }
0x4d: {  	[tilespmem:$0x4F00] =	vst v56  }
0x4e: {  	[tilespmem:$0x4F10] =	vst v57  }
0x4f: {  	[tilespmem:$0x4F20] =	vst v58  }
0x50: {  	[tilespmem:$0x4F30] =	vst v59  }
0x51: {  	s31 =	simm.s32 $0xD8;
	[tilespmem:$0x4F38] =	vst v60  }
0x52: {  	[tilespmem:s15], [sflag:$0x1] =	stream.indirect.gather [hbm4b:s4+s14], $0x80, s31, s14, $0xb8;
	[tilespmem:$0x1FD00] =	vst v63  }
0x53: {  	_ =	swait.ge [sflag:s25], $0x2400  }
0x54: {  	[sflag:s25] =	ssyncset.done $0x0  }
0x55: {  	[sflag:s25] =	ssyncadd.s32 $0xFFFFDC00  }
0x56: {  	[spmem:s2] =	stream.indirect.scatter.add.f32 [tilespmem:s20], [sflag:$0x6], $0x80, s26, s14, $0xb8;
	[tilespmem:$0x1FD00] =	vst v63  }
0x57: {  	_ =	swait.ge [sflag:s28], $0x2400  }
0x58: {  	[sflag:s28] =	ssyncset.done $0x0  }
0x59: {  	s31 =	simm.s32 $0x1E8;
	[sflag:s28] =	ssyncadd.s32 $0xFFFFDC00  }
0x5a: {  	v61 =	vld [tilespmem:s31+$0x26B8];
	_ =	sdelay $0x4  }
0x5b: {  	[tilespmem:$0x4F80] =	vst v61  }
0x5c: {  	v0 =	vld [tilespmem:s31+$0x26C8];
	_ =	sdelay $0x4  }
0x5d: {  	[tilespmem:$0x4F90] =	vst v0  }
0x5e: {  	v0 =	vld [tilespmem:s31+$0x26D8];
	_ =	sdelay $0x4  }
0x5f: {  	[tilespmem:$0x4FA0] =	vst v0  }
0x60: {  	v0 =	vld [tilespmem:s31+$0x26E8];
	_ =	sdelay $0x4  }
0x61: {  	[tilespmem:$0x4FB0] =	vst v0  }
0x62: {  	v0 =	vld [tilespmem:s31+$0x26F0];
	_ =	sdelay $0x4  }
0x63: {  	s30 =	simm.s32 $0x120;
	[tilespmem:$0x4FB8] =	vst v0  }
0x64: {  	[tilespmem:s16], [sflag:$0x2] =	stream.indirect.gather [hbm4b:s4+s14], $0x80, s30, s14, $0xb8;
	[tilespmem:$0x1FD00] =	vst v63  }
0x65: {  	_ =	swait.ge [sflag:s17], $0x2400  }
0x66: {  	[sflag:s17] =	ssyncset.done $0x0  }
0x67: {  	[sflag:s17] =	ssyncadd.s32 $0xFFFFDC00  }
0x68: {  	[spmem:s2] =	stream.indirect.scatter.add.f32 [tilespmem:s15], [sflag:$0x4], $0x80, s18, s14, $0xb8;
	[tilespmem:$0x1FD00] =	vst v63  }
0x69: {  	_ =	swait.ge [sflag:s29], $0x2400  }
0x6a: {  	[sflag:s29] =	ssyncset.done $0x0  }
0x6b: {  	[sflag:s29] =	ssyncadd.s32 $0xFFFFDC00  }
0x6c: {  	v62 =	vld [tilespmem:s31+$0x2700];
	_ =	sdelay $0x4  }
0x6d: {  	[tilespmem:$0x5000] =	vst v62  }
0x6e: {  	v0 =	vld [tilespmem:s31+$0x2710];
	_ =	sdelay $0x4  }
0x6f: {  	[tilespmem:$0x5010] =	vst v0  }
0x70: {  	v0 =	vld [tilespmem:s31+$0x2720];
	_ =	sdelay $0x4  }
0x71: {  	[tilespmem:$0x5020] =	vst v0  }
0x72: {  	v0 =	vld [tilespmem:s31+$0x2730];
	_ =	sdelay $0x4  }
0x73: {  	[tilespmem:$0x5030] =	vst v0  }
0x74: {  	v0 =	vld [tilespmem:s31+$0x2738];
	_ =	sdelay $0x4  }
0x75: {  	s30 =	simm.s32 $0x168;
	[tilespmem:$0x5038] =	vst v0  }
0x76: {  	[tilespmem:s20], [sflag:$0x3] =	stream.indirect.gather [hbm4b:s4+s14], $0x80, s30, s14, $0xb8;
	[tilespmem:$0x1FD00] =	vst v63  }
0x77: {  	_ =	swait.ge [sflag:s21], $0x2400  }
0x78: {  	[sflag:s21] =	ssyncset.done $0x0  }
0x79: {  	[sflag:s21] =	ssyncadd.s32 $0xFFFFDC00  }
0x7a: {  	[spmem:s2] =	stream.indirect.scatter.add.f32 [tilespmem:s16], [sflag:$0x5], $0x80, s22, s14, $0xb8;
	[tilespmem:$0x1FD00] =	vst v63  }
0x7b: {  	_ =	swait.ge [sflag:s23], $0x2400  }
0x7c: {  	[sflag:s23] =	ssyncset.done $0x0  }
0x7d: {  	[sflag:s23] =	ssyncadd.s32 $0xFFFFDC00  }
0x7e: {  	v63 =	vld [tilespmem:s31+$0x2748];
	_ =	sdelay $0x4  }
0x7f: {  	[tilespmem:$0x4F00] =	vst v63  }
0x80: {  	v0 =	vld [tilespmem:s31+$0x2758];
	_ =	sdelay $0x4  }
0x81: {  	[tilespmem:$0x4F10] =	vst v0  }
0x82: {  	v0 =	vld [tilespmem:s31+$0x2768];
	_ =	sdelay $0x4  }
0x83: {  	[tilespmem:$0x4F20] =	vst v0  }
0x84: {  	v0 =	vld [tilespmem:s31+$0x2778];
	_ =	sdelay $0x4  }
0x85: {  	[tilespmem:$0x4F30] =	vst v0  }
0x86: {  	v0 =	vld [tilespmem:s31+$0x2780];
	_ =	sdelay $0x4  }
0x87: {  	s24 =	simm.s32 $0xB00;
	s30 =	simm.s32 $0x1B0;
	[tilespmem:$0x4F38] =	vst v0  }
.LBB2_2:
0x88: {  	[tilespmem:s15], [sflag:$0x1] =	stream.indirect.gather [hbm4b:s4+s14], $0x80, s30, s14, $0xb8;
	[tilespmem:$0x1FD00] =	vst v63  }
0x89: {  	s30 =	smov.u32 s24  }
0x8a: {  	p0 =	sne.s32 s24, $0x98C0;
	s24 =	sadd.s32 $0x360, s24;
	_ =	swait.ge [sflag:s25], $0x2400  }
0x8b: {  	[sflag:s25] =	ssyncset.done $0x0  }
0x8c: {  	[sflag:s25] =	ssyncadd.s32 $0xFFFFDC00  }
0x8d: {  	[spmem:s2] =	stream.indirect.scatter.add.f32 [tilespmem:s20], [sflag:$0x6], $0x80, s26, s14, $0xb8;
	[tilespmem:$0x1FD00] =	vst v63  }
0x8e: {  	_ =	swait.ge [sflag:s28], $0x2400  }
0x8f: {  	[sflag:s28] =	ssyncset.done $0x0  }
0x90: {  	s30 =	sshra.s32 s30, $0x2;
	[sflag:s28] =	ssyncadd.s32 $0xFFFFDC00  }
0x91: {  	v0 =	vld [tilespmem:s30+$0x26B8];
	_ =	sdelay $0x4  }
0x92: {  	[tilespmem:$0x4F80] =	vst v0  }
0x93: {  	v0 =	vld [tilespmem:s30+$0x26C8];
	_ =	sdelay $0x4  }
0x94: {  	[tilespmem:$0x4F90] =	vst v0  }
0x95: {  	v0 =	vld [tilespmem:s30+$0x26D8];
	_ =	sdelay $0x4  }
0x96: {  	[tilespmem:$0x4FA0] =	vst v0  }
0x97: {  	v0 =	vld [tilespmem:s30+$0x26E8];
	_ =	sdelay $0x4  }
0x98: {  	[tilespmem:$0x4FB0] =	vst v0  }
0x99: {  	v0 =	vld [tilespmem:s30+$0x26F0];
	_ =	sdelay $0x4  }
0x9a: {  	s31 =	sadd.s32 $0xFFFFFF38, s30;
	[tilespmem:$0x4FB8] =	vst v0  }
0x9b: {  	[tilespmem:s16], [sflag:$0x2] =	stream.indirect.gather [hbm4b:s4+s14], $0x80, s31, s14, $0xb8;
	[tilespmem:$0x1FD00] =	vst v63  }
0x9c: {  	_ =	swait.ge [sflag:s17], $0x2400  }
0x9d: {  	[sflag:s17] =	ssyncset.done $0x0  }
0x9e: {  	[sflag:s17] =	ssyncadd.s32 $0xFFFFDC00  }
0x9f: {  	[spmem:s2] =	stream.indirect.scatter.add.f32 [tilespmem:s15], [sflag:$0x4], $0x80, s18, s14, $0xb8;
	[tilespmem:$0x1FD00] =	vst v63  }
0xa0: {  	_ =	swait.ge [sflag:s29], $0x2400  }
0xa1: {  	[sflag:s29] =	ssyncset.done $0x0  }
0xa2: {  	[sflag:s29] =	ssyncadd.s32 $0xFFFFDC00  }
0xa3: {  	v0 =	vld [tilespmem:s30+$0x2700];
	_ =	sdelay $0x4  }
0xa4: {  	[tilespmem:$0x5000] =	vst v0  }
0xa5: {  	v0 =	vld [tilespmem:s30+$0x2710];
	_ =	sdelay $0x4  }
0xa6: {  	[tilespmem:$0x5010] =	vst v0  }
0xa7: {  	v0 =	vld [tilespmem:s30+$0x2720];
	_ =	sdelay $0x4  }
0xa8: {  	[tilespmem:$0x5020] =	vst v0  }
0xa9: {  	v0 =	vld [tilespmem:s30+$0x2730];
	_ =	sdelay $0x4  }
0xaa: {  	[tilespmem:$0x5030] =	vst v0  }
0xab: {  	v0 =	vld [tilespmem:s30+$0x2738];
	_ =	sdelay $0x4  }
0xac: {  	s31 =	sadd.s32 $0xFFFFFF80, s30;
	[tilespmem:$0x5038] =	vst v0  }
0xad: {  	[tilespmem:s20], [sflag:$0x3] =	stream.indirect.gather [hbm4b:s4+s14], $0x80, s31, s14, $0xb8;
	[tilespmem:$0x1FD00] =	vst v63  }
0xae: {  	_ =	swait.ge [sflag:s21], $0x2400  }
0xaf: {  	[sflag:s21] =	ssyncset.done $0x0  }
0xb0: {  	[sflag:s21] =	ssyncadd.s32 $0xFFFFDC00  }
0xb1: {  	[spmem:s2] =	stream.indirect.scatter.add.f32 [tilespmem:s16], [sflag:$0x5], $0x80, s22, s14, $0xb8;
	[tilespmem:$0x1FD00] =	vst v63  }
0xb2: {  	_ =	swait.ge [sflag:s23], $0x2400  }
0xb3: {  	[sflag:s23] =	ssyncset.done $0x0  }
0xb4: {  	[sflag:s23] =	ssyncadd.s32 $0xFFFFDC00  }
0xb5: {  	v0 =	vld [tilespmem:s30+$0x2748];
	_ =	sdelay $0x4  }
0xb6: {  	[tilespmem:$0x4F00] =	vst v0  }
0xb7: {  	v0 =	vld [tilespmem:s30+$0x2758];
	_ =	sdelay $0x4  }
0xb8: {  	[tilespmem:$0x4F10] =	vst v0  }
0xb9: {  	v0 =	vld [tilespmem:s30+$0x2768];
	_ =	sdelay $0x4  }
0xba: {  	[tilespmem:$0x4F20] =	vst v0  }
0xbb: {  	v0 =	vld [tilespmem:s30+$0x2778];
	_ =	sdelay $0x4  }
0xbc: {  	[tilespmem:$0x4F30] =	vst v0  }
0xbd: {  	v0 =	vld [tilespmem:s30+$0x2780]  }
.Ltmp0:
0xbe: {  	(pc) =	sbr.rel @p0 .LBB2_2-.Ltmp0, $2  }
0xbf: {  	_ =	sdelay $0x2  }
0xc0: {  	s30 =	sadd.s32 $0xFFFFFFC8, s30;
	[tilespmem:$0x4F38] =	vst v0  }
0xc1: {  	[tilespmem:s15], [sflag:$0x1] =	stream.indirect.gather [hbm4b:s4+s14], $0x80, s30, s14, $0xb8;
	[tilespmem:$0x1FD00] =	vst v63  }
0xc2: {  	_ =	swait.ge [sflag:s25], $0x2400  }
0xc3: {  	[sflag:s25] =	ssyncset.done $0x0  }
0xc4: {  	[sflag:s25] =	ssyncadd.s32 $0xFFFFDC00  }
0xc5: {  	[spmem:s2] =	stream.indirect.scatter.add.f32 [tilespmem:s20], [sflag:$0x6], $0x80, s26, s14, $0xb8;
	[tilespmem:$0x1FD00] =	vst v63  }
0xc6: {  	_ =	swait.ge [sflag:s28], $0x2400  }
0xc7: {  	[sflag:s28] =	ssyncset.done $0x0  }
0xc8: {  	[sflag:s28] =	ssyncadd.s32 $0xFFFFDC00  }
0xc9: {  	v0 =	vld [tilespmem:$0x4DC0]  }
0xca: {  	v1 =	vld [tilespmem:$0x4DD0]  }
0xcb: {  	v2 =	vld [tilespmem:$0x4DE0]  }
0xcc: {  	v3 =	vld [tilespmem:$0x4DF0]  }
0xcd: {  	v4 =	vld [tilespmem:$0x4DF8]  }
0xce: {  	[tilespmem:$0x4F80] =	vst v0  }
0xcf: {  	[tilespmem:$0x4F90] =	vst v1  }
0xd0: {  	[tilespmem:$0x4FA0] =	vst v2  }
0xd1: {  	[tilespmem:$0x4FB0] =	vst v3  }
0xd2: {  	s24 =	simm.s32 $0x2640;
	[tilespmem:$0x4FB8] =	vst v4  }
0xd3: {  	[tilespmem:s16], [sflag:$0x2] =	stream.indirect.gather [hbm4b:s4+s14], $0x80, s24, s14, $0xb8;
	[tilespmem:$0x1FD00] =	vst v63  }
0xd4: {  	_ =	swait.ge [sflag:s17], $0x2400  }
0xd5: {  	[sflag:s17] =	ssyncset.done $0x0  }
0xd6: {  	[sflag:s17] =	ssyncadd.s32 $0xFFFFDC00  }
0xd7: {  	[spmem:s2] =	stream.indirect.scatter.add.f32 [tilespmem:s15], [sflag:$0x4], $0x80, s18, s14, $0xb8;
	[tilespmem:$0x1FD00] =	vst v63  }
0xd8: {  	_ =	swait.ge [sflag:s29], $0x2400  }
0xd9: {  	[sflag:s29] =	ssyncset.done $0x0  }
0xda: {  	[sflag:s29] =	ssyncadd.s32 $0xFFFFDC00  }
0xdb: {  	v55 =	vld [tilespmem:$0x4E08]  }
0xdc: {  	v56 =	vld [tilespmem:$0x4E18]  }
0xdd: {  	v57 =	vld [tilespmem:$0x4E28]  }
0xde: {  	v58 =	vld [tilespmem:$0x4E38]  }
0xdf: {  	v59 =	vld [tilespmem:$0x4E40]  }
0xe0: {  	[tilespmem:$0x5000] =	vst v55  }
0xe1: {  	[tilespmem:$0x5010] =	vst v56  }
0xe2: {  	[tilespmem:$0x5020] =	vst v57  }
0xe3: {  	[tilespmem:$0x5030] =	vst v58  }
0xe4: {  	s31 =	simm.s32 $0x2688;
	[tilespmem:$0x5038] =	vst v59  }
0xe5: {  	[tilespmem:s20], [sflag:$0x3] =	stream.indirect.gather [hbm4b:s4+s14], $0x80, s31, s14, $0xb8;
	[tilespmem:$0x1FD00] =	vst v63  }
0xe6: {  	_ =	swait.ge [sflag:s21], $0x2400  }
0xe7: {  	[sflag:s21] =	ssyncset.done $0x0  }
0xe8: {  	[sflag:s21] =	ssyncadd.s32 $0xFFFFDC00  }
0xe9: {  	[spmem:s2] =	stream.indirect.scatter.add.f32 [tilespmem:s16], [sflag:$0x5], $0x80, s22, s14, $0xb8;
	[tilespmem:$0x1FD00] =	vst v63  }
0xea: {  	_ =	swait.ge [sflag:s23], $0x2400  }
0xeb: {  	[sflag:s23] =	ssyncset.done $0x0  }
0xec: {  	[sflag:s23] =	ssyncadd.s32 $0xFFFFDC00  }
0xed: {  	_ =	swait.ge [sflag:s25], $0x2400  }
0xee: {  	[sflag:s25] =	ssyncset.done $0x0  }
0xef: {  	[sflag:s25] =	ssyncadd.s32 $0xFFFFDC00  }
0xf0: {  	[spmem:s2] =	stream.indirect.scatter.add.f32 [tilespmem:s20], [sflag:$0x6], $0x80, s26, s14, $0xb8;
	[tilespmem:$0x1FD00] =	vst v63  }
0xf1: {  	_ =	swait.ge [sflag:s28], $0x2400  }
0xf2: {  	[sflag:s28] =	ssyncset.done $0x0  }
0xf3: {  	[sflag:s28] =	ssyncadd.s32 $0xFFFFDC00  }
0xf4: {  	_ =	swait.ge [sflag:s29], $0x2400  }
0xf5: {  	[sflag:s29] =	ssyncset.done $0x0  }
0xf6: {  	[sflag:s29] =	ssyncadd.s32 $0xFFFFDC00  }
0xf7: {  	v60 =	vld [tilespmem:$0x4E50]  }
0xf8: {  	v61 =	vld [tilespmem:$0x4E60]  }
0xf9: {  	v62 =	vld [tilespmem:$0x4E70]  }
0xfa: {  	v63 =	vld [tilespmem:$0x4E80];
	_ =	sdelay $0x1  }
0xfb: {  	[tilespmem:$0x5080] =	vst v60  }
0xfc: {  	[tilespmem:$0x5090] =	vst v61  }
0xfd: {  	[tilespmem:$0x50A0] =	vst v62  }
0xfe: {  	[tilespmem:$0x50B0] =	vst v63  }
0xff: {  	[tilespmem:s15], [sflag:$0x1] =	stream.indirect.gather [hbm4b:s4+s1], $0x80, s0, s1, $0xb8;
	[tilespmem:$0x1FD00] =	vst v63  }
0x100: {  	_ =	swait.ge [sflag:s17], $0x2000  }
0x101: {  	[sflag:s17] =	ssyncset.done $0x0  }
0x102: {  	[sflag:s17] =	ssyncadd.s32 $0xFFFFE000  }
0x103: {  	[spmem:s2] =	stream.indirect.scatter.add.f32 [tilespmem:s15], [sflag:$0x4], $0x80, s13, s1, $0xb8;
	[tilespmem:$0x1FD00] =	vst v63  }
0x104: {  	_ =	swait.ge [sflag:s23], $0x2000  }
0x105: {  	s19 =	sadd.s32 $0x1, s19;
	[sflag:s23] =	ssyncset.done $0x0  }
0x106: {  	p0 =	sne.s32 s19, s10;
	[sflag:s23] =	ssyncadd.s32 $0xFFFFE000  }
.Ltmp1:
0x107: {  	[bflag:$0x0] =	sbarrier.arrive $0xFFFF;
	(pc) =	sbr.rel @p0 .LBB2_1-.Ltmp1, $4  }
0x108: {  	[hbm:s9], [sflag:s6] =	dma.local [spmem:s11], $0x2800  }
0x109: {  	_ =	swait.ge [sflag:s12], $0x2800  }
0x10a: {  	[sflag:s12] =	ssyncset.done $0x0  }
0x10b: {  	[sflag:s12] =	ssyncadd.s32 $0xFFFFD800  }
0x10c: {  	_ =	sfence.sel $0x180000  }
0x10d: {  	[bflag:$0x0] =	sbarrier.arrive $0xFFFF  }
0x10e: {  	_ =	strace $0x90000053  }
0x10f: {  	s0 =	stileid.u32;
	[bflag:$0x2] =	sbarrier.arrive $0xFFFF  }
0x110: {  	p0 =	sne.s32 s0, $0x0;
	s0 =	rddreg [dreg:$0x2]  }
0x111: {  	s0 =	sadd.s32 @!p0 $0x100000, s0  }
0x112: {  	[sflag:s0] =	ssyncadd.tile.s32 @!p0 $0x1;
	_ =	shalt  }
.Lfunc_end2:
_tile_overlayer_lowered:
.L_overlay_start_2:
0x113: {  	(tag) =	ssettag $0x2  }
0x114: {  	s0 =	rddreg [dreg:$0x0];
	s2 =	stileid.u32  }
0x115: {  	s1 =	rddreg [dreg:$0x1];
	p0 =	sne.s32 s2, $0x0  }
0x116: {  	s3 =	rddreg [dreg:$0x2];
	[bflag:$0x3] =	sbarrier.arrive $0xFFFF;
	s2 =	simm.s32 @!p0 $0x1C07  }
0x117: {  	[timem:s3], [sflag:s2] =	dma.local @!p0 [hbm:s0], s1  }
0x118: {  	s0 =	simm.s32 @!p0 $0x7  }
0x119: {  	_ =	swait.ge @!p0 [sflag:s0], s1  }
0x11a: {  	s1 =	ssub.s32 @!p0 $0x0, s1;
	[sflag:s0] =	ssyncset.done @!p0 $0x0  }
0x11b: {  	[sflag:s0] =	ssyncadd.s32 @!p0 s1  }
0x11c: {  	[bflag:$0x3] =	sbarrier.arrive $0xFFFF  }
0x11d: {  	_ =	shalt  }

</sc_bundles>
